<compile_context>
chip_gen: v7x
topology: tpu7x:2x2x1
jax: 0.10.2.dev20260603
libtpu: 0.0.44.dev20260713+nightly
codegen_flags: <defaults>
</compile_context>

<pallas_src>
import functools

import jax
import jax.numpy as jnp
from jax import lax
from jax.experimental import pallas as pl
from jax.experimental.pallas import tpu as pltpu
from jax.experimental.pallas import tpu_sc as plsc

N_VARS = 10000
N_FACTORS = 10000
N_EDGES = 320000
D = 128

NC = 2
NS = 16
NW = NC * NS
EPW = N_EDGES // NW
C = 40
NCHUNK = EPW // C
SB = 25
NPLANE = 3
NSET = 4
SUB_ROWS = 624
LAST_ROWS = N_VARS - (NS - 1) * SUB_ROWS
LAST_OFF = (NS - 1) * SUB_ROWS

ROW_BLK = 2000
GRID = N_VARS // ROW_BLK


def _pre_body(v_ref, f_ref, w1_ref, w2_ref, bm_ref, a_ref, b_ref):
    a_ref[...] = jnp.dot(v_ref[...], w1_ref[...],
                         preferred_element_type=jnp.float32) + bm_ref[...]
    b_ref[...] = jnp.dot(f_ref[...], w2_ref[...],
                         preferred_element_type=jnp.float32)


def _pre(variables, factors, w1, w2, b_msg):
    return pl.pallas_call(
        _pre_body,
        grid=(GRID,),
        in_specs=[
            pl.BlockSpec((ROW_BLK, D), lambda i: (i, 0)),
            pl.BlockSpec((ROW_BLK, D), lambda i: (i, 0)),
            pl.BlockSpec((D, D), lambda i: (0, 0)),
            pl.BlockSpec((D, D), lambda i: (1, 0)),
            pl.BlockSpec((1, D), lambda i: (0, 0)),
        ],
        out_specs=[
            pl.BlockSpec((ROW_BLK, D), lambda i: (i, 0)),
            pl.BlockSpec((ROW_BLK, D), lambda i: (i, 0)),
        ],
        out_shape=[
            jax.ShapeDtypeStruct((N_VARS, D), jnp.float32),
            jax.ShapeDtypeStruct((N_FACTORS, D), jnp.float32),
        ],
    )(variables, factors, w1, w2, b_msg)


def _sc_body(a_hbm, b_hbm, snd_hbm, rcv_hbm, zeros_hbm, out_hbm,
             snd_v, rcv_v, a0, a1, a2, a3, b0, b1, b2, b3, acc,
             sg0, sg1, sg2, sg3, ss0, ss1, ss2, ss3):
    c = lax.axis_index("c")
    s = lax.axis_index("s")
    wid = c * NS + s

    pltpu.sync_copy(snd_hbm.at[wid, pl.ds(0, SB)], snd_v.at[0])
    pltpu.sync_copy(snd_hbm.at[wid, pl.ds(SB, SB)], snd_v.at[1])
    pltpu.sync_copy(rcv_hbm.at[wid, pl.ds(0, SB)], rcv_v.at[0])
    pltpu.sync_copy(rcv_hbm.at[wid, pl.ds(SB, SB)], rcv_v.at[1])

    abufs, bbufs = (a0, a1, a2, a3), (b0, b1, b2, b3)
    gsems, ssems = (sg0, sg1, sg2, sg3), (ss0, ss1, ss2, ss3)

    def sidx(x):
        return snd_v.at[(x // SB) % NPLANE, x % SB]

    def ridx(x):
        return rcv_v.at[(x // SB) % NPLANE, x % SB]

    HALves = ((0, 24), (24, 16))

    def shalf(x, off, ln):
        return snd_v.at[(x // SB) % NPLANE, x % SB, pl.ds(off, ln)]

    def rhalf(x, off, ln):
        return rcv_v.at[(x // SB) % NPLANE, x % SB, pl.ds(off, ln)]

    def issue_gathers(j, k):
        for off, ln in HALves:
            hs = pl.ds(off, ln)
            pltpu.async_copy(a_hbm.at[shalf(j, off, ln)], abufs[k].at[hs],
                             gsems[k])
            pltpu.async_copy(b_hbm.at[rhalf(j, off, ln)], bbufs[k].at[hs],
                             gsems[k])

    def wait_gathers(j, k):
        for off, ln in HALves:
            hs = pl.ds(off, ln)
            pltpu.make_async_copy(a_hbm.at[shalf(j, off, ln)],
                                  abufs[k].at[hs], gsems[k]).wait()
            pltpu.make_async_copy(b_hbm.at[rhalf(j, off, ln)],
                                  bbufs[k].at[hs], gsems[k]).wait()

    def compute(k):
        ab, bb = abufs[k], bbufs[k]

        def row(r, carry2):
            for l in range(D // 16):
                sl = pl.ds(l * 16, 16)
                bb[r, sl] = jnp.maximum(ab[r, sl] + bb[r, sl], 0.0)
            return carry2

        lax.fori_loop(0, C, row, 0)

    def issue_scatter(j, k):
        pltpu.async_copy(bbufs[k], acc.at[sidx(j)], ssems[k], add=True)

    def wait_scatter(j, k):
        pltpu.make_async_copy(bbufs[k], acc.at[sidx(j)], ssems[k]).wait()

    issue_gathers(0, 0)
    issue_gathers(1, 1)
    issue_gathers(2, 2)

    @pl.when(s < NS - 1)
    def _():
        pltpu.sync_copy(zeros_hbm.at[pl.ds(0, SUB_ROWS)],
                        acc.at[pl.ds(s * SUB_ROWS, SUB_ROWS)])

    @pl.when(s == NS - 1)
    def _():
        pltpu.sync_copy(zeros_hbm, acc.at[pl.ds(LAST_OFF, LAST_ROWS)])

    plsc.subcore_barrier()

    def quad(i, carry):
        for t in range(NSET):
            j = NSET * i + t

            @pl.when(j < NCHUNK)
            def _():
                wait_gathers(j, t)
                compute(t)
                issue_scatter(j, t)

                @pl.when(j >= 1)
                def _():
                    wait_scatter(j - 1, (t + 3) % NSET)

                @pl.when(jnp.logical_and((j + 3) % SB == 0,
                                         j + 3 < NCHUNK))
                def _():
                    x = j + 3
                    p = (x // SB) % NPLANE
                    pltpu.sync_copy(snd_hbm.at[wid, pl.ds(x, SB)],
                                    snd_v.at[p])
                    pltpu.sync_copy(rcv_hbm.at[wid, pl.ds(x, SB)],
                                    rcv_v.at[p])

                @pl.when(j + 3 < NCHUNK)
                def _():
                    issue_gathers(j + 3, (t + 3) % NSET)

        return carry

    lax.fori_loop(0, (NCHUNK + NSET - 1) // NSET, quad, 0)
    wait_scatter(NCHUNK - 1, (NCHUNK - 1) % NSET)
    plsc.subcore_barrier()

    @pl.when(s < NS - 1)
    def _():
        pltpu.sync_copy(acc.at[pl.ds(s * SUB_ROWS, SUB_ROWS)],
                        out_hbm.at[pl.ds(c * N_VARS + s * SUB_ROWS,
                                         SUB_ROWS)])

    @pl.when(s == NS - 1)
    def _():
        pltpu.sync_copy(acc.at[pl.ds(LAST_OFF, LAST_ROWS)],
                        out_hbm.at[pl.ds(c * N_VARS + LAST_OFF, LAST_ROWS)])


def _sc_edges(a, b, senders, receivers, zeros_rows):
    mesh = plsc.VectorSubcoreMesh(core_axis_name="c", subcore_axis_name="s")
    f = pl.kernel(
        _sc_body,
        out_type=jax.ShapeDtypeStruct((NC * N_VARS, D), jnp.float32),
        mesh=mesh,
        compiler_params=pltpu.CompilerParams(use_tc_tiling_on_sc=False),
        scratch_types=(
            [pltpu.VMEM((NPLANE, SB, C), jnp.int32)] * 2
            + [pltpu.VMEM((C, D), jnp.float32)] * (2 * NSET)
            + [pltpu.VMEM_SHARED((N_VARS, D), jnp.float32)]
            + [pltpu.SemaphoreType.DMA] * (2 * NSET)
        ),
    )
    return f(a, b, senders.reshape(NW, NCHUNK, C),
             receivers.reshape(NW, NCHUNK, C), zeros_rows)


def _comb_body(v_ref, p0_ref, p1_ref, wc1_ref, wc2_ref, bc_ref, o_ref):
    v = v_ref[...]
    aggr = p0_ref[...] + p1_ref[...]
    h = (jnp.dot(v, wc1_ref[...], preferred_element_type=jnp.float32)
         + jnp.dot(aggr, wc2_ref[...], preferred_element_type=jnp.float32)
         + bc_ref[...])
    o_ref[...] = v + jnp.maximum(h, 0.0)


def _combine(variables, partials, wc1, wc2, b_comb):
    return pl.pallas_call(
        _comb_body,
        grid=(GRID,),
        in_specs=[
            pl.BlockSpec((ROW_BLK, D), lambda i: (i, 0)),
            pl.BlockSpec((ROW_BLK, D), lambda i: (i, 0)),
            pl.BlockSpec((ROW_BLK, D), lambda i: (i + GRID, 0)),
            pl.BlockSpec((D, D), lambda i: (0, 0)),
            pl.BlockSpec((D, D), lambda i: (1, 0)),
            pl.BlockSpec((1, D), lambda i: (0, 0)),
        ],
        out_specs=pl.BlockSpec((ROW_BLK, D), lambda i: (i, 0)),
        out_shape=jax.ShapeDtypeStruct((N_VARS, D), jnp.float32),
    )(variables, partials, partials, wc1, wc2, b_comb)


def kernel(variables, factors, senders, receivers, edge_attr,
           W_msg, b_msg, W_comb, b_comb):
    del edge_attr
    a, b = _pre(variables, factors, W_msg, W_msg, b_msg.reshape(1, D))
    zeros_rows = jnp.zeros((LAST_ROWS, D), jnp.float32)
    partials = _sc_edges(a, b, senders.astype(jnp.int32),
                         receivers.astype(jnp.int32), zeros_rows)
    return _combine(variables, partials, W_comb, W_comb,
                    b_comb.reshape(1, D))

# --- scband reference (transcript-rebuilt; emitter-appended) ---
"""Pipeline reference for scband-bipartite-gnnconv-factor-to-variable-3728031613009 (READ-ONLY COPY).

The authoritative reference and input builder live on the scoring server;
editing this copy changes nothing except your own understanding.
"""

import jax, jax.numpy as jnp
import numpy as np

NUM_VARS = 10000
NUM_FACTORS = 10000
NUM_EDGES = 320000
D = 128


def setup_inputs(seed: int = 0) -> dict:
    key = jax.random.key(seed)
    ks = jax.random.split(key, 10)
    variables = jax.random.normal(ks[0], (NUM_VARS, D), dtype=jnp.float32)
    factors = jax.random.normal(ks[1], (NUM_FACTORS, D), dtype=jnp.float32)
    senders = jax.random.randint(ks[2], (NUM_EDGES,), 0, NUM_VARS, dtype=jnp.int64 if jax.config.jax_enable_x64 else jnp.int32)
    receivers = jax.random.randint(ks[3], (NUM_EDGES,), 0, NUM_FACTORS, dtype=jnp.int64 if jax.config.jax_enable_x64 else jnp.int32)
    edge_attr = jax.random.normal(ks[4], (NUM_EDGES,), dtype=jnp.float32)
    # MessagePass params: message MLP over concat(x_i, x_j, edge_attr) -> out_channels
    fan_in_msg = 2 * D + 1
    W_msg = jax.random.normal(ks[5], (fan_in_msg, D), dtype=jnp.float32) * (1.0 / np.sqrt(fan_in_msg))
    b_msg = jnp.zeros((D,), dtype=jnp.float32)
    # Combine MLP: (out_channels*2) -> out_channels
    W_comb = jax.random.normal(ks[6], (2 * D, D), dtype=jnp.float32) * (1.0 / np.sqrt(2 * D))
    b_comb = jnp.zeros((D,), dtype=jnp.float32)
    return {"variables": variables, "factors": factors, "senders": senders,
            "receivers": receivers, "edge_attr": edge_attr,
            "W_msg": W_msg, "b_msg": b_msg, "W_comb": W_comb, "b_comb": b_comb}


def reference(variables, factors, senders, receivers, edge_attr, W_msg, b_msg, W_comb, b_comb):
    # x_i: gather variable embeddings at senders; x_j: gather factor embeddings at receivers
    x_i = jnp.take(variables, senders, axis=0)
    x_j = jnp.take(factors, receivers, axis=0)
    e = jnp.zeros_like(edge_attr)  # forward passes zeros_like(edge_attr)
    # MessagePass: per-edge message MLP then aggregation by sender (variable) index
    msg_in = jnp.concatenate([x_i, x_j, e[:, None]], axis=-1)
    m = jax.nn.relu(msg_in @ W_msg + b_msg)
    aggr_m = jax.ops.segment_sum(m, senders, num_segments=NUM_VARS)
    # Combine: MLP over concat(variables, aggr_m), then residual
    x = jnp.concatenate([variables, aggr_m], axis=-1)
    x = jax.nn.relu(x @ W_comb + b_comb)
    return variables + x

if __name__ == "__main__":
    import jax
    _d = setup_inputs()
    print(jax.jit(kernel)(*tuple(_d.values())))

</pallas_src>

<mosaic_0001>
#map = affine_map<(d0, d1) -> (0, 0)>
#map1 = affine_map<(d0, d1) -> (0, 0, 0)>
module attributes {stable_mosaic.version = 14 : i64} {
  func.func @_sc_body(%arg0: i32, %arg1: i32, %arg2: memref<10000x128xf32, #tpu.memory_space<hbm>>, %arg3: memref<10000x128xf32, #tpu.memory_space<hbm>>, %arg4: memref<32x250x40xi32, #tpu.memory_space<hbm>>, %arg5: memref<32x250x40xi32, #tpu.memory_space<hbm>>, %arg6: memref<640x128xf32, #tpu.memory_space<hbm>>, %arg7: memref<20000x128xf32, #tpu.memory_space<hbm>>, %arg8: memref<3x25x40xi32, #tpu.memory_space<vmem>>, %arg9: memref<3x25x40xi32, #tpu.memory_space<vmem>>, %arg10: memref<40x128xf32, #tpu.memory_space<vmem>>, %arg11: memref<40x128xf32, #tpu.memory_space<vmem>>, %arg12: memref<40x128xf32, #tpu.memory_space<vmem>>, %arg13: memref<40x128xf32, #tpu.memory_space<vmem>>, %arg14: memref<40x128xf32, #tpu.memory_space<vmem>>, %arg15: memref<40x128xf32, #tpu.memory_space<vmem>>, %arg16: memref<40x128xf32, #tpu.memory_space<vmem>>, %arg17: memref<40x128xf32, #tpu.memory_space<vmem>>, %arg18: memref<10000x128xf32, #tpu.memory_space<vmem_shared>>, %arg19: memref<!tpu.dma_semaphore, #tpu.memory_space<semaphore_mem>>, %arg20: memref<!tpu.dma_semaphore, #tpu.memory_space<semaphore_mem>>, %arg21: memref<!tpu.dma_semaphore, #tpu.memory_space<semaphore_mem>>, %arg22: memref<!tpu.dma_semaphore, #tpu.memory_space<semaphore_mem>>, %arg23: memref<!tpu.dma_semaphore, #tpu.memory_space<semaphore_mem>>, %arg24: memref<!tpu.dma_semaphore, #tpu.memory_space<semaphore_mem>>, %arg25: memref<!tpu.dma_semaphore, #tpu.memory_space<semaphore_mem>>, %arg26: memref<!tpu.dma_semaphore, #tpu.memory_space<semaphore_mem>>) attributes {dimension_semantics = [#tpu.dimension_semantics<core_parallel>, #tpu.dimension_semantics<subcore_parallel>], iteration_bounds = array<i64: 2, 16>, scalar_prefetch = 0 : i64, scratch_operands = 19 : i64, tpu.core_type = #tpu.core_type<sc_vector_subcore>, window_params = [{transform_indices = #map}, {transform_indices = #map}, {transform_indices = #map1}, {transform_indices = #map1}, {transform_indices = #map}, {transform_indices = #map}]} {
    %mul3A = arith.constant 16 : i32
    %mul3A_0 = arith.muli %arg0, %mul3A : i32
    %add3A = arith.addi %mul3A_0, %arg1 : i32
    %run_scoped3A = arith.constant 0 : i32
    "tpu.region"() ({
      %run_scoped3A_164 = tpu.sem_alloc : memref<!tpu.dma_semaphore, #tpu.memory_space<semaphore_mem>>
      %dma_start3A_165 = arith.constant 0 : i32
      %dma_start3A_166 = arith.constant 0 : i32
      %dma_start3A_167 = tpu.memref_slice %arg8[%run_scoped3A, %dma_start3A_165, %dma_start3A_166] : memref<3x25x40xi32, #tpu.memory_space<vmem>> -> memref<1x25x40xi32, #tpu.memory_space<vmem>>
      %dma_start3A_168 = tpu.memref_squeeze %dma_start3A_167 : memref<1x25x40xi32, #tpu.memory_space<vmem>> -> memref<25x40xi32, #tpu.memory_space<vmem>>
      %dma_start3A_169 = arith.constant 0 : i32
      %dma_start3A_170 = arith.constant 0 : i32
      %dma_start3A_171 = tpu.memref_slice %arg4[%add3A, %dma_start3A_169, %dma_start3A_170] : memref<32x250x40xi32, #tpu.memory_space<hbm>> -> memref<1x25x40xi32, #tpu.memory_space<hbm>>
      %dma_start3A_172 = tpu.memref_squeeze %dma_start3A_171 : memref<1x25x40xi32, #tpu.memory_space<hbm>> -> memref<25x40xi32, #tpu.memory_space<hbm>>
      %dma_start3A_173 = arith.constant 0 : i32
      %dma_start3A_174 = arith.constant 0 : i32
      %dma_start3A_175 = tpu.memref_slice %arg8[%run_scoped3A, %dma_start3A_173, %dma_start3A_174] : memref<3x25x40xi32, #tpu.memory_space<vmem>> -> memref<1x25x40xi32, #tpu.memory_space<vmem>>
      %dma_start3A_176 = tpu.memref_squeeze %dma_start3A_175 : memref<1x25x40xi32, #tpu.memory_space<vmem>> -> memref<25x40xi32, #tpu.memory_space<vmem>>
      %dma_start3A_177 = arith.constant 0 : i32
      %dma_start3A_178 = arith.constant 0 : i32
      %dma_start3A_179 = tpu.memref_slice %arg4[%add3A, %dma_start3A_177, %dma_start3A_178] : memref<32x250x40xi32, #tpu.memory_space<hbm>> -> memref<1x25x40xi32, #tpu.memory_space<hbm>>
      %dma_start3A_180 = tpu.memref_squeeze %dma_start3A_179 : memref<1x25x40xi32, #tpu.memory_space<hbm>> -> memref<25x40xi32, #tpu.memory_space<hbm>>
      tpu.enqueue_dma source(%dma_start3A_180 : memref<25x40xi32, #tpu.memory_space<hbm>>) target(%dma_start3A_176 : memref<25x40xi32, #tpu.memory_space<vmem>>) target_semaphore(%run_scoped3A_164 : memref<!tpu.dma_semaphore, #tpu.memory_space<semaphore_mem>>)
      %dma_wait3A_181 = arith.constant 0 : i32
      %dma_wait3A_182 = arith.constant 0 : i32
      %dma_wait3A_183 = tpu.memref_slice %arg8[%run_scoped3A, %dma_wait3A_181, %dma_wait3A_182] : memref<3x25x40xi32, #tpu.memory_space<vmem>> -> memref<1x25x40xi32, #tpu.memory_space<vmem>>
      %dma_wait3A_184 = tpu.memref_squeeze %dma_wait3A_183 : memref<1x25x40xi32, #tpu.memory_space<vmem>> -> memref<25x40xi32, #tpu.memory_space<vmem>>
      %dma_wait3A_185 = arith.constant 0 : i32
      %dma_wait3A_186 = arith.constant 0 : i32
      %dma_wait3A_187 = tpu.memref_slice %arg4[%add3A, %dma_wait3A_185, %dma_wait3A_186] : memref<32x250x40xi32, #tpu.memory_space<hbm>> -> memref<1x25x40xi32, #tpu.memory_space<hbm>>
      %dma_wait3A_188 = tpu.memref_squeeze %dma_wait3A_187 : memref<1x25x40xi32, #tpu.memory_space<hbm>> -> memref<25x40xi32, #tpu.memory_space<hbm>>
      %dma_wait3A_189 = arith.constant 0 : i32
      %dma_wait3A_190 = arith.constant 0 : i32
      %dma_wait3A_191 = tpu.memref_slice %arg8[%run_scoped3A, %dma_wait3A_189, %dma_wait3A_190] : memref<3x25x40xi32, #tpu.memory_space<vmem>> -> memref<1x25x40xi32, #tpu.memory_space<vmem>>
      %dma_wait3A_192 = tpu.memref_squeeze %dma_wait3A_191 : memref<1x25x40xi32, #tpu.memory_space<vmem>> -> memref<25x40xi32, #tpu.memory_space<vmem>>
      %dma_wait3A_193 = arith.constant 0 : i32
      %dma_wait3A_194 = arith.constant 0 : i32
      %dma_wait3A_195 = tpu.memref_slice %arg4[%add3A, %dma_wait3A_193, %dma_wait3A_194] : memref<32x250x40xi32, #tpu.memory_space<hbm>> -> memref<1x25x40xi32, #tpu.memory_space<hbm>>
      %dma_wait3A_196 = tpu.memref_squeeze %dma_wait3A_195 : memref<1x25x40xi32, #tpu.memory_space<hbm>> -> memref<25x40xi32, #tpu.memory_space<hbm>>
      tpu.wait_dma2 semaphore(%run_scoped3A_164 : memref<!tpu.dma_semaphore, #tpu.memory_space<semaphore_mem>>) src(%dma_wait3A_196 : memref<25x40xi32, #tpu.memory_space<hbm>>) dst(%dma_wait3A_192 : memref<25x40xi32, #tpu.memory_space<vmem>>)
      tpu.yield
    }) : () -> ()
    %run_scoped3A_1 = arith.constant 1 : i32
    "tpu.region"() ({
      %run_scoped3A_164 = tpu.sem_alloc : memref<!tpu.dma_semaphore, #tpu.memory_space<semaphore_mem>>
      %dma_start3A_165 = arith.constant 0 : i32
      %dma_start3A_166 = arith.constant 0 : i32
      %dma_start3A_167 = tpu.memref_slice %arg8[%run_scoped3A_1, %dma_start3A_165, %dma_start3A_166] : memref<3x25x40xi32, #tpu.memory_space<vmem>> -> memref<1x25x40xi32, #tpu.memory_space<vmem>>
      %dma_start3A_168 = tpu.memref_squeeze %dma_start3A_167 : memref<1x25x40xi32, #tpu.memory_space<vmem>> -> memref<25x40xi32, #tpu.memory_space<vmem>>
      %dma_start3A_169 = arith.constant 25 : i32
      %dma_start3A_170 = arith.constant 0 : i32
      %dma_start3A_171 = tpu.memref_slice %arg4[%add3A, %dma_start3A_169, %dma_start3A_170] : memref<32x250x40xi32, #tpu.memory_space<hbm>> -> memref<1x25x40xi32, #tpu.memory_space<hbm>>
      %dma_start3A_172 = tpu.memref_squeeze %dma_start3A_171 : memref<1x25x40xi32, #tpu.memory_space<hbm>> -> memref<25x40xi32, #tpu.memory_space<hbm>>
      %dma_start3A_173 = arith.constant 0 : i32
      %dma_start3A_174 = arith.constant 0 : i32
      %dma_start3A_175 = tpu.memref_slice %arg8[%run_scoped3A_1, %dma_start3A_173, %dma_start3A_174] : memref<3x25x40xi32, #tpu.memory_space<vmem>> -> memref<1x25x40xi32, #tpu.memory_space<vmem>>
      %dma_start3A_176 = tpu.memref_squeeze %dma_start3A_175 : memref<1x25x40xi32, #tpu.memory_space<vmem>> -> memref<25x40xi32, #tpu.memory_space<vmem>>
      %dma_start3A_177 = arith.constant 25 : i32
      %dma_start3A_178 = arith.constant 0 : i32
      %dma_start3A_179 = tpu.memref_slice %arg4[%add3A, %dma_start3A_177, %dma_start3A_178] : memref<32x250x40xi32, #tpu.memory_space<hbm>> -> memref<1x25x40xi32, #tpu.memory_space<hbm>>
      %dma_start3A_180 = tpu.memref_squeeze %dma_start3A_179 : memref<1x25x40xi32, #tpu.memory_space<hbm>> -> memref<25x40xi32, #tpu.memory_space<hbm>>
      tpu.enqueue_dma source(%dma_start3A_180 : memref<25x40xi32, #tpu.memory_space<hbm>>) target(%dma_start3A_176 : memref<25x40xi32, #tpu.memory_space<vmem>>) target_semaphore(%run_scoped3A_164 : memref<!tpu.dma_semaphore, #tpu.memory_space<semaphore_mem>>)
      %dma_wait3A_181 = arith.constant 0 : i32
      %dma_wait3A_182 = arith.constant 0 : i32
      %dma_wait3A_183 = tpu.memref_slice %arg8[%run_scoped3A_1, %dma_wait3A_181, %dma_wait3A_182] : memref<3x25x40xi32, #tpu.memory_space<vmem>> -> memref<1x25x40xi32, #tpu.memory_space<vmem>>
      %dma_wait3A_184 = tpu.memref_squeeze %dma_wait3A_183 : memref<1x25x40xi32, #tpu.memory_space<vmem>> -> memref<25x40xi32, #tpu.memory_space<vmem>>
      %dma_wait3A_185 = arith.constant 25 : i32
      %dma_wait3A_186 = arith.constant 0 : i32
      %dma_wait3A_187 = tpu.memref_slice %arg4[%add3A, %dma_wait3A_185, %dma_wait3A_186] : memref<32x250x40xi32, #tpu.memory_space<hbm>> -> memref<1x25x40xi32, #tpu.memory_space<hbm>>
      %dma_wait3A_188 = tpu.memref_squeeze %dma_wait3A_187 : memref<1x25x40xi32, #tpu.memory_space<hbm>> -> memref<25x40xi32, #tpu.memory_space<hbm>>
      %dma_wait3A_189 = arith.constant 0 : i32
      %dma_wait3A_190 = arith.constant 0 : i32
      %dma_wait3A_191 = tpu.memref_slice %arg8[%run_scoped3A_1, %dma_wait3A_189, %dma_wait3A_190] : memref<3x25x40xi32, #tpu.memory_space<vmem>> -> memref<1x25x40xi32, #tpu.memory_space<vmem>>
      %dma_wait3A_192 = tpu.memref_squeeze %dma_wait3A_191 : memref<1x25x40xi32, #tpu.memory_space<vmem>> -> memref<25x40xi32, #tpu.memory_space<vmem>>
      %dma_wait3A_193 = arith.constant 25 : i32
      %dma_wait3A_194 = arith.constant 0 : i32
      %dma_wait3A_195 = tpu.memref_slice %arg4[%add3A, %dma_wait3A_193, %dma_wait3A_194] : memref<32x250x40xi32, #tpu.memory_space<hbm>> -> memref<1x25x40xi32, #tpu.memory_space<hbm>>
      %dma_wait3A_196 = tpu.memref_squeeze %dma_wait3A_195 : memref<1x25x40xi32, #tpu.memory_space<hbm>> -> memref<25x40xi32, #tpu.memory_space<hbm>>
      tpu.wait_dma2 semaphore(%run_scoped3A_164 : memref<!tpu.dma_semaphore, #tpu.memory_space<semaphore_mem>>) src(%dma_wait3A_196 : memref<25x40xi32, #tpu.memory_space<hbm>>) dst(%dma_wait3A_192 : memref<25x40xi32, #tpu.memory_space<vmem>>)
      tpu.yield
    }) : () -> ()
    %run_scoped3A_2 = arith.constant 0 : i32
    "tpu.region"() ({
      %run_scoped3A_164 = tpu.sem_alloc : memref<!tpu.dma_semaphore, #tpu.memory_space<semaphore_mem>>
      %dma_start3A_165 = arith.constant 0 : i32
      %dma_start3A_166 = arith.constant 0 : i32
      %dma_start3A_167 = tpu.memref_slice %arg9[%run_scoped3A_2, %dma_start3A_165, %dma_start3A_166] : memref<3x25x40xi32, #tpu.memory_space<vmem>> -> memref<1x25x40xi32, #tpu.memory_space<vmem>>
      %dma_start3A_168 = tpu.memref_squeeze %dma_start3A_167 : memref<1x25x40xi32, #tpu.memory_space<vmem>> -> memref<25x40xi32, #tpu.memory_space<vmem>>
      %dma_start3A_169 = arith.constant 0 : i32
      %dma_start3A_170 = arith.constant 0 : i32
      %dma_start3A_171 = tpu.memref_slice %arg5[%add3A, %dma_start3A_169, %dma_start3A_170] : memref<32x250x40xi32, #tpu.memory_space<hbm>> -> memref<1x25x40xi32, #tpu.memory_space<hbm>>
      %dma_start3A_172 = tpu.memref_squeeze %dma_start3A_171 : memref<1x25x40xi32, #tpu.memory_space<hbm>> -> memref<25x40xi32, #tpu.memory_space<hbm>>
      %dma_start3A_173 = arith.constant 0 : i32
      %dma_start3A_174 = arith.constant 0 : i32
      %dma_start3A_175 = tpu.memref_slice %arg9[%run_scoped3A_2, %dma_start3A_173, %dma_start3A_174] : memref<3x25x40xi32, #tpu.memory_space<vmem>> -> memref<1x25x40xi32, #tpu.memory_space<vmem>>
      %dma_start3A_176 = tpu.memref_squeeze %dma_start3A_175 : memref<1x25x40xi32, #tpu.memory_space<vmem>> -> memref<25x40xi32, #tpu.memory_space<vmem>>
      %dma_start3A_177 = arith.constant 0 : i32
      %dma_start3A_178 = arith.constant 0 : i32
      %dma_start3A_179 = tpu.memref_slice %arg5[%add3A, %dma_start3A_177, %dma_start3A_178] : memref<32x250x40xi32, #tpu.memory_space<hbm>> -> memref<1x25x40xi32, #tpu.memory_space<hbm>>
      %dma_start3A_180 = tpu.memref_squeeze %dma_start3A_179 : memref<1x25x40xi32, #tpu.memory_space<hbm>> -> memref<25x40xi32, #tpu.memory_space<hbm>>
      tpu.enqueue_dma source(%dma_start3A_180 : memref<25x40xi32, #tpu.memory_space<hbm>>) target(%dma_start3A_176 : memref<25x40xi32, #tpu.memory_space<vmem>>) target_semaphore(%run_scoped3A_164 : memref<!tpu.dma_semaphore, #tpu.memory_space<semaphore_mem>>)
      %dma_wait3A_181 = arith.constant 0 : i32
      %dma_wait3A_182 = arith.constant 0 : i32
      %dma_wait3A_183 = tpu.memref_slice %arg9[%run_scoped3A_2, %dma_wait3A_181, %dma_wait3A_182] : memref<3x25x40xi32, #tpu.memory_space<vmem>> -> memref<1x25x40xi32, #tpu.memory_space<vmem>>
      %dma_wait3A_184 = tpu.memref_squeeze %dma_wait3A_183 : memref<1x25x40xi32, #tpu.memory_space<vmem>> -> memref<25x40xi32, #tpu.memory_space<vmem>>
      %dma_wait3A_185 = arith.constant 0 : i32
      %dma_wait3A_186 = arith.constant 0 : i32
      %dma_wait3A_187 = tpu.memref_slice %arg5[%add3A, %dma_wait3A_185, %dma_wait3A_186] : memref<32x250x40xi32, #tpu.memory_space<hbm>> -> memref<1x25x40xi32, #tpu.memory_space<hbm>>
      %dma_wait3A_188 = tpu.memref_squeeze %dma_wait3A_187 : memref<1x25x40xi32, #tpu.memory_space<hbm>> -> memref<25x40xi32, #tpu.memory_space<hbm>>
      %dma_wait3A_189 = arith.constant 0 : i32
      %dma_wait3A_190 = arith.constant 0 : i32
      %dma_wait3A_191 = tpu.memref_slice %arg9[%run_scoped3A_2, %dma_wait3A_189, %dma_wait3A_190] : memref<3x25x40xi32, #tpu.memory_space<vmem>> -> memref<1x25x40xi32, #tpu.memory_space<vmem>>
      %dma_wait3A_192 = tpu.memref_squeeze %dma_wait3A_191 : memref<1x25x40xi32, #tpu.memory_space<vmem>> -> memref<25x40xi32, #tpu.memory_space<vmem>>
      %dma_wait3A_193 = arith.constant 0 : i32
      %dma_wait3A_194 = arith.constant 0 : i32
      %dma_wait3A_195 = tpu.memref_slice %arg5[%add3A, %dma_wait3A_193, %dma_wait3A_194] : memref<32x250x40xi32, #tpu.memory_space<hbm>> -> memref<1x25x40xi32, #tpu.memory_space<hbm>>
      %dma_wait3A_196 = tpu.memref_squeeze %dma_wait3A_195 : memref<1x25x40xi32, #tpu.memory_space<hbm>> -> memref<25x40xi32, #tpu.memory_space<hbm>>
      tpu.wait_dma2 semaphore(%run_scoped3A_164 : memref<!tpu.dma_semaphore, #tpu.memory_space<semaphore_mem>>) src(%dma_wait3A_196 : memref<25x40xi32, #tpu.memory_space<hbm>>) dst(%dma_wait3A_192 : memref<25x40xi32, #tpu.memory_space<vmem>>)
      tpu.yield
    }) : () -> ()
    %run_scoped3A_3 = arith.constant 1 : i32
    "tpu.region"() ({
      %run_scoped3A_164 = tpu.sem_alloc : memref<!tpu.dma_semaphore, #tpu.memory_space<semaphore_mem>>
      %dma_start3A_165 = arith.constant 0 : i32
      %dma_start3A_166 = arith.constant 0 : i32
      %dma_start3A_167 = tpu.memref_slice %arg9[%run_scoped3A_3, %dma_start3A_165, %dma_start3A_166] : memref<3x25x40xi32, #tpu.memory_space<vmem>> -> memref<1x25x40xi32, #tpu.memory_space<vmem>>
      %dma_start3A_168 = tpu.memref_squeeze %dma_start3A_167 : memref<1x25x40xi32, #tpu.memory_space<vmem>> -> memref<25x40xi32, #tpu.memory_space<vmem>>
      %dma_start3A_169 = arith.constant 25 : i32
      %dma_start3A_170 = arith.constant 0 : i32
      %dma_start3A_171 = tpu.memref_slice %arg5[%add3A, %dma_start3A_169, %dma_start3A_170] : memref<32x250x40xi32, #tpu.memory_space<hbm>> -> memref<1x25x40xi32, #tpu.memory_space<hbm>>
      %dma_start3A_172 = tpu.memref_squeeze %dma_start3A_171 : memref<1x25x40xi32, #tpu.memory_space<hbm>> -> memref<25x40xi32, #tpu.memory_space<hbm>>
      %dma_start3A_173 = arith.constant 0 : i32
      %dma_start3A_174 = arith.constant 0 : i32
      %dma_start3A_175 = tpu.memref_slice %arg9[%run_scoped3A_3, %dma_start3A_173, %dma_start3A_174] : memref<3x25x40xi32, #tpu.memory_space<vmem>> -> memref<1x25x40xi32, #tpu.memory_space<vmem>>
      %dma_start3A_176 = tpu.memref_squeeze %dma_start3A_175 : memref<1x25x40xi32, #tpu.memory_space<vmem>> -> memref<25x40xi32, #tpu.memory_space<vmem>>
      %dma_start3A_177 = arith.constant 25 : i32
      %dma_start3A_178 = arith.constant 0 : i32
      %dma_start3A_179 = tpu.memref_slice %arg5[%add3A, %dma_start3A_177, %dma_start3A_178] : memref<32x250x40xi32, #tpu.memory_space<hbm>> -> memref<1x25x40xi32, #tpu.memory_space<hbm>>
      %dma_start3A_180 = tpu.memref_squeeze %dma_start3A_179 : memref<1x25x40xi32, #tpu.memory_space<hbm>> -> memref<25x40xi32, #tpu.memory_space<hbm>>
      tpu.enqueue_dma source(%dma_start3A_180 : memref<25x40xi32, #tpu.memory_space<hbm>>) target(%dma_start3A_176 : memref<25x40xi32, #tpu.memory_space<vmem>>) target_semaphore(%run_scoped3A_164 : memref<!tpu.dma_semaphore, #tpu.memory_space<semaphore_mem>>)
      %dma_wait3A_181 = arith.constant 0 : i32
      %dma_wait3A_182 = arith.constant 0 : i32
      %dma_wait3A_183 = tpu.memref_slice %arg9[%run_scoped3A_3, %dma_wait3A_181, %dma_wait3A_182] : memref<3x25x40xi32, #tpu.memory_space<vmem>> -> memref<1x25x40xi32, #tpu.memory_space<vmem>>
      %dma_wait3A_184 = tpu.memref_squeeze %dma_wait3A_183 : memref<1x25x40xi32, #tpu.memory_space<vmem>> -> memref<25x40xi32, #tpu.memory_space<vmem>>
      %dma_wait3A_185 = arith.constant 25 : i32
      %dma_wait3A_186 = arith.constant 0 : i32
      %dma_wait3A_187 = tpu.memref_slice %arg5[%add3A, %dma_wait3A_185, %dma_wait3A_186] : memref<32x250x40xi32, #tpu.memory_space<hbm>> -> memref<1x25x40xi32, #tpu.memory_space<hbm>>
      %dma_wait3A_188 = tpu.memref_squeeze %dma_wait3A_187 : memref<1x25x40xi32, #tpu.memory_space<hbm>> -> memref<25x40xi32, #tpu.memory_space<hbm>>
      %dma_wait3A_189 = arith.constant 0 : i32
      %dma_wait3A_190 = arith.constant 0 : i32
      %dma_wait3A_191 = tpu.memref_slice %arg9[%run_scoped3A_3, %dma_wait3A_189, %dma_wait3A_190] : memref<3x25x40xi32, #tpu.memory_space<vmem>> -> memref<1x25x40xi32, #tpu.memory_space<vmem>>
      %dma_wait3A_192 = tpu.memref_squeeze %dma_wait3A_191 : memref<1x25x40xi32, #tpu.memory_space<vmem>> -> memref<25x40xi32, #tpu.memory_space<vmem>>
      %dma_wait3A_193 = arith.constant 25 : i32
      %dma_wait3A_194 = arith.constant 0 : i32
      %dma_wait3A_195 = tpu.memref_slice %arg5[%add3A, %dma_wait3A_193, %dma_wait3A_194] : memref<32x250x40xi32, #tpu.memory_space<hbm>> -> memref<1x25x40xi32, #tpu.memory_space<hbm>>
      %dma_wait3A_196 = tpu.memref_squeeze %dma_wait3A_195 : memref<1x25x40xi32, #tpu.memory_space<hbm>> -> memref<25x40xi32, #tpu.memory_space<hbm>>
      tpu.wait_dma2 semaphore(%run_scoped3A_164 : memref<!tpu.dma_semaphore, #tpu.memory_space<semaphore_mem>>) src(%dma_wait3A_196 : memref<25x40xi32, #tpu.memory_space<hbm>>) dst(%dma_wait3A_192 : memref<25x40xi32, #tpu.memory_space<vmem>>)
      tpu.yield
    }) : () -> ()
    %dma_start3A = arith.constant 0 : i32
    %dma_start3A_4 = arith.constant 0 : i32
    %dma_start3A_5 = arith.constant 0 : i32
    %dma_start3A_6 = arith.constant 0 : i32
    %dma_start3A_7 = tpu.memref_slice %arg10[%dma_start3A_5, %dma_start3A_6] : memref<40x128xf32, #tpu.memory_space<vmem>> -> memref<24x128xf32, #tpu.memory_space<vmem>>
    %dma_start3A_8 = arith.constant 0 : i32
    %dma_start3A_9 = tpu.memref_slice %arg8[%dma_start3A, %dma_start3A_4, %dma_start3A_8] : memref<3x25x40xi32, #tpu.memory_space<vmem>> -> memref<1x1x24xi32, #tpu.memory_space<vmem>>
    %dma_start3A_10 = tpu.memref_squeeze %dma_start3A_9 : memref<1x1x24xi32, #tpu.memory_space<vmem>> -> memref<24xi32, #tpu.memory_space<vmem>>
    %dma_start3A_11 = arith.constant 0 : i32
    %dma_start3A_12 = arith.constant 0 : i32
    %dma_start3A_13 = tpu.memref_slice %arg2[%dma_start3A_11, %dma_start3A_12] : memref<10000x128xf32, #tpu.memory_space<hbm>> -> memref<10000x128xf32, #tpu.memory_space<hbm>>
    tpu.enqueue_indirect_dma source(%dma_start3A_13 : memref<10000x128xf32, #tpu.memory_space<hbm>>) target(%dma_start3A_7 : memref<24x128xf32, #tpu.memory_space<vmem>>) offsets(%dma_start3A_10 : memref<24xi32, #tpu.memory_space<vmem>>) semaphore(%arg19 : memref<!tpu.dma_semaphore, #tpu.memory_space<semaphore_mem>>)
    %dma_start3A_14 = arith.constant 0 : i32
    %dma_start3A_15 = arith.constant 0 : i32
    %dma_start3A_16 = arith.constant 0 : i32
    %dma_start3A_17 = arith.constant 0 : i32
    %dma_start3A_18 = tpu.memref_slice %arg14[%dma_start3A_16, %dma_start3A_17] : memref<40x128xf32, #tpu.memory_space<vmem>> -> memref<24x128xf32, #tpu.memory_space<vmem>>
    %dma_start3A_19 = arith.constant 0 : i32
    %dma_start3A_20 = tpu.memref_slice %arg9[%dma_start3A_14, %dma_start3A_15, %dma_start3A_19] : memref<3x25x40xi32, #tpu.memory_space<vmem>> -> memref<1x1x24xi32, #tpu.memory_space<vmem>>
    %dma_start3A_21 = tpu.memref_squeeze %dma_start3A_20 : memref<1x1x24xi32, #tpu.memory_space<vmem>> -> memref<24xi32, #tpu.memory_space<vmem>>
    %dma_start3A_22 = arith.constant 0 : i32
    %dma_start3A_23 = arith.constant 0 : i32
    %dma_start3A_24 = tpu.memref_slice %arg3[%dma_start3A_22, %dma_start3A_23] : memref<10000x128xf32, #tpu.memory_space<hbm>> -> memref<10000x128xf32, #tpu.memory_space<hbm>>
    tpu.enqueue_indirect_dma source(%dma_start3A_24 : memref<10000x128xf32, #tpu.memory_space<hbm>>) target(%dma_start3A_18 : memref<24x128xf32, #tpu.memory_space<vmem>>) offsets(%dma_start3A_21 : memref<24xi32, #tpu.memory_space<vmem>>) semaphore(%arg19 : memref<!tpu.dma_semaphore, #tpu.memory_space<semaphore_mem>>)
    %dma_start3A_25 = arith.constant 0 : i32
    %dma_start3A_26 = arith.constant 0 : i32
    %dma_start3A_27 = arith.constant 24 : i32
    %dma_start3A_28 = arith.constant 0 : i32
    %dma_start3A_29 = tpu.memref_slice %arg10[%dma_start3A_27, %dma_start3A_28] : memref<40x128xf32, #tpu.memory_space<vmem>> -> memref<16x128xf32, #tpu.memory_space<vmem>>
    %dma_start3A_30 = arith.constant 24 : i32
    %dma_start3A_31 = tpu.memref_slice %arg8[%dma_start3A_25, %dma_start3A_26, %dma_start3A_30] : memref<3x25x40xi32, #tpu.memory_space<vmem>> -> memref<1x1x16xi32, #tpu.memory_space<vmem>>
    %dma_start3A_32 = tpu.memref_squeeze %dma_start3A_31 : memref<1x1x16xi32, #tpu.memory_space<vmem>> -> memref<16xi32, #tpu.memory_space<vmem>>
    %dma_start3A_33 = arith.constant 0 : i32
    %dma_start3A_34 = arith.constant 0 : i32
    %dma_start3A_35 = tpu.memref_slice %arg2[%dma_start3A_33, %dma_start3A_34] : memref<10000x128xf32, #tpu.memory_space<hbm>> -> memref<10000x128xf32, #tpu.memory_space<hbm>>
    tpu.enqueue_indirect_dma source(%dma_start3A_35 : memref<10000x128xf32, #tpu.memory_space<hbm>>) target(%dma_start3A_29 : memref<16x128xf32, #tpu.memory_space<vmem>>) offsets(%dma_start3A_32 : memref<16xi32, #tpu.memory_space<vmem>>) semaphore(%arg19 : memref<!tpu.dma_semaphore, #tpu.memory_space<semaphore_mem>>)
    %dma_start3A_36 = arith.constant 0 : i32
    %dma_start3A_37 = arith.constant 0 : i32
    %dma_start3A_38 = arith.constant 24 : i32
    %dma_start3A_39 = arith.constant 0 : i32
    %dma_start3A_40 = tpu.memref_slice %arg14[%dma_start3A_38, %dma_start3A_39] : memref<40x128xf32, #tpu.memory_space<vmem>> -> memref<16x128xf32, #tpu.memory_space<vmem>>
    %dma_start3A_41 = arith.constant 24 : i32
    %dma_start3A_42 = tpu.memref_slice %arg9[%dma_start3A_36, %dma_start3A_37, %dma_start3A_41] : memref<3x25x40xi32, #tpu.memory_space<vmem>> -> memref<1x1x16xi32, #tpu.memory_space<vmem>>
    %dma_start3A_43 = tpu.memref_squeeze %dma_start3A_42 : memref<1x1x16xi32, #tpu.memory_space<vmem>> -> memref<16xi32, #tpu.memory_space<vmem>>
    %dma_start3A_44 = arith.constant 0 : i32
    %dma_start3A_45 = arith.constant 0 : i32
    %dma_start3A_46 = tpu.memref_slice %arg3[%dma_start3A_44, %dma_start3A_45] : memref<10000x128xf32, #tpu.memory_space<hbm>> -> memref<10000x128xf32, #tpu.memory_space<hbm>>
    tpu.enqueue_indirect_dma source(%dma_start3A_46 : memref<10000x128xf32, #tpu.memory_space<hbm>>) target(%dma_start3A_40 : memref<16x128xf32, #tpu.memory_space<vmem>>) offsets(%dma_start3A_43 : memref<16xi32, #tpu.memory_space<vmem>>) semaphore(%arg19 : memref<!tpu.dma_semaphore, #tpu.memory_space<semaphore_mem>>)
    %dma_start3A_47 = arith.constant 0 : i32
    %dma_start3A_48 = arith.constant 1 : i32
    %dma_start3A_49 = arith.constant 0 : i32
    %dma_start3A_50 = arith.constant 0 : i32
    %dma_start3A_51 = tpu.memref_slice %arg11[%dma_start3A_49, %dma_start3A_50] : memref<40x128xf32, #tpu.memory_space<vmem>> -> memref<24x128xf32, #tpu.memory_space<vmem>>
    %dma_start3A_52 = arith.constant 0 : i32
    %dma_start3A_53 = tpu.memref_slice %arg8[%dma_start3A_47, %dma_start3A_48, %dma_start3A_52] : memref<3x25x40xi32, #tpu.memory_space<vmem>> -> memref<1x1x24xi32, #tpu.memory_space<vmem>>
    %dma_start3A_54 = tpu.memref_squeeze %dma_start3A_53 : memref<1x1x24xi32, #tpu.memory_space<vmem>> -> memref<24xi32, #tpu.memory_space<vmem>>
    %dma_start3A_55 = arith.constant 0 : i32
    %dma_start3A_56 = arith.constant 0 : i32
    %dma_start3A_57 = tpu.memref_slice %arg2[%dma_start3A_55, %dma_start3A_56] : memref<10000x128xf32, #tpu.memory_space<hbm>> -> memref<10000x128xf32, #tpu.memory_space<hbm>>
    tpu.enqueue_indirect_dma source(%dma_start3A_57 : memref<10000x128xf32, #tpu.memory_space<hbm>>) target(%dma_start3A_51 : memref<24x128xf32, #tpu.memory_space<vmem>>) offsets(%dma_start3A_54 : memref<24xi32, #tpu.memory_space<vmem>>) semaphore(%arg20 : memref<!tpu.dma_semaphore, #tpu.memory_space<semaphore_mem>>)
    %dma_start3A_58 = arith.constant 0 : i32
    %dma_start3A_59 = arith.constant 1 : i32
    %dma_start3A_60 = arith.constant 0 : i32
    %dma_start3A_61 = arith.constant 0 : i32
    %dma_start3A_62 = tpu.memref_slice %arg15[%dma_start3A_60, %dma_start3A_61] : memref<40x128xf32, #tpu.memory_space<vmem>> -> memref<24x128xf32, #tpu.memory_space<vmem>>
    %dma_start3A_63 = arith.constant 0 : i32
    %dma_start3A_64 = tpu.memref_slice %arg9[%dma_start3A_58, %dma_start3A_59, %dma_start3A_63] : memref<3x25x40xi32, #tpu.memory_space<vmem>> -> memref<1x1x24xi32, #tpu.memory_space<vmem>>
    %dma_start3A_65 = tpu.memref_squeeze %dma_start3A_64 : memref<1x1x24xi32, #tpu.memory_space<vmem>> -> memref<24xi32, #tpu.memory_space<vmem>>
    %dma_start3A_66 = arith.constant 0 : i32
    %dma_start3A_67 = arith.constant 0 : i32
    %dma_start3A_68 = tpu.memref_slice %arg3[%dma_start3A_66, %dma_start3A_67] : memref<10000x128xf32, #tpu.memory_space<hbm>> -> memref<10000x128xf32, #tpu.memory_space<hbm>>
    tpu.enqueue_indirect_dma source(%dma_start3A_68 : memref<10000x128xf32, #tpu.memory_space<hbm>>) target(%dma_start3A_62 : memref<24x128xf32, #tpu.memory_space<vmem>>) offsets(%dma_start3A_65 : memref<24xi32, #tpu.memory_space<vmem>>) semaphore(%arg20 : memref<!tpu.dma_semaphore, #tpu.memory_space<semaphore_mem>>)
    %dma_start3A_69 = arith.constant 0 : i32
    %dma_start3A_70 = arith.constant 1 : i32
    %dma_start3A_71 = arith.constant 24 : i32
    %dma_start3A_72 = arith.constant 0 : i32
    %dma_start3A_73 = tpu.memref_slice %arg11[%dma_start3A_71, %dma_start3A_72] : memref<40x128xf32, #tpu.memory_space<vmem>> -> memref<16x128xf32, #tpu.memory_space<vmem>>
    %dma_start3A_74 = arith.constant 24 : i32
    %dma_start3A_75 = tpu.memref_slice %arg8[%dma_start3A_69, %dma_start3A_70, %dma_start3A_74] : memref<3x25x40xi32, #tpu.memory_space<vmem>> -> memref<1x1x16xi32, #tpu.memory_space<vmem>>
    %dma_start3A_76 = tpu.memref_squeeze %dma_start3A_75 : memref<1x1x16xi32, #tpu.memory_space<vmem>> -> memref<16xi32, #tpu.memory_space<vmem>>
    %dma_start3A_77 = arith.constant 0 : i32
    %dma_start3A_78 = arith.constant 0 : i32
    %dma_start3A_79 = tpu.memref_slice %arg2[%dma_start3A_77, %dma_start3A_78] : memref<10000x128xf32, #tpu.memory_space<hbm>> -> memref<10000x128xf32, #tpu.memory_space<hbm>>
    tpu.enqueue_indirect_dma source(%dma_start3A_79 : memref<10000x128xf32, #tpu.memory_space<hbm>>) target(%dma_start3A_73 : memref<16x128xf32, #tpu.memory_space<vmem>>) offsets(%dma_start3A_76 : memref<16xi32, #tpu.memory_space<vmem>>) semaphore(%arg20 : memref<!tpu.dma_semaphore, #tpu.memory_space<semaphore_mem>>)
    %dma_start3A_80 = arith.constant 0 : i32
    %dma_start3A_81 = arith.constant 1 : i32
    %dma_start3A_82 = arith.constant 24 : i32
    %dma_start3A_83 = arith.constant 0 : i32
    %dma_start3A_84 = tpu.memref_slice %arg15[%dma_start3A_82, %dma_start3A_83] : memref<40x128xf32, #tpu.memory_space<vmem>> -> memref<16x128xf32, #tpu.memory_space<vmem>>
    %dma_start3A_85 = arith.constant 24 : i32
    %dma_start3A_86 = tpu.memref_slice %arg9[%dma_start3A_80, %dma_start3A_81, %dma_start3A_85] : memref<3x25x40xi32, #tpu.memory_space<vmem>> -> memref<1x1x16xi32, #tpu.memory_space<vmem>>
    %dma_start3A_87 = tpu.memref_squeeze %dma_start3A_86 : memref<1x1x16xi32, #tpu.memory_space<vmem>> -> memref<16xi32, #tpu.memory_space<vmem>>
    %dma_start3A_88 = arith.constant 0 : i32
    %dma_start3A_89 = arith.constant 0 : i32
    %dma_start3A_90 = tpu.memref_slice %arg3[%dma_start3A_88, %dma_start3A_89] : memref<10000x128xf32, #tpu.memory_space<hbm>> -> memref<10000x128xf32, #tpu.memory_space<hbm>>
    tpu.enqueue_indirect_dma source(%dma_start3A_90 : memref<10000x128xf32, #tpu.memory_space<hbm>>) target(%dma_start3A_84 : memref<16x128xf32, #tpu.memory_space<vmem>>) offsets(%dma_start3A_87 : memref<16xi32, #tpu.memory_space<vmem>>) semaphore(%arg20 : memref<!tpu.dma_semaphore, #tpu.memory_space<semaphore_mem>>)
    %dma_start3A_91 = arith.constant 0 : i32
    %dma_start3A_92 = arith.constant 2 : i32
    %dma_start3A_93 = arith.constant 0 : i32
    %dma_start3A_94 = arith.constant 0 : i32
    %dma_start3A_95 = tpu.memref_slice %arg12[%dma_start3A_93, %dma_start3A_94] : memref<40x128xf32, #tpu.memory_space<vmem>> -> memref<24x128xf32, #tpu.memory_space<vmem>>
    %dma_start3A_96 = arith.constant 0 : i32
    %dma_start3A_97 = tpu.memref_slice %arg8[%dma_start3A_91, %dma_start3A_92, %dma_start3A_96] : memref<3x25x40xi32, #tpu.memory_space<vmem>> -> memref<1x1x24xi32, #tpu.memory_space<vmem>>
    %dma_start3A_98 = tpu.memref_squeeze %dma_start3A_97 : memref<1x1x24xi32, #tpu.memory_space<vmem>> -> memref<24xi32, #tpu.memory_space<vmem>>
    %dma_start3A_99 = arith.constant 0 : i32
    %dma_start3A_100 = arith.constant 0 : i32
    %dma_start3A_101 = tpu.memref_slice %arg2[%dma_start3A_99, %dma_start3A_100] : memref<10000x128xf32, #tpu.memory_space<hbm>> -> memref<10000x128xf32, #tpu.memory_space<hbm>>
    tpu.enqueue_indirect_dma source(%dma_start3A_101 : memref<10000x128xf32, #tpu.memory_space<hbm>>) target(%dma_start3A_95 : memref<24x128xf32, #tpu.memory_space<vmem>>) offsets(%dma_start3A_98 : memref<24xi32, #tpu.memory_space<vmem>>) semaphore(%arg21 : memref<!tpu.dma_semaphore, #tpu.memory_space<semaphore_mem>>)
    %dma_start3A_102 = arith.constant 0 : i32
    %dma_start3A_103 = arith.constant 2 : i32
    %dma_start3A_104 = arith.constant 0 : i32
    %dma_start3A_105 = arith.constant 0 : i32
    %dma_start3A_106 = tpu.memref_slice %arg16[%dma_start3A_104, %dma_start3A_105] : memref<40x128xf32, #tpu.memory_space<vmem>> -> memref<24x128xf32, #tpu.memory_space<vmem>>
    %dma_start3A_107 = arith.constant 0 : i32
    %dma_start3A_108 = tpu.memref_slice %arg9[%dma_start3A_102, %dma_start3A_103, %dma_start3A_107] : memref<3x25x40xi32, #tpu.memory_space<vmem>> -> memref<1x1x24xi32, #tpu.memory_space<vmem>>
    %dma_start3A_109 = tpu.memref_squeeze %dma_start3A_108 : memref<1x1x24xi32, #tpu.memory_space<vmem>> -> memref<24xi32, #tpu.memory_space<vmem>>
    %dma_start3A_110 = arith.constant 0 : i32
    %dma_start3A_111 = arith.constant 0 : i32
    %dma_start3A_112 = tpu.memref_slice %arg3[%dma_start3A_110, %dma_start3A_111] : memref<10000x128xf32, #tpu.memory_space<hbm>> -> memref<10000x128xf32, #tpu.memory_space<hbm>>
    tpu.enqueue_indirect_dma source(%dma_start3A_112 : memref<10000x128xf32, #tpu.memory_space<hbm>>) target(%dma_start3A_106 : memref<24x128xf32, #tpu.memory_space<vmem>>) offsets(%dma_start3A_109 : memref<24xi32, #tpu.memory_space<vmem>>) semaphore(%arg21 : memref<!tpu.dma_semaphore, #tpu.memory_space<semaphore_mem>>)
    %dma_start3A_113 = arith.constant 0 : i32
    %dma_start3A_114 = arith.constant 2 : i32
    %dma_start3A_115 = arith.constant 24 : i32
    %dma_start3A_116 = arith.constant 0 : i32
    %dma_start3A_117 = tpu.memref_slice %arg12[%dma_start3A_115, %dma_start3A_116] : memref<40x128xf32, #tpu.memory_space<vmem>> -> memref<16x128xf32, #tpu.memory_space<vmem>>
    %dma_start3A_118 = arith.constant 24 : i32
    %dma_start3A_119 = tpu.memref_slice %arg8[%dma_start3A_113, %dma_start3A_114, %dma_start3A_118] : memref<3x25x40xi32, #tpu.memory_space<vmem>> -> memref<1x1x16xi32, #tpu.memory_space<vmem>>
    %dma_start3A_120 = tpu.memref_squeeze %dma_start3A_119 : memref<1x1x16xi32, #tpu.memory_space<vmem>> -> memref<16xi32, #tpu.memory_space<vmem>>
    %dma_start3A_121 = arith.constant 0 : i32
    %dma_start3A_122 = arith.constant 0 : i32
    %dma_start3A_123 = tpu.memref_slice %arg2[%dma_start3A_121, %dma_start3A_122] : memref<10000x128xf32, #tpu.memory_space<hbm>> -> memref<10000x128xf32, #tpu.memory_space<hbm>>
    tpu.enqueue_indirect_dma source(%dma_start3A_123 : memref<10000x128xf32, #tpu.memory_space<hbm>>) target(%dma_start3A_117 : memref<16x128xf32, #tpu.memory_space<vmem>>) offsets(%dma_start3A_120 : memref<16xi32, #tpu.memory_space<vmem>>) semaphore(%arg21 : memref<!tpu.dma_semaphore, #tpu.memory_space<semaphore_mem>>)
    %dma_start3A_124 = arith.constant 0 : i32
    %dma_start3A_125 = arith.constant 2 : i32
    %dma_start3A_126 = arith.constant 24 : i32
    %dma_start3A_127 = arith.constant 0 : i32
    %dma_start3A_128 = tpu.memref_slice %arg16[%dma_start3A_126, %dma_start3A_127] : memref<40x128xf32, #tpu.memory_space<vmem>> -> memref<16x128xf32, #tpu.memory_space<vmem>>
    %dma_start3A_129 = arith.constant 24 : i32
    %dma_start3A_130 = tpu.memref_slice %arg9[%dma_start3A_124, %dma_start3A_125, %dma_start3A_129] : memref<3x25x40xi32, #tpu.memory_space<vmem>> -> memref<1x1x16xi32, #tpu.memory_space<vmem>>
    %dma_start3A_131 = tpu.memref_squeeze %dma_start3A_130 : memref<1x1x16xi32, #tpu.memory_space<vmem>> -> memref<16xi32, #tpu.memory_space<vmem>>
    %dma_start3A_132 = arith.constant 0 : i32
    %dma_start3A_133 = arith.constant 0 : i32
    %dma_start3A_134 = tpu.memref_slice %arg3[%dma_start3A_132, %dma_start3A_133] : memref<10000x128xf32, #tpu.memory_space<hbm>> -> memref<10000x128xf32, #tpu.memory_space<hbm>>
    tpu.enqueue_indirect_dma source(%dma_start3A_134 : memref<10000x128xf32, #tpu.memory_space<hbm>>) target(%dma_start3A_128 : memref<16x128xf32, #tpu.memory_space<vmem>>) offsets(%dma_start3A_131 : memref<16xi32, #tpu.memory_space<vmem>>) semaphore(%arg21 : memref<!tpu.dma_semaphore, #tpu.memory_space<semaphore_mem>>)
    %lt3A = arith.constant 15 : i32
    %lt3A_135 = arith.cmpi slt, %arg1, %lt3A : i32
    %convert_element_type3A = arith.extui %lt3A_135 : i1 to i32
    %cond3A = arith.constant 0 : i32
    %cond3A_136 = arith.cmpi ne, %convert_element_type3A, %cond3A : i32
    scf.if %cond3A_136 {
      %mul3A_164 = arith.constant 624 : i32
      %mul3A_165 = arith.muli %arg1, %mul3A_164 : i32
      "tpu.region"() ({
        %run_scoped3A_166 = tpu.sem_alloc : memref<!tpu.dma_semaphore, #tpu.memory_space<semaphore_mem>>
        %dma_start3A_167 = arith.constant 0 : i32
        %dma_start3A_168 = tpu.memref_slice %arg18[%mul3A_165, %dma_start3A_167] : memref<10000x128xf32, #tpu.memory_space<vmem_shared>> -> memref<624x128xf32, #tpu.memory_space<vmem_shared>>
        %dma_start3A_169 = arith.constant 0 : i32
        %dma_start3A_170 = arith.constant 0 : i32
        %dma_start3A_171 = tpu.memref_slice %arg6[%dma_start3A_169, %dma_start3A_170] : memref<640x128xf32, #tpu.memory_space<hbm>> -> memref<624x128xf32, #tpu.memory_space<hbm>>
        tpu.enqueue_dma source(%dma_start3A_171 : memref<624x128xf32, #tpu.memory_space<hbm>>) target(%dma_start3A_168 : memref<624x128xf32, #tpu.memory_space<vmem_shared>>) target_semaphore(%run_scoped3A_166 : memref<!tpu.dma_semaphore, #tpu.memory_space<semaphore_mem>>)
        %dma_wait3A_172 = arith.constant 0 : i32
        %dma_wait3A_173 = tpu.memref_slice %arg18[%mul3A_165, %dma_wait3A_172] : memref<10000x128xf32, #tpu.memory_space<vmem_shared>> -> memref<624x128xf32, #tpu.memory_space<vmem_shared>>
        %dma_wait3A_174 = arith.constant 0 : i32
        %dma_wait3A_175 = arith.constant 0 : i32
        %dma_wait3A_176 = tpu.memref_slice %arg6[%dma_wait3A_174, %dma_wait3A_175] : memref<640x128xf32, #tpu.memory_space<hbm>> -> memref<624x128xf32, #tpu.memory_space<hbm>>
        tpu.wait_dma2 semaphore(%run_scoped3A_166 : memref<!tpu.dma_semaphore, #tpu.memory_space<semaphore_mem>>) src(%dma_wait3A_176 : memref<624x128xf32, #tpu.memory_space<hbm>>) dst(%dma_wait3A_173 : memref<624x128xf32, #tpu.memory_space<vmem_shared>>)
        tpu.yield
      }) : () -> ()
    } else {
    }
    %eq3A = arith.constant 15 : i32
    %eq3A_137 = arith.cmpi eq, %arg1, %eq3A : i32
    %convert_element_type3A_138 = arith.extui %eq3A_137 : i1 to i32
    %cond3A_139 = arith.constant 0 : i32
    %cond3A_140 = arith.cmpi ne, %convert_element_type3A_138, %cond3A_139 : i32
    scf.if %cond3A_140 {
      "tpu.region"() ({
        %run_scoped3A_164 = tpu.sem_alloc : memref<!tpu.dma_semaphore, #tpu.memory_space<semaphore_mem>>
        %dma_start3A_165 = arith.constant 9360 : i32
        %dma_start3A_166 = arith.constant 0 : i32
        %dma_start3A_167 = tpu.memref_slice %arg18[%dma_start3A_165, %dma_start3A_166] : memref<10000x128xf32, #tpu.memory_space<vmem_shared>> -> memref<640x128xf32, #tpu.memory_space<vmem_shared>>
        tpu.enqueue_dma source(%arg6 : memref<640x128xf32, #tpu.memory_space<hbm>>) target(%dma_start3A_167 : memref<640x128xf32, #tpu.memory_space<vmem_shared>>) target_semaphore(%run_scoped3A_164 : memref<!tpu.dma_semaphore, #tpu.memory_space<semaphore_mem>>)
        %dma_wait3A_168 = arith.constant 9360 : i32
        %dma_wait3A_169 = arith.constant 0 : i32
        %dma_wait3A_170 = tpu.memref_slice %arg18[%dma_wait3A_168, %dma_wait3A_169] : memref<10000x128xf32, #tpu.memory_space<vmem_shared>> -> memref<640x128xf32, #tpu.memory_space<vmem_shared>>
        tpu.wait_dma2 semaphore(%run_scoped3A_164 : memref<!tpu.dma_semaphore, #tpu.memory_space<semaphore_mem>>) src(%arg6 : memref<640x128xf32, #tpu.memory_space<hbm>>) dst(%dma_wait3A_170 : memref<640x128xf32, #tpu.memory_space<vmem_shared>>)
        tpu.yield
      }) : () -> ()
    } else {
    }
    %barrier3A = arith.constant 0 : index
    tpu.barrier barrier_id(%barrier3A)
    %scan3A = arith.constant 0 : i32
    %scan3A_141 = arith.constant 0 : i32
    %scan3A_142 = arith.constant 63 : i32
    %scan3A_143 = arith.addi %scan3A_141, %scan3A_142 : i32
    %scan3A_144 = arith.constant 1 : i32
    scf.for %scan3A_164 = %scan3A_141 to %scan3A_143 step %scan3A_144  : i32 {
      %mul3A_165 = arith.constant 4 : i32
      %mul3A_166 = arith.muli %mul3A_165, %scan3A_164 : i32
      %add3A_167 = arith.constant 0 : i32
      %add3A_168 = arith.addi %mul3A_166, %add3A_167 : i32
      %lt3A_169 = arith.constant 250 : i32
      %lt3A_170 = arith.cmpi slt, %add3A_168, %lt3A_169 : i32
      %convert_element_type3A_171 = arith.extui %lt3A_170 : i1 to i32
      %cond3A_172 = arith.constant 0 : i32
      %cond3A_173 = arith.cmpi ne, %convert_element_type3A_171, %cond3A_172 : i32
      scf.if %cond3A_173 {
        %jit3A = arith.constant 25 : i32
        %div3A = arith.divsi %add3A_168, %jit3A : i32
        %sign3A = arith.constant 0 : i32
        %sign3A_201 = arith.cmpi sgt, %add3A_168, %sign3A : i32
        %sign3A_202 = arith.extui %sign3A_201 : i1 to i32
        %sign3A_203 = arith.constant 0 : i32
        %sign3A_204 = arith.cmpi slt, %add3A_168, %sign3A_203 : i32
        %sign3A_205 = arith.extui %sign3A_204 : i1 to i32
        %sign3A_206 = arith.subi %sign3A_202, %sign3A_205 : i32
        %sign3A_207 = arith.constant 0 : i32
        %sign3A_208 = arith.cmpi sgt, %jit3A, %sign3A_207 : i32
        %sign3A_209 = arith.extui %sign3A_208 : i1 to i32
        %sign3A_210 = arith.constant 0 : i32
        %sign3A_211 = arith.cmpi slt, %jit3A, %sign3A_210 : i32
        %sign3A_212 = arith.extui %sign3A_211 : i1 to i32
        %sign3A_213 = arith.subi %sign3A_209, %sign3A_212 : i32
        %ne3A = arith.cmpi ne, %sign3A_206, %sign3A_213 : i32
        %rem3A = arith.remsi %add3A_168, %jit3A : i32
        %ne3A_214 = arith.constant 0 : i32
        %ne3A_215 = arith.cmpi ne, %rem3A, %ne3A_214 : i32
        %and3A = arith.andi %ne3A, %ne3A_215 : i1
        %sub3A = arith.constant 1 : i32
        %sub3A_216 = arith.subi %div3A, %sub3A : i32
        %select_n3A = arith.select %and3A, %sub3A_216, %div3A : i32
        %jit3A_217 = arith.constant 3 : i32
        %eq3A_218 = arith.constant 0 : i32
        %eq3A_219 = arith.cmpi eq, %jit3A_217, %eq3A_218 : i32
        %jit3A_220 = arith.constant 1 : i32
        %select_n3A_221 = arith.select %eq3A_219, %jit3A_220, %jit3A_217 : i32
        %rem3A_222 = arith.remsi %select_n3A, %select_n3A_221 : i32
        %ne3A_223 = arith.constant 0 : i32
        %ne3A_224 = arith.cmpi ne, %rem3A_222, %ne3A_223 : i32
        %lt3A_225 = arith.constant 0 : i32
        %lt3A_226 = arith.cmpi slt, %rem3A_222, %lt3A_225 : i32
        %lt3A_227 = arith.constant 0 : i32
        %lt3A_228 = arith.cmpi slt, %select_n3A_221, %lt3A_227 : i32
        %ne3A_229 = arith.xori %lt3A_226, %lt3A_228 : i1
        %and3A_230 = arith.andi %ne3A_229, %ne3A_224 : i1
        %add3A_231 = arith.addi %rem3A_222, %select_n3A_221 : i32
        %select_n3A_232 = arith.select %and3A_230, %add3A_231, %rem3A_222 : i32
        %jit3A_233 = arith.constant 25 : i32
        %eq3A_234 = arith.constant 0 : i32
        %eq3A_235 = arith.cmpi eq, %jit3A_233, %eq3A_234 : i32
        %jit3A_236 = arith.constant 1 : i32
        %select_n3A_237 = arith.select %eq3A_235, %jit3A_236, %jit3A_233 : i32
        %rem3A_238 = arith.remsi %add3A_168, %select_n3A_237 : i32
        %ne3A_239 = arith.constant 0 : i32
        %ne3A_240 = arith.cmpi ne, %rem3A_238, %ne3A_239 : i32
        %lt3A_241 = arith.constant 0 : i32
        %lt3A_242 = arith.cmpi slt, %rem3A_238, %lt3A_241 : i32
        %lt3A_243 = arith.constant 0 : i32
        %lt3A_244 = arith.cmpi slt, %select_n3A_237, %lt3A_243 : i32
        %ne3A_245 = arith.xori %lt3A_242, %lt3A_244 : i1
        %and3A_246 = arith.andi %ne3A_245, %ne3A_240 : i1
        %add3A_247 = arith.addi %rem3A_238, %select_n3A_237 : i32
        %select_n3A_248 = arith.select %and3A_246, %add3A_247, %rem3A_238 : i32
        %dma_wait3A_249 = arith.constant 0 : i32
        %dma_wait3A_250 = arith.constant 0 : i32
        %dma_wait3A_251 = tpu.memref_slice %arg10[%dma_wait3A_249, %dma_wait3A_250] : memref<40x128xf32, #tpu.memory_space<vmem>> -> memref<24x128xf32, #tpu.memory_space<vmem>>
        %dma_wait3A_252 = arith.constant 0 : i32
        %dma_wait3A_253 = tpu.memref_slice %arg8[%select_n3A_232, %select_n3A_248, %dma_wait3A_252] : memref<3x25x40xi32, #tpu.memory_space<vmem>> -> memref<1x1x24xi32, #tpu.memory_space<vmem>>
        %dma_wait3A_254 = tpu.memref_squeeze %dma_wait3A_253 : memref<1x1x24xi32, #tpu.memory_space<vmem>> -> memref<24xi32, #tpu.memory_space<vmem>>
        %dma_wait3A_255 = arith.constant 0 : i32
        %dma_wait3A_256 = arith.constant 0 : i32
        %dma_wait3A_257 = tpu.memref_slice %arg2[%dma_wait3A_255, %dma_wait3A_256] : memref<10000x128xf32, #tpu.memory_space<hbm>> -> memref<10000x128xf32, #tpu.memory_space<hbm>>
        tpu.wait_indirect_dma semaphore(%arg19 : memref<!tpu.dma_semaphore, #tpu.memory_space<semaphore_mem>>) src(%dma_wait3A_257 : memref<10000x128xf32, #tpu.memory_space<hbm>>) dst(%dma_wait3A_251 : memref<24x128xf32, #tpu.memory_space<vmem>>)
        %jit3A_258 = arith.constant 25 : i32
        %div3A_259 = arith.divsi %add3A_168, %jit3A_258 : i32
        %sign3A_260 = arith.constant 0 : i32
        %sign3A_261 = arith.cmpi sgt, %add3A_168, %sign3A_260 : i32
        %sign3A_262 = arith.extui %sign3A_261 : i1 to i32
        %sign3A_263 = arith.constant 0 : i32
        %sign3A_264 = arith.cmpi slt, %add3A_168, %sign3A_263 : i32
        %sign3A_265 = arith.extui %sign3A_264 : i1 to i32
        %sign3A_266 = arith.subi %sign3A_262, %sign3A_265 : i32
        %sign3A_267 = arith.constant 0 : i32
        %sign3A_268 = arith.cmpi sgt, %jit3A_258, %sign3A_267 : i32
        %sign3A_269 = arith.extui %sign3A_268 : i1 to i32
        %sign3A_270 = arith.constant 0 : i32
        %sign3A_271 = arith.cmpi slt, %jit3A_258, %sign3A_270 : i32
        %sign3A_272 = arith.extui %sign3A_271 : i1 to i32
        %sign3A_273 = arith.subi %sign3A_269, %sign3A_272 : i32
        %ne3A_274 = arith.cmpi ne, %sign3A_266, %sign3A_273 : i32
        %rem3A_275 = arith.remsi %add3A_168, %jit3A_258 : i32
        %ne3A_276 = arith.constant 0 : i32
        %ne3A_277 = arith.cmpi ne, %rem3A_275, %ne3A_276 : i32
        %and3A_278 = arith.andi %ne3A_274, %ne3A_277 : i1
        %sub3A_279 = arith.constant 1 : i32
        %sub3A_280 = arith.subi %div3A_259, %sub3A_279 : i32
        %select_n3A_281 = arith.select %and3A_278, %sub3A_280, %div3A_259 : i32
        %jit3A_282 = arith.constant 3 : i32
        %eq3A_283 = arith.constant 0 : i32
        %eq3A_284 = arith.cmpi eq, %jit3A_282, %eq3A_283 : i32
        %jit3A_285 = arith.constant 1 : i32
        %select_n3A_286 = arith.select %eq3A_284, %jit3A_285, %jit3A_282 : i32
        %rem3A_287 = arith.remsi %select_n3A_281, %select_n3A_286 : i32
        %ne3A_288 = arith.constant 0 : i32
        %ne3A_289 = arith.cmpi ne, %rem3A_287, %ne3A_288 : i32
        %lt3A_290 = arith.constant 0 : i32
        %lt3A_291 = arith.cmpi slt, %rem3A_287, %lt3A_290 : i32
        %lt3A_292 = arith.constant 0 : i32
        %lt3A_293 = arith.cmpi slt, %select_n3A_286, %lt3A_292 : i32
        %ne3A_294 = arith.xori %lt3A_291, %lt3A_293 : i1
        %and3A_295 = arith.andi %ne3A_294, %ne3A_289 : i1
        %add3A_296 = arith.addi %rem3A_287, %select_n3A_286 : i32
        %select_n3A_297 = arith.select %and3A_295, %add3A_296, %rem3A_287 : i32
        %jit3A_298 = arith.constant 25 : i32
        %eq3A_299 = arith.constant 0 : i32
        %eq3A_300 = arith.cmpi eq, %jit3A_298, %eq3A_299 : i32
        %jit3A_301 = arith.constant 1 : i32
        %select_n3A_302 = arith.select %eq3A_300, %jit3A_301, %jit3A_298 : i32
        %rem3A_303 = arith.remsi %add3A_168, %select_n3A_302 : i32
        %ne3A_304 = arith.constant 0 : i32
        %ne3A_305 = arith.cmpi ne, %rem3A_303, %ne3A_304 : i32
        %lt3A_306 = arith.constant 0 : i32
        %lt3A_307 = arith.cmpi slt, %rem3A_303, %lt3A_306 : i32
        %lt3A_308 = arith.constant 0 : i32
        %lt3A_309 = arith.cmpi slt, %select_n3A_302, %lt3A_308 : i32
        %ne3A_310 = arith.xori %lt3A_307, %lt3A_309 : i1
        %and3A_311 = arith.andi %ne3A_310, %ne3A_305 : i1
        %add3A_312 = arith.addi %rem3A_303, %select_n3A_302 : i32
        %select_n3A_313 = arith.select %and3A_311, %add3A_312, %rem3A_303 : i32
        %dma_wait3A_314 = arith.constant 0 : i32
        %dma_wait3A_315 = arith.constant 0 : i32
        %dma_wait3A_316 = tpu.memref_slice %arg14[%dma_wait3A_314, %dma_wait3A_315] : memref<40x128xf32, #tpu.memory_space<vmem>> -> memref<24x128xf32, #tpu.memory_space<vmem>>
        %dma_wait3A_317 = arith.constant 0 : i32
        %dma_wait3A_318 = tpu.memref_slice %arg9[%select_n3A_297, %select_n3A_313, %dma_wait3A_317] : memref<3x25x40xi32, #tpu.memory_space<vmem>> -> memref<1x1x24xi32, #tpu.memory_space<vmem>>
        %dma_wait3A_319 = tpu.memref_squeeze %dma_wait3A_318 : memref<1x1x24xi32, #tpu.memory_space<vmem>> -> memref<24xi32, #tpu.memory_space<vmem>>
        %dma_wait3A_320 = arith.constant 0 : i32
        %dma_wait3A_321 = arith.constant 0 : i32
        %dma_wait3A_322 = tpu.memref_slice %arg3[%dma_wait3A_320, %dma_wait3A_321] : memref<10000x128xf32, #tpu.memory_space<hbm>> -> memref<10000x128xf32, #tpu.memory_space<hbm>>
        tpu.wait_indirect_dma semaphore(%arg19 : memref<!tpu.dma_semaphore, #tpu.memory_space<semaphore_mem>>) src(%dma_wait3A_322 : memref<10000x128xf32, #tpu.memory_space<hbm>>) dst(%dma_wait3A_316 : memref<24x128xf32, #tpu.memory_space<vmem>>)
        %jit3A_323 = arith.constant 25 : i32
        %div3A_324 = arith.divsi %add3A_168, %jit3A_323 : i32
        %sign3A_325 = arith.constant 0 : i32
        %sign3A_326 = arith.cmpi sgt, %add3A_168, %sign3A_325 : i32
        %sign3A_327 = arith.extui %sign3A_326 : i1 to i32
        %sign3A_328 = arith.constant 0 : i32
        %sign3A_329 = arith.cmpi slt, %add3A_168, %sign3A_328 : i32
        %sign3A_330 = arith.extui %sign3A_329 : i1 to i32
        %sign3A_331 = arith.subi %sign3A_327, %sign3A_330 : i32
        %sign3A_332 = arith.constant 0 : i32
        %sign3A_333 = arith.cmpi sgt, %jit3A_323, %sign3A_332 : i32
        %sign3A_334 = arith.extui %sign3A_333 : i1 to i32
        %sign3A_335 = arith.constant 0 : i32
        %sign3A_336 = arith.cmpi slt, %jit3A_323, %sign3A_335 : i32
        %sign3A_337 = arith.extui %sign3A_336 : i1 to i32
        %sign3A_338 = arith.subi %sign3A_334, %sign3A_337 : i32
        %ne3A_339 = arith.cmpi ne, %sign3A_331, %sign3A_338 : i32
        %rem3A_340 = arith.remsi %add3A_168, %jit3A_323 : i32
        %ne3A_341 = arith.constant 0 : i32
        %ne3A_342 = arith.cmpi ne, %rem3A_340, %ne3A_341 : i32
        %and3A_343 = arith.andi %ne3A_339, %ne3A_342 : i1
        %sub3A_344 = arith.constant 1 : i32
        %sub3A_345 = arith.subi %div3A_324, %sub3A_344 : i32
        %select_n3A_346 = arith.select %and3A_343, %sub3A_345, %div3A_324 : i32
        %jit3A_347 = arith.constant 3 : i32
        %eq3A_348 = arith.constant 0 : i32
        %eq3A_349 = arith.cmpi eq, %jit3A_347, %eq3A_348 : i32
        %jit3A_350 = arith.constant 1 : i32
        %select_n3A_351 = arith.select %eq3A_349, %jit3A_350, %jit3A_347 : i32
        %rem3A_352 = arith.remsi %select_n3A_346, %select_n3A_351 : i32
        %ne3A_353 = arith.constant 0 : i32
        %ne3A_354 = arith.cmpi ne, %rem3A_352, %ne3A_353 : i32
        %lt3A_355 = arith.constant 0 : i32
        %lt3A_356 = arith.cmpi slt, %rem3A_352, %lt3A_355 : i32
        %lt3A_357 = arith.constant 0 : i32
        %lt3A_358 = arith.cmpi slt, %select_n3A_351, %lt3A_357 : i32
        %ne3A_359 = arith.xori %lt3A_356, %lt3A_358 : i1
        %and3A_360 = arith.andi %ne3A_359, %ne3A_354 : i1
        %add3A_361 = arith.addi %rem3A_352, %select_n3A_351 : i32
        %select_n3A_362 = arith.select %and3A_360, %add3A_361, %rem3A_352 : i32
        %jit3A_363 = arith.constant 25 : i32
        %eq3A_364 = arith.constant 0 : i32
        %eq3A_365 = arith.cmpi eq, %jit3A_363, %eq3A_364 : i32
        %jit3A_366 = arith.constant 1 : i32
        %select_n3A_367 = arith.select %eq3A_365, %jit3A_366, %jit3A_363 : i32
        %rem3A_368 = arith.remsi %add3A_168, %select_n3A_367 : i32
        %ne3A_369 = arith.constant 0 : i32
        %ne3A_370 = arith.cmpi ne, %rem3A_368, %ne3A_369 : i32
        %lt3A_371 = arith.constant 0 : i32
        %lt3A_372 = arith.cmpi slt, %rem3A_368, %lt3A_371 : i32
        %lt3A_373 = arith.constant 0 : i32
        %lt3A_374 = arith.cmpi slt, %select_n3A_367, %lt3A_373 : i32
        %ne3A_375 = arith.xori %lt3A_372, %lt3A_374 : i1
        %and3A_376 = arith.andi %ne3A_375, %ne3A_370 : i1
        %add3A_377 = arith.addi %rem3A_368, %select_n3A_367 : i32
        %select_n3A_378 = arith.select %and3A_376, %add3A_377, %rem3A_368 : i32
        %dma_wait3A_379 = arith.constant 24 : i32
        %dma_wait3A_380 = arith.constant 0 : i32
        %dma_wait3A_381 = tpu.memref_slice %arg10[%dma_wait3A_379, %dma_wait3A_380] : memref<40x128xf32, #tpu.memory_space<vmem>> -> memref<16x128xf32, #tpu.memory_space<vmem>>
        %dma_wait3A_382 = arith.constant 24 : i32
        %dma_wait3A_383 = tpu.memref_slice %arg8[%select_n3A_362, %select_n3A_378, %dma_wait3A_382] : memref<3x25x40xi32, #tpu.memory_space<vmem>> -> memref<1x1x16xi32, #tpu.memory_space<vmem>>
        %dma_wait3A_384 = tpu.memref_squeeze %dma_wait3A_383 : memref<1x1x16xi32, #tpu.memory_space<vmem>> -> memref<16xi32, #tpu.memory_space<vmem>>
        %dma_wait3A_385 = arith.constant 0 : i32
        %dma_wait3A_386 = arith.constant 0 : i32
        %dma_wait3A_387 = tpu.memref_slice %arg2[%dma_wait3A_385, %dma_wait3A_386] : memref<10000x128xf32, #tpu.memory_space<hbm>> -> memref<10000x128xf32, #tpu.memory_space<hbm>>
        tpu.wait_indirect_dma semaphore(%arg19 : memref<!tpu.dma_semaphore, #tpu.memory_space<semaphore_mem>>) src(%dma_wait3A_387 : memref<10000x128xf32, #tpu.memory_space<hbm>>) dst(%dma_wait3A_381 : memref<16x128xf32, #tpu.memory_space<vmem>>)
        %jit3A_388 = arith.constant 25 : i32
        %div3A_389 = arith.divsi %add3A_168, %jit3A_388 : i32
        %sign3A_390 = arith.constant 0 : i32
        %sign3A_391 = arith.cmpi sgt, %add3A_168, %sign3A_390 : i32
        %sign3A_392 = arith.extui %sign3A_391 : i1 to i32
        %sign3A_393 = arith.constant 0 : i32
        %sign3A_394 = arith.cmpi slt, %add3A_168, %sign3A_393 : i32
        %sign3A_395 = arith.extui %sign3A_394 : i1 to i32
        %sign3A_396 = arith.subi %sign3A_392, %sign3A_395 : i32
        %sign3A_397 = arith.constant 0 : i32
        %sign3A_398 = arith.cmpi sgt, %jit3A_388, %sign3A_397 : i32
        %sign3A_399 = arith.extui %sign3A_398 : i1 to i32
        %sign3A_400 = arith.constant 0 : i32
        %sign3A_401 = arith.cmpi slt, %jit3A_388, %sign3A_400 : i32
        %sign3A_402 = arith.extui %sign3A_401 : i1 to i32
        %sign3A_403 = arith.subi %sign3A_399, %sign3A_402 : i32
        %ne3A_404 = arith.cmpi ne, %sign3A_396, %sign3A_403 : i32
        %rem3A_405 = arith.remsi %add3A_168, %jit3A_388 : i32
        %ne3A_406 = arith.constant 0 : i32
        %ne3A_407 = arith.cmpi ne, %rem3A_405, %ne3A_406 : i32
        %and3A_408 = arith.andi %ne3A_404, %ne3A_407 : i1
        %sub3A_409 = arith.constant 1 : i32
        %sub3A_410 = arith.subi %div3A_389, %sub3A_409 : i32
        %select_n3A_411 = arith.select %and3A_408, %sub3A_410, %div3A_389 : i32
        %jit3A_412 = arith.constant 3 : i32
        %eq3A_413 = arith.constant 0 : i32
        %eq3A_414 = arith.cmpi eq, %jit3A_412, %eq3A_413 : i32
        %jit3A_415 = arith.constant 1 : i32
        %select_n3A_416 = arith.select %eq3A_414, %jit3A_415, %jit3A_412 : i32
        %rem3A_417 = arith.remsi %select_n3A_411, %select_n3A_416 : i32
        %ne3A_418 = arith.constant 0 : i32
        %ne3A_419 = arith.cmpi ne, %rem3A_417, %ne3A_418 : i32
        %lt3A_420 = arith.constant 0 : i32
        %lt3A_421 = arith.cmpi slt, %rem3A_417, %lt3A_420 : i32
        %lt3A_422 = arith.constant 0 : i32
        %lt3A_423 = arith.cmpi slt, %select_n3A_416, %lt3A_422 : i32
        %ne3A_424 = arith.xori %lt3A_421, %lt3A_423 : i1
        %and3A_425 = arith.andi %ne3A_424, %ne3A_419 : i1
        %add3A_426 = arith.addi %rem3A_417, %select_n3A_416 : i32
        %select_n3A_427 = arith.select %and3A_425, %add3A_426, %rem3A_417 : i32
        %jit3A_428 = arith.constant 25 : i32
        %eq3A_429 = arith.constant 0 : i32
        %eq3A_430 = arith.cmpi eq, %jit3A_428, %eq3A_429 : i32
        %jit3A_431 = arith.constant 1 : i32
        %select_n3A_432 = arith.select %eq3A_430, %jit3A_431, %jit3A_428 : i32
        %rem3A_433 = arith.remsi %add3A_168, %select_n3A_432 : i32
        %ne3A_434 = arith.constant 0 : i32
        %ne3A_435 = arith.cmpi ne, %rem3A_433, %ne3A_434 : i32
        %lt3A_436 = arith.constant 0 : i32
        %lt3A_437 = arith.cmpi slt, %rem3A_433, %lt3A_436 : i32
        %lt3A_438 = arith.constant 0 : i32
        %lt3A_439 = arith.cmpi slt, %select_n3A_432, %lt3A_438 : i32
        %ne3A_440 = arith.xori %lt3A_437, %lt3A_439 : i1
        %and3A_441 = arith.andi %ne3A_440, %ne3A_435 : i1
        %add3A_442 = arith.addi %rem3A_433, %select_n3A_432 : i32
        %select_n3A_443 = arith.select %and3A_441, %add3A_442, %rem3A_433 : i32
        %dma_wait3A_444 = arith.constant 24 : i32
        %dma_wait3A_445 = arith.constant 0 : i32
        %dma_wait3A_446 = tpu.memref_slice %arg14[%dma_wait3A_444, %dma_wait3A_445] : memref<40x128xf32, #tpu.memory_space<vmem>> -> memref<16x128xf32, #tpu.memory_space<vmem>>
        %dma_wait3A_447 = arith.constant 24 : i32
        %dma_wait3A_448 = tpu.memref_slice %arg9[%select_n3A_427, %select_n3A_443, %dma_wait3A_447] : memref<3x25x40xi32, #tpu.memory_space<vmem>> -> memref<1x1x16xi32, #tpu.memory_space<vmem>>
        %dma_wait3A_449 = tpu.memref_squeeze %dma_wait3A_448 : memref<1x1x16xi32, #tpu.memory_space<vmem>> -> memref<16xi32, #tpu.memory_space<vmem>>
        %dma_wait3A_450 = arith.constant 0 : i32
        %dma_wait3A_451 = arith.constant 0 : i32
        %dma_wait3A_452 = tpu.memref_slice %arg3[%dma_wait3A_450, %dma_wait3A_451] : memref<10000x128xf32, #tpu.memory_space<hbm>> -> memref<10000x128xf32, #tpu.memory_space<hbm>>
        tpu.wait_indirect_dma semaphore(%arg19 : memref<!tpu.dma_semaphore, #tpu.memory_space<semaphore_mem>>) src(%dma_wait3A_452 : memref<10000x128xf32, #tpu.memory_space<hbm>>) dst(%dma_wait3A_446 : memref<16x128xf32, #tpu.memory_space<vmem>>)
        %scan3A_453 = arith.constant 0 : i32
        %scan3A_454 = arith.constant 0 : i32
        %scan3A_455 = arith.constant 40 : i32
        %scan3A_456 = arith.addi %scan3A_454, %scan3A_455 : i32
        %scan3A_457 = arith.constant 1 : i32
        scf.for %scan3A_560 = %scan3A_454 to %scan3A_456 step %scan3A_457  : i32 {
          %get3A = arith.index_cast %scan3A_560 : i32 to index
          %get3A_561 = arith.constant 0 : index
          %get3A_562 = tpu.vector_load %arg10[%get3A, %get3A_561] {strides = array<i32>} : memref<40x128xf32, #tpu.memory_space<vmem>>, vector<1x16xf32>,
          %get3A_563 = vector.shape_cast %get3A_562 : vector<1x16xf32> to vector<16xf32>
          %get3A_564 = arith.index_cast %scan3A_560 : i32 to index
          %get3A_565 = arith.constant 0 : index
          %get3A_566 = tpu.vector_load %arg14[%get3A_564, %get3A_565] {strides = array<i32>} : memref<40x128xf32, #tpu.memory_space<vmem>>, vector<1x16xf32>,
          %get3A_567 = vector.shape_cast %get3A_566 : vector<1x16xf32> to vector<16xf32>
          %add3A_568 = arith.addf %get3A_563, %get3A_567 : vector<16xf32>
          %max3A = arith.constant 0.000000e+00 : f32
          %max3A_569 = vector.broadcast %max3A : f32 to vector<16xf32>
          %max3A_570 = arith.maximumf %add3A_568, %max3A_569 : vector<16xf32>
          %swap3A = arith.index_cast %scan3A_560 : i32 to index
          %swap3A_571 = arith.constant 0 : index
          %swap3A_572 = tpu.vector_load %arg14[%swap3A, %swap3A_571] {strides = array<i32>} : memref<40x128xf32, #tpu.memory_space<vmem>>, vector<1x16xf32>,
          %swap3A_573 = vector.shape_cast %swap3A_572 : vector<1x16xf32> to vector<16xf32>
          %swap3A_574 = vector.shape_cast %max3A_570 : vector<16xf32> to vector<1x16xf32>
          tpu.vector_store %arg14[%swap3A, %swap3A_571], %swap3A_574 {strides = array<i32>} : memref<40x128xf32, #tpu.memory_space<vmem>>, vector<1x16xf32>,
          %get3A_575 = arith.index_cast %scan3A_560 : i32 to index
          %get3A_576 = arith.constant 16 : index
          %get3A_577 = tpu.vector_load %arg10[%get3A_575, %get3A_576] {strides = array<i32>} : memref<40x128xf32, #tpu.memory_space<vmem>>, vector<1x16xf32>,
          %get3A_578 = vector.shape_cast %get3A_577 : vector<1x16xf32> to vector<16xf32>
          %get3A_579 = arith.index_cast %scan3A_560 : i32 to index
          %get3A_580 = arith.constant 16 : index
          %get3A_581 = tpu.vector_load %arg14[%get3A_579, %get3A_580] {strides = array<i32>} : memref<40x128xf32, #tpu.memory_space<vmem>>, vector<1x16xf32>,
          %get3A_582 = vector.shape_cast %get3A_581 : vector<1x16xf32> to vector<16xf32>
          %add3A_583 = arith.addf %get3A_578, %get3A_582 : vector<16xf32>
          %max3A_584 = arith.constant 0.000000e+00 : f32
          %max3A_585 = vector.broadcast %max3A_584 : f32 to vector<16xf32>
          %max3A_586 = arith.maximumf %add3A_583, %max3A_585 : vector<16xf32>
          %swap3A_587 = arith.index_cast %scan3A_560 : i32 to index
          %swap3A_588 = arith.constant 16 : index
          %swap3A_589 = tpu.vector_load %arg14[%swap3A_587, %swap3A_588] {strides = array<i32>} : memref<40x128xf32, #tpu.memory_space<vmem>>, vector<1x16xf32>,
          %swap3A_590 = vector.shape_cast %swap3A_589 : vector<1x16xf32> to vector<16xf32>
          %swap3A_591 = vector.shape_cast %max3A_586 : vector<16xf32> to vector<1x16xf32>
          tpu.vector_store %arg14[%swap3A_587, %swap3A_588], %swap3A_591 {strides = array<i32>} : memref<40x128xf32, #tpu.memory_space<vmem>>, vector<1x16xf32>,
          %get3A_592 = arith.index_cast %scan3A_560 : i32 to index
          %get3A_593 = arith.constant 32 : index
          %get3A_594 = tpu.vector_load %arg10[%get3A_592, %get3A_593] {strides = array<i32>} : memref<40x128xf32, #tpu.memory_space<vmem>>, vector<1x16xf32>,
          %get3A_595 = vector.shape_cast %get3A_594 : vector<1x16xf32> to vector<16xf32>
          %get3A_596 = arith.index_cast %scan3A_560 : i32 to index
          %get3A_597 = arith.constant 32 : index
          %get3A_598 = tpu.vector_load %arg14[%get3A_596, %get3A_597] {strides = array<i32>} : memref<40x128xf32, #tpu.memory_space<vmem>>, vector<1x16xf32>,
          %get3A_599 = vector.shape_cast %get3A_598 : vector<1x16xf32> to vector<16xf32>
          %add3A_600 = arith.addf %get3A_595, %get3A_599 : vector<16xf32>
          %max3A_601 = arith.constant 0.000000e+00 : f32
          %max3A_602 = vector.broadcast %max3A_601 : f32 to vector<16xf32>
          %max3A_603 = arith.maximumf %add3A_600, %max3A_602 : vector<16xf32>
          %swap3A_604 = arith.index_cast %scan3A_560 : i32 to index
          %swap3A_605 = arith.constant 32 : index
          %swap3A_606 = tpu.vector_load %arg14[%swap3A_604, %swap3A_605] {strides = array<i32>} : memref<40x128xf32, #tpu.memory_space<vmem>>, vector<1x16xf32>,
          %swap3A_607 = vector.shape_cast %swap3A_606 : vector<1x16xf32> to vector<16xf32>
          %swap3A_608 = vector.shape_cast %max3A_603 : vector<16xf32> to vector<1x16xf32>
          tpu.vector_store %arg14[%swap3A_604, %swap3A_605], %swap3A_608 {strides = array<i32>} : memref<40x128xf32, #tpu.memory_space<vmem>>, vector<1x16xf32>,
          %get3A_609 = arith.index_cast %scan3A_560 : i32 to index
          %get3A_610 = arith.constant 48 : index
          %get3A_611 = tpu.vector_load %arg10[%get3A_609, %get3A_610] {strides = array<i32>} : memref<40x128xf32, #tpu.memory_space<vmem>>, vector<1x16xf32>,
          %get3A_612 = vector.shape_cast %get3A_611 : vector<1x16xf32> to vector<16xf32>
          %get3A_613 = arith.index_cast %scan3A_560 : i32 to index
          %get3A_614 = arith.constant 48 : index
          %get3A_615 = tpu.vector_load %arg14[%get3A_613, %get3A_614] {strides = array<i32>} : memref<40x128xf32, #tpu.memory_space<vmem>>, vector<1x16xf32>,
          %get3A_616 = vector.shape_cast %get3A_615 : vector<1x16xf32> to vector<16xf32>
          %add3A_617 = arith.addf %get3A_612, %get3A_616 : vector<16xf32>
          %max3A_618 = arith.constant 0.000000e+00 : f32
          %max3A_619 = vector.broadcast %max3A_618 : f32 to vector<16xf32>
          %max3A_620 = arith.maximumf %add3A_617, %max3A_619 : vector<16xf32>
          %swap3A_621 = arith.index_cast %scan3A_560 : i32 to index
          %swap3A_622 = arith.constant 48 : index
          %swap3A_623 = tpu.vector_load %arg14[%swap3A_621, %swap3A_622] {strides = array<i32>} : memref<40x128xf32, #tpu.memory_space<vmem>>, vector<1x16xf32>,
          %swap3A_624 = vector.shape_cast %swap3A_623 : vector<1x16xf32> to vector<16xf32>
          %swap3A_625 = vector.shape_cast %max3A_620 : vector<16xf32> to vector<1x16xf32>
          tpu.vector_store %arg14[%swap3A_621, %swap3A_622], %swap3A_625 {strides = array<i32>} : memref<40x128xf32, #tpu.memory_space<vmem>>, vector<1x16xf32>,
          %get3A_626 = arith.index_cast %scan3A_560 : i32 to index
          %get3A_627 = arith.constant 64 : index
          %get3A_628 = tpu.vector_load %arg10[%get3A_626, %get3A_627] {strides = array<i32>} : memref<40x128xf32, #tpu.memory_space<vmem>>, vector<1x16xf32>,
          %get3A_629 = vector.shape_cast %get3A_628 : vector<1x16xf32> to vector<16xf32>
          %get3A_630 = arith.index_cast %scan3A_560 : i32 to index
          %get3A_631 = arith.constant 64 : index
          %get3A_632 = tpu.vector_load %arg14[%get3A_630, %get3A_631] {strides = array<i32>} : memref<40x128xf32, #tpu.memory_space<vmem>>, vector<1x16xf32>,
          %get3A_633 = vector.shape_cast %get3A_632 : vector<1x16xf32> to vector<16xf32>
          %add3A_634 = arith.addf %get3A_629, %get3A_633 : vector<16xf32>
          %max3A_635 = arith.constant 0.000000e+00 : f32
          %max3A_636 = vector.broadcast %max3A_635 : f32 to vector<16xf32>
          %max3A_637 = arith.maximumf %add3A_634, %max3A_636 : vector<16xf32>
          %swap3A_638 = arith.index_cast %scan3A_560 : i32 to index
          %swap3A_639 = arith.constant 64 : index
          %swap3A_640 = tpu.vector_load %arg14[%swap3A_638, %swap3A_639] {strides = array<i32>} : memref<40x128xf32, #tpu.memory_space<vmem>>, vector<1x16xf32>,
          %swap3A_641 = vector.shape_cast %swap3A_640 : vector<1x16xf32> to vector<16xf32>
          %swap3A_642 = vector.shape_cast %max3A_637 : vector<16xf32> to vector<1x16xf32>
          tpu.vector_store %arg14[%swap3A_638, %swap3A_639], %swap3A_642 {strides = array<i32>} : memref<40x128xf32, #tpu.memory_space<vmem>>, vector<1x16xf32>,
          %get3A_643 = arith.index_cast %scan3A_560 : i32 to index
          %get3A_644 = arith.constant 80 : index
          %get3A_645 = tpu.vector_load %arg10[%get3A_643, %get3A_644] {strides = array<i32>} : memref<40x128xf32, #tpu.memory_space<vmem>>, vector<1x16xf32>,
          %get3A_646 = vector.shape_cast %get3A_645 : vector<1x16xf32> to vector<16xf32>
          %get3A_647 = arith.index_cast %scan3A_560 : i32 to index
          %get3A_648 = arith.constant 80 : index
          %get3A_649 = tpu.vector_load %arg14[%get3A_647, %get3A_648] {strides = array<i32>} : memref<40x128xf32, #tpu.memory_space<vmem>>, vector<1x16xf32>,
          %get3A_650 = vector.shape_cast %get3A_649 : vector<1x16xf32> to vector<16xf32>
          %add3A_651 = arith.addf %get3A_646, %get3A_650 : vector<16xf32>
          %max3A_652 = arith.constant 0.000000e+00 : f32
          %max3A_653 = vector.broadcast %max3A_652 : f32 to vector<16xf32>
          %max3A_654 = arith.maximumf %add3A_651, %max3A_653 : vector<16xf32>
          %swap3A_655 = arith.index_cast %scan3A_560 : i32 to index
          %swap3A_656 = arith.constant 80 : index
          %swap3A_657 = tpu.vector_load %arg14[%swap3A_655, %swap3A_656] {strides = array<i32>} : memref<40x128xf32, #tpu.memory_space<vmem>>, vector<1x16xf32>,
          %swap3A_658 = vector.shape_cast %swap3A_657 : vector<1x16xf32> to vector<16xf32>
          %swap3A_659 = vector.shape_cast %max3A_654 : vector<16xf32> to vector<1x16xf32>
          tpu.vector_store %arg14[%swap3A_655, %swap3A_656], %swap3A_659 {strides = array<i32>} : memref<40x128xf32, #tpu.memory_space<vmem>>, vector<1x16xf32>,
          %get3A_660 = arith.index_cast %scan3A_560 : i32 to index
          %get3A_661 = arith.constant 96 : index
          %get3A_662 = tpu.vector_load %arg10[%get3A_660, %get3A_661] {strides = array<i32>} : memref<40x128xf32, #tpu.memory_space<vmem>>, vector<1x16xf32>,
          %get3A_663 = vector.shape_cast %get3A_662 : vector<1x16xf32> to vector<16xf32>
          %get3A_664 = arith.index_cast %scan3A_560 : i32 to index
          %get3A_665 = arith.constant 96 : index
          %get3A_666 = tpu.vector_load %arg14[%get3A_664, %get3A_665] {strides = array<i32>} : memref<40x128xf32, #tpu.memory_space<vmem>>, vector<1x16xf32>,
          %get3A_667 = vector.shape_cast %get3A_666 : vector<1x16xf32> to vector<16xf32>
          %add3A_668 = arith.addf %get3A_663, %get3A_667 : vector<16xf32>
          %max3A_669 = arith.constant 0.000000e+00 : f32
          %max3A_670 = vector.broadcast %max3A_669 : f32 to vector<16xf32>
          %max3A_671 = arith.maximumf %add3A_668, %max3A_670 : vector<16xf32>
          %swap3A_672 = arith.index_cast %scan3A_560 : i32 to index
          %swap3A_673 = arith.constant 96 : index
          %swap3A_674 = tpu.vector_load %arg14[%swap3A_672, %swap3A_673] {strides = array<i32>} : memref<40x128xf32, #tpu.memory_space<vmem>>, vector<1x16xf32>,
          %swap3A_675 = vector.shape_cast %swap3A_674 : vector<1x16xf32> to vector<16xf32>
          %swap3A_676 = vector.shape_cast %max3A_671 : vector<16xf32> to vector<1x16xf32>
          tpu.vector_store %arg14[%swap3A_672, %swap3A_673], %swap3A_676 {strides = array<i32>} : memref<40x128xf32, #tpu.memory_space<vmem>>, vector<1x16xf32>,
          %get3A_677 = arith.index_cast %scan3A_560 : i32 to index
          %get3A_678 = arith.constant 112 : index
          %get3A_679 = tpu.vector_load %arg10[%get3A_677, %get3A_678] {strides = array<i32>} : memref<40x128xf32, #tpu.memory_space<vmem>>, vector<1x16xf32>,
          %get3A_680 = vector.shape_cast %get3A_679 : vector<1x16xf32> to vector<16xf32>
          %get3A_681 = arith.index_cast %scan3A_560 : i32 to index
          %get3A_682 = arith.constant 112 : index
          %get3A_683 = tpu.vector_load %arg14[%get3A_681, %get3A_682] {strides = array<i32>} : memref<40x128xf32, #tpu.memory_space<vmem>>, vector<1x16xf32>,
          %get3A_684 = vector.shape_cast %get3A_683 : vector<1x16xf32> to vector<16xf32>
          %add3A_685 = arith.addf %get3A_680, %get3A_684 : vector<16xf32>
          %max3A_686 = arith.constant 0.000000e+00 : f32
          %max3A_687 = vector.broadcast %max3A_686 : f32 to vector<16xf32>
          %max3A_688 = arith.maximumf %add3A_685, %max3A_687 : vector<16xf32>
          %swap3A_689 = arith.index_cast %scan3A_560 : i32 to index
          %swap3A_690 = arith.constant 112 : index
          %swap3A_691 = tpu.vector_load %arg14[%swap3A_689, %swap3A_690] {strides = array<i32>} : memref<40x128xf32, #tpu.memory_space<vmem>>, vector<1x16xf32>,
          %swap3A_692 = vector.shape_cast %swap3A_691 : vector<1x16xf32> to vector<16xf32>
          %swap3A_693 = vector.shape_cast %max3A_688 : vector<16xf32> to vector<1x16xf32>
          tpu.vector_store %arg14[%swap3A_689, %swap3A_690], %swap3A_693 {strides = array<i32>} : memref<40x128xf32, #tpu.memory_space<vmem>>, vector<1x16xf32>,
        }
        %scan3A_458 = arith.constant 40 : i32
        %jit3A_459 = arith.constant 25 : i32
        %div3A_460 = arith.divsi %add3A_168, %jit3A_459 : i32
        %sign3A_461 = arith.constant 0 : i32
        %sign3A_462 = arith.cmpi sgt, %add3A_168, %sign3A_461 : i32
        %sign3A_463 = arith.extui %sign3A_462 : i1 to i32
        %sign3A_464 = arith.constant 0 : i32
        %sign3A_465 = arith.cmpi slt, %add3A_168, %sign3A_464 : i32
        %sign3A_466 = arith.extui %sign3A_465 : i1 to i32
        %sign3A_467 = arith.subi %sign3A_463, %sign3A_466 : i32
        %sign3A_468 = arith.constant 0 : i32
        %sign3A_469 = arith.cmpi sgt, %jit3A_459, %sign3A_468 : i32
        %sign3A_470 = arith.extui %sign3A_469 : i1 to i32
        %sign3A_471 = arith.constant 0 : i32
        %sign3A_472 = arith.cmpi slt, %jit3A_459, %sign3A_471 : i32
        %sign3A_473 = arith.extui %sign3A_472 : i1 to i32
        %sign3A_474 = arith.subi %sign3A_470, %sign3A_473 : i32
        %ne3A_475 = arith.cmpi ne, %sign3A_467, %sign3A_474 : i32
        %rem3A_476 = arith.remsi %add3A_168, %jit3A_459 : i32
        %ne3A_477 = arith.constant 0 : i32
        %ne3A_478 = arith.cmpi ne, %rem3A_476, %ne3A_477 : i32
        %and3A_479 = arith.andi %ne3A_475, %ne3A_478 : i1
        %sub3A_480 = arith.constant 1 : i32
        %sub3A_481 = arith.subi %div3A_460, %sub3A_480 : i32
        %select_n3A_482 = arith.select %and3A_479, %sub3A_481, %div3A_460 : i32
        %jit3A_483 = arith.constant 3 : i32
        %eq3A_484 = arith.constant 0 : i32
        %eq3A_485 = arith.cmpi eq, %jit3A_483, %eq3A_484 : i32
        %jit3A_486 = arith.constant 1 : i32
        %select_n3A_487 = arith.select %eq3A_485, %jit3A_486, %jit3A_483 : i32
        %rem3A_488 = arith.remsi %select_n3A_482, %select_n3A_487 : i32
        %ne3A_489 = arith.constant 0 : i32
        %ne3A_490 = arith.cmpi ne, %rem3A_488, %ne3A_489 : i32
        %lt3A_491 = arith.constant 0 : i32
        %lt3A_492 = arith.cmpi slt, %rem3A_488, %lt3A_491 : i32
        %lt3A_493 = arith.constant 0 : i32
        %lt3A_494 = arith.cmpi slt, %select_n3A_487, %lt3A_493 : i32
        %ne3A_495 = arith.xori %lt3A_492, %lt3A_494 : i1
        %and3A_496 = arith.andi %ne3A_495, %ne3A_490 : i1
        %add3A_497 = arith.addi %rem3A_488, %select_n3A_487 : i32
        %select_n3A_498 = arith.select %and3A_496, %add3A_497, %rem3A_488 : i32
        %jit3A_499 = arith.constant 25 : i32
        %eq3A_500 = arith.constant 0 : i32
        %eq3A_501 = arith.cmpi eq, %jit3A_499, %eq3A_500 : i32
        %jit3A_502 = arith.constant 1 : i32
        %select_n3A_503 = arith.select %eq3A_501, %jit3A_502, %jit3A_499 : i32
        %rem3A_504 = arith.remsi %add3A_168, %select_n3A_503 : i32
        %ne3A_505 = arith.constant 0 : i32
        %ne3A_506 = arith.cmpi ne, %rem3A_504, %ne3A_505 : i32
        %lt3A_507 = arith.constant 0 : i32
        %lt3A_508 = arith.cmpi slt, %rem3A_504, %lt3A_507 : i32
        %lt3A_509 = arith.constant 0 : i32
        %lt3A_510 = arith.cmpi slt, %select_n3A_503, %lt3A_509 : i32
        %ne3A_511 = arith.xori %lt3A_508, %lt3A_510 : i1
        %and3A_512 = arith.andi %ne3A_511, %ne3A_506 : i1
        %add3A_513 = arith.addi %rem3A_504, %select_n3A_503 : i32
        %select_n3A_514 = arith.select %and3A_512, %add3A_513, %rem3A_504 : i32
        %dma_start3A_515 = arith.constant 0 : i32
        %dma_start3A_516 = tpu.memref_slice %arg8[%select_n3A_498, %select_n3A_514, %dma_start3A_515] : memref<3x25x40xi32, #tpu.memory_space<vmem>> -> memref<1x1x40xi32, #tpu.memory_space<vmem>>
        %dma_start3A_517 = tpu.memref_squeeze %dma_start3A_516 : memref<1x1x40xi32, #tpu.memory_space<vmem>> -> memref<40xi32, #tpu.memory_space<vmem>>
        %dma_start3A_518 = arith.constant 0 : i32
        %dma_start3A_519 = arith.constant 0 : i32
        %dma_start3A_520 = tpu.memref_slice %arg18[%dma_start3A_518, %dma_start3A_519] : memref<10000x128xf32, #tpu.memory_space<vmem_shared>> -> memref<10000x128xf32, #tpu.memory_space<vmem_shared>>
        tpu.enqueue_indirect_dma source(%arg14 : memref<40x128xf32, #tpu.memory_space<vmem>>) target(%dma_start3A_520 : memref<10000x128xf32, #tpu.memory_space<vmem_shared>>) offsets(%dma_start3A_517 : memref<40xi32, #tpu.memory_space<vmem>>) semaphore(%arg23 : memref<!tpu.dma_semaphore, #tpu.memory_space<semaphore_mem>>) {add = true}
        %ge3A = arith.constant 1 : i32
        %ge3A_521 = arith.cmpi sge, %add3A_168, %ge3A : i32
        %convert_element_type3A_522 = arith.extui %ge3A_521 : i1 to i32
        %cond3A_523 = arith.constant 0 : i32
        %cond3A_524 = arith.cmpi ne, %convert_element_type3A_522, %cond3A_523 : i32
        scf.if %cond3A_524 {
          %sub3A_560 = arith.constant 1 : i32
          %sub3A_561 = arith.subi %add3A_168, %sub3A_560 : i32
          %jit3A_562 = arith.constant 25 : i32
          %div3A_563 = arith.divsi %sub3A_561, %jit3A_562 : i32
          %sign3A_564 = arith.constant 0 : i32
          %sign3A_565 = arith.cmpi sgt, %sub3A_561, %sign3A_564 : i32
          %sign3A_566 = arith.extui %sign3A_565 : i1 to i32
          %sign3A_567 = arith.constant 0 : i32
          %sign3A_568 = arith.cmpi slt, %sub3A_561, %sign3A_567 : i32
          %sign3A_569 = arith.extui %sign3A_568 : i1 to i32
          %sign3A_570 = arith.subi %sign3A_566, %sign3A_569 : i32
          %sign3A_571 = arith.constant 0 : i32
          %sign3A_572 = arith.cmpi sgt, %jit3A_562, %sign3A_571 : i32
          %sign3A_573 = arith.extui %sign3A_572 : i1 to i32
          %sign3A_574 = arith.constant 0 : i32
          %sign3A_575 = arith.cmpi slt, %jit3A_562, %sign3A_574 : i32
          %sign3A_576 = arith.extui %sign3A_575 : i1 to i32
          %sign3A_577 = arith.subi %sign3A_573, %sign3A_576 : i32
          %ne3A_578 = arith.cmpi ne, %sign3A_570, %sign3A_577 : i32
          %rem3A_579 = arith.remsi %sub3A_561, %jit3A_562 : i32
          %ne3A_580 = arith.constant 0 : i32
          %ne3A_581 = arith.cmpi ne, %rem3A_579, %ne3A_580 : i32
          %and3A_582 = arith.andi %ne3A_578, %ne3A_581 : i1
          %sub3A_583 = arith.constant 1 : i32
          %sub3A_584 = arith.subi %div3A_563, %sub3A_583 : i32
          %select_n3A_585 = arith.select %and3A_582, %sub3A_584, %div3A_563 : i32
          %jit3A_586 = arith.constant 3 : i32
          %eq3A_587 = arith.constant 0 : i32
          %eq3A_588 = arith.cmpi eq, %jit3A_586, %eq3A_587 : i32
          %jit3A_589 = arith.constant 1 : i32
          %select_n3A_590 = arith.select %eq3A_588, %jit3A_589, %jit3A_586 : i32
          %rem3A_591 = arith.remsi %select_n3A_585, %select_n3A_590 : i32
          %ne3A_592 = arith.constant 0 : i32
          %ne3A_593 = arith.cmpi ne, %rem3A_591, %ne3A_592 : i32
          %lt3A_594 = arith.constant 0 : i32
          %lt3A_595 = arith.cmpi slt, %rem3A_591, %lt3A_594 : i32
          %lt3A_596 = arith.constant 0 : i32
          %lt3A_597 = arith.cmpi slt, %select_n3A_590, %lt3A_596 : i32
          %ne3A_598 = arith.xori %lt3A_595, %lt3A_597 : i1
          %and3A_599 = arith.andi %ne3A_598, %ne3A_593 : i1
          %add3A_600 = arith.addi %rem3A_591, %select_n3A_590 : i32
          %select_n3A_601 = arith.select %and3A_599, %add3A_600, %rem3A_591 : i32
          %jit3A_602 = arith.constant 25 : i32
          %eq3A_603 = arith.constant 0 : i32
          %eq3A_604 = arith.cmpi eq, %jit3A_602, %eq3A_603 : i32
          %jit3A_605 = arith.constant 1 : i32
          %select_n3A_606 = arith.select %eq3A_604, %jit3A_605, %jit3A_602 : i32
          %rem3A_607 = arith.remsi %sub3A_561, %select_n3A_606 : i32
          %ne3A_608 = arith.constant 0 : i32
          %ne3A_609 = arith.cmpi ne, %rem3A_607, %ne3A_608 : i32
          %lt3A_610 = arith.constant 0 : i32
          %lt3A_611 = arith.cmpi slt, %rem3A_607, %lt3A_610 : i32
          %lt3A_612 = arith.constant 0 : i32
          %lt3A_613 = arith.cmpi slt, %select_n3A_606, %lt3A_612 : i32
          %ne3A_614 = arith.xori %lt3A_611, %lt3A_613 : i1
          %and3A_615 = arith.andi %ne3A_614, %ne3A_609 : i1
          %add3A_616 = arith.addi %rem3A_607, %select_n3A_606 : i32
          %select_n3A_617 = arith.select %and3A_615, %add3A_616, %rem3A_607 : i32
          %dma_wait3A_618 = arith.constant 0 : i32
          %dma_wait3A_619 = tpu.memref_slice %arg8[%select_n3A_601, %select_n3A_617, %dma_wait3A_618] : memref<3x25x40xi32, #tpu.memory_space<vmem>> -> memref<1x1x40xi32, #tpu.memory_space<vmem>>
          %dma_wait3A_620 = tpu.memref_squeeze %dma_wait3A_619 : memref<1x1x40xi32, #tpu.memory_space<vmem>> -> memref<40xi32, #tpu.memory_space<vmem>>
          %dma_wait3A_621 = arith.constant 0 : i32
          %dma_wait3A_622 = arith.constant 0 : i32
          %dma_wait3A_623 = tpu.memref_slice %arg18[%dma_wait3A_621, %dma_wait3A_622] : memref<10000x128xf32, #tpu.memory_space<vmem_shared>> -> memref<10000x128xf32, #tpu.memory_space<vmem_shared>>
          tpu.wait_indirect_dma semaphore(%arg26 : memref<!tpu.dma_semaphore, #tpu.memory_space<semaphore_mem>>) src(%arg17 : memref<40x128xf32, #tpu.memory_space<vmem>>) dst(%dma_wait3A_623 : memref<10000x128xf32, #tpu.memory_space<vmem_shared>>)
        } else {
        }
        %add3A_525 = arith.constant 3 : i32
        %add3A_526 = arith.addi %add3A_168, %add3A_525 : i32
        %jit3A_527 = arith.constant 25 : i32
        %eq3A_528 = arith.constant 0 : i32
        %eq3A_529 = arith.cmpi eq, %jit3A_527, %eq3A_528 : i32
        %jit3A_530 = arith.constant 1 : i32
        %select_n3A_531 = arith.select %eq3A_529, %jit3A_530, %jit3A_527 : i32
        %rem3A_532 = arith.remsi %add3A_526, %select_n3A_531 : i32
        %ne3A_533 = arith.constant 0 : i32
        %ne3A_534 = arith.cmpi ne, %rem3A_532, %ne3A_533 : i32
        %lt3A_535 = arith.constant 0 : i32
        %lt3A_536 = arith.cmpi slt, %rem3A_532, %lt3A_535 : i32
        %lt3A_537 = arith.constant 0 : i32
        %lt3A_538 = arith.cmpi slt, %select_n3A_531, %lt3A_537 : i32
        %ne3A_539 = arith.xori %lt3A_536, %lt3A_538 : i1
        %and3A_540 = arith.andi %ne3A_539, %ne3A_534 : i1
        %add3A_541 = arith.addi %rem3A_532, %select_n3A_531 : i32
        %select_n3A_542 = arith.select %and3A_540, %add3A_541, %rem3A_532 : i32
        %eq3A_543 = arith.constant 0 : i32
        %eq3A_544 = arith.cmpi eq, %select_n3A_542, %eq3A_543 : i32
        %add3A_545 = arith.constant 3 : i32
        %add3A_546 = arith.addi %add3A_168, %add3A_545 : i32
        %lt3A_547 = arith.constant 250 : i32
        %lt3A_548 = arith.cmpi slt, %add3A_546, %lt3A_547 : i32
        %and3A_549 = arith.andi %eq3A_544, %lt3A_548 : i1
        %convert_element_type3A_550 = arith.extui %and3A_549 : i1 to i32
        %cond3A_551 = arith.constant 0 : i32
        %cond3A_552 = arith.cmpi ne, %convert_element_type3A_550, %cond3A_551 : i32
        scf.if %cond3A_552 {
          %add3A_560 = arith.constant 3 : i32
          %add3A_561 = arith.addi %add3A_168, %add3A_560 : i32
          %jit3A_562 = arith.constant 25 : i32
          %div3A_563 = arith.divsi %add3A_561, %jit3A_562 : i32
          %sign3A_564 = arith.constant 0 : i32
          %sign3A_565 = arith.cmpi sgt, %add3A_561, %sign3A_564 : i32
          %sign3A_566 = arith.extui %sign3A_565 : i1 to i32
          %sign3A_567 = arith.constant 0 : i32
          %sign3A_568 = arith.cmpi slt, %add3A_561, %sign3A_567 : i32
          %sign3A_569 = arith.extui %sign3A_568 : i1 to i32
          %sign3A_570 = arith.subi %sign3A_566, %sign3A_569 : i32
          %sign3A_571 = arith.constant 0 : i32
          %sign3A_572 = arith.cmpi sgt, %jit3A_562, %sign3A_571 : i32
          %sign3A_573 = arith.extui %sign3A_572 : i1 to i32
          %sign3A_574 = arith.constant 0 : i32
          %sign3A_575 = arith.cmpi slt, %jit3A_562, %sign3A_574 : i32
          %sign3A_576 = arith.extui %sign3A_575 : i1 to i32
          %sign3A_577 = arith.subi %sign3A_573, %sign3A_576 : i32
          %ne3A_578 = arith.cmpi ne, %sign3A_570, %sign3A_577 : i32
          %rem3A_579 = arith.remsi %add3A_561, %jit3A_562 : i32
          %ne3A_580 = arith.constant 0 : i32
          %ne3A_581 = arith.cmpi ne, %rem3A_579, %ne3A_580 : i32
          %and3A_582 = arith.andi %ne3A_578, %ne3A_581 : i1
          %sub3A_583 = arith.constant 1 : i32
          %sub3A_584 = arith.subi %div3A_563, %sub3A_583 : i32
          %select_n3A_585 = arith.select %and3A_582, %sub3A_584, %div3A_563 : i32
          %jit3A_586 = arith.constant 3 : i32
          %eq3A_587 = arith.constant 0 : i32
          %eq3A_588 = arith.cmpi eq, %jit3A_586, %eq3A_587 : i32
          %jit3A_589 = arith.constant 1 : i32
          %select_n3A_590 = arith.select %eq3A_588, %jit3A_589, %jit3A_586 : i32
          %rem3A_591 = arith.remsi %select_n3A_585, %select_n3A_590 : i32
          %ne3A_592 = arith.constant 0 : i32
          %ne3A_593 = arith.cmpi ne, %rem3A_591, %ne3A_592 : i32
          %lt3A_594 = arith.constant 0 : i32
          %lt3A_595 = arith.cmpi slt, %rem3A_591, %lt3A_594 : i32
          %lt3A_596 = arith.constant 0 : i32
          %lt3A_597 = arith.cmpi slt, %select_n3A_590, %lt3A_596 : i32
          %ne3A_598 = arith.xori %lt3A_595, %lt3A_597 : i1
          %and3A_599 = arith.andi %ne3A_598, %ne3A_593 : i1
          %add3A_600 = arith.addi %rem3A_591, %select_n3A_590 : i32
          %select_n3A_601 = arith.select %and3A_599, %add3A_600, %rem3A_591 : i32
          "tpu.region"() ({
            %run_scoped3A_602 = tpu.sem_alloc : memref<!tpu.dma_semaphore, #tpu.memory_space<semaphore_mem>>
            %dma_start3A_603 = arith.constant 0 : i32
            %dma_start3A_604 = arith.constant 0 : i32
            %dma_start3A_605 = tpu.memref_slice %arg8[%select_n3A_601, %dma_start3A_603, %dma_start3A_604] : memref<3x25x40xi32, #tpu.memory_space<vmem>> -> memref<1x25x40xi32, #tpu.memory_space<vmem>>
            %dma_start3A_606 = tpu.memref_squeeze %dma_start3A_605 : memref<1x25x40xi32, #tpu.memory_space<vmem>> -> memref<25x40xi32, #tpu.memory_space<vmem>>
            %dma_start3A_607 = arith.constant 0 : i32
            %dma_start3A_608 = tpu.memref_slice %arg4[%add3A, %add3A_561, %dma_start3A_607] : memref<32x250x40xi32, #tpu.memory_space<hbm>> -> memref<1x25x40xi32, #tpu.memory_space<hbm>>
            %dma_start3A_609 = tpu.memref_squeeze %dma_start3A_608 : memref<1x25x40xi32, #tpu.memory_space<hbm>> -> memref<25x40xi32, #tpu.memory_space<hbm>>
            %dma_start3A_610 = arith.constant 0 : i32
            %dma_start3A_611 = arith.constant 0 : i32
            %dma_start3A_612 = tpu.memref_slice %arg8[%select_n3A_601, %dma_start3A_610, %dma_start3A_611] : memref<3x25x40xi32, #tpu.memory_space<vmem>> -> memref<1x25x40xi32, #tpu.memory_space<vmem>>
            %dma_start3A_613 = tpu.memref_squeeze %dma_start3A_612 : memref<1x25x40xi32, #tpu.memory_space<vmem>> -> memref<25x40xi32, #tpu.memory_space<vmem>>
            %dma_start3A_614 = arith.constant 0 : i32
            %dma_start3A_615 = tpu.memref_slice %arg4[%add3A, %add3A_561, %dma_start3A_614] : memref<32x250x40xi32, #tpu.memory_space<hbm>> -> memref<1x25x40xi32, #tpu.memory_space<hbm>>
            %dma_start3A_616 = tpu.memref_squeeze %dma_start3A_615 : memref<1x25x40xi32, #tpu.memory_space<hbm>> -> memref<25x40xi32, #tpu.memory_space<hbm>>
            tpu.enqueue_dma source(%dma_start3A_616 : memref<25x40xi32, #tpu.memory_space<hbm>>) target(%dma_start3A_613 : memref<25x40xi32, #tpu.memory_space<vmem>>) target_semaphore(%run_scoped3A_602 : memref<!tpu.dma_semaphore, #tpu.memory_space<semaphore_mem>>)
            %dma_wait3A_617 = arith.constant 0 : i32
            %dma_wait3A_618 = arith.constant 0 : i32
            %dma_wait3A_619 = tpu.memref_slice %arg8[%select_n3A_601, %dma_wait3A_617, %dma_wait3A_618] : memref<3x25x40xi32, #tpu.memory_space<vmem>> -> memref<1x25x40xi32, #tpu.memory_space<vmem>>
            %dma_wait3A_620 = tpu.memref_squeeze %dma_wait3A_619 : memref<1x25x40xi32, #tpu.memory_space<vmem>> -> memref<25x40xi32, #tpu.memory_space<vmem>>
            %dma_wait3A_621 = arith.constant 0 : i32
            %dma_wait3A_622 = tpu.memref_slice %arg4[%add3A, %add3A_561, %dma_wait3A_621] : memref<32x250x40xi32, #tpu.memory_space<hbm>> -> memref<1x25x40xi32, #tpu.memory_space<hbm>>
            %dma_wait3A_623 = tpu.memref_squeeze %dma_wait3A_622 : memref<1x25x40xi32, #tpu.memory_space<hbm>> -> memref<25x40xi32, #tpu.memory_space<hbm>>
            %dma_wait3A_624 = arith.constant 0 : i32
            %dma_wait3A_625 = arith.constant 0 : i32
            %dma_wait3A_626 = tpu.memref_slice %arg8[%select_n3A_601, %dma_wait3A_624, %dma_wait3A_625] : memref<3x25x40xi32, #tpu.memory_space<vmem>> -> memref<1x25x40xi32, #tpu.memory_space<vmem>>
            %dma_wait3A_627 = tpu.memref_squeeze %dma_wait3A_626 : memref<1x25x40xi32, #tpu.memory_space<vmem>> -> memref<25x40xi32, #tpu.memory_space<vmem>>
            %dma_wait3A_628 = arith.constant 0 : i32
            %dma_wait3A_629 = tpu.memref_slice %arg4[%add3A, %add3A_561, %dma_wait3A_628] : memref<32x250x40xi32, #tpu.memory_space<hbm>> -> memref<1x25x40xi32, #tpu.memory_space<hbm>>
            %dma_wait3A_630 = tpu.memref_squeeze %dma_wait3A_629 : memref<1x25x40xi32, #tpu.memory_space<hbm>> -> memref<25x40xi32, #tpu.memory_space<hbm>>
            tpu.wait_dma2 semaphore(%run_scoped3A_602 : memref<!tpu.dma_semaphore, #tpu.memory_space<semaphore_mem>>) src(%dma_wait3A_630 : memref<25x40xi32, #tpu.memory_space<hbm>>) dst(%dma_wait3A_627 : memref<25x40xi32, #tpu.memory_space<vmem>>)
            tpu.yield
          }) : () -> ()
          "tpu.region"() ({
            %run_scoped3A_602 = tpu.sem_alloc : memref<!tpu.dma_semaphore, #tpu.memory_space<semaphore_mem>>
            %dma_start3A_603 = arith.constant 0 : i32
            %dma_start3A_604 = arith.constant 0 : i32
            %dma_start3A_605 = tpu.memref_slice %arg9[%select_n3A_601, %dma_start3A_603, %dma_start3A_604] : memref<3x25x40xi32, #tpu.memory_space<vmem>> -> memref<1x25x40xi32, #tpu.memory_space<vmem>>
            %dma_start3A_606 = tpu.memref_squeeze %dma_start3A_605 : memref<1x25x40xi32, #tpu.memory_space<vmem>> -> memref<25x40xi32, #tpu.memory_space<vmem>>
            %dma_start3A_607 = arith.constant 0 : i32
            %dma_start3A_608 = tpu.memref_slice %arg5[%add3A, %add3A_561, %dma_start3A_607] : memref<32x250x40xi32, #tpu.memory_space<hbm>> -> memref<1x25x40xi32, #tpu.memory_space<hbm>>
            %dma_start3A_609 = tpu.memref_squeeze %dma_start3A_608 : memref<1x25x40xi32, #tpu.memory_space<hbm>> -> memref<25x40xi32, #tpu.memory_space<hbm>>
            %dma_start3A_610 = arith.constant 0 : i32
            %dma_start3A_611 = arith.constant 0 : i32
            %dma_start3A_612 = tpu.memref_slice %arg9[%select_n3A_601, %dma_start3A_610, %dma_start3A_611] : memref<3x25x40xi32, #tpu.memory_space<vmem>> -> memref<1x25x40xi32, #tpu.memory_space<vmem>>
            %dma_start3A_613 = tpu.memref_squeeze %dma_start3A_612 : memref<1x25x40xi32, #tpu.memory_space<vmem>> -> memref<25x40xi32, #tpu.memory_space<vmem>>
            %dma_start3A_614 = arith.constant 0 : i32
            %dma_start3A_615 = tpu.memref_slice %arg5[%add3A, %add3A_561, %dma_start3A_614] : memref<32x250x40xi32, #tpu.memory_space<hbm>> -> memref<1x25x40xi32, #tpu.memory_space<hbm>>
            %dma_start3A_616 = tpu.memref_squeeze %dma_start3A_615 : memref<1x25x40xi32, #tpu.memory_space<hbm>> -> memref<25x40xi32, #tpu.memory_space<hbm>>
            tpu.enqueue_dma source(%dma_start3A_616 : memref<25x40xi32, #tpu.memory_space<hbm>>) target(%dma_start3A_613 : memref<25x40xi32, #tpu.memory_space<vmem>>) target_semaphore(%run_scoped3A_602 : memref<!tpu.dma_semaphore, #tpu.memory_space<semaphore_mem>>)
            %dma_wait3A_617 = arith.constant 0 : i32
            %dma_wait3A_618 = arith.constant 0 : i32
            %dma_wait3A_619 = tpu.memref_slice %arg9[%select_n3A_601, %dma_wait3A_617, %dma_wait3A_618] : memref<3x25x40xi32, #tpu.memory_space<vmem>> -> memref<1x25x40xi32, #tpu.memory_space<vmem>>
            %dma_wait3A_620 = tpu.memref_squeeze %dma_wait3A_619 : memref<1x25x40xi32, #tpu.memory_space<vmem>> -> memref<25x40xi32, #tpu.memory_space<vmem>>
            %dma_wait3A_621 = arith.constant 0 : i32
            %dma_wait3A_622 = tpu.memref_slice %arg5[%add3A, %add3A_561, %dma_wait3A_621] : memref<32x250x40xi32, #tpu.memory_space<hbm>> -> memref<1x25x40xi32, #tpu.memory_space<hbm>>
            %dma_wait3A_623 = tpu.memref_squeeze %dma_wait3A_622 : memref<1x25x40xi32, #tpu.memory_space<hbm>> -> memref<25x40xi32, #tpu.memory_space<hbm>>
            %dma_wait3A_624 = arith.constant 0 : i32
            %dma_wait3A_625 = arith.constant 0 : i32
            %dma_wait3A_626 = tpu.memref_slice %arg9[%select_n3A_601, %dma_wait3A_624, %dma_wait3A_625] : memref<3x25x40xi32, #tpu.memory_space<vmem>> -> memref<1x25x40xi32, #tpu.memory_space<vmem>>
            %dma_wait3A_627 = tpu.memref_squeeze %dma_wait3A_626 : memref<1x25x40xi32, #tpu.memory_space<vmem>> -> memref<25x40xi32, #tpu.memory_space<vmem>>
            %dma_wait3A_628 = arith.constant 0 : i32
            %dma_wait3A_629 = tpu.memref_slice %arg5[%add3A, %add3A_561, %dma_wait3A_628] : memref<32x250x40xi32, #tpu.memory_space<hbm>> -> memref<1x25x40xi32, #tpu.memory_space<hbm>>
            %dma_wait3A_630 = tpu.memref_squeeze %dma_wait3A_629 : memref<1x25x40xi32, #tpu.memory_space<hbm>> -> memref<25x40xi32, #tpu.memory_space<hbm>>
            tpu.wait_dma2 semaphore(%run_scoped3A_602 : memref<!tpu.dma_semaphore, #tpu.memory_space<semaphore_mem>>) src(%dma_wait3A_630 : memref<25x40xi32, #tpu.memory_space<hbm>>) dst(%dma_wait3A_627 : memref<25x40xi32, #tpu.memory_space<vmem>>)
            tpu.yield
          }) : () -> ()
        } else {
        }
        %add3A_553 = arith.constant 3 : i32
        %add3A_554 = arith.addi %add3A_168, %add3A_553 : i32
        %lt3A_555 = arith.constant 250 : i32
        %lt3A_556 = arith.cmpi slt, %add3A_554, %lt3A_555 : i32
        %convert_element_type3A_557 = arith.extui %lt3A_556 : i1 to i32
        %cond3A_558 = arith.constant 0 : i32
        %cond3A_559 = arith.cmpi ne, %convert_element_type3A_557, %cond3A_558 : i32
        scf.if %cond3A_559 {
          %add3A_560 = arith.constant 3 : i32
          %add3A_561 = arith.addi %add3A_168, %add3A_560 : i32
          %jit3A_562 = arith.constant 25 : i32
          %div3A_563 = arith.divsi %add3A_561, %jit3A_562 : i32
          %sign3A_564 = arith.constant 0 : i32
          %sign3A_565 = arith.cmpi sgt, %add3A_561, %sign3A_564 : i32
          %sign3A_566 = arith.extui %sign3A_565 : i1 to i32
          %sign3A_567 = arith.constant 0 : i32
          %sign3A_568 = arith.cmpi slt, %add3A_561, %sign3A_567 : i32
          %sign3A_569 = arith.extui %sign3A_568 : i1 to i32
          %sign3A_570 = arith.subi %sign3A_566, %sign3A_569 : i32
          %sign3A_571 = arith.constant 0 : i32
          %sign3A_572 = arith.cmpi sgt, %jit3A_562, %sign3A_571 : i32
          %sign3A_573 = arith.extui %sign3A_572 : i1 to i32
          %sign3A_574 = arith.constant 0 : i32
          %sign3A_575 = arith.cmpi slt, %jit3A_562, %sign3A_574 : i32
          %sign3A_576 = arith.extui %sign3A_575 : i1 to i32
          %sign3A_577 = arith.subi %sign3A_573, %sign3A_576 : i32
          %ne3A_578 = arith.cmpi ne, %sign3A_570, %sign3A_577 : i32
          %rem3A_579 = arith.remsi %add3A_561, %jit3A_562 : i32
          %ne3A_580 = arith.constant 0 : i32
          %ne3A_581 = arith.cmpi ne, %rem3A_579, %ne3A_580 : i32
          %and3A_582 = arith.andi %ne3A_578, %ne3A_581 : i1
          %sub3A_583 = arith.constant 1 : i32
          %sub3A_584 = arith.subi %div3A_563, %sub3A_583 : i32
          %select_n3A_585 = arith.select %and3A_582, %sub3A_584, %div3A_563 : i32
          %jit3A_586 = arith.constant 3 : i32
          %eq3A_587 = arith.constant 0 : i32
          %eq3A_588 = arith.cmpi eq, %jit3A_586, %eq3A_587 : i32
          %jit3A_589 = arith.constant 1 : i32
          %select_n3A_590 = arith.select %eq3A_588, %jit3A_589, %jit3A_586 : i32
          %rem3A_591 = arith.remsi %select_n3A_585, %select_n3A_590 : i32
          %ne3A_592 = arith.constant 0 : i32
          %ne3A_593 = arith.cmpi ne, %rem3A_591, %ne3A_592 : i32
          %lt3A_594 = arith.constant 0 : i32
          %lt3A_595 = arith.cmpi slt, %rem3A_591, %lt3A_594 : i32
          %lt3A_596 = arith.constant 0 : i32
          %lt3A_597 = arith.cmpi slt, %select_n3A_590, %lt3A_596 : i32
          %ne3A_598 = arith.xori %lt3A_595, %lt3A_597 : i1
          %and3A_599 = arith.andi %ne3A_598, %ne3A_593 : i1
          %add3A_600 = arith.addi %rem3A_591, %select_n3A_590 : i32
          %select_n3A_601 = arith.select %and3A_599, %add3A_600, %rem3A_591 : i32
          %jit3A_602 = arith.constant 25 : i32
          %eq3A_603 = arith.constant 0 : i32
          %eq3A_604 = arith.cmpi eq, %jit3A_602, %eq3A_603 : i32
          %jit3A_605 = arith.constant 1 : i32
          %select_n3A_606 = arith.select %eq3A_604, %jit3A_605, %jit3A_602 : i32
          %rem3A_607 = arith.remsi %add3A_561, %select_n3A_606 : i32
          %ne3A_608 = arith.constant 0 : i32
          %ne3A_609 = arith.cmpi ne, %rem3A_607, %ne3A_608 : i32
          %lt3A_610 = arith.constant 0 : i32
          %lt3A_611 = arith.cmpi slt, %rem3A_607, %lt3A_610 : i32
          %lt3A_612 = arith.constant 0 : i32
          %lt3A_613 = arith.cmpi slt, %select_n3A_606, %lt3A_612 : i32
          %ne3A_614 = arith.xori %lt3A_611, %lt3A_613 : i1
          %and3A_615 = arith.andi %ne3A_614, %ne3A_609 : i1
          %add3A_616 = arith.addi %rem3A_607, %select_n3A_606 : i32
          %select_n3A_617 = arith.select %and3A_615, %add3A_616, %rem3A_607 : i32
          %dma_start3A_618 = arith.constant 0 : i32
          %dma_start3A_619 = arith.constant 0 : i32
          %dma_start3A_620 = tpu.memref_slice %arg13[%dma_start3A_618, %dma_start3A_619] : memref<40x128xf32, #tpu.memory_space<vmem>> -> memref<24x128xf32, #tpu.memory_space<vmem>>
          %dma_start3A_621 = arith.constant 0 : i32
          %dma_start3A_622 = tpu.memref_slice %arg8[%select_n3A_601, %select_n3A_617, %dma_start3A_621] : memref<3x25x40xi32, #tpu.memory_space<vmem>> -> memref<1x1x24xi32, #tpu.memory_space<vmem>>
          %dma_start3A_623 = tpu.memref_squeeze %dma_start3A_622 : memref<1x1x24xi32, #tpu.memory_space<vmem>> -> memref<24xi32, #tpu.memory_space<vmem>>
          %dma_start3A_624 = arith.constant 0 : i32
          %dma_start3A_625 = arith.constant 0 : i32
          %dma_start3A_626 = tpu.memref_slice %arg2[%dma_start3A_624, %dma_start3A_625] : memref<10000x128xf32, #tpu.memory_space<hbm>> -> memref<10000x128xf32, #tpu.memory_space<hbm>>
          tpu.enqueue_indirect_dma source(%dma_start3A_626 : memref<10000x128xf32, #tpu.memory_space<hbm>>) target(%dma_start3A_620 : memref<24x128xf32, #tpu.memory_space<vmem>>) offsets(%dma_start3A_623 : memref<24xi32, #tpu.memory_space<vmem>>) semaphore(%arg22 : memref<!tpu.dma_semaphore, #tpu.memory_space<semaphore_mem>>)
          %jit3A_627 = arith.constant 25 : i32
          %div3A_628 = arith.divsi %add3A_561, %jit3A_627 : i32
          %sign3A_629 = arith.constant 0 : i32
          %sign3A_630 = arith.cmpi sgt, %add3A_561, %sign3A_629 : i32
          %sign3A_631 = arith.extui %sign3A_630 : i1 to i32
          %sign3A_632 = arith.constant 0 : i32
          %sign3A_633 = arith.cmpi slt, %add3A_561, %sign3A_632 : i32
          %sign3A_634 = arith.extui %sign3A_633 : i1 to i32
          %sign3A_635 = arith.subi %sign3A_631, %sign3A_634 : i32
          %sign3A_636 = arith.constant 0 : i32
          %sign3A_637 = arith.cmpi sgt, %jit3A_627, %sign3A_636 : i32
          %sign3A_638 = arith.extui %sign3A_637 : i1 to i32
          %sign3A_639 = arith.constant 0 : i32
          %sign3A_640 = arith.cmpi slt, %jit3A_627, %sign3A_639 : i32
          %sign3A_641 = arith.extui %sign3A_640 : i1 to i32
          %sign3A_642 = arith.subi %sign3A_638, %sign3A_641 : i32
          %ne3A_643 = arith.cmpi ne, %sign3A_635, %sign3A_642 : i32
          %rem3A_644 = arith.remsi %add3A_561, %jit3A_627 : i32
          %ne3A_645 = arith.constant 0 : i32
          %ne3A_646 = arith.cmpi ne, %rem3A_644, %ne3A_645 : i32
          %and3A_647 = arith.andi %ne3A_643, %ne3A_646 : i1
          %sub3A_648 = arith.constant 1 : i32
          %sub3A_649 = arith.subi %div3A_628, %sub3A_648 : i32
          %select_n3A_650 = arith.select %and3A_647, %sub3A_649, %div3A_628 : i32
          %jit3A_651 = arith.constant 3 : i32
          %eq3A_652 = arith.constant 0 : i32
          %eq3A_653 = arith.cmpi eq, %jit3A_651, %eq3A_652 : i32
          %jit3A_654 = arith.constant 1 : i32
          %select_n3A_655 = arith.select %eq3A_653, %jit3A_654, %jit3A_651 : i32
          %rem3A_656 = arith.remsi %select_n3A_650, %select_n3A_655 : i32
          %ne3A_657 = arith.constant 0 : i32
          %ne3A_658 = arith.cmpi ne, %rem3A_656, %ne3A_657 : i32
          %lt3A_659 = arith.constant 0 : i32
          %lt3A_660 = arith.cmpi slt, %rem3A_656, %lt3A_659 : i32
          %lt3A_661 = arith.constant 0 : i32
          %lt3A_662 = arith.cmpi slt, %select_n3A_655, %lt3A_661 : i32
          %ne3A_663 = arith.xori %lt3A_660, %lt3A_662 : i1
          %and3A_664 = arith.andi %ne3A_663, %ne3A_658 : i1
          %add3A_665 = arith.addi %rem3A_656, %select_n3A_655 : i32
          %select_n3A_666 = arith.select %and3A_664, %add3A_665, %rem3A_656 : i32
          %jit3A_667 = arith.constant 25 : i32
          %eq3A_668 = arith.constant 0 : i32
          %eq3A_669 = arith.cmpi eq, %jit3A_667, %eq3A_668 : i32
          %jit3A_670 = arith.constant 1 : i32
          %select_n3A_671 = arith.select %eq3A_669, %jit3A_670, %jit3A_667 : i32
          %rem3A_672 = arith.remsi %add3A_561, %select_n3A_671 : i32
          %ne3A_673 = arith.constant 0 : i32
          %ne3A_674 = arith.cmpi ne, %rem3A_672, %ne3A_673 : i32
          %lt3A_675 = arith.constant 0 : i32
          %lt3A_676 = arith.cmpi slt, %rem3A_672, %lt3A_675 : i32
          %lt3A_677 = arith.constant 0 : i32
          %lt3A_678 = arith.cmpi slt, %select_n3A_671, %lt3A_677 : i32
          %ne3A_679 = arith.xori %lt3A_676, %lt3A_678 : i1
          %and3A_680 = arith.andi %ne3A_679, %ne3A_674 : i1
          %add3A_681 = arith.addi %rem3A_672, %select_n3A_671 : i32
          %select_n3A_682 = arith.select %and3A_680, %add3A_681, %rem3A_672 : i32
          %dma_start3A_683 = arith.constant 0 : i32
          %dma_start3A_684 = arith.constant 0 : i32
          %dma_start3A_685 = tpu.memref_slice %arg17[%dma_start3A_683, %dma_start3A_684] : memref<40x128xf32, #tpu.memory_space<vmem>> -> memref<24x128xf32, #tpu.memory_space<vmem>>
          %dma_start3A_686 = arith.constant 0 : i32
          %dma_start3A_687 = tpu.memref_slice %arg9[%select_n3A_666, %select_n3A_682, %dma_start3A_686] : memref<3x25x40xi32, #tpu.memory_space<vmem>> -> memref<1x1x24xi32, #tpu.memory_space<vmem>>
          %dma_start3A_688 = tpu.memref_squeeze %dma_start3A_687 : memref<1x1x24xi32, #tpu.memory_space<vmem>> -> memref<24xi32, #tpu.memory_space<vmem>>
          %dma_start3A_689 = arith.constant 0 : i32
          %dma_start3A_690 = arith.constant 0 : i32
          %dma_start3A_691 = tpu.memref_slice %arg3[%dma_start3A_689, %dma_start3A_690] : memref<10000x128xf32, #tpu.memory_space<hbm>> -> memref<10000x128xf32, #tpu.memory_space<hbm>>
          tpu.enqueue_indirect_dma source(%dma_start3A_691 : memref<10000x128xf32, #tpu.memory_space<hbm>>) target(%dma_start3A_685 : memref<24x128xf32, #tpu.memory_space<vmem>>) offsets(%dma_start3A_688 : memref<24xi32, #tpu.memory_space<vmem>>) semaphore(%arg22 : memref<!tpu.dma_semaphore, #tpu.memory_space<semaphore_mem>>)
          %jit3A_692 = arith.constant 25 : i32
          %div3A_693 = arith.divsi %add3A_561, %jit3A_692 : i32
          %sign3A_694 = arith.constant 0 : i32
          %sign3A_695 = arith.cmpi sgt, %add3A_561, %sign3A_694 : i32
          %sign3A_696 = arith.extui %sign3A_695 : i1 to i32
          %sign3A_697 = arith.constant 0 : i32
          %sign3A_698 = arith.cmpi slt, %add3A_561, %sign3A_697 : i32
          %sign3A_699 = arith.extui %sign3A_698 : i1 to i32
          %sign3A_700 = arith.subi %sign3A_696, %sign3A_699 : i32
          %sign3A_701 = arith.constant 0 : i32
          %sign3A_702 = arith.cmpi sgt, %jit3A_692, %sign3A_701 : i32
          %sign3A_703 = arith.extui %sign3A_702 : i1 to i32
          %sign3A_704 = arith.constant 0 : i32
          %sign3A_705 = arith.cmpi slt, %jit3A_692, %sign3A_704 : i32
          %sign3A_706 = arith.extui %sign3A_705 : i1 to i32
          %sign3A_707 = arith.subi %sign3A_703, %sign3A_706 : i32
          %ne3A_708 = arith.cmpi ne, %sign3A_700, %sign3A_707 : i32
          %rem3A_709 = arith.remsi %add3A_561, %jit3A_692 : i32
          %ne3A_710 = arith.constant 0 : i32
          %ne3A_711 = arith.cmpi ne, %rem3A_709, %ne3A_710 : i32
          %and3A_712 = arith.andi %ne3A_708, %ne3A_711 : i1
          %sub3A_713 = arith.constant 1 : i32
          %sub3A_714 = arith.subi %div3A_693, %sub3A_713 : i32
          %select_n3A_715 = arith.select %and3A_712, %sub3A_714, %div3A_693 : i32
          %jit3A_716 = arith.constant 3 : i32
          %eq3A_717 = arith.constant 0 : i32
          %eq3A_718 = arith.cmpi eq, %jit3A_716, %eq3A_717 : i32
          %jit3A_719 = arith.constant 1 : i32
          %select_n3A_720 = arith.select %eq3A_718, %jit3A_719, %jit3A_716 : i32
          %rem3A_721 = arith.remsi %select_n3A_715, %select_n3A_720 : i32
          %ne3A_722 = arith.constant 0 : i32
          %ne3A_723 = arith.cmpi ne, %rem3A_721, %ne3A_722 : i32
          %lt3A_724 = arith.constant 0 : i32
          %lt3A_725 = arith.cmpi slt, %rem3A_721, %lt3A_724 : i32
          %lt3A_726 = arith.constant 0 : i32
          %lt3A_727 = arith.cmpi slt, %select_n3A_720, %lt3A_726 : i32
          %ne3A_728 = arith.xori %lt3A_725, %lt3A_727 : i1
          %and3A_729 = arith.andi %ne3A_728, %ne3A_723 : i1
          %add3A_730 = arith.addi %rem3A_721, %select_n3A_720 : i32
          %select_n3A_731 = arith.select %and3A_729, %add3A_730, %rem3A_721 : i32
          %jit3A_732 = arith.constant 25 : i32
          %eq3A_733 = arith.constant 0 : i32
          %eq3A_734 = arith.cmpi eq, %jit3A_732, %eq3A_733 : i32
          %jit3A_735 = arith.constant 1 : i32
          %select_n3A_736 = arith.select %eq3A_734, %jit3A_735, %jit3A_732 : i32
          %rem3A_737 = arith.remsi %add3A_561, %select_n3A_736 : i32
          %ne3A_738 = arith.constant 0 : i32
          %ne3A_739 = arith.cmpi ne, %rem3A_737, %ne3A_738 : i32
          %lt3A_740 = arith.constant 0 : i32
          %lt3A_741 = arith.cmpi slt, %rem3A_737, %lt3A_740 : i32
          %lt3A_742 = arith.constant 0 : i32
          %lt3A_743 = arith.cmpi slt, %select_n3A_736, %lt3A_742 : i32
          %ne3A_744 = arith.xori %lt3A_741, %lt3A_743 : i1
          %and3A_745 = arith.andi %ne3A_744, %ne3A_739 : i1
          %add3A_746 = arith.addi %rem3A_737, %select_n3A_736 : i32
          %select_n3A_747 = arith.select %and3A_745, %add3A_746, %rem3A_737 : i32
          %dma_start3A_748 = arith.constant 24 : i32
          %dma_start3A_749 = arith.constant 0 : i32
          %dma_start3A_750 = tpu.memref_slice %arg13[%dma_start3A_748, %dma_start3A_749] : memref<40x128xf32, #tpu.memory_space<vmem>> -> memref<16x128xf32, #tpu.memory_space<vmem>>
          %dma_start3A_751 = arith.constant 24 : i32
          %dma_start3A_752 = tpu.memref_slice %arg8[%select_n3A_731, %select_n3A_747, %dma_start3A_751] : memref<3x25x40xi32, #tpu.memory_space<vmem>> -> memref<1x1x16xi32, #tpu.memory_space<vmem>>
          %dma_start3A_753 = tpu.memref_squeeze %dma_start3A_752 : memref<1x1x16xi32, #tpu.memory_space<vmem>> -> memref<16xi32, #tpu.memory_space<vmem>>
          %dma_start3A_754 = arith.constant 0 : i32
          %dma_start3A_755 = arith.constant 0 : i32
          %dma_start3A_756 = tpu.memref_slice %arg2[%dma_start3A_754, %dma_start3A_755] : memref<10000x128xf32, #tpu.memory_space<hbm>> -> memref<10000x128xf32, #tpu.memory_space<hbm>>
          tpu.enqueue_indirect_dma source(%dma_start3A_756 : memref<10000x128xf32, #tpu.memory_space<hbm>>) target(%dma_start3A_750 : memref<16x128xf32, #tpu.memory_space<vmem>>) offsets(%dma_start3A_753 : memref<16xi32, #tpu.memory_space<vmem>>) semaphore(%arg22 : memref<!tpu.dma_semaphore, #tpu.memory_space<semaphore_mem>>)
          %jit3A_757 = arith.constant 25 : i32
          %div3A_758 = arith.divsi %add3A_561, %jit3A_757 : i32
          %sign3A_759 = arith.constant 0 : i32
          %sign3A_760 = arith.cmpi sgt, %add3A_561, %sign3A_759 : i32
          %sign3A_761 = arith.extui %sign3A_760 : i1 to i32
          %sign3A_762 = arith.constant 0 : i32
          %sign3A_763 = arith.cmpi slt, %add3A_561, %sign3A_762 : i32
          %sign3A_764 = arith.extui %sign3A_763 : i1 to i32
          %sign3A_765 = arith.subi %sign3A_761, %sign3A_764 : i32
          %sign3A_766 = arith.constant 0 : i32
          %sign3A_767 = arith.cmpi sgt, %jit3A_757, %sign3A_766 : i32
          %sign3A_768 = arith.extui %sign3A_767 : i1 to i32
          %sign3A_769 = arith.constant 0 : i32
          %sign3A_770 = arith.cmpi slt, %jit3A_757, %sign3A_769 : i32
          %sign3A_771 = arith.extui %sign3A_770 : i1 to i32
          %sign3A_772 = arith.subi %sign3A_768, %sign3A_771 : i32
          %ne3A_773 = arith.cmpi ne, %sign3A_765, %sign3A_772 : i32
          %rem3A_774 = arith.remsi %add3A_561, %jit3A_757 : i32
          %ne3A_775 = arith.constant 0 : i32
          %ne3A_776 = arith.cmpi ne, %rem3A_774, %ne3A_775 : i32
          %and3A_777 = arith.andi %ne3A_773, %ne3A_776 : i1
          %sub3A_778 = arith.constant 1 : i32
          %sub3A_779 = arith.subi %div3A_758, %sub3A_778 : i32
          %select_n3A_780 = arith.select %and3A_777, %sub3A_779, %div3A_758 : i32
          %jit3A_781 = arith.constant 3 : i32
          %eq3A_782 = arith.constant 0 : i32
          %eq3A_783 = arith.cmpi eq, %jit3A_781, %eq3A_782 : i32
          %jit3A_784 = arith.constant 1 : i32
          %select_n3A_785 = arith.select %eq3A_783, %jit3A_784, %jit3A_781 : i32
          %rem3A_786 = arith.remsi %select_n3A_780, %select_n3A_785 : i32
          %ne3A_787 = arith.constant 0 : i32
          %ne3A_788 = arith.cmpi ne, %rem3A_786, %ne3A_787 : i32
          %lt3A_789 = arith.constant 0 : i32
          %lt3A_790 = arith.cmpi slt, %rem3A_786, %lt3A_789 : i32
          %lt3A_791 = arith.constant 0 : i32
          %lt3A_792 = arith.cmpi slt, %select_n3A_785, %lt3A_791 : i32
          %ne3A_793 = arith.xori %lt3A_790, %lt3A_792 : i1
          %and3A_794 = arith.andi %ne3A_793, %ne3A_788 : i1
          %add3A_795 = arith.addi %rem3A_786, %select_n3A_785 : i32
          %select_n3A_796 = arith.select %and3A_794, %add3A_795, %rem3A_786 : i32
          %jit3A_797 = arith.constant 25 : i32
          %eq3A_798 = arith.constant 0 : i32
          %eq3A_799 = arith.cmpi eq, %jit3A_797, %eq3A_798 : i32
          %jit3A_800 = arith.constant 1 : i32
          %select_n3A_801 = arith.select %eq3A_799, %jit3A_800, %jit3A_797 : i32
          %rem3A_802 = arith.remsi %add3A_561, %select_n3A_801 : i32
          %ne3A_803 = arith.constant 0 : i32
          %ne3A_804 = arith.cmpi ne, %rem3A_802, %ne3A_803 : i32
          %lt3A_805 = arith.constant 0 : i32
          %lt3A_806 = arith.cmpi slt, %rem3A_802, %lt3A_805 : i32
          %lt3A_807 = arith.constant 0 : i32
          %lt3A_808 = arith.cmpi slt, %select_n3A_801, %lt3A_807 : i32
          %ne3A_809 = arith.xori %lt3A_806, %lt3A_808 : i1
          %and3A_810 = arith.andi %ne3A_809, %ne3A_804 : i1
          %add3A_811 = arith.addi %rem3A_802, %select_n3A_801 : i32
          %select_n3A_812 = arith.select %and3A_810, %add3A_811, %rem3A_802 : i32
          %dma_start3A_813 = arith.constant 24 : i32
          %dma_start3A_814 = arith.constant 0 : i32
          %dma_start3A_815 = tpu.memref_slice %arg17[%dma_start3A_813, %dma_start3A_814] : memref<40x128xf32, #tpu.memory_space<vmem>> -> memref<16x128xf32, #tpu.memory_space<vmem>>
          %dma_start3A_816 = arith.constant 24 : i32
          %dma_start3A_817 = tpu.memref_slice %arg9[%select_n3A_796, %select_n3A_812, %dma_start3A_816] : memref<3x25x40xi32, #tpu.memory_space<vmem>> -> memref<1x1x16xi32, #tpu.memory_space<vmem>>
          %dma_start3A_818 = tpu.memref_squeeze %dma_start3A_817 : memref<1x1x16xi32, #tpu.memory_space<vmem>> -> memref<16xi32, #tpu.memory_space<vmem>>
          %dma_start3A_819 = arith.constant 0 : i32
          %dma_start3A_820 = arith.constant 0 : i32
          %dma_start3A_821 = tpu.memref_slice %arg3[%dma_start3A_819, %dma_start3A_820] : memref<10000x128xf32, #tpu.memory_space<hbm>> -> memref<10000x128xf32, #tpu.memory_space<hbm>>
          tpu.enqueue_indirect_dma source(%dma_start3A_821 : memref<10000x128xf32, #tpu.memory_space<hbm>>) target(%dma_start3A_815 : memref<16x128xf32, #tpu.memory_space<vmem>>) offsets(%dma_start3A_818 : memref<16xi32, #tpu.memory_space<vmem>>) semaphore(%arg22 : memref<!tpu.dma_semaphore, #tpu.memory_space<semaphore_mem>>)
        } else {
        }
      } else {
      }
      %mul3A_174 = arith.constant 4 : i32
      %mul3A_175 = arith.muli %mul3A_174, %scan3A_164 : i32
      %add3A_176 = arith.constant 1 : i32
      %add3A_177 = arith.addi %mul3A_175, %add3A_176 : i32
      %lt3A_178 = arith.constant 250 : i32
      %lt3A_179 = arith.cmpi slt, %add3A_177, %lt3A_178 : i32
      %convert_element_type3A_180 = arith.extui %lt3A_179 : i1 to i32
      %cond3A_181 = arith.constant 0 : i32
      %cond3A_182 = arith.cmpi ne, %convert_element_type3A_180, %cond3A_181 : i32
      scf.if %cond3A_182 {
        %jit3A = arith.constant 25 : i32
        %div3A = arith.divsi %add3A_177, %jit3A : i32
        %sign3A = arith.constant 0 : i32
        %sign3A_201 = arith.cmpi sgt, %add3A_177, %sign3A : i32
        %sign3A_202 = arith.extui %sign3A_201 : i1 to i32
        %sign3A_203 = arith.constant 0 : i32
        %sign3A_204 = arith.cmpi slt, %add3A_177, %sign3A_203 : i32
        %sign3A_205 = arith.extui %sign3A_204 : i1 to i32
        %sign3A_206 = arith.subi %sign3A_202, %sign3A_205 : i32
        %sign3A_207 = arith.constant 0 : i32
        %sign3A_208 = arith.cmpi sgt, %jit3A, %sign3A_207 : i32
        %sign3A_209 = arith.extui %sign3A_208 : i1 to i32
        %sign3A_210 = arith.constant 0 : i32
        %sign3A_211 = arith.cmpi slt, %jit3A, %sign3A_210 : i32
        %sign3A_212 = arith.extui %sign3A_211 : i1 to i32
        %sign3A_213 = arith.subi %sign3A_209, %sign3A_212 : i32
        %ne3A = arith.cmpi ne, %sign3A_206, %sign3A_213 : i32
        %rem3A = arith.remsi %add3A_177, %jit3A : i32
        %ne3A_214 = arith.constant 0 : i32
        %ne3A_215 = arith.cmpi ne, %rem3A, %ne3A_214 : i32
        %and3A = arith.andi %ne3A, %ne3A_215 : i1
        %sub3A = arith.constant 1 : i32
        %sub3A_216 = arith.subi %div3A, %sub3A : i32
        %select_n3A = arith.select %and3A, %sub3A_216, %div3A : i32
        %jit3A_217 = arith.constant 3 : i32
        %eq3A_218 = arith.constant 0 : i32
        %eq3A_219 = arith.cmpi eq, %jit3A_217, %eq3A_218 : i32
        %jit3A_220 = arith.constant 1 : i32
        %select_n3A_221 = arith.select %eq3A_219, %jit3A_220, %jit3A_217 : i32
        %rem3A_222 = arith.remsi %select_n3A, %select_n3A_221 : i32
        %ne3A_223 = arith.constant 0 : i32
        %ne3A_224 = arith.cmpi ne, %rem3A_222, %ne3A_223 : i32
        %lt3A_225 = arith.constant 0 : i32
        %lt3A_226 = arith.cmpi slt, %rem3A_222, %lt3A_225 : i32
        %lt3A_227 = arith.constant 0 : i32
        %lt3A_228 = arith.cmpi slt, %select_n3A_221, %lt3A_227 : i32
        %ne3A_229 = arith.xori %lt3A_226, %lt3A_228 : i1
        %and3A_230 = arith.andi %ne3A_229, %ne3A_224 : i1
        %add3A_231 = arith.addi %rem3A_222, %select_n3A_221 : i32
        %select_n3A_232 = arith.select %and3A_230, %add3A_231, %rem3A_222 : i32
        %jit3A_233 = arith.constant 25 : i32
        %eq3A_234 = arith.constant 0 : i32
        %eq3A_235 = arith.cmpi eq, %jit3A_233, %eq3A_234 : i32
        %jit3A_236 = arith.constant 1 : i32
        %select_n3A_237 = arith.select %eq3A_235, %jit3A_236, %jit3A_233 : i32
        %rem3A_238 = arith.remsi %add3A_177, %select_n3A_237 : i32
        %ne3A_239 = arith.constant 0 : i32
        %ne3A_240 = arith.cmpi ne, %rem3A_238, %ne3A_239 : i32
        %lt3A_241 = arith.constant 0 : i32
        %lt3A_242 = arith.cmpi slt, %rem3A_238, %lt3A_241 : i32
        %lt3A_243 = arith.constant 0 : i32
        %lt3A_244 = arith.cmpi slt, %select_n3A_237, %lt3A_243 : i32
        %ne3A_245 = arith.xori %lt3A_242, %lt3A_244 : i1
        %and3A_246 = arith.andi %ne3A_245, %ne3A_240 : i1
        %add3A_247 = arith.addi %rem3A_238, %select_n3A_237 : i32
        %select_n3A_248 = arith.select %and3A_246, %add3A_247, %rem3A_238 : i32
        %dma_wait3A_249 = arith.constant 0 : i32
        %dma_wait3A_250 = arith.constant 0 : i32
        %dma_wait3A_251 = tpu.memref_slice %arg11[%dma_wait3A_249, %dma_wait3A_250] : memref<40x128xf32, #tpu.memory_space<vmem>> -> memref<24x128xf32, #tpu.memory_space<vmem>>
        %dma_wait3A_252 = arith.constant 0 : i32
        %dma_wait3A_253 = tpu.memref_slice %arg8[%select_n3A_232, %select_n3A_248, %dma_wait3A_252] : memref<3x25x40xi32, #tpu.memory_space<vmem>> -> memref<1x1x24xi32, #tpu.memory_space<vmem>>
        %dma_wait3A_254 = tpu.memref_squeeze %dma_wait3A_253 : memref<1x1x24xi32, #tpu.memory_space<vmem>> -> memref<24xi32, #tpu.memory_space<vmem>>
        %dma_wait3A_255 = arith.constant 0 : i32
        %dma_wait3A_256 = arith.constant 0 : i32
        %dma_wait3A_257 = tpu.memref_slice %arg2[%dma_wait3A_255, %dma_wait3A_256] : memref<10000x128xf32, #tpu.memory_space<hbm>> -> memref<10000x128xf32, #tpu.memory_space<hbm>>
        tpu.wait_indirect_dma semaphore(%arg20 : memref<!tpu.dma_semaphore, #tpu.memory_space<semaphore_mem>>) src(%dma_wait3A_257 : memref<10000x128xf32, #tpu.memory_space<hbm>>) dst(%dma_wait3A_251 : memref<24x128xf32, #tpu.memory_space<vmem>>)
        %jit3A_258 = arith.constant 25 : i32
        %div3A_259 = arith.divsi %add3A_177, %jit3A_258 : i32
        %sign3A_260 = arith.constant 0 : i32
        %sign3A_261 = arith.cmpi sgt, %add3A_177, %sign3A_260 : i32
        %sign3A_262 = arith.extui %sign3A_261 : i1 to i32
        %sign3A_263 = arith.constant 0 : i32
        %sign3A_264 = arith.cmpi slt, %add3A_177, %sign3A_263 : i32
        %sign3A_265 = arith.extui %sign3A_264 : i1 to i32
        %sign3A_266 = arith.subi %sign3A_262, %sign3A_265 : i32
        %sign3A_267 = arith.constant 0 : i32
        %sign3A_268 = arith.cmpi sgt, %jit3A_258, %sign3A_267 : i32
        %sign3A_269 = arith.extui %sign3A_268 : i1 to i32
        %sign3A_270 = arith.constant 0 : i32
        %sign3A_271 = arith.cmpi slt, %jit3A_258, %sign3A_270 : i32
        %sign3A_272 = arith.extui %sign3A_271 : i1 to i32
        %sign3A_273 = arith.subi %sign3A_269, %sign3A_272 : i32
        %ne3A_274 = arith.cmpi ne, %sign3A_266, %sign3A_273 : i32
        %rem3A_275 = arith.remsi %add3A_177, %jit3A_258 : i32
        %ne3A_276 = arith.constant 0 : i32
        %ne3A_277 = arith.cmpi ne, %rem3A_275, %ne3A_276 : i32
        %and3A_278 = arith.andi %ne3A_274, %ne3A_277 : i1
        %sub3A_279 = arith.constant 1 : i32
        %sub3A_280 = arith.subi %div3A_259, %sub3A_279 : i32
        %select_n3A_281 = arith.select %and3A_278, %sub3A_280, %div3A_259 : i32
        %jit3A_282 = arith.constant 3 : i32
        %eq3A_283 = arith.constant 0 : i32
        %eq3A_284 = arith.cmpi eq, %jit3A_282, %eq3A_283 : i32
        %jit3A_285 = arith.constant 1 : i32
        %select_n3A_286 = arith.select %eq3A_284, %jit3A_285, %jit3A_282 : i32
        %rem3A_287 = arith.remsi %select_n3A_281, %select_n3A_286 : i32
        %ne3A_288 = arith.constant 0 : i32
        %ne3A_289 = arith.cmpi ne, %rem3A_287, %ne3A_288 : i32
        %lt3A_290 = arith.constant 0 : i32
        %lt3A_291 = arith.cmpi slt, %rem3A_287, %lt3A_290 : i32
        %lt3A_292 = arith.constant 0 : i32
        %lt3A_293 = arith.cmpi slt, %select_n3A_286, %lt3A_292 : i32
        %ne3A_294 = arith.xori %lt3A_291, %lt3A_293 : i1
        %and3A_295 = arith.andi %ne3A_294, %ne3A_289 : i1
        %add3A_296 = arith.addi %rem3A_287, %select_n3A_286 : i32
        %select_n3A_297 = arith.select %and3A_295, %add3A_296, %rem3A_287 : i32
        %jit3A_298 = arith.constant 25 : i32
        %eq3A_299 = arith.constant 0 : i32
        %eq3A_300 = arith.cmpi eq, %jit3A_298, %eq3A_299 : i32
        %jit3A_301 = arith.constant 1 : i32
        %select_n3A_302 = arith.select %eq3A_300, %jit3A_301, %jit3A_298 : i32
        %rem3A_303 = arith.remsi %add3A_177, %select_n3A_302 : i32
        %ne3A_304 = arith.constant 0 : i32
        %ne3A_305 = arith.cmpi ne, %rem3A_303, %ne3A_304 : i32
        %lt3A_306 = arith.constant 0 : i32
        %lt3A_307 = arith.cmpi slt, %rem3A_303, %lt3A_306 : i32
        %lt3A_308 = arith.constant 0 : i32
        %lt3A_309 = arith.cmpi slt, %select_n3A_302, %lt3A_308 : i32
        %ne3A_310 = arith.xori %lt3A_307, %lt3A_309 : i1
        %and3A_311 = arith.andi %ne3A_310, %ne3A_305 : i1
        %add3A_312 = arith.addi %rem3A_303, %select_n3A_302 : i32
        %select_n3A_313 = arith.select %and3A_311, %add3A_312, %rem3A_303 : i32
        %dma_wait3A_314 = arith.constant 0 : i32
        %dma_wait3A_315 = arith.constant 0 : i32
        %dma_wait3A_316 = tpu.memref_slice %arg15[%dma_wait3A_314, %dma_wait3A_315] : memref<40x128xf32, #tpu.memory_space<vmem>> -> memref<24x128xf32, #tpu.memory_space<vmem>>
        %dma_wait3A_317 = arith.constant 0 : i32
        %dma_wait3A_318 = tpu.memref_slice %arg9[%select_n3A_297, %select_n3A_313, %dma_wait3A_317] : memref<3x25x40xi32, #tpu.memory_space<vmem>> -> memref<1x1x24xi32, #tpu.memory_space<vmem>>
        %dma_wait3A_319 = tpu.memref_squeeze %dma_wait3A_318 : memref<1x1x24xi32, #tpu.memory_space<vmem>> -> memref<24xi32, #tpu.memory_space<vmem>>
        %dma_wait3A_320 = arith.constant 0 : i32
        %dma_wait3A_321 = arith.constant 0 : i32
        %dma_wait3A_322 = tpu.memref_slice %arg3[%dma_wait3A_320, %dma_wait3A_321] : memref<10000x128xf32, #tpu.memory_space<hbm>> -> memref<10000x128xf32, #tpu.memory_space<hbm>>
        tpu.wait_indirect_dma semaphore(%arg20 : memref<!tpu.dma_semaphore, #tpu.memory_space<semaphore_mem>>) src(%dma_wait3A_322 : memref<10000x128xf32, #tpu.memory_space<hbm>>) dst(%dma_wait3A_316 : memref<24x128xf32, #tpu.memory_space<vmem>>)
        %jit3A_323 = arith.constant 25 : i32
        %div3A_324 = arith.divsi %add3A_177, %jit3A_323 : i32
        %sign3A_325 = arith.constant 0 : i32
        %sign3A_326 = arith.cmpi sgt, %add3A_177, %sign3A_325 : i32
        %sign3A_327 = arith.extui %sign3A_326 : i1 to i32
        %sign3A_328 = arith.constant 0 : i32
        %sign3A_329 = arith.cmpi slt, %add3A_177, %sign3A_328 : i32
        %sign3A_330 = arith.extui %sign3A_329 : i1 to i32
        %sign3A_331 = arith.subi %sign3A_327, %sign3A_330 : i32
        %sign3A_332 = arith.constant 0 : i32
        %sign3A_333 = arith.cmpi sgt, %jit3A_323, %sign3A_332 : i32
        %sign3A_334 = arith.extui %sign3A_333 : i1 to i32
        %sign3A_335 = arith.constant 0 : i32
        %sign3A_336 = arith.cmpi slt, %jit3A_323, %sign3A_335 : i32
        %sign3A_337 = arith.extui %sign3A_336 : i1 to i32
        %sign3A_338 = arith.subi %sign3A_334, %sign3A_337 : i32
        %ne3A_339 = arith.cmpi ne, %sign3A_331, %sign3A_338 : i32
        %rem3A_340 = arith.remsi %add3A_177, %jit3A_323 : i32
        %ne3A_341 = arith.constant 0 : i32
        %ne3A_342 = arith.cmpi ne, %rem3A_340, %ne3A_341 : i32
        %and3A_343 = arith.andi %ne3A_339, %ne3A_342 : i1
        %sub3A_344 = arith.constant 1 : i32
        %sub3A_345 = arith.subi %div3A_324, %sub3A_344 : i32
        %select_n3A_346 = arith.select %and3A_343, %sub3A_345, %div3A_324 : i32
        %jit3A_347 = arith.constant 3 : i32
        %eq3A_348 = arith.constant 0 : i32
        %eq3A_349 = arith.cmpi eq, %jit3A_347, %eq3A_348 : i32
        %jit3A_350 = arith.constant 1 : i32
        %select_n3A_351 = arith.select %eq3A_349, %jit3A_350, %jit3A_347 : i32
        %rem3A_352 = arith.remsi %select_n3A_346, %select_n3A_351 : i32
        %ne3A_353 = arith.constant 0 : i32
        %ne3A_354 = arith.cmpi ne, %rem3A_352, %ne3A_353 : i32
        %lt3A_355 = arith.constant 0 : i32
        %lt3A_356 = arith.cmpi slt, %rem3A_352, %lt3A_355 : i32
        %lt3A_357 = arith.constant 0 : i32
        %lt3A_358 = arith.cmpi slt, %select_n3A_351, %lt3A_357 : i32
        %ne3A_359 = arith.xori %lt3A_356, %lt3A_358 : i1
        %and3A_360 = arith.andi %ne3A_359, %ne3A_354 : i1
        %add3A_361 = arith.addi %rem3A_352, %select_n3A_351 : i32
        %select_n3A_362 = arith.select %and3A_360, %add3A_361, %rem3A_352 : i32
        %jit3A_363 = arith.constant 25 : i32
        %eq3A_364 = arith.constant 0 : i32
        %eq3A_365 = arith.cmpi eq, %jit3A_363, %eq3A_364 : i32
        %jit3A_366 = arith.constant 1 : i32
        %select_n3A_367 = arith.select %eq3A_365, %jit3A_366, %jit3A_363 : i32
        %rem3A_368 = arith.remsi %add3A_177, %select_n3A_367 : i32
        %ne3A_369 = arith.constant 0 : i32
        %ne3A_370 = arith.cmpi ne, %rem3A_368, %ne3A_369 : i32
        %lt3A_371 = arith.constant 0 : i32
        %lt3A_372 = arith.cmpi slt, %rem3A_368, %lt3A_371 : i32
        %lt3A_373 = arith.constant 0 : i32
        %lt3A_374 = arith.cmpi slt, %select_n3A_367, %lt3A_373 : i32
        %ne3A_375 = arith.xori %lt3A_372, %lt3A_374 : i1
        %and3A_376 = arith.andi %ne3A_375, %ne3A_370 : i1
        %add3A_377 = arith.addi %rem3A_368, %select_n3A_367 : i32
        %select_n3A_378 = arith.select %and3A_376, %add3A_377, %rem3A_368 : i32
        %dma_wait3A_379 = arith.constant 24 : i32
        %dma_wait3A_380 = arith.constant 0 : i32
        %dma_wait3A_381 = tpu.memref_slice %arg11[%dma_wait3A_379, %dma_wait3A_380] : memref<40x128xf32, #tpu.memory_space<vmem>> -> memref<16x128xf32, #tpu.memory_space<vmem>>
        %dma_wait3A_382 = arith.constant 24 : i32
        %dma_wait3A_383 = tpu.memref_slice %arg8[%select_n3A_362, %select_n3A_378, %dma_wait3A_382] : memref<3x25x40xi32, #tpu.memory_space<vmem>> -> memref<1x1x16xi32, #tpu.memory_space<vmem>>
        %dma_wait3A_384 = tpu.memref_squeeze %dma_wait3A_383 : memref<1x1x16xi32, #tpu.memory_space<vmem>> -> memref<16xi32, #tpu.memory_space<vmem>>
        %dma_wait3A_385 = arith.constant 0 : i32
        %dma_wait3A_386 = arith.constant 0 : i32
        %dma_wait3A_387 = tpu.memref_slice %arg2[%dma_wait3A_385, %dma_wait3A_386] : memref<10000x128xf32, #tpu.memory_space<hbm>> -> memref<10000x128xf32, #tpu.memory_space<hbm>>
        tpu.wait_indirect_dma semaphore(%arg20 : memref<!tpu.dma_semaphore, #tpu.memory_space<semaphore_mem>>) src(%dma_wait3A_387 : memref<10000x128xf32, #tpu.memory_space<hbm>>) dst(%dma_wait3A_381 : memref<16x128xf32, #tpu.memory_space<vmem>>)
        %jit3A_388 = arith.constant 25 : i32
        %div3A_389 = arith.divsi %add3A_177, %jit3A_388 : i32
        %sign3A_390 = arith.constant 0 : i32
        %sign3A_391 = arith.cmpi sgt, %add3A_177, %sign3A_390 : i32
        %sign3A_392 = arith.extui %sign3A_391 : i1 to i32
        %sign3A_393 = arith.constant 0 : i32
        %sign3A_394 = arith.cmpi slt, %add3A_177, %sign3A_393 : i32
        %sign3A_395 = arith.extui %sign3A_394 : i1 to i32
        %sign3A_396 = arith.subi %sign3A_392, %sign3A_395 : i32
        %sign3A_397 = arith.constant 0 : i32
        %sign3A_398 = arith.cmpi sgt, %jit3A_388, %sign3A_397 : i32
        %sign3A_399 = arith.extui %sign3A_398 : i1 to i32
        %sign3A_400 = arith.constant 0 : i32
        %sign3A_401 = arith.cmpi slt, %jit3A_388, %sign3A_400 : i32
        %sign3A_402 = arith.extui %sign3A_401 : i1 to i32
        %sign3A_403 = arith.subi %sign3A_399, %sign3A_402 : i32
        %ne3A_404 = arith.cmpi ne, %sign3A_396, %sign3A_403 : i32
        %rem3A_405 = arith.remsi %add3A_177, %jit3A_388 : i32
        %ne3A_406 = arith.constant 0 : i32
        %ne3A_407 = arith.cmpi ne, %rem3A_405, %ne3A_406 : i32
        %and3A_408 = arith.andi %ne3A_404, %ne3A_407 : i1
        %sub3A_409 = arith.constant 1 : i32
        %sub3A_410 = arith.subi %div3A_389, %sub3A_409 : i32
        %select_n3A_411 = arith.select %and3A_408, %sub3A_410, %div3A_389 : i32
        %jit3A_412 = arith.constant 3 : i32
        %eq3A_413 = arith.constant 0 : i32
        %eq3A_414 = arith.cmpi eq, %jit3A_412, %eq3A_413 : i32
        %jit3A_415 = arith.constant 1 : i32
        %select_n3A_416 = arith.select %eq3A_414, %jit3A_415, %jit3A_412 : i32
        %rem3A_417 = arith.remsi %select_n3A_411, %select_n3A_416 : i32
        %ne3A_418 = arith.constant 0 : i32
        %ne3A_419 = arith.cmpi ne, %rem3A_417, %ne3A_418 : i32
        %lt3A_420 = arith.constant 0 : i32
        %lt3A_421 = arith.cmpi slt, %rem3A_417, %lt3A_420 : i32
        %lt3A_422 = arith.constant 0 : i32
        %lt3A_423 = arith.cmpi slt, %select_n3A_416, %lt3A_422 : i32
        %ne3A_424 = arith.xori %lt3A_421, %lt3A_423 : i1
        %and3A_425 = arith.andi %ne3A_424, %ne3A_419 : i1
        %add3A_426 = arith.addi %rem3A_417, %select_n3A_416 : i32
        %select_n3A_427 = arith.select %and3A_425, %add3A_426, %rem3A_417 : i32
        %jit3A_428 = arith.constant 25 : i32
        %eq3A_429 = arith.constant 0 : i32
        %eq3A_430 = arith.cmpi eq, %jit3A_428, %eq3A_429 : i32
        %jit3A_431 = arith.constant 1 : i32
        %select_n3A_432 = arith.select %eq3A_430, %jit3A_431, %jit3A_428 : i32
        %rem3A_433 = arith.remsi %add3A_177, %select_n3A_432 : i32
        %ne3A_434 = arith.constant 0 : i32
        %ne3A_435 = arith.cmpi ne, %rem3A_433, %ne3A_434 : i32
        %lt3A_436 = arith.constant 0 : i32
        %lt3A_437 = arith.cmpi slt, %rem3A_433, %lt3A_436 : i32
        %lt3A_438 = arith.constant 0 : i32
        %lt3A_439 = arith.cmpi slt, %select_n3A_432, %lt3A_438 : i32
        %ne3A_440 = arith.xori %lt3A_437, %lt3A_439 : i1
        %and3A_441 = arith.andi %ne3A_440, %ne3A_435 : i1
        %add3A_442 = arith.addi %rem3A_433, %select_n3A_432 : i32
        %select_n3A_443 = arith.select %and3A_441, %add3A_442, %rem3A_433 : i32
        %dma_wait3A_444 = arith.constant 24 : i32
        %dma_wait3A_445 = arith.constant 0 : i32
        %dma_wait3A_446 = tpu.memref_slice %arg15[%dma_wait3A_444, %dma_wait3A_445] : memref<40x128xf32, #tpu.memory_space<vmem>> -> memref<16x128xf32, #tpu.memory_space<vmem>>
        %dma_wait3A_447 = arith.constant 24 : i32
        %dma_wait3A_448 = tpu.memref_slice %arg9[%select_n3A_427, %select_n3A_443, %dma_wait3A_447] : memref<3x25x40xi32, #tpu.memory_space<vmem>> -> memref<1x1x16xi32, #tpu.memory_space<vmem>>
        %dma_wait3A_449 = tpu.memref_squeeze %dma_wait3A_448 : memref<1x1x16xi32, #tpu.memory_space<vmem>> -> memref<16xi32, #tpu.memory_space<vmem>>
        %dma_wait3A_450 = arith.constant 0 : i32
        %dma_wait3A_451 = arith.constant 0 : i32
        %dma_wait3A_452 = tpu.memref_slice %arg3[%dma_wait3A_450, %dma_wait3A_451] : memref<10000x128xf32, #tpu.memory_space<hbm>> -> memref<10000x128xf32, #tpu.memory_space<hbm>>
        tpu.wait_indirect_dma semaphore(%arg20 : memref<!tpu.dma_semaphore, #tpu.memory_space<semaphore_mem>>) src(%dma_wait3A_452 : memref<10000x128xf32, #tpu.memory_space<hbm>>) dst(%dma_wait3A_446 : memref<16x128xf32, #tpu.memory_space<vmem>>)
        %scan3A_453 = arith.constant 0 : i32
        %scan3A_454 = arith.constant 0 : i32
        %scan3A_455 = arith.constant 40 : i32
        %scan3A_456 = arith.addi %scan3A_454, %scan3A_455 : i32
        %scan3A_457 = arith.constant 1 : i32
        scf.for %scan3A_560 = %scan3A_454 to %scan3A_456 step %scan3A_457  : i32 {
          %get3A = arith.index_cast %scan3A_560 : i32 to index
          %get3A_561 = arith.constant 0 : index
          %get3A_562 = tpu.vector_load %arg11[%get3A, %get3A_561] {strides = array<i32>} : memref<40x128xf32, #tpu.memory_space<vmem>>, vector<1x16xf32>,
          %get3A_563 = vector.shape_cast %get3A_562 : vector<1x16xf32> to vector<16xf32>
          %get3A_564 = arith.index_cast %scan3A_560 : i32 to index
          %get3A_565 = arith.constant 0 : index
          %get3A_566 = tpu.vector_load %arg15[%get3A_564, %get3A_565] {strides = array<i32>} : memref<40x128xf32, #tpu.memory_space<vmem>>, vector<1x16xf32>,
          %get3A_567 = vector.shape_cast %get3A_566 : vector<1x16xf32> to vector<16xf32>
          %add3A_568 = arith.addf %get3A_563, %get3A_567 : vector<16xf32>
          %max3A = arith.constant 0.000000e+00 : f32
          %max3A_569 = vector.broadcast %max3A : f32 to vector<16xf32>
          %max3A_570 = arith.maximumf %add3A_568, %max3A_569 : vector<16xf32>
          %swap3A = arith.index_cast %scan3A_560 : i32 to index
          %swap3A_571 = arith.constant 0 : index
          %swap3A_572 = tpu.vector_load %arg15[%swap3A, %swap3A_571] {strides = array<i32>} : memref<40x128xf32, #tpu.memory_space<vmem>>, vector<1x16xf32>,
          %swap3A_573 = vector.shape_cast %swap3A_572 : vector<1x16xf32> to vector<16xf32>
          %swap3A_574 = vector.shape_cast %max3A_570 : vector<16xf32> to vector<1x16xf32>
          tpu.vector_store %arg15[%swap3A, %swap3A_571], %swap3A_574 {strides = array<i32>} : memref<40x128xf32, #tpu.memory_space<vmem>>, vector<1x16xf32>,
          %get3A_575 = arith.index_cast %scan3A_560 : i32 to index
          %get3A_576 = arith.constant 16 : index
          %get3A_577 = tpu.vector_load %arg11[%get3A_575, %get3A_576] {strides = array<i32>} : memref<40x128xf32, #tpu.memory_space<vmem>>, vector<1x16xf32>,
          %get3A_578 = vector.shape_cast %get3A_577 : vector<1x16xf32> to vector<16xf32>
          %get3A_579 = arith.index_cast %scan3A_560 : i32 to index
          %get3A_580 = arith.constant 16 : index
          %get3A_581 = tpu.vector_load %arg15[%get3A_579, %get3A_580] {strides = array<i32>} : memref<40x128xf32, #tpu.memory_space<vmem>>, vector<1x16xf32>,
          %get3A_582 = vector.shape_cast %get3A_581 : vector<1x16xf32> to vector<16xf32>
          %add3A_583 = arith.addf %get3A_578, %get3A_582 : vector<16xf32>
          %max3A_584 = arith.constant 0.000000e+00 : f32
          %max3A_585 = vector.broadcast %max3A_584 : f32 to vector<16xf32>
          %max3A_586 = arith.maximumf %add3A_583, %max3A_585 : vector<16xf32>
          %swap3A_587 = arith.index_cast %scan3A_560 : i32 to index
          %swap3A_588 = arith.constant 16 : index
          %swap3A_589 = tpu.vector_load %arg15[%swap3A_587, %swap3A_588] {strides = array<i32>} : memref<40x128xf32, #tpu.memory_space<vmem>>, vector<1x16xf32>,
          %swap3A_590 = vector.shape_cast %swap3A_589 : vector<1x16xf32> to vector<16xf32>
          %swap3A_591 = vector.shape_cast %max3A_586 : vector<16xf32> to vector<1x16xf32>
          tpu.vector_store %arg15[%swap3A_587, %swap3A_588], %swap3A_591 {strides = array<i32>} : memref<40x128xf32, #tpu.memory_space<vmem>>, vector<1x16xf32>,
          %get3A_592 = arith.index_cast %scan3A_560 : i32 to index
          %get3A_593 = arith.constant 32 : index
          %get3A_594 = tpu.vector_load %arg11[%get3A_592, %get3A_593] {strides = array<i32>} : memref<40x128xf32, #tpu.memory_space<vmem>>, vector<1x16xf32>,
          %get3A_595 = vector.shape_cast %get3A_594 : vector<1x16xf32> to vector<16xf32>
          %get3A_596 = arith.index_cast %scan3A_560 : i32 to index
          %get3A_597 = arith.constant 32 : index
          %get3A_598 = tpu.vector_load %arg15[%get3A_596, %get3A_597] {strides = array<i32>} : memref<40x128xf32, #tpu.memory_space<vmem>>, vector<1x16xf32>,
          %get3A_599 = vector.shape_cast %get3A_598 : vector<1x16xf32> to vector<16xf32>
          %add3A_600 = arith.addf %get3A_595, %get3A_599 : vector<16xf32>
          %max3A_601 = arith.constant 0.000000e+00 : f32
          %max3A_602 = vector.broadcast %max3A_601 : f32 to vector<16xf32>
          %max3A_603 = arith.maximumf %add3A_600, %max3A_602 : vector<16xf32>
          %swap3A_604 = arith.index_cast %scan3A_560 : i32 to index
          %swap3A_605 = arith.constant 32 : index
          %swap3A_606 = tpu.vector_load %arg15[%swap3A_604, %swap3A_605] {strides = array<i32>} : memref<40x128xf32, #tpu.memory_space<vmem>>, vector<1x16xf32>,
          %swap3A_607 = vector.shape_cast %swap3A_606 : vector<1x16xf32> to vector<16xf32>
          %swap3A_608 = vector.shape_cast %max3A_603 : vector<16xf32> to vector<1x16xf32>
          tpu.vector_store %arg15[%swap3A_604, %swap3A_605], %swap3A_608 {strides = array<i32>} : memref<40x128xf32, #tpu.memory_space<vmem>>, vector<1x16xf32>,
          %get3A_609 = arith.index_cast %scan3A_560 : i32 to index
          %get3A_610 = arith.constant 48 : index
          %get3A_611 = tpu.vector_load %arg11[%get3A_609, %get3A_610] {strides = array<i32>} : memref<40x128xf32, #tpu.memory_space<vmem>>, vector<1x16xf32>,
          %get3A_612 = vector.shape_cast %get3A_611 : vector<1x16xf32> to vector<16xf32>
          %get3A_613 = arith.index_cast %scan3A_560 : i32 to index
          %get3A_614 = arith.constant 48 : index
          %get3A_615 = tpu.vector_load %arg15[%get3A_613, %get3A_614] {strides = array<i32>} : memref<40x128xf32, #tpu.memory_space<vmem>>, vector<1x16xf32>,
          %get3A_616 = vector.shape_cast %get3A_615 : vector<1x16xf32> to vector<16xf32>
          %add3A_617 = arith.addf %get3A_612, %get3A_616 : vector<16xf32>
          %max3A_618 = arith.constant 0.000000e+00 : f32
          %max3A_619 = vector.broadcast %max3A_618 : f32 to vector<16xf32>
          %max3A_620 = arith.maximumf %add3A_617, %max3A_619 : vector<16xf32>
          %swap3A_621 = arith.index_cast %scan3A_560 : i32 to index
          %swap3A_622 = arith.constant 48 : index
          %swap3A_623 = tpu.vector_load %arg15[%swap3A_621, %swap3A_622] {strides = array<i32>} : memref<40x128xf32, #tpu.memory_space<vmem>>, vector<1x16xf32>,
          %swap3A_624 = vector.shape_cast %swap3A_623 : vector<1x16xf32> to vector<16xf32>
          %swap3A_625 = vector.shape_cast %max3A_620 : vector<16xf32> to vector<1x16xf32>
          tpu.vector_store %arg15[%swap3A_621, %swap3A_622], %swap3A_625 {strides = array<i32>} : memref<40x128xf32, #tpu.memory_space<vmem>>, vector<1x16xf32>,
          %get3A_626 = arith.index_cast %scan3A_560 : i32 to index
          %get3A_627 = arith.constant 64 : index
          %get3A_628 = tpu.vector_load %arg11[%get3A_626, %get3A_627] {strides = array<i32>} : memref<40x128xf32, #tpu.memory_space<vmem>>, vector<1x16xf32>,
          %get3A_629 = vector.shape_cast %get3A_628 : vector<1x16xf32> to vector<16xf32>
          %get3A_630 = arith.index_cast %scan3A_560 : i32 to index
          %get3A_631 = arith.constant 64 : index
          %get3A_632 = tpu.vector_load %arg15[%get3A_630, %get3A_631] {strides = array<i32>} : memref<40x128xf32, #tpu.memory_space<vmem>>, vector<1x16xf32>,
          %get3A_633 = vector.shape_cast %get3A_632 : vector<1x16xf32> to vector<16xf32>
          %add3A_634 = arith.addf %get3A_629, %get3A_633 : vector<16xf32>
          %max3A_635 = arith.constant 0.000000e+00 : f32
          %max3A_636 = vector.broadcast %max3A_635 : f32 to vector<16xf32>
          %max3A_637 = arith.maximumf %add3A_634, %max3A_636 : vector<16xf32>
          %swap3A_638 = arith.index_cast %scan3A_560 : i32 to index
          %swap3A_639 = arith.constant 64 : index
          %swap3A_640 = tpu.vector_load %arg15[%swap3A_638, %swap3A_639] {strides = array<i32>} : memref<40x128xf32, #tpu.memory_space<vmem>>, vector<1x16xf32>,
          %swap3A_641 = vector.shape_cast %swap3A_640 : vector<1x16xf32> to vector<16xf32>
          %swap3A_642 = vector.shape_cast %max3A_637 : vector<16xf32> to vector<1x16xf32>
          tpu.vector_store %arg15[%swap3A_638, %swap3A_639], %swap3A_642 {strides = array<i32>} : memref<40x128xf32, #tpu.memory_space<vmem>>, vector<1x16xf32>,
          %get3A_643 = arith.index_cast %scan3A_560 : i32 to index
          %get3A_644 = arith.constant 80 : index
          %get3A_645 = tpu.vector_load %arg11[%get3A_643, %get3A_644] {strides = array<i32>} : memref<40x128xf32, #tpu.memory_space<vmem>>, vector<1x16xf32>,
          %get3A_646 = vector.shape_cast %get3A_645 : vector<1x16xf32> to vector<16xf32>
          %get3A_647 = arith.index_cast %scan3A_560 : i32 to index
          %get3A_648 = arith.constant 80 : index
          %get3A_649 = tpu.vector_load %arg15[%get3A_647, %get3A_648] {strides = array<i32>} : memref<40x128xf32, #tpu.memory_space<vmem>>, vector<1x16xf32>,
          %get3A_650 = vector.shape_cast %get3A_649 : vector<1x16xf32> to vector<16xf32>
          %add3A_651 = arith.addf %get3A_646, %get3A_650 : vector<16xf32>
          %max3A_652 = arith.constant 0.000000e+00 : f32
          %max3A_653 = vector.broadcast %max3A_652 : f32 to vector<16xf32>
          %max3A_654 = arith.maximumf %add3A_651, %max3A_653 : vector<16xf32>
          %swap3A_655 = arith.index_cast %scan3A_560 : i32 to index
          %swap3A_656 = arith.constant 80 : index
          %swap3A_657 = tpu.vector_load %arg15[%swap3A_655, %swap3A_656] {strides = array<i32>} : memref<40x128xf32, #tpu.memory_space<vmem>>, vector<1x16xf32>,
          %swap3A_658 = vector.shape_cast %swap3A_657 : vector<1x16xf32> to vector<16xf32>
          %swap3A_659 = vector.shape_cast %max3A_654 : vector<16xf32> to vector<1x16xf32>
          tpu.vector_store %arg15[%swap3A_655, %swap3A_656], %swap3A_659 {strides = array<i32>} : memref<40x128xf32, #tpu.memory_space<vmem>>, vector<1x16xf32>,
          %get3A_660 = arith.index_cast %scan3A_560 : i32 to index
          %get3A_661 = arith.constant 96 : index
          %get3A_662 = tpu.vector_load %arg11[%get3A_660, %get3A_661] {strides = array<i32>} : memref<40x128xf32, #tpu.memory_space<vmem>>, vector<1x16xf32>,
          %get3A_663 = vector.shape_cast %get3A_662 : vector<1x16xf32> to vector<16xf32>
          %get3A_664 = arith.index_cast %scan3A_560 : i32 to index
          %get3A_665 = arith.constant 96 : index
          %get3A_666 = tpu.vector_load %arg15[%get3A_664, %get3A_665] {strides = array<i32>} : memref<40x128xf32, #tpu.memory_space<vmem>>, vector<1x16xf32>,
          %get3A_667 = vector.shape_cast %get3A_666 : vector<1x16xf32> to vector<16xf32>
          %add3A_668 = arith.addf %get3A_663, %get3A_667 : vector<16xf32>
          %max3A_669 = arith.constant 0.000000e+00 : f32
          %max3A_670 = vector.broadcast %max3A_669 : f32 to vector<16xf32>
          %max3A_671 = arith.maximumf %add3A_668, %max3A_670 : vector<16xf32>
          %swap3A_672 = arith.index_cast %scan3A_560 : i32 to index
          %swap3A_673 = arith.constant 96 : index
          %swap3A_674 = tpu.vector_load %arg15[%swap3A_672, %swap3A_673] {strides = array<i32>} : memref<40x128xf32, #tpu.memory_space<vmem>>, vector<1x16xf32>,
          %swap3A_675 = vector.shape_cast %swap3A_674 : vector<1x16xf32> to vector<16xf32>
          %swap3A_676 = vector.shape_cast %max3A_671 : vector<16xf32> to vector<1x16xf32>
          tpu.vector_store %arg15[%swap3A_672, %swap3A_673], %swap3A_676 {strides = array<i32>} : memref<40x128xf32, #tpu.memory_space<vmem>>, vector<1x16xf32>,
          %get3A_677 = arith.index_cast %scan3A_560 : i32 to index
          %get3A_678 = arith.constant 112 : index
          %get3A_679 = tpu.vector_load %arg11[%get3A_677, %get3A_678] {strides = array<i32>} : memref<40x128xf32, #tpu.memory_space<vmem>>, vector<1x16xf32>,
          %get3A_680 = vector.shape_cast %get3A_679 : vector<1x16xf32> to vector<16xf32>
          %get3A_681 = arith.index_cast %scan3A_560 : i32 to index
          %get3A_682 = arith.constant 112 : index
          %get3A_683 = tpu.vector_load %arg15[%get3A_681, %get3A_682] {strides = array<i32>} : memref<40x128xf32, #tpu.memory_space<vmem>>, vector<1x16xf32>,
          %get3A_684 = vector.shape_cast %get3A_683 : vector<1x16xf32> to vector<16xf32>
          %add3A_685 = arith.addf %get3A_680, %get3A_684 : vector<16xf32>
          %max3A_686 = arith.constant 0.000000e+00 : f32
          %max3A_687 = vector.broadcast %max3A_686 : f32 to vector<16xf32>
          %max3A_688 = arith.maximumf %add3A_685, %max3A_687 : vector<16xf32>
          %swap3A_689 = arith.index_cast %scan3A_560 : i32 to index
          %swap3A_690 = arith.constant 112 : index
          %swap3A_691 = tpu.vector_load %arg15[%swap3A_689, %swap3A_690] {strides = array<i32>} : memref<40x128xf32, #tpu.memory_space<vmem>>, vector<1x16xf32>,
          %swap3A_692 = vector.shape_cast %swap3A_691 : vector<1x16xf32> to vector<16xf32>
          %swap3A_693 = vector.shape_cast %max3A_688 : vector<16xf32> to vector<1x16xf32>
          tpu.vector_store %arg15[%swap3A_689, %swap3A_690], %swap3A_693 {strides = array<i32>} : memref<40x128xf32, #tpu.memory_space<vmem>>, vector<1x16xf32>,
        }
        %scan3A_458 = arith.constant 40 : i32
        %jit3A_459 = arith.constant 25 : i32
        %div3A_460 = arith.divsi %add3A_177, %jit3A_459 : i32
        %sign3A_461 = arith.constant 0 : i32
        %sign3A_462 = arith.cmpi sgt, %add3A_177, %sign3A_461 : i32
        %sign3A_463 = arith.extui %sign3A_462 : i1 to i32
        %sign3A_464 = arith.constant 0 : i32
        %sign3A_465 = arith.cmpi slt, %add3A_177, %sign3A_464 : i32
        %sign3A_466 = arith.extui %sign3A_465 : i1 to i32
        %sign3A_467 = arith.subi %sign3A_463, %sign3A_466 : i32
        %sign3A_468 = arith.constant 0 : i32
        %sign3A_469 = arith.cmpi sgt, %jit3A_459, %sign3A_468 : i32
        %sign3A_470 = arith.extui %sign3A_469 : i1 to i32
        %sign3A_471 = arith.constant 0 : i32
        %sign3A_472 = arith.cmpi slt, %jit3A_459, %sign3A_471 : i32
        %sign3A_473 = arith.extui %sign3A_472 : i1 to i32
        %sign3A_474 = arith.subi %sign3A_470, %sign3A_473 : i32
        %ne3A_475 = arith.cmpi ne, %sign3A_467, %sign3A_474 : i32
        %rem3A_476 = arith.remsi %add3A_177, %jit3A_459 : i32
        %ne3A_477 = arith.constant 0 : i32
        %ne3A_478 = arith.cmpi ne, %rem3A_476, %ne3A_477 : i32
        %and3A_479 = arith.andi %ne3A_475, %ne3A_478 : i1
        %sub3A_480 = arith.constant 1 : i32
        %sub3A_481 = arith.subi %div3A_460, %sub3A_480 : i32
        %select_n3A_482 = arith.select %and3A_479, %sub3A_481, %div3A_460 : i32
        %jit3A_483 = arith.constant 3 : i32
        %eq3A_484 = arith.constant 0 : i32
        %eq3A_485 = arith.cmpi eq, %jit3A_483, %eq3A_484 : i32
        %jit3A_486 = arith.constant 1 : i32
        %select_n3A_487 = arith.select %eq3A_485, %jit3A_486, %jit3A_483 : i32
        %rem3A_488 = arith.remsi %select_n3A_482, %select_n3A_487 : i32
        %ne3A_489 = arith.constant 0 : i32
        %ne3A_490 = arith.cmpi ne, %rem3A_488, %ne3A_489 : i32
        %lt3A_491 = arith.constant 0 : i32
        %lt3A_492 = arith.cmpi slt, %rem3A_488, %lt3A_491 : i32
        %lt3A_493 = arith.constant 0 : i32
        %lt3A_494 = arith.cmpi slt, %select_n3A_487, %lt3A_493 : i32
        %ne3A_495 = arith.xori %lt3A_492, %lt3A_494 : i1
        %and3A_496 = arith.andi %ne3A_495, %ne3A_490 : i1
        %add3A_497 = arith.addi %rem3A_488, %select_n3A_487 : i32
        %select_n3A_498 = arith.select %and3A_496, %add3A_497, %rem3A_488 : i32
        %jit3A_499 = arith.constant 25 : i32
        %eq3A_500 = arith.constant 0 : i32
        %eq3A_501 = arith.cmpi eq, %jit3A_499, %eq3A_500 : i32
        %jit3A_502 = arith.constant 1 : i32
        %select_n3A_503 = arith.select %eq3A_501, %jit3A_502, %jit3A_499 : i32
        %rem3A_504 = arith.remsi %add3A_177, %select_n3A_503 : i32
        %ne3A_505 = arith.constant 0 : i32
        %ne3A_506 = arith.cmpi ne, %rem3A_504, %ne3A_505 : i32
        %lt3A_507 = arith.constant 0 : i32
        %lt3A_508 = arith.cmpi slt, %rem3A_504, %lt3A_507 : i32
        %lt3A_509 = arith.constant 0 : i32
        %lt3A_510 = arith.cmpi slt, %select_n3A_503, %lt3A_509 : i32
        %ne3A_511 = arith.xori %lt3A_508, %lt3A_510 : i1
        %and3A_512 = arith.andi %ne3A_511, %ne3A_506 : i1
        %add3A_513 = arith.addi %rem3A_504, %select_n3A_503 : i32
        %select_n3A_514 = arith.select %and3A_512, %add3A_513, %rem3A_504 : i32
        %dma_start3A_515 = arith.constant 0 : i32
        %dma_start3A_516 = tpu.memref_slice %arg8[%select_n3A_498, %select_n3A_514, %dma_start3A_515] : memref<3x25x40xi32, #tpu.memory_space<vmem>> -> memref<1x1x40xi32, #tpu.memory_space<vmem>>
        %dma_start3A_517 = tpu.memref_squeeze %dma_start3A_516 : memref<1x1x40xi32, #tpu.memory_space<vmem>> -> memref<40xi32, #tpu.memory_space<vmem>>
        %dma_start3A_518 = arith.constant 0 : i32
        %dma_start3A_519 = arith.constant 0 : i32
        %dma_start3A_520 = tpu.memref_slice %arg18[%dma_start3A_518, %dma_start3A_519] : memref<10000x128xf32, #tpu.memory_space<vmem_shared>> -> memref<10000x128xf32, #tpu.memory_space<vmem_shared>>
        tpu.enqueue_indirect_dma source(%arg15 : memref<40x128xf32, #tpu.memory_space<vmem>>) target(%dma_start3A_520 : memref<10000x128xf32, #tpu.memory_space<vmem_shared>>) offsets(%dma_start3A_517 : memref<40xi32, #tpu.memory_space<vmem>>) semaphore(%arg24 : memref<!tpu.dma_semaphore, #tpu.memory_space<semaphore_mem>>) {add = true}
        %ge3A = arith.constant 1 : i32
        %ge3A_521 = arith.cmpi sge, %add3A_177, %ge3A : i32
        %convert_element_type3A_522 = arith.extui %ge3A_521 : i1 to i32
        %cond3A_523 = arith.constant 0 : i32
        %cond3A_524 = arith.cmpi ne, %convert_element_type3A_522, %cond3A_523 : i32
        scf.if %cond3A_524 {
          %sub3A_560 = arith.constant 1 : i32
          %sub3A_561 = arith.subi %add3A_177, %sub3A_560 : i32
          %jit3A_562 = arith.constant 25 : i32
          %div3A_563 = arith.divsi %sub3A_561, %jit3A_562 : i32
          %sign3A_564 = arith.constant 0 : i32
          %sign3A_565 = arith.cmpi sgt, %sub3A_561, %sign3A_564 : i32
          %sign3A_566 = arith.extui %sign3A_565 : i1 to i32
          %sign3A_567 = arith.constant 0 : i32
          %sign3A_568 = arith.cmpi slt, %sub3A_561, %sign3A_567 : i32
          %sign3A_569 = arith.extui %sign3A_568 : i1 to i32
          %sign3A_570 = arith.subi %sign3A_566, %sign3A_569 : i32
          %sign3A_571 = arith.constant 0 : i32
          %sign3A_572 = arith.cmpi sgt, %jit3A_562, %sign3A_571 : i32
          %sign3A_573 = arith.extui %sign3A_572 : i1 to i32
          %sign3A_574 = arith.constant 0 : i32
          %sign3A_575 = arith.cmpi slt, %jit3A_562, %sign3A_574 : i32
          %sign3A_576 = arith.extui %sign3A_575 : i1 to i32
          %sign3A_577 = arith.subi %sign3A_573, %sign3A_576 : i32
          %ne3A_578 = arith.cmpi ne, %sign3A_570, %sign3A_577 : i32
          %rem3A_579 = arith.remsi %sub3A_561, %jit3A_562 : i32
          %ne3A_580 = arith.constant 0 : i32
          %ne3A_581 = arith.cmpi ne, %rem3A_579, %ne3A_580 : i32
          %and3A_582 = arith.andi %ne3A_578, %ne3A_581 : i1
          %sub3A_583 = arith.constant 1 : i32
          %sub3A_584 = arith.subi %div3A_563, %sub3A_583 : i32
          %select_n3A_585 = arith.select %and3A_582, %sub3A_584, %div3A_563 : i32
          %jit3A_586 = arith.constant 3 : i32
          %eq3A_587 = arith.constant 0 : i32
          %eq3A_588 = arith.cmpi eq, %jit3A_586, %eq3A_587 : i32
          %jit3A_589 = arith.constant 1 : i32
          %select_n3A_590 = arith.select %eq3A_588, %jit3A_589, %jit3A_586 : i32
          %rem3A_591 = arith.remsi %select_n3A_585, %select_n3A_590 : i32
          %ne3A_592 = arith.constant 0 : i32
          %ne3A_593 = arith.cmpi ne, %rem3A_591, %ne3A_592 : i32
          %lt3A_594 = arith.constant 0 : i32
          %lt3A_595 = arith.cmpi slt, %rem3A_591, %lt3A_594 : i32
          %lt3A_596 = arith.constant 0 : i32
          %lt3A_597 = arith.cmpi slt, %select_n3A_590, %lt3A_596 : i32
          %ne3A_598 = arith.xori %lt3A_595, %lt3A_597 : i1
          %and3A_599 = arith.andi %ne3A_598, %ne3A_593 : i1
          %add3A_600 = arith.addi %rem3A_591, %select_n3A_590 : i32
          %select_n3A_601 = arith.select %and3A_599, %add3A_600, %rem3A_591 : i32
          %jit3A_602 = arith.constant 25 : i32
          %eq3A_603 = arith.constant 0 : i32
          %eq3A_604 = arith.cmpi eq, %jit3A_602, %eq3A_603 : i32
          %jit3A_605 = arith.constant 1 : i32
          %select_n3A_606 = arith.select %eq3A_604, %jit3A_605, %jit3A_602 : i32
          %rem3A_607 = arith.remsi %sub3A_561, %select_n3A_606 : i32
          %ne3A_608 = arith.constant 0 : i32
          %ne3A_609 = arith.cmpi ne, %rem3A_607, %ne3A_608 : i32
          %lt3A_610 = arith.constant 0 : i32
          %lt3A_611 = arith.cmpi slt, %rem3A_607, %lt3A_610 : i32
          %lt3A_612 = arith.constant 0 : i32
          %lt3A_613 = arith.cmpi slt, %select_n3A_606, %lt3A_612 : i32
          %ne3A_614 = arith.xori %lt3A_611, %lt3A_613 : i1
          %and3A_615 = arith.andi %ne3A_614, %ne3A_609 : i1
          %add3A_616 = arith.addi %rem3A_607, %select_n3A_606 : i32
          %select_n3A_617 = arith.select %and3A_615, %add3A_616, %rem3A_607 : i32
          %dma_wait3A_618 = arith.constant 0 : i32
          %dma_wait3A_619 = tpu.memref_slice %arg8[%select_n3A_601, %select_n3A_617, %dma_wait3A_618] : memref<3x25x40xi32, #tpu.memory_space<vmem>> -> memref<1x1x40xi32, #tpu.memory_space<vmem>>
          %dma_wait3A_620 = tpu.memref_squeeze %dma_wait3A_619 : memref<1x1x40xi32, #tpu.memory_space<vmem>> -> memref<40xi32, #tpu.memory_space<vmem>>
          %dma_wait3A_621 = arith.constant 0 : i32
          %dma_wait3A_622 = arith.constant 0 : i32
          %dma_wait3A_623 = tpu.memref_slice %arg18[%dma_wait3A_621, %dma_wait3A_622] : memref<10000x128xf32, #tpu.memory_space<vmem_shared>> -> memref<10000x128xf32, #tpu.memory_space<vmem_shared>>
          tpu.wait_indirect_dma semaphore(%arg23 : memref<!tpu.dma_semaphore, #tpu.memory_space<semaphore_mem>>) src(%arg14 : memref<40x128xf32, #tpu.memory_space<vmem>>) dst(%dma_wait3A_623 : memref<10000x128xf32, #tpu.memory_space<vmem_shared>>)
        } else {
        }
        %add3A_525 = arith.constant 3 : i32
        %add3A_526 = arith.addi %add3A_177, %add3A_525 : i32
        %jit3A_527 = arith.constant 25 : i32
        %eq3A_528 = arith.constant 0 : i32
        %eq3A_529 = arith.cmpi eq, %jit3A_527, %eq3A_528 : i32
        %jit3A_530 = arith.constant 1 : i32
        %select_n3A_531 = arith.select %eq3A_529, %jit3A_530, %jit3A_527 : i32
        %rem3A_532 = arith.remsi %add3A_526, %select_n3A_531 : i32
        %ne3A_533 = arith.constant 0 : i32
        %ne3A_534 = arith.cmpi ne, %rem3A_532, %ne3A_533 : i32
        %lt3A_535 = arith.constant 0 : i32
        %lt3A_536 = arith.cmpi slt, %rem3A_532, %lt3A_535 : i32
        %lt3A_537 = arith.constant 0 : i32
        %lt3A_538 = arith.cmpi slt, %select_n3A_531, %lt3A_537 : i32
        %ne3A_539 = arith.xori %lt3A_536, %lt3A_538 : i1
        %and3A_540 = arith.andi %ne3A_539, %ne3A_534 : i1
        %add3A_541 = arith.addi %rem3A_532, %select_n3A_531 : i32
        %select_n3A_542 = arith.select %and3A_540, %add3A_541, %rem3A_532 : i32
        %eq3A_543 = arith.constant 0 : i32
        %eq3A_544 = arith.cmpi eq, %select_n3A_542, %eq3A_543 : i32
        %add3A_545 = arith.constant 3 : i32
        %add3A_546 = arith.addi %add3A_177, %add3A_545 : i32
        %lt3A_547 = arith.constant 250 : i32
        %lt3A_548 = arith.cmpi slt, %add3A_546, %lt3A_547 : i32
        %and3A_549 = arith.andi %eq3A_544, %lt3A_548 : i1
        %convert_element_type3A_550 = arith.extui %and3A_549 : i1 to i32
        %cond3A_551 = arith.constant 0 : i32
        %cond3A_552 = arith.cmpi ne, %convert_element_type3A_550, %cond3A_551 : i32
        scf.if %cond3A_552 {
          %add3A_560 = arith.constant 3 : i32
          %add3A_561 = arith.addi %add3A_177, %add3A_560 : i32
          %jit3A_562 = arith.constant 25 : i32
          %div3A_563 = arith.divsi %add3A_561, %jit3A_562 : i32
          %sign3A_564 = arith.constant 0 : i32
          %sign3A_565 = arith.cmpi sgt, %add3A_561, %sign3A_564 : i32
          %sign3A_566 = arith.extui %sign3A_565 : i1 to i32
          %sign3A_567 = arith.constant 0 : i32
          %sign3A_568 = arith.cmpi slt, %add3A_561, %sign3A_567 : i32
          %sign3A_569 = arith.extui %sign3A_568 : i1 to i32
          %sign3A_570 = arith.subi %sign3A_566, %sign3A_569 : i32
          %sign3A_571 = arith.constant 0 : i32
          %sign3A_572 = arith.cmpi sgt, %jit3A_562, %sign3A_571 : i32
          %sign3A_573 = arith.extui %sign3A_572 : i1 to i32
          %sign3A_574 = arith.constant 0 : i32
          %sign3A_575 = arith.cmpi slt, %jit3A_562, %sign3A_574 : i32
          %sign3A_576 = arith.extui %sign3A_575 : i1 to i32
          %sign3A_577 = arith.subi %sign3A_573, %sign3A_576 : i32
          %ne3A_578 = arith.cmpi ne, %sign3A_570, %sign3A_577 : i32
          %rem3A_579 = arith.remsi %add3A_561, %jit3A_562 : i32
          %ne3A_580 = arith.constant 0 : i32
          %ne3A_581 = arith.cmpi ne, %rem3A_579, %ne3A_580 : i32
          %and3A_582 = arith.andi %ne3A_578, %ne3A_581 : i1
          %sub3A_583 = arith.constant 1 : i32
          %sub3A_584 = arith.subi %div3A_563, %sub3A_583 : i32
          %select_n3A_585 = arith.select %and3A_582, %sub3A_584, %div3A_563 : i32
          %jit3A_586 = arith.constant 3 : i32
          %eq3A_587 = arith.constant 0 : i32
          %eq3A_588 = arith.cmpi eq, %jit3A_586, %eq3A_587 : i32
          %jit3A_589 = arith.constant 1 : i32
          %select_n3A_590 = arith.select %eq3A_588, %jit3A_589, %jit3A_586 : i32
          %rem3A_591 = arith.remsi %select_n3A_585, %select_n3A_590 : i32
          %ne3A_592 = arith.constant 0 : i32
          %ne3A_593 = arith.cmpi ne, %rem3A_591, %ne3A_592 : i32
          %lt3A_594 = arith.constant 0 : i32
          %lt3A_595 = arith.cmpi slt, %rem3A_591, %lt3A_594 : i32
          %lt3A_596 = arith.constant 0 : i32
          %lt3A_597 = arith.cmpi slt, %select_n3A_590, %lt3A_596 : i32
          %ne3A_598 = arith.xori %lt3A_595, %lt3A_597 : i1
          %and3A_599 = arith.andi %ne3A_598, %ne3A_593 : i1
          %add3A_600 = arith.addi %rem3A_591, %select_n3A_590 : i32
          %select_n3A_601 = arith.select %and3A_599, %add3A_600, %rem3A_591 : i32
          "tpu.region"() ({
            %run_scoped3A_602 = tpu.sem_alloc : memref<!tpu.dma_semaphore, #tpu.memory_space<semaphore_mem>>
            %dma_start3A_603 = arith.constant 0 : i32
            %dma_start3A_604 = arith.constant 0 : i32
            %dma_start3A_605 = tpu.memref_slice %arg8[%select_n3A_601, %dma_start3A_603, %dma_start3A_604] : memref<3x25x40xi32, #tpu.memory_space<vmem>> -> memref<1x25x40xi32, #tpu.memory_space<vmem>>
            %dma_start3A_606 = tpu.memref_squeeze %dma_start3A_605 : memref<1x25x40xi32, #tpu.memory_space<vmem>> -> memref<25x40xi32, #tpu.memory_space<vmem>>
            %dma_start3A_607 = arith.constant 0 : i32
            %dma_start3A_608 = tpu.memref_slice %arg4[%add3A, %add3A_561, %dma_start3A_607] : memref<32x250x40xi32, #tpu.memory_space<hbm>> -> memref<1x25x40xi32, #tpu.memory_space<hbm>>
            %dma_start3A_609 = tpu.memref_squeeze %dma_start3A_608 : memref<1x25x40xi32, #tpu.memory_space<hbm>> -> memref<25x40xi32, #tpu.memory_space<hbm>>
            %dma_start3A_610 = arith.constant 0 : i32
            %dma_start3A_611 = arith.constant 0 : i32
            %dma_start3A_612 = tpu.memref_slice %arg8[%select_n3A_601, %dma_start3A_610, %dma_start3A_611] : memref<3x25x40xi32, #tpu.memory_space<vmem>> -> memref<1x25x40xi32, #tpu.memory_space<vmem>>
            %dma_start3A_613 = tpu.memref_squeeze %dma_start3A_612 : memref<1x25x40xi32, #tpu.memory_space<vmem>> -> memref<25x40xi32, #tpu.memory_space<vmem>>
            %dma_start3A_614 = arith.constant 0 : i32
            %dma_start3A_615 = tpu.memref_slice %arg4[%add3A, %add3A_561, %dma_start3A_614] : memref<32x250x40xi32, #tpu.memory_space<hbm>> -> memref<1x25x40xi32, #tpu.memory_space<hbm>>
            %dma_start3A_616 = tpu.memref_squeeze %dma_start3A_615 : memref<1x25x40xi32, #tpu.memory_space<hbm>> -> memref<25x40xi32, #tpu.memory_space<hbm>>
            tpu.enqueue_dma source(%dma_start3A_616 : memref<25x40xi32, #tpu.memory_space<hbm>>) target(%dma_start3A_613 : memref<25x40xi32, #tpu.memory_space<vmem>>) target_semaphore(%run_scoped3A_602 : memref<!tpu.dma_semaphore, #tpu.memory_space<semaphore_mem>>)
            %dma_wait3A_617 = arith.constant 0 : i32
            %dma_wait3A_618 = arith.constant 0 : i32
            %dma_wait3A_619 = tpu.memref_slice %arg8[%select_n3A_601, %dma_wait3A_617, %dma_wait3A_618] : memref<3x25x40xi32, #tpu.memory_space<vmem>> -> memref<1x25x40xi32, #tpu.memory_space<vmem>>
            %dma_wait3A_620 = tpu.memref_squeeze %dma_wait3A_619 : memref<1x25x40xi32, #tpu.memory_space<vmem>> -> memref<25x40xi32, #tpu.memory_space<vmem>>
            %dma_wait3A_621 = arith.constant 0 : i32
            %dma_wait3A_622 = tpu.memref_slice %arg4[%add3A, %add3A_561, %dma_wait3A_621] : memref<32x250x40xi32, #tpu.memory_space<hbm>> -> memref<1x25x40xi32, #tpu.memory_space<hbm>>
            %dma_wait3A_623 = tpu.memref_squeeze %dma_wait3A_622 : memref<1x25x40xi32, #tpu.memory_space<hbm>> -> memref<25x40xi32, #tpu.memory_space<hbm>>
            %dma_wait3A_624 = arith.constant 0 : i32
            %dma_wait3A_625 = arith.constant 0 : i32
            %dma_wait3A_626 = tpu.memref_slice %arg8[%select_n3A_601, %dma_wait3A_624, %dma_wait3A_625] : memref<3x25x40xi32, #tpu.memory_space<vmem>> -> memref<1x25x40xi32, #tpu.memory_space<vmem>>
            %dma_wait3A_627 = tpu.memref_squeeze %dma_wait3A_626 : memref<1x25x40xi32, #tpu.memory_space<vmem>> -> memref<25x40xi32, #tpu.memory_space<vmem>>
            %dma_wait3A_628 = arith.constant 0 : i32
            %dma_wait3A_629 = tpu.memref_slice %arg4[%add3A, %add3A_561, %dma_wait3A_628] : memref<32x250x40xi32, #tpu.memory_space<hbm>> -> memref<1x25x40xi32, #tpu.memory_space<hbm>>
            %dma_wait3A_630 = tpu.memref_squeeze %dma_wait3A_629 : memref<1x25x40xi32, #tpu.memory_space<hbm>> -> memref<25x40xi32, #tpu.memory_space<hbm>>
            tpu.wait_dma2 semaphore(%run_scoped3A_602 : memref<!tpu.dma_semaphore, #tpu.memory_space<semaphore_mem>>) src(%dma_wait3A_630 : memref<25x40xi32, #tpu.memory_space<hbm>>) dst(%dma_wait3A_627 : memref<25x40xi32, #tpu.memory_space<vmem>>)
            tpu.yield
          }) : () -> ()
          "tpu.region"() ({
            %run_scoped3A_602 = tpu.sem_alloc : memref<!tpu.dma_semaphore, #tpu.memory_space<semaphore_mem>>
            %dma_start3A_603 = arith.constant 0 : i32
            %dma_start3A_604 = arith.constant 0 : i32
            %dma_start3A_605 = tpu.memref_slice %arg9[%select_n3A_601, %dma_start3A_603, %dma_start3A_604] : memref<3x25x40xi32, #tpu.memory_space<vmem>> -> memref<1x25x40xi32, #tpu.memory_space<vmem>>
            %dma_start3A_606 = tpu.memref_squeeze %dma_start3A_605 : memref<1x25x40xi32, #tpu.memory_space<vmem>> -> memref<25x40xi32, #tpu.memory_space<vmem>>
            %dma_start3A_607 = arith.constant 0 : i32
            %dma_start3A_608 = tpu.memref_slice %arg5[%add3A, %add3A_561, %dma_start3A_607] : memref<32x250x40xi32, #tpu.memory_space<hbm>> -> memref<1x25x40xi32, #tpu.memory_space<hbm>>
            %dma_start3A_609 = tpu.memref_squeeze %dma_start3A_608 : memref<1x25x40xi32, #tpu.memory_space<hbm>> -> memref<25x40xi32, #tpu.memory_space<hbm>>
            %dma_start3A_610 = arith.constant 0 : i32
            %dma_start3A_611 = arith.constant 0 : i32
            %dma_start3A_612 = tpu.memref_slice %arg9[%select_n3A_601, %dma_start3A_610, %dma_start3A_611] : memref<3x25x40xi32, #tpu.memory_space<vmem>> -> memref<1x25x40xi32, #tpu.memory_space<vmem>>
            %dma_start3A_613 = tpu.memref_squeeze %dma_start3A_612 : memref<1x25x40xi32, #tpu.memory_space<vmem>> -> memref<25x40xi32, #tpu.memory_space<vmem>>
            %dma_start3A_614 = arith.constant 0 : i32
            %dma_start3A_615 = tpu.memref_slice %arg5[%add3A, %add3A_561, %dma_start3A_614] : memref<32x250x40xi32, #tpu.memory_space<hbm>> -> memref<1x25x40xi32, #tpu.memory_space<hbm>>
            %dma_start3A_616 = tpu.memref_squeeze %dma_start3A_615 : memref<1x25x40xi32, #tpu.memory_space<hbm>> -> memref<25x40xi32, #tpu.memory_space<hbm>>
            tpu.enqueue_dma source(%dma_start3A_616 : memref<25x40xi32, #tpu.memory_space<hbm>>) target(%dma_start3A_613 : memref<25x40xi32, #tpu.memory_space<vmem>>) target_semaphore(%run_scoped3A_602 : memref<!tpu.dma_semaphore, #tpu.memory_space<semaphore_mem>>)
            %dma_wait3A_617 = arith.constant 0 : i32
            %dma_wait3A_618 = arith.constant 0 : i32
            %dma_wait3A_619 = tpu.memref_slice %arg9[%select_n3A_601, %dma_wait3A_617, %dma_wait3A_618] : memref<3x25x40xi32, #tpu.memory_space<vmem>> -> memref<1x25x40xi32, #tpu.memory_space<vmem>>
            %dma_wait3A_620 = tpu.memref_squeeze %dma_wait3A_619 : memref<1x25x40xi32, #tpu.memory_space<vmem>> -> memref<25x40xi32, #tpu.memory_space<vmem>>
            %dma_wait3A_621 = arith.constant 0 : i32
            %dma_wait3A_622 = tpu.memref_slice %arg5[%add3A, %add3A_561, %dma_wait3A_621] : memref<32x250x40xi32, #tpu.memory_space<hbm>> -> memref<1x25x40xi32, #tpu.memory_space<hbm>>
            %dma_wait3A_623 = tpu.memref_squeeze %dma_wait3A_622 : memref<1x25x40xi32, #tpu.memory_space<hbm>> -> memref<25x40xi32, #tpu.memory_space<hbm>>
            %dma_wait3A_624 = arith.constant 0 : i32
            %dma_wait3A_625 = arith.constant 0 : i32
            %dma_wait3A_626 = tpu.memref_slice %arg9[%select_n3A_601, %dma_wait3A_624, %dma_wait3A_625] : memref<3x25x40xi32, #tpu.memory_space<vmem>> -> memref<1x25x40xi32, #tpu.memory_space<vmem>>
            %dma_wait3A_627 = tpu.memref_squeeze %dma_wait3A_626 : memref<1x25x40xi32, #tpu.memory_space<vmem>> -> memref<25x40xi32, #tpu.memory_space<vmem>>
            %dma_wait3A_628 = arith.constant 0 : i32
            %dma_wait3A_629 = tpu.memref_slice %arg5[%add3A, %add3A_561, %dma_wait3A_628] : memref<32x250x40xi32, #tpu.memory_space<hbm>> -> memref<1x25x40xi32, #tpu.memory_space<hbm>>
            %dma_wait3A_630 = tpu.memref_squeeze %dma_wait3A_629 : memref<1x25x40xi32, #tpu.memory_space<hbm>> -> memref<25x40xi32, #tpu.memory_space<hbm>>
            tpu.wait_dma2 semaphore(%run_scoped3A_602 : memref<!tpu.dma_semaphore, #tpu.memory_space<semaphore_mem>>) src(%dma_wait3A_630 : memref<25x40xi32, #tpu.memory_space<hbm>>) dst(%dma_wait3A_627 : memref<25x40xi32, #tpu.memory_space<vmem>>)
            tpu.yield
          }) : () -> ()
        } else {
        }
        %add3A_553 = arith.constant 3 : i32
        %add3A_554 = arith.addi %add3A_177, %add3A_553 : i32
        %lt3A_555 = arith.constant 250 : i32
        %lt3A_556 = arith.cmpi slt, %add3A_554, %lt3A_555 : i32
        %convert_element_type3A_557 = arith.extui %lt3A_556 : i1 to i32
        %cond3A_558 = arith.constant 0 : i32
        %cond3A_559 = arith.cmpi ne, %convert_element_type3A_557, %cond3A_558 : i32
        scf.if %cond3A_559 {
          %add3A_560 = arith.constant 3 : i32
          %add3A_561 = arith.addi %add3A_177, %add3A_560 : i32
          %jit3A_562 = arith.constant 25 : i32
          %div3A_563 = arith.divsi %add3A_561, %jit3A_562 : i32
          %sign3A_564 = arith.constant 0 : i32
          %sign3A_565 = arith.cmpi sgt, %add3A_561, %sign3A_564 : i32
          %sign3A_566 = arith.extui %sign3A_565 : i1 to i32
          %sign3A_567 = arith.constant 0 : i32
          %sign3A_568 = arith.cmpi slt, %add3A_561, %sign3A_567 : i32
          %sign3A_569 = arith.extui %sign3A_568 : i1 to i32
          %sign3A_570 = arith.subi %sign3A_566, %sign3A_569 : i32
          %sign3A_571 = arith.constant 0 : i32
          %sign3A_572 = arith.cmpi sgt, %jit3A_562, %sign3A_571 : i32
          %sign3A_573 = arith.extui %sign3A_572 : i1 to i32
          %sign3A_574 = arith.constant 0 : i32
          %sign3A_575 = arith.cmpi slt, %jit3A_562, %sign3A_574 : i32
          %sign3A_576 = arith.extui %sign3A_575 : i1 to i32
          %sign3A_577 = arith.subi %sign3A_573, %sign3A_576 : i32
          %ne3A_578 = arith.cmpi ne, %sign3A_570, %sign3A_577 : i32
          %rem3A_579 = arith.remsi %add3A_561, %jit3A_562 : i32
          %ne3A_580 = arith.constant 0 : i32
          %ne3A_581 = arith.cmpi ne, %rem3A_579, %ne3A_580 : i32
          %and3A_582 = arith.andi %ne3A_578, %ne3A_581 : i1
          %sub3A_583 = arith.constant 1 : i32
          %sub3A_584 = arith.subi %div3A_563, %sub3A_583 : i32
          %select_n3A_585 = arith.select %and3A_582, %sub3A_584, %div3A_563 : i32
          %jit3A_586 = arith.constant 3 : i32
          %eq3A_587 = arith.constant 0 : i32
          %eq3A_588 = arith.cmpi eq, %jit3A_586, %eq3A_587 : i32
          %jit3A_589 = arith.constant 1 : i32
          %select_n3A_590 = arith.select %eq3A_588, %jit3A_589, %jit3A_586 : i32
          %rem3A_591 = arith.remsi %select_n3A_585, %select_n3A_590 : i32
          %ne3A_592 = arith.constant 0 : i32
          %ne3A_593 = arith.cmpi ne, %rem3A_591, %ne3A_592 : i32
          %lt3A_594 = arith.constant 0 : i32
          %lt3A_595 = arith.cmpi slt, %rem3A_591, %lt3A_594 : i32
          %lt3A_596 = arith.constant 0 : i32
          %lt3A_597 = arith.cmpi slt, %select_n3A_590, %lt3A_596 : i32
          %ne3A_598 = arith.xori %lt3A_595, %lt3A_597 : i1
          %and3A_599 = arith.andi %ne3A_598, %ne3A_593 : i1
          %add3A_600 = arith.addi %rem3A_591, %select_n3A_590 : i32
          %select_n3A_601 = arith.select %and3A_599, %add3A_600, %rem3A_591 : i32
          %jit3A_602 = arith.constant 25 : i32
          %eq3A_603 = arith.constant 0 : i32
          %eq3A_604 = arith.cmpi eq, %jit3A_602, %eq3A_603 : i32
          %jit3A_605 = arith.constant 1 : i32
          %select_n3A_606 = arith.select %eq3A_604, %jit3A_605, %jit3A_602 : i32
          %rem3A_607 = arith.remsi %add3A_561, %select_n3A_606 : i32
          %ne3A_608 = arith.constant 0 : i32
          %ne3A_609 = arith.cmpi ne, %rem3A_607, %ne3A_608 : i32
          %lt3A_610 = arith.constant 0 : i32
          %lt3A_611 = arith.cmpi slt, %rem3A_607, %lt3A_610 : i32
          %lt3A_612 = arith.constant 0 : i32
          %lt3A_613 = arith.cmpi slt, %select_n3A_606, %lt3A_612 : i32
          %ne3A_614 = arith.xori %lt3A_611, %lt3A_613 : i1
          %and3A_615 = arith.andi %ne3A_614, %ne3A_609 : i1
          %add3A_616 = arith.addi %rem3A_607, %select_n3A_606 : i32
          %select_n3A_617 = arith.select %and3A_615, %add3A_616, %rem3A_607 : i32
          %dma_start3A_618 = arith.constant 0 : i32
          %dma_start3A_619 = arith.constant 0 : i32
          %dma_start3A_620 = tpu.memref_slice %arg10[%dma_start3A_618, %dma_start3A_619] : memref<40x128xf32, #tpu.memory_space<vmem>> -> memref<24x128xf32, #tpu.memory_space<vmem>>
          %dma_start3A_621 = arith.constant 0 : i32
          %dma_start3A_622 = tpu.memref_slice %arg8[%select_n3A_601, %select_n3A_617, %dma_start3A_621] : memref<3x25x40xi32, #tpu.memory_space<vmem>> -> memref<1x1x24xi32, #tpu.memory_space<vmem>>
          %dma_start3A_623 = tpu.memref_squeeze %dma_start3A_622 : memref<1x1x24xi32, #tpu.memory_space<vmem>> -> memref<24xi32, #tpu.memory_space<vmem>>
          %dma_start3A_624 = arith.constant 0 : i32
          %dma_start3A_625 = arith.constant 0 : i32
          %dma_start3A_626 = tpu.memref_slice %arg2[%dma_start3A_624, %dma_start3A_625] : memref<10000x128xf32, #tpu.memory_space<hbm>> -> memref<10000x128xf32, #tpu.memory_space<hbm>>
          tpu.enqueue_indirect_dma source(%dma_start3A_626 : memref<10000x128xf32, #tpu.memory_space<hbm>>) target(%dma_start3A_620 : memref<24x128xf32, #tpu.memory_space<vmem>>) offsets(%dma_start3A_623 : memref<24xi32, #tpu.memory_space<vmem>>) semaphore(%arg19 : memref<!tpu.dma_semaphore, #tpu.memory_space<semaphore_mem>>)
          %jit3A_627 = arith.constant 25 : i32
          %div3A_628 = arith.divsi %add3A_561, %jit3A_627 : i32
          %sign3A_629 = arith.constant 0 : i32
          %sign3A_630 = arith.cmpi sgt, %add3A_561, %sign3A_629 : i32
          %sign3A_631 = arith.extui %sign3A_630 : i1 to i32
          %sign3A_632 = arith.constant 0 : i32
          %sign3A_633 = arith.cmpi slt, %add3A_561, %sign3A_632 : i32
          %sign3A_634 = arith.extui %sign3A_633 : i1 to i32
          %sign3A_635 = arith.subi %sign3A_631, %sign3A_634 : i32
          %sign3A_636 = arith.constant 0 : i32
          %sign3A_637 = arith.cmpi sgt, %jit3A_627, %sign3A_636 : i32
          %sign3A_638 = arith.extui %sign3A_637 : i1 to i32
          %sign3A_639 = arith.constant 0 : i32
          %sign3A_640 = arith.cmpi slt, %jit3A_627, %sign3A_639 : i32
          %sign3A_641 = arith.extui %sign3A_640 : i1 to i32
          %sign3A_642 = arith.subi %sign3A_638, %sign3A_641 : i32
          %ne3A_643 = arith.cmpi ne, %sign3A_635, %sign3A_642 : i32
          %rem3A_644 = arith.remsi %add3A_561, %jit3A_627 : i32
          %ne3A_645 = arith.constant 0 : i32
          %ne3A_646 = arith.cmpi ne, %rem3A_644, %ne3A_645 : i32
          %and3A_647 = arith.andi %ne3A_643, %ne3A_646 : i1
          %sub3A_648 = arith.constant 1 : i32
          %sub3A_649 = arith.subi %div3A_628, %sub3A_648 : i32
          %select_n3A_650 = arith.select %and3A_647, %sub3A_649, %div3A_628 : i32
          %jit3A_651 = arith.constant 3 : i32
          %eq3A_652 = arith.constant 0 : i32
          %eq3A_653 = arith.cmpi eq, %jit3A_651, %eq3A_652 : i32
          %jit3A_654 = arith.constant 1 : i32
          %select_n3A_655 = arith.select %eq3A_653, %jit3A_654, %jit3A_651 : i32
          %rem3A_656 = arith.remsi %select_n3A_650, %select_n3A_655 : i32
          %ne3A_657 = arith.constant 0 : i32
          %ne3A_658 = arith.cmpi ne, %rem3A_656, %ne3A_657 : i32
          %lt3A_659 = arith.constant 0 : i32
          %lt3A_660 = arith.cmpi slt, %rem3A_656, %lt3A_659 : i32
          %lt3A_661 = arith.constant 0 : i32
          %lt3A_662 = arith.cmpi slt, %select_n3A_655, %lt3A_661 : i32
          %ne3A_663 = arith.xori %lt3A_660, %lt3A_662 : i1
          %and3A_664 = arith.andi %ne3A_663, %ne3A_658 : i1
          %add3A_665 = arith.addi %rem3A_656, %select_n3A_655 : i32
          %select_n3A_666 = arith.select %and3A_664, %add3A_665, %rem3A_656 : i32
          %jit3A_667 = arith.constant 25 : i32
          %eq3A_668 = arith.constant 0 : i32
          %eq3A_669 = arith.cmpi eq, %jit3A_667, %eq3A_668 : i32
          %jit3A_670 = arith.constant 1 : i32
          %select_n3A_671 = arith.select %eq3A_669, %jit3A_670, %jit3A_667 : i32
          %rem3A_672 = arith.remsi %add3A_561, %select_n3A_671 : i32
          %ne3A_673 = arith.constant 0 : i32
          %ne3A_674 = arith.cmpi ne, %rem3A_672, %ne3A_673 : i32
          %lt3A_675 = arith.constant 0 : i32
          %lt3A_676 = arith.cmpi slt, %rem3A_672, %lt3A_675 : i32
          %lt3A_677 = arith.constant 0 : i32
          %lt3A_678 = arith.cmpi slt, %select_n3A_671, %lt3A_677 : i32
          %ne3A_679 = arith.xori %lt3A_676, %lt3A_678 : i1
          %and3A_680 = arith.andi %ne3A_679, %ne3A_674 : i1
          %add3A_681 = arith.addi %rem3A_672, %select_n3A_671 : i32
          %select_n3A_682 = arith.select %and3A_680, %add3A_681, %rem3A_672 : i32
          %dma_start3A_683 = arith.constant 0 : i32
          %dma_start3A_684 = arith.constant 0 : i32
          %dma_start3A_685 = tpu.memref_slice %arg14[%dma_start3A_683, %dma_start3A_684] : memref<40x128xf32, #tpu.memory_space<vmem>> -> memref<24x128xf32, #tpu.memory_space<vmem>>
          %dma_start3A_686 = arith.constant 0 : i32
          %dma_start3A_687 = tpu.memref_slice %arg9[%select_n3A_666, %select_n3A_682, %dma_start3A_686] : memref<3x25x40xi32, #tpu.memory_space<vmem>> -> memref<1x1x24xi32, #tpu.memory_space<vmem>>
          %dma_start3A_688 = tpu.memref_squeeze %dma_start3A_687 : memref<1x1x24xi32, #tpu.memory_space<vmem>> -> memref<24xi32, #tpu.memory_space<vmem>>
          %dma_start3A_689 = arith.constant 0 : i32
          %dma_start3A_690 = arith.constant 0 : i32
          %dma_start3A_691 = tpu.memref_slice %arg3[%dma_start3A_689, %dma_start3A_690] : memref<10000x128xf32, #tpu.memory_space<hbm>> -> memref<10000x128xf32, #tpu.memory_space<hbm>>
          tpu.enqueue_indirect_dma source(%dma_start3A_691 : memref<10000x128xf32, #tpu.memory_space<hbm>>) target(%dma_start3A_685 : memref<24x128xf32, #tpu.memory_space<vmem>>) offsets(%dma_start3A_688 : memref<24xi32, #tpu.memory_space<vmem>>) semaphore(%arg19 : memref<!tpu.dma_semaphore, #tpu.memory_space<semaphore_mem>>)
          %jit3A_692 = arith.constant 25 : i32
          %div3A_693 = arith.divsi %add3A_561, %jit3A_692 : i32
          %sign3A_694 = arith.constant 0 : i32
          %sign3A_695 = arith.cmpi sgt, %add3A_561, %sign3A_694 : i32
          %sign3A_696 = arith.extui %sign3A_695 : i1 to i32
          %sign3A_697 = arith.constant 0 : i32
          %sign3A_698 = arith.cmpi slt, %add3A_561, %sign3A_697 : i32
          %sign3A_699 = arith.extui %sign3A_698 : i1 to i32
          %sign3A_700 = arith.subi %sign3A_696, %sign3A_699 : i32
          %sign3A_701 = arith.constant 0 : i32
          %sign3A_702 = arith.cmpi sgt, %jit3A_692, %sign3A_701 : i32
          %sign3A_703 = arith.extui %sign3A_702 : i1 to i32
          %sign3A_704 = arith.constant 0 : i32
          %sign3A_705 = arith.cmpi slt, %jit3A_692, %sign3A_704 : i32
          %sign3A_706 = arith.extui %sign3A_705 : i1 to i32
          %sign3A_707 = arith.subi %sign3A_703, %sign3A_706 : i32
          %ne3A_708 = arith.cmpi ne, %sign3A_700, %sign3A_707 : i32
          %rem3A_709 = arith.remsi %add3A_561, %jit3A_692 : i32
          %ne3A_710 = arith.constant 0 : i32
          %ne3A_711 = arith.cmpi ne, %rem3A_709, %ne3A_710 : i32
          %and3A_712 = arith.andi %ne3A_708, %ne3A_711 : i1
          %sub3A_713 = arith.constant 1 : i32
          %sub3A_714 = arith.subi %div3A_693, %sub3A_713 : i32
          %select_n3A_715 = arith.select %and3A_712, %sub3A_714, %div3A_693 : i32
          %jit3A_716 = arith.constant 3 : i32
          %eq3A_717 = arith.constant 0 : i32
          %eq3A_718 = arith.cmpi eq, %jit3A_716, %eq3A_717 : i32
          %jit3A_719 = arith.constant 1 : i32
          %select_n3A_720 = arith.select %eq3A_718, %jit3A_719, %jit3A_716 : i32
          %rem3A_721 = arith.remsi %select_n3A_715, %select_n3A_720 : i32
          %ne3A_722 = arith.constant 0 : i32
          %ne3A_723 = arith.cmpi ne, %rem3A_721, %ne3A_722 : i32
          %lt3A_724 = arith.constant 0 : i32
          %lt3A_725 = arith.cmpi slt, %rem3A_721, %lt3A_724 : i32
          %lt3A_726 = arith.constant 0 : i32
          %lt3A_727 = arith.cmpi slt, %select_n3A_720, %lt3A_726 : i32
          %ne3A_728 = arith.xori %lt3A_725, %lt3A_727 : i1
          %and3A_729 = arith.andi %ne3A_728, %ne3A_723 : i1
          %add3A_730 = arith.addi %rem3A_721, %select_n3A_720 : i32
          %select_n3A_731 = arith.select %and3A_729, %add3A_730, %rem3A_721 : i32
          %jit3A_732 = arith.constant 25 : i32
          %eq3A_733 = arith.constant 0 : i32
          %eq3A_734 = arith.cmpi eq, %jit3A_732, %eq3A_733 : i32
          %jit3A_735 = arith.constant 1 : i32
          %select_n3A_736 = arith.select %eq3A_734, %jit3A_735, %jit3A_732 : i32
          %rem3A_737 = arith.remsi %add3A_561, %select_n3A_736 : i32
          %ne3A_738 = arith.constant 0 : i32
          %ne3A_739 = arith.cmpi ne, %rem3A_737, %ne3A_738 : i32
          %lt3A_740 = arith.constant 0 : i32
          %lt3A_741 = arith.cmpi slt, %rem3A_737, %lt3A_740 : i32
          %lt3A_742 = arith.constant 0 : i32
          %lt3A_743 = arith.cmpi slt, %select_n3A_736, %lt3A_742 : i32
          %ne3A_744 = arith.xori %lt3A_741, %lt3A_743 : i1
          %and3A_745 = arith.andi %ne3A_744, %ne3A_739 : i1
          %add3A_746 = arith.addi %rem3A_737, %select_n3A_736 : i32
          %select_n3A_747 = arith.select %and3A_745, %add3A_746, %rem3A_737 : i32
          %dma_start3A_748 = arith.constant 24 : i32
          %dma_start3A_749 = arith.constant 0 : i32
          %dma_start3A_750 = tpu.memref_slice %arg10[%dma_start3A_748, %dma_start3A_749] : memref<40x128xf32, #tpu.memory_space<vmem>> -> memref<16x128xf32, #tpu.memory_space<vmem>>
          %dma_start3A_751 = arith.constant 24 : i32
          %dma_start3A_752 = tpu.memref_slice %arg8[%select_n3A_731, %select_n3A_747, %dma_start3A_751] : memref<3x25x40xi32, #tpu.memory_space<vmem>> -> memref<1x1x16xi32, #tpu.memory_space<vmem>>
          %dma_start3A_753 = tpu.memref_squeeze %dma_start3A_752 : memref<1x1x16xi32, #tpu.memory_space<vmem>> -> memref<16xi32, #tpu.memory_space<vmem>>
          %dma_start3A_754 = arith.constant 0 : i32
          %dma_start3A_755 = arith.constant 0 : i32
          %dma_start3A_756 = tpu.memref_slice %arg2[%dma_start3A_754, %dma_start3A_755] : memref<10000x128xf32, #tpu.memory_space<hbm>> -> memref<10000x128xf32, #tpu.memory_space<hbm>>
          tpu.enqueue_indirect_dma source(%dma_start3A_756 : memref<10000x128xf32, #tpu.memory_space<hbm>>) target(%dma_start3A_750 : memref<16x128xf32, #tpu.memory_space<vmem>>) offsets(%dma_start3A_753 : memref<16xi32, #tpu.memory_space<vmem>>) semaphore(%arg19 : memref<!tpu.dma_semaphore, #tpu.memory_space<semaphore_mem>>)
          %jit3A_757 = arith.constant 25 : i32
          %div3A_758 = arith.divsi %add3A_561, %jit3A_757 : i32
          %sign3A_759 = arith.constant 0 : i32
          %sign3A_760 = arith.cmpi sgt, %add3A_561, %sign3A_759 : i32
          %sign3A_761 = arith.extui %sign3A_760 : i1 to i32
          %sign3A_762 = arith.constant 0 : i32
          %sign3A_763 = arith.cmpi slt, %add3A_561, %sign3A_762 : i32
          %sign3A_764 = arith.extui %sign3A_763 : i1 to i32
          %sign3A_765 = arith.subi %sign3A_761, %sign3A_764 : i32
          %sign3A_766 = arith.constant 0 : i32
          %sign3A_767 = arith.cmpi sgt, %jit3A_757, %sign3A_766 : i32
          %sign3A_768 = arith.extui %sign3A_767 : i1 to i32
          %sign3A_769 = arith.constant 0 : i32
          %sign3A_770 = arith.cmpi slt, %jit3A_757, %sign3A_769 : i32
          %sign3A_771 = arith.extui %sign3A_770 : i1 to i32
          %sign3A_772 = arith.subi %sign3A_768, %sign3A_771 : i32
          %ne3A_773 = arith.cmpi ne, %sign3A_765, %sign3A_772 : i32
          %rem3A_774 = arith.remsi %add3A_561, %jit3A_757 : i32
          %ne3A_775 = arith.constant 0 : i32
          %ne3A_776 = arith.cmpi ne, %rem3A_774, %ne3A_775 : i32
          %and3A_777 = arith.andi %ne3A_773, %ne3A_776 : i1
          %sub3A_778 = arith.constant 1 : i32
          %sub3A_779 = arith.subi %div3A_758, %sub3A_778 : i32
          %select_n3A_780 = arith.select %and3A_777, %sub3A_779, %div3A_758 : i32
          %jit3A_781 = arith.constant 3 : i32
          %eq3A_782 = arith.constant 0 : i32
          %eq3A_783 = arith.cmpi eq, %jit3A_781, %eq3A_782 : i32
          %jit3A_784 = arith.constant 1 : i32
          %select_n3A_785 = arith.select %eq3A_783, %jit3A_784, %jit3A_781 : i32
          %rem3A_786 = arith.remsi %select_n3A_780, %select_n3A_785 : i32
          %ne3A_787 = arith.constant 0 : i32
          %ne3A_788 = arith.cmpi ne, %rem3A_786, %ne3A_787 : i32
          %lt3A_789 = arith.constant 0 : i32
          %lt3A_790 = arith.cmpi slt, %rem3A_786, %lt3A_789 : i32
          %lt3A_791 = arith.constant 0 : i32
          %lt3A_792 = arith.cmpi slt, %select_n3A_785, %lt3A_791 : i32
          %ne3A_793 = arith.xori %lt3A_790, %lt3A_792 : i1
          %and3A_794 = arith.andi %ne3A_793, %ne3A_788 : i1
          %add3A_795 = arith.addi %rem3A_786, %select_n3A_785 : i32
          %select_n3A_796 = arith.select %and3A_794, %add3A_795, %rem3A_786 : i32
          %jit3A_797 = arith.constant 25 : i32
          %eq3A_798 = arith.constant 0 : i32
          %eq3A_799 = arith.cmpi eq, %jit3A_797, %eq3A_798 : i32
          %jit3A_800 = arith.constant 1 : i32
          %select_n3A_801 = arith.select %eq3A_799, %jit3A_800, %jit3A_797 : i32
          %rem3A_802 = arith.remsi %add3A_561, %select_n3A_801 : i32
          %ne3A_803 = arith.constant 0 : i32
          %ne3A_804 = arith.cmpi ne, %rem3A_802, %ne3A_803 : i32
          %lt3A_805 = arith.constant 0 : i32
          %lt3A_806 = arith.cmpi slt, %rem3A_802, %lt3A_805 : i32
          %lt3A_807 = arith.constant 0 : i32
          %lt3A_808 = arith.cmpi slt, %select_n3A_801, %lt3A_807 : i32
          %ne3A_809 = arith.xori %lt3A_806, %lt3A_808 : i1
          %and3A_810 = arith.andi %ne3A_809, %ne3A_804 : i1
          %add3A_811 = arith.addi %rem3A_802, %select_n3A_801 : i32
          %select_n3A_812 = arith.select %and3A_810, %add3A_811, %rem3A_802 : i32
          %dma_start3A_813 = arith.constant 24 : i32
          %dma_start3A_814 = arith.constant 0 : i32
          %dma_start3A_815 = tpu.memref_slice %arg14[%dma_start3A_813, %dma_start3A_814] : memref<40x128xf32, #tpu.memory_space<vmem>> -> memref<16x128xf32, #tpu.memory_space<vmem>>
          %dma_start3A_816 = arith.constant 24 : i32
          %dma_start3A_817 = tpu.memref_slice %arg9[%select_n3A_796, %select_n3A_812, %dma_start3A_816] : memref<3x25x40xi32, #tpu.memory_space<vmem>> -> memref<1x1x16xi32, #tpu.memory_space<vmem>>
          %dma_start3A_818 = tpu.memref_squeeze %dma_start3A_817 : memref<1x1x16xi32, #tpu.memory_space<vmem>> -> memref<16xi32, #tpu.memory_space<vmem>>
          %dma_start3A_819 = arith.constant 0 : i32
          %dma_start3A_820 = arith.constant 0 : i32
          %dma_start3A_821 = tpu.memref_slice %arg3[%dma_start3A_819, %dma_start3A_820] : memref<10000x128xf32, #tpu.memory_space<hbm>> -> memref<10000x128xf32, #tpu.memory_space<hbm>>
          tpu.enqueue_indirect_dma source(%dma_start3A_821 : memref<10000x128xf32, #tpu.memory_space<hbm>>) target(%dma_start3A_815 : memref<16x128xf32, #tpu.memory_space<vmem>>) offsets(%dma_start3A_818 : memref<16xi32, #tpu.memory_space<vmem>>) semaphore(%arg19 : memref<!tpu.dma_semaphore, #tpu.memory_space<semaphore_mem>>)
        } else {
        }
      } else {
      }
      %mul3A_183 = arith.constant 4 : i32
      %mul3A_184 = arith.muli %mul3A_183, %scan3A_164 : i32
      %add3A_185 = arith.constant 2 : i32
      %add3A_186 = arith.addi %mul3A_184, %add3A_185 : i32
      %lt3A_187 = arith.constant 250 : i32
      %lt3A_188 = arith.cmpi slt, %add3A_186, %lt3A_187 : i32
      %convert_element_type3A_189 = arith.extui %lt3A_188 : i1 to i32
      %cond3A_190 = arith.constant 0 : i32
      %cond3A_191 = arith.cmpi ne, %convert_element_type3A_189, %cond3A_190 : i32
      scf.if %cond3A_191 {
        %jit3A = arith.constant 25 : i32
        %div3A = arith.divsi %add3A_186, %jit3A : i32
        %sign3A = arith.constant 0 : i32
        %sign3A_201 = arith.cmpi sgt, %add3A_186, %sign3A : i32
        %sign3A_202 = arith.extui %sign3A_201 : i1 to i32
        %sign3A_203 = arith.constant 0 : i32
        %sign3A_204 = arith.cmpi slt, %add3A_186, %sign3A_203 : i32
        %sign3A_205 = arith.extui %sign3A_204 : i1 to i32
        %sign3A_206 = arith.subi %sign3A_202, %sign3A_205 : i32
        %sign3A_207 = arith.constant 0 : i32
        %sign3A_208 = arith.cmpi sgt, %jit3A, %sign3A_207 : i32
        %sign3A_209 = arith.extui %sign3A_208 : i1 to i32
        %sign3A_210 = arith.constant 0 : i32
        %sign3A_211 = arith.cmpi slt, %jit3A, %sign3A_210 : i32
        %sign3A_212 = arith.extui %sign3A_211 : i1 to i32
        %sign3A_213 = arith.subi %sign3A_209, %sign3A_212 : i32
        %ne3A = arith.cmpi ne, %sign3A_206, %sign3A_213 : i32
        %rem3A = arith.remsi %add3A_186, %jit3A : i32
        %ne3A_214 = arith.constant 0 : i32
        %ne3A_215 = arith.cmpi ne, %rem3A, %ne3A_214 : i32
        %and3A = arith.andi %ne3A, %ne3A_215 : i1
        %sub3A = arith.constant 1 : i32
        %sub3A_216 = arith.subi %div3A, %sub3A : i32
        %select_n3A = arith.select %and3A, %sub3A_216, %div3A : i32
        %jit3A_217 = arith.constant 3 : i32
        %eq3A_218 = arith.constant 0 : i32
        %eq3A_219 = arith.cmpi eq, %jit3A_217, %eq3A_218 : i32
        %jit3A_220 = arith.constant 1 : i32
        %select_n3A_221 = arith.select %eq3A_219, %jit3A_220, %jit3A_217 : i32
        %rem3A_222 = arith.remsi %select_n3A, %select_n3A_221 : i32
        %ne3A_223 = arith.constant 0 : i32
        %ne3A_224 = arith.cmpi ne, %rem3A_222, %ne3A_223 : i32
        %lt3A_225 = arith.constant 0 : i32
        %lt3A_226 = arith.cmpi slt, %rem3A_222, %lt3A_225 : i32
        %lt3A_227 = arith.constant 0 : i32
        %lt3A_228 = arith.cmpi slt, %select_n3A_221, %lt3A_227 : i32
        %ne3A_229 = arith.xori %lt3A_226, %lt3A_228 : i1
        %and3A_230 = arith.andi %ne3A_229, %ne3A_224 : i1
        %add3A_231 = arith.addi %rem3A_222, %select_n3A_221 : i32
        %select_n3A_232 = arith.select %and3A_230, %add3A_231, %rem3A_222 : i32
        %jit3A_233 = arith.constant 25 : i32
        %eq3A_234 = arith.constant 0 : i32
        %eq3A_235 = arith.cmpi eq, %jit3A_233, %eq3A_234 : i32
        %jit3A_236 = arith.constant 1 : i32
        %select_n3A_237 = arith.select %eq3A_235, %jit3A_236, %jit3A_233 : i32
        %rem3A_238 = arith.remsi %add3A_186, %select_n3A_237 : i32
        %ne3A_239 = arith.constant 0 : i32
        %ne3A_240 = arith.cmpi ne, %rem3A_238, %ne3A_239 : i32
        %lt3A_241 = arith.constant 0 : i32
        %lt3A_242 = arith.cmpi slt, %rem3A_238, %lt3A_241 : i32
        %lt3A_243 = arith.constant 0 : i32
        %lt3A_244 = arith.cmpi slt, %select_n3A_237, %lt3A_243 : i32
        %ne3A_245 = arith.xori %lt3A_242, %lt3A_244 : i1
        %and3A_246 = arith.andi %ne3A_245, %ne3A_240 : i1
        %add3A_247 = arith.addi %rem3A_238, %select_n3A_237 : i32
        %select_n3A_248 = arith.select %and3A_246, %add3A_247, %rem3A_238 : i32
        %dma_wait3A_249 = arith.constant 0 : i32
        %dma_wait3A_250 = arith.constant 0 : i32
        %dma_wait3A_251 = tpu.memref_slice %arg12[%dma_wait3A_249, %dma_wait3A_250] : memref<40x128xf32, #tpu.memory_space<vmem>> -> memref<24x128xf32, #tpu.memory_space<vmem>>
        %dma_wait3A_252 = arith.constant 0 : i32
        %dma_wait3A_253 = tpu.memref_slice %arg8[%select_n3A_232, %select_n3A_248, %dma_wait3A_252] : memref<3x25x40xi32, #tpu.memory_space<vmem>> -> memref<1x1x24xi32, #tpu.memory_space<vmem>>
        %dma_wait3A_254 = tpu.memref_squeeze %dma_wait3A_253 : memref<1x1x24xi32, #tpu.memory_space<vmem>> -> memref<24xi32, #tpu.memory_space<vmem>>
        %dma_wait3A_255 = arith.constant 0 : i32
        %dma_wait3A_256 = arith.constant 0 : i32
        %dma_wait3A_257 = tpu.memref_slice %arg2[%dma_wait3A_255, %dma_wait3A_256] : memref<10000x128xf32, #tpu.memory_space<hbm>> -> memref<10000x128xf32, #tpu.memory_space<hbm>>
        tpu.wait_indirect_dma semaphore(%arg21 : memref<!tpu.dma_semaphore, #tpu.memory_space<semaphore_mem>>) src(%dma_wait3A_257 : memref<10000x128xf32, #tpu.memory_space<hbm>>) dst(%dma_wait3A_251 : memref<24x128xf32, #tpu.memory_space<vmem>>)
        %jit3A_258 = arith.constant 25 : i32
        %div3A_259 = arith.divsi %add3A_186, %jit3A_258 : i32
        %sign3A_260 = arith.constant 0 : i32
        %sign3A_261 = arith.cmpi sgt, %add3A_186, %sign3A_260 : i32
        %sign3A_262 = arith.extui %sign3A_261 : i1 to i32
        %sign3A_263 = arith.constant 0 : i32
        %sign3A_264 = arith.cmpi slt, %add3A_186, %sign3A_263 : i32
        %sign3A_265 = arith.extui %sign3A_264 : i1 to i32
        %sign3A_266 = arith.subi %sign3A_262, %sign3A_265 : i32
        %sign3A_267 = arith.constant 0 : i32
        %sign3A_268 = arith.cmpi sgt, %jit3A_258, %sign3A_267 : i32
        %sign3A_269 = arith.extui %sign3A_268 : i1 to i32
        %sign3A_270 = arith.constant 0 : i32
        %sign3A_271 = arith.cmpi slt, %jit3A_258, %sign3A_270 : i32
        %sign3A_272 = arith.extui %sign3A_271 : i1 to i32
        %sign3A_273 = arith.subi %sign3A_269, %sign3A_272 : i32
        %ne3A_274 = arith.cmpi ne, %sign3A_266, %sign3A_273 : i32
        %rem3A_275 = arith.remsi %add3A_186, %jit3A_258 : i32
        %ne3A_276 = arith.constant 0 : i32
        %ne3A_277 = arith.cmpi ne, %rem3A_275, %ne3A_276 : i32
        %and3A_278 = arith.andi %ne3A_274, %ne3A_277 : i1
        %sub3A_279 = arith.constant 1 : i32
        %sub3A_280 = arith.subi %div3A_259, %sub3A_279 : i32
        %select_n3A_281 = arith.select %and3A_278, %sub3A_280, %div3A_259 : i32
        %jit3A_282 = arith.constant 3 : i32
        %eq3A_283 = arith.constant 0 : i32
        %eq3A_284 = arith.cmpi eq, %jit3A_282, %eq3A_283 : i32
        %jit3A_285 = arith.constant 1 : i32
        %select_n3A_286 = arith.select %eq3A_284, %jit3A_285, %jit3A_282 : i32
        %rem3A_287 = arith.remsi %select_n3A_281, %select_n3A_286 : i32
        %ne3A_288 = arith.constant 0 : i32
        %ne3A_289 = arith.cmpi ne, %rem3A_287, %ne3A_288 : i32
        %lt3A_290 = arith.constant 0 : i32
        %lt3A_291 = arith.cmpi slt, %rem3A_287, %lt3A_290 : i32
        %lt3A_292 = arith.constant 0 : i32
        %lt3A_293 = arith.cmpi slt, %select_n3A_286, %lt3A_292 : i32
        %ne3A_294 = arith.xori %lt3A_291, %lt3A_293 : i1
        %and3A_295 = arith.andi %ne3A_294, %ne3A_289 : i1
        %add3A_296 = arith.addi %rem3A_287, %select_n3A_286 : i32
        %select_n3A_297 = arith.select %and3A_295, %add3A_296, %rem3A_287 : i32
        %jit3A_298 = arith.constant 25 : i32
        %eq3A_299 = arith.constant 0 : i32
        %eq3A_300 = arith.cmpi eq, %jit3A_298, %eq3A_299 : i32
        %jit3A_301 = arith.constant 1 : i32
        %select_n3A_302 = arith.select %eq3A_300, %jit3A_301, %jit3A_298 : i32
        %rem3A_303 = arith.remsi %add3A_186, %select_n3A_302 : i32
        %ne3A_304 = arith.constant 0 : i32
        %ne3A_305 = arith.cmpi ne, %rem3A_303, %ne3A_304 : i32
        %lt3A_306 = arith.constant 0 : i32
        %lt3A_307 = arith.cmpi slt, %rem3A_303, %lt3A_306 : i32
        %lt3A_308 = arith.constant 0 : i32
        %lt3A_309 = arith.cmpi slt, %select_n3A_302, %lt3A_308 : i32
        %ne3A_310 = arith.xori %lt3A_307, %lt3A_309 : i1
        %and3A_311 = arith.andi %ne3A_310, %ne3A_305 : i1
        %add3A_312 = arith.addi %rem3A_303, %select_n3A_302 : i32
        %select_n3A_313 = arith.select %and3A_311, %add3A_312, %rem3A_303 : i32
        %dma_wait3A_314 = arith.constant 0 : i32
        %dma_wait3A_315 = arith.constant 0 : i32
        %dma_wait3A_316 = tpu.memref_slice %arg16[%dma_wait3A_314, %dma_wait3A_315] : memref<40x128xf32, #tpu.memory_space<vmem>> -> memref<24x128xf32, #tpu.memory_space<vmem>>
        %dma_wait3A_317 = arith.constant 0 : i32
        %dma_wait3A_318 = tpu.memref_slice %arg9[%select_n3A_297, %select_n3A_313, %dma_wait3A_317] : memref<3x25x40xi32, #tpu.memory_space<vmem>> -> memref<1x1x24xi32, #tpu.memory_space<vmem>>
        %dma_wait3A_319 = tpu.memref_squeeze %dma_wait3A_318 : memref<1x1x24xi32, #tpu.memory_space<vmem>> -> memref<24xi32, #tpu.memory_space<vmem>>
        %dma_wait3A_320 = arith.constant 0 : i32
        %dma_wait3A_321 = arith.constant 0 : i32
        %dma_wait3A_322 = tpu.memref_slice %arg3[%dma_wait3A_320, %dma_wait3A_321] : memref<10000x128xf32, #tpu.memory_space<hbm>> -> memref<10000x128xf32, #tpu.memory_space<hbm>>
        tpu.wait_indirect_dma semaphore(%arg21 : memref<!tpu.dma_semaphore, #tpu.memory_space<semaphore_mem>>) src(%dma_wait3A_322 : memref<10000x128xf32, #tpu.memory_space<hbm>>) dst(%dma_wait3A_316 : memref<24x128xf32, #tpu.memory_space<vmem>>)
        %jit3A_323 = arith.constant 25 : i32
        %div3A_324 = arith.divsi %add3A_186, %jit3A_323 : i32
        %sign3A_325 = arith.constant 0 : i32
        %sign3A_326 = arith.cmpi sgt, %add3A_186, %sign3A_325 : i32
        %sign3A_327 = arith.extui %sign3A_326 : i1 to i32
        %sign3A_328 = arith.constant 0 : i32
        %sign3A_329 = arith.cmpi slt, %add3A_186, %sign3A_328 : i32
        %sign3A_330 = arith.extui %sign3A_329 : i1 to i32
        %sign3A_331 = arith.subi %sign3A_327, %sign3A_330 : i32
        %sign3A_332 = arith.constant 0 : i32
        %sign3A_333 = arith.cmpi sgt, %jit3A_323, %sign3A_332 : i32
        %sign3A_334 = arith.extui %sign3A_333 : i1 to i32
        %sign3A_335 = arith.constant 0 : i32
        %sign3A_336 = arith.cmpi slt, %jit3A_323, %sign3A_335 : i32
        %sign3A_337 = arith.extui %sign3A_336 : i1 to i32
        %sign3A_338 = arith.subi %sign3A_334, %sign3A_337 : i32
        %ne3A_339 = arith.cmpi ne, %sign3A_331, %sign3A_338 : i32
        %rem3A_340 = arith.remsi %add3A_186, %jit3A_323 : i32
        %ne3A_341 = arith.constant 0 : i32
        %ne3A_342 = arith.cmpi ne, %rem3A_340, %ne3A_341 : i32
        %and3A_343 = arith.andi %ne3A_339, %ne3A_342 : i1
        %sub3A_344 = arith.constant 1 : i32
        %sub3A_345 = arith.subi %div3A_324, %sub3A_344 : i32
        %select_n3A_346 = arith.select %and3A_343, %sub3A_345, %div3A_324 : i32
        %jit3A_347 = arith.constant 3 : i32
        %eq3A_348 = arith.constant 0 : i32
        %eq3A_349 = arith.cmpi eq, %jit3A_347, %eq3A_348 : i32
        %jit3A_350 = arith.constant 1 : i32
        %select_n3A_351 = arith.select %eq3A_349, %jit3A_350, %jit3A_347 : i32
        %rem3A_352 = arith.remsi %select_n3A_346, %select_n3A_351 : i32
        %ne3A_353 = arith.constant 0 : i32
        %ne3A_354 = arith.cmpi ne, %rem3A_352, %ne3A_353 : i32
        %lt3A_355 = arith.constant 0 : i32
        %lt3A_356 = arith.cmpi slt, %rem3A_352, %lt3A_355 : i32
        %lt3A_357 = arith.constant 0 : i32
        %lt3A_358 = arith.cmpi slt, %select_n3A_351, %lt3A_357 : i32
        %ne3A_359 = arith.xori %lt3A_356, %lt3A_358 : i1
        %and3A_360 = arith.andi %ne3A_359, %ne3A_354 : i1
        %add3A_361 = arith.addi %rem3A_352, %select_n3A_351 : i32
        %select_n3A_362 = arith.select %and3A_360, %add3A_361, %rem3A_352 : i32
        %jit3A_363 = arith.constant 25 : i32
        %eq3A_364 = arith.constant 0 : i32
        %eq3A_365 = arith.cmpi eq, %jit3A_363, %eq3A_364 : i32
        %jit3A_366 = arith.constant 1 : i32
        %select_n3A_367 = arith.select %eq3A_365, %jit3A_366, %jit3A_363 : i32
        %rem3A_368 = arith.remsi %add3A_186, %select_n3A_367 : i32
        %ne3A_369 = arith.constant 0 : i32
        %ne3A_370 = arith.cmpi ne, %rem3A_368, %ne3A_369 : i32
        %lt3A_371 = arith.constant 0 : i32
        %lt3A_372 = arith.cmpi slt, %rem3A_368, %lt3A_371 : i32
        %lt3A_373 = arith.constant 0 : i32
        %lt3A_374 = arith.cmpi slt, %select_n3A_367, %lt3A_373 : i32
        %ne3A_375 = arith.xori %lt3A_372, %lt3A_374 : i1
        %and3A_376 = arith.andi %ne3A_375, %ne3A_370 : i1
        %add3A_377 = arith.addi %rem3A_368, %select_n3A_367 : i32
        %select_n3A_378 = arith.select %and3A_376, %add3A_377, %rem3A_368 : i32
        %dma_wait3A_379 = arith.constant 24 : i32
        %dma_wait3A_380 = arith.constant 0 : i32
        %dma_wait3A_381 = tpu.memref_slice %arg12[%dma_wait3A_379, %dma_wait3A_380] : memref<40x128xf32, #tpu.memory_space<vmem>> -> memref<16x128xf32, #tpu.memory_space<vmem>>
        %dma_wait3A_382 = arith.constant 24 : i32
        %dma_wait3A_383 = tpu.memref_slice %arg8[%select_n3A_362, %select_n3A_378, %dma_wait3A_382] : memref<3x25x40xi32, #tpu.memory_space<vmem>> -> memref<1x1x16xi32, #tpu.memory_space<vmem>>
        %dma_wait3A_384 = tpu.memref_squeeze %dma_wait3A_383 : memref<1x1x16xi32, #tpu.memory_space<vmem>> -> memref<16xi32, #tpu.memory_space<vmem>>
        %dma_wait3A_385 = arith.constant 0 : i32
        %dma_wait3A_386 = arith.constant 0 : i32
        %dma_wait3A_387 = tpu.memref_slice %arg2[%dma_wait3A_385, %dma_wait3A_386] : memref<10000x128xf32, #tpu.memory_space<hbm>> -> memref<10000x128xf32, #tpu.memory_space<hbm>>
        tpu.wait_indirect_dma semaphore(%arg21 : memref<!tpu.dma_semaphore, #tpu.memory_space<semaphore_mem>>) src(%dma_wait3A_387 : memref<10000x128xf32, #tpu.memory_space<hbm>>) dst(%dma_wait3A_381 : memref<16x128xf32, #tpu.memory_space<vmem>>)
        %jit3A_388 = arith.constant 25 : i32
        %div3A_389 = arith.divsi %add3A_186, %jit3A_388 : i32
        %sign3A_390 = arith.constant 0 : i32
        %sign3A_391 = arith.cmpi sgt, %add3A_186, %sign3A_390 : i32
        %sign3A_392 = arith.extui %sign3A_391 : i1 to i32
        %sign3A_393 = arith.constant 0 : i32
        %sign3A_394 = arith.cmpi slt, %add3A_186, %sign3A_393 : i32
        %sign3A_395 = arith.extui %sign3A_394 : i1 to i32
        %sign3A_396 = arith.subi %sign3A_392, %sign3A_395 : i32
        %sign3A_397 = arith.constant 0 : i32
        %sign3A_398 = arith.cmpi sgt, %jit3A_388, %sign3A_397 : i32
        %sign3A_399 = arith.extui %sign3A_398 : i1 to i32
        %sign3A_400 = arith.constant 0 : i32
        %sign3A_401 = arith.cmpi slt, %jit3A_388, %sign3A_400 : i32
        %sign3A_402 = arith.extui %sign3A_401 : i1 to i32
        %sign3A_403 = arith.subi %sign3A_399, %sign3A_402 : i32
        %ne3A_404 = arith.cmpi ne, %sign3A_396, %sign3A_403 : i32
        %rem3A_405 = arith.remsi %add3A_186, %jit3A_388 : i32
        %ne3A_406 = arith.constant 0 : i32
        %ne3A_407 = arith.cmpi ne, %rem3A_405, %ne3A_406 : i32
        %and3A_408 = arith.andi %ne3A_404, %ne3A_407 : i1
        %sub3A_409 = arith.constant 1 : i32
        %sub3A_410 = arith.subi %div3A_389, %sub3A_409 : i32
        %select_n3A_411 = arith.select %and3A_408, %sub3A_410, %div3A_389 : i32
        %jit3A_412 = arith.constant 3 : i32
        %eq3A_413 = arith.constant 0 : i32
        %eq3A_414 = arith.cmpi eq, %jit3A_412, %eq3A_413 : i32
        %jit3A_415 = arith.constant 1 : i32
        %select_n3A_416 = arith.select %eq3A_414, %jit3A_415, %jit3A_412 : i32
        %rem3A_417 = arith.remsi %select_n3A_411, %select_n3A_416 : i32
        %ne3A_418 = arith.constant 0 : i32
        %ne3A_419 = arith.cmpi ne, %rem3A_417, %ne3A_418 : i32
        %lt3A_420 = arith.constant 0 : i32
        %lt3A_421 = arith.cmpi slt, %rem3A_417, %lt3A_420 : i32
        %lt3A_422 = arith.constant 0 : i32
        %lt3A_423 = arith.cmpi slt, %select_n3A_416, %lt3A_422 : i32
        %ne3A_424 = arith.xori %lt3A_421, %lt3A_423 : i1
        %and3A_425 = arith.andi %ne3A_424, %ne3A_419 : i1
        %add3A_426 = arith.addi %rem3A_417, %select_n3A_416 : i32
        %select_n3A_427 = arith.select %and3A_425, %add3A_426, %rem3A_417 : i32
        %jit3A_428 = arith.constant 25 : i32
        %eq3A_429 = arith.constant 0 : i32
        %eq3A_430 = arith.cmpi eq, %jit3A_428, %eq3A_429 : i32
        %jit3A_431 = arith.constant 1 : i32
        %select_n3A_432 = arith.select %eq3A_430, %jit3A_431, %jit3A_428 : i32
        %rem3A_433 = arith.remsi %add3A_186, %select_n3A_432 : i32
        %ne3A_434 = arith.constant 0 : i32
        %ne3A_435 = arith.cmpi ne, %rem3A_433, %ne3A_434 : i32
        %lt3A_436 = arith.constant 0 : i32
        %lt3A_437 = arith.cmpi slt, %rem3A_433, %lt3A_436 : i32
        %lt3A_438 = arith.constant 0 : i32
        %lt3A_439 = arith.cmpi slt, %select_n3A_432, %lt3A_438 : i32
        %ne3A_440 = arith.xori %lt3A_437, %lt3A_439 : i1
        %and3A_441 = arith.andi %ne3A_440, %ne3A_435 : i1
        %add3A_442 = arith.addi %rem3A_433, %select_n3A_432 : i32
        %select_n3A_443 = arith.select %and3A_441, %add3A_442, %rem3A_433 : i32
        %dma_wait3A_444 = arith.constant 24 : i32
        %dma_wait3A_445 = arith.constant 0 : i32
        %dma_wait3A_446 = tpu.memref_slice %arg16[%dma_wait3A_444, %dma_wait3A_445] : memref<40x128xf32, #tpu.memory_space<vmem>> -> memref<16x128xf32, #tpu.memory_space<vmem>>
        %dma_wait3A_447 = arith.constant 24 : i32
        %dma_wait3A_448 = tpu.memref_slice %arg9[%select_n3A_427, %select_n3A_443, %dma_wait3A_447] : memref<3x25x40xi32, #tpu.memory_space<vmem>> -> memref<1x1x16xi32, #tpu.memory_space<vmem>>
        %dma_wait3A_449 = tpu.memref_squeeze %dma_wait3A_448 : memref<1x1x16xi32, #tpu.memory_space<vmem>> -> memref<16xi32, #tpu.memory_space<vmem>>
        %dma_wait3A_450 = arith.constant 0 : i32
        %dma_wait3A_451 = arith.constant 0 : i32
        %dma_wait3A_452 = tpu.memref_slice %arg3[%dma_wait3A_450, %dma_wait3A_451] : memref<10000x128xf32, #tpu.memory_space<hbm>> -> memref<10000x128xf32, #tpu.memory_space<hbm>>
        tpu.wait_indirect_dma semaphore(%arg21 : memref<!tpu.dma_semaphore, #tpu.memory_space<semaphore_mem>>) src(%dma_wait3A_452 : memref<10000x128xf32, #tpu.memory_space<hbm>>) dst(%dma_wait3A_446 : memref<16x128xf32, #tpu.memory_space<vmem>>)
        %scan3A_453 = arith.constant 0 : i32
        %scan3A_454 = arith.constant 0 : i32
        %scan3A_455 = arith.constant 40 : i32
        %scan3A_456 = arith.addi %scan3A_454, %scan3A_455 : i32
        %scan3A_457 = arith.constant 1 : i32
        scf.for %scan3A_560 = %scan3A_454 to %scan3A_456 step %scan3A_457  : i32 {
          %get3A = arith.index_cast %scan3A_560 : i32 to index
          %get3A_561 = arith.constant 0 : index
          %get3A_562 = tpu.vector_load %arg12[%get3A, %get3A_561] {strides = array<i32>} : memref<40x128xf32, #tpu.memory_space<vmem>>, vector<1x16xf32>,
          %get3A_563 = vector.shape_cast %get3A_562 : vector<1x16xf32> to vector<16xf32>
          %get3A_564 = arith.index_cast %scan3A_560 : i32 to index
          %get3A_565 = arith.constant 0 : index
          %get3A_566 = tpu.vector_load %arg16[%get3A_564, %get3A_565] {strides = array<i32>} : memref<40x128xf32, #tpu.memory_space<vmem>>, vector<1x16xf32>,
          %get3A_567 = vector.shape_cast %get3A_566 : vector<1x16xf32> to vector<16xf32>
          %add3A_568 = arith.addf %get3A_563, %get3A_567 : vector<16xf32>
          %max3A = arith.constant 0.000000e+00 : f32
          %max3A_569 = vector.broadcast %max3A : f32 to vector<16xf32>
          %max3A_570 = arith.maximumf %add3A_568, %max3A_569 : vector<16xf32>
          %swap3A = arith.index_cast %scan3A_560 : i32 to index
          %swap3A_571 = arith.constant 0 : index
          %swap3A_572 = tpu.vector_load %arg16[%swap3A, %swap3A_571] {strides = array<i32>} : memref<40x128xf32, #tpu.memory_space<vmem>>, vector<1x16xf32>,
          %swap3A_573 = vector.shape_cast %swap3A_572 : vector<1x16xf32> to vector<16xf32>
          %swap3A_574 = vector.shape_cast %max3A_570 : vector<16xf32> to vector<1x16xf32>
          tpu.vector_store %arg16[%swap3A, %swap3A_571], %swap3A_574 {strides = array<i32>} : memref<40x128xf32, #tpu.memory_space<vmem>>, vector<1x16xf32>,
          %get3A_575 = arith.index_cast %scan3A_560 : i32 to index
          %get3A_576 = arith.constant 16 : index
          %get3A_577 = tpu.vector_load %arg12[%get3A_575, %get3A_576] {strides = array<i32>} : memref<40x128xf32, #tpu.memory_space<vmem>>, vector<1x16xf32>,
          %get3A_578 = vector.shape_cast %get3A_577 : vector<1x16xf32> to vector<16xf32>
          %get3A_579 = arith.index_cast %scan3A_560 : i32 to index
          %get3A_580 = arith.constant 16 : index
          %get3A_581 = tpu.vector_load %arg16[%get3A_579, %get3A_580] {strides = array<i32>} : memref<40x128xf32, #tpu.memory_space<vmem>>, vector<1x16xf32>,
          %get3A_582 = vector.shape_cast %get3A_581 : vector<1x16xf32> to vector<16xf32>
          %add3A_583 = arith.addf %get3A_578, %get3A_582 : vector<16xf32>
          %max3A_584 = arith.constant 0.000000e+00 : f32
          %max3A_585 = vector.broadcast %max3A_584 : f32 to vector<16xf32>
          %max3A_586 = arith.maximumf %add3A_583, %max3A_585 : vector<16xf32>
          %swap3A_587 = arith.index_cast %scan3A_560 : i32 to index
          %swap3A_588 = arith.constant 16 : index
          %swap3A_589 = tpu.vector_load %arg16[%swap3A_587, %swap3A_588] {strides = array<i32>} : memref<40x128xf32, #tpu.memory_space<vmem>>, vector<1x16xf32>,
          %swap3A_590 = vector.shape_cast %swap3A_589 : vector<1x16xf32> to vector<16xf32>
          %swap3A_591 = vector.shape_cast %max3A_586 : vector<16xf32> to vector<1x16xf32>
          tpu.vector_store %arg16[%swap3A_587, %swap3A_588], %swap3A_591 {strides = array<i32>} : memref<40x128xf32, #tpu.memory_space<vmem>>, vector<1x16xf32>,
          %get3A_592 = arith.index_cast %scan3A_560 : i32 to index
          %get3A_593 = arith.constant 32 : index
          %get3A_594 = tpu.vector_load %arg12[%get3A_592, %get3A_593] {strides = array<i32>} : memref<40x128xf32, #tpu.memory_space<vmem>>, vector<1x16xf32>,
          %get3A_595 = vector.shape_cast %get3A_594 : vector<1x16xf32> to vector<16xf32>
          %get3A_596 = arith.index_cast %scan3A_560 : i32 to index
          %get3A_597 = arith.constant 32 : index
          %get3A_598 = tpu.vector_load %arg16[%get3A_596, %get3A_597] {strides = array<i32>} : memref<40x128xf32, #tpu.memory_space<vmem>>, vector<1x16xf32>,
          %get3A_599 = vector.shape_cast %get3A_598 : vector<1x16xf32> to vector<16xf32>
          %add3A_600 = arith.addf %get3A_595, %get3A_599 : vector<16xf32>
          %max3A_601 = arith.constant 0.000000e+00 : f32
          %max3A_602 = vector.broadcast %max3A_601 : f32 to vector<16xf32>
          %max3A_603 = arith.maximumf %add3A_600, %max3A_602 : vector<16xf32>
          %swap3A_604 = arith.index_cast %scan3A_560 : i32 to index
          %swap3A_605 = arith.constant 32 : index
          %swap3A_606 = tpu.vector_load %arg16[%swap3A_604, %swap3A_605] {strides = array<i32>} : memref<40x128xf32, #tpu.memory_space<vmem>>, vector<1x16xf32>,
          %swap3A_607 = vector.shape_cast %swap3A_606 : vector<1x16xf32> to vector<16xf32>
          %swap3A_608 = vector.shape_cast %max3A_603 : vector<16xf32> to vector<1x16xf32>
          tpu.vector_store %arg16[%swap3A_604, %swap3A_605], %swap3A_608 {strides = array<i32>} : memref<40x128xf32, #tpu.memory_space<vmem>>, vector<1x16xf32>,
          %get3A_609 = arith.index_cast %scan3A_560 : i32 to index
          %get3A_610 = arith.constant 48 : index
          %get3A_611 = tpu.vector_load %arg12[%get3A_609, %get3A_610] {strides = array<i32>} : memref<40x128xf32, #tpu.memory_space<vmem>>, vector<1x16xf32>,
          %get3A_612 = vector.shape_cast %get3A_611 : vector<1x16xf32> to vector<16xf32>
          %get3A_613 = arith.index_cast %scan3A_560 : i32 to index
          %get3A_614 = arith.constant 48 : index
          %get3A_615 = tpu.vector_load %arg16[%get3A_613, %get3A_614] {strides = array<i32>} : memref<40x128xf32, #tpu.memory_space<vmem>>, vector<1x16xf32>,
          %get3A_616 = vector.shape_cast %get3A_615 : vector<1x16xf32> to vector<16xf32>
          %add3A_617 = arith.addf %get3A_612, %get3A_616 : vector<16xf32>
          %max3A_618 = arith.constant 0.000000e+00 : f32
          %max3A_619 = vector.broadcast %max3A_618 : f32 to vector<16xf32>
          %max3A_620 = arith.maximumf %add3A_617, %max3A_619 : vector<16xf32>
          %swap3A_621 = arith.index_cast %scan3A_560 : i32 to index
          %swap3A_622 = arith.constant 48 : index
          %swap3A_623 = tpu.vector_load %arg16[%swap3A_621, %swap3A_622] {strides = array<i32>} : memref<40x128xf32, #tpu.memory_space<vmem>>, vector<1x16xf32>,
          %swap3A_624 = vector.shape_cast %swap3A_623 : vector<1x16xf32> to vector<16xf32>
          %swap3A_625 = vector.shape_cast %max3A_620 : vector<16xf32> to vector<1x16xf32>
          tpu.vector_store %arg16[%swap3A_621, %swap3A_622], %swap3A_625 {strides = array<i32>} : memref<40x128xf32, #tpu.memory_space<vmem>>, vector<1x16xf32>,
          %get3A_626 = arith.index_cast %scan3A_560 : i32 to index
          %get3A_627 = arith.constant 64 : index
          %get3A_628 = tpu.vector_load %arg12[%get3A_626, %get3A_627] {strides = array<i32>} : memref<40x128xf32, #tpu.memory_space<vmem>>, vector<1x16xf32>,
          %get3A_629 = vector.shape_cast %get3A_628 : vector<1x16xf32> to vector<16xf32>
          %get3A_630 = arith.index_cast %scan3A_560 : i32 to index
          %get3A_631 = arith.constant 64 : index
          %get3A_632 = tpu.vector_load %arg16[%get3A_630, %get3A_631] {strides = array<i32>} : memref<40x128xf32, #tpu.memory_space<vmem>>, vector<1x16xf32>,
          %get3A_633 = vector.shape_cast %get3A_632 : vector<1x16xf32> to vector<16xf32>
          %add3A_634 = arith.addf %get3A_629, %get3A_633 : vector<16xf32>
          %max3A_635 = arith.constant 0.000000e+00 : f32
          %max3A_636 = vector.broadcast %max3A_635 : f32 to vector<16xf32>
          %max3A_637 = arith.maximumf %add3A_634, %max3A_636 : vector<16xf32>
          %swap3A_638 = arith.index_cast %scan3A_560 : i32 to index
          %swap3A_639 = arith.constant 64 : index
          %swap3A_640 = tpu.vector_load %arg16[%swap3A_638, %swap3A_639] {strides = array<i32>} : memref<40x128xf32, #tpu.memory_space<vmem>>, vector<1x16xf32>,
          %swap3A_641 = vector.shape_cast %swap3A_640 : vector<1x16xf32> to vector<16xf32>
          %swap3A_642 = vector.shape_cast %max3A_637 : vector<16xf32> to vector<1x16xf32>
          tpu.vector_store %arg16[%swap3A_638, %swap3A_639], %swap3A_642 {strides = array<i32>} : memref<40x128xf32, #tpu.memory_space<vmem>>, vector<1x16xf32>,
          %get3A_643 = arith.index_cast %scan3A_560 : i32 to index
          %get3A_644 = arith.constant 80 : index
          %get3A_645 = tpu.vector_load %arg12[%get3A_643, %get3A_644] {strides = array<i32>} : memref<40x128xf32, #tpu.memory_space<vmem>>, vector<1x16xf32>,
          %get3A_646 = vector.shape_cast %get3A_645 : vector<1x16xf32> to vector<16xf32>
          %get3A_647 = arith.index_cast %scan3A_560 : i32 to index
          %get3A_648 = arith.constant 80 : index
          %get3A_649 = tpu.vector_load %arg16[%get3A_647, %get3A_648] {strides = array<i32>} : memref<40x128xf32, #tpu.memory_space<vmem>>, vector<1x16xf32>,
          %get3A_650 = vector.shape_cast %get3A_649 : vector<1x16xf32> to vector<16xf32>
          %add3A_651 = arith.addf %get3A_646, %get3A_650 : vector<16xf32>
          %max3A_652 = arith.constant 0.000000e+00 : f32
          %max3A_653 = vector.broadcast %max3A_652 : f32 to vector<16xf32>
          %max3A_654 = arith.maximumf %add3A_651, %max3A_653 : vector<16xf32>
          %swap3A_655 = arith.index_cast %scan3A_560 : i32 to index
          %swap3A_656 = arith.constant 80 : index
          %swap3A_657 = tpu.vector_load %arg16[%swap3A_655, %swap3A_656] {strides = array<i32>} : memref<40x128xf32, #tpu.memory_space<vmem>>, vector<1x16xf32>,
          %swap3A_658 = vector.shape_cast %swap3A_657 : vector<1x16xf32> to vector<16xf32>
          %swap3A_659 = vector.shape_cast %max3A_654 : vector<16xf32> to vector<1x16xf32>
          tpu.vector_store %arg16[%swap3A_655, %swap3A_656], %swap3A_659 {strides = array<i32>} : memref<40x128xf32, #tpu.memory_space<vmem>>, vector<1x16xf32>,
          %get3A_660 = arith.index_cast %scan3A_560 : i32 to index
          %get3A_661 = arith.constant 96 : index
          %get3A_662 = tpu.vector_load %arg12[%get3A_660, %get3A_661] {strides = array<i32>} : memref<40x128xf32, #tpu.memory_space<vmem>>, vector<1x16xf32>,
          %get3A_663 = vector.shape_cast %get3A_662 : vector<1x16xf32> to vector<16xf32>
          %get3A_664 = arith.index_cast %scan3A_560 : i32 to index
          %get3A_665 = arith.constant 96 : index
          %get3A_666 = tpu.vector_load %arg16[%get3A_664, %get3A_665] {strides = array<i32>} : memref<40x128xf32, #tpu.memory_space<vmem>>, vector<1x16xf32>,
          %get3A_667 = vector.shape_cast %get3A_666 : vector<1x16xf32> to vector<16xf32>
          %add3A_668 = arith.addf %get3A_663, %get3A_667 : vector<16xf32>
          %max3A_669 = arith.constant 0.000000e+00 : f32
          %max3A_670 = vector.broadcast %max3A_669 : f32 to vector<16xf32>
          %max3A_671 = arith.maximumf %add3A_668, %max3A_670 : vector<16xf32>
          %swap3A_672 = arith.index_cast %scan3A_560 : i32 to index
          %swap3A_673 = arith.constant 96 : index
          %swap3A_674 = tpu.vector_load %arg16[%swap3A_672, %swap3A_673] {strides = array<i32>} : memref<40x128xf32, #tpu.memory_space<vmem>>, vector<1x16xf32>,
          %swap3A_675 = vector.shape_cast %swap3A_674 : vector<1x16xf32> to vector<16xf32>
          %swap3A_676 = vector.shape_cast %max3A_671 : vector<16xf32> to vector<1x16xf32>
          tpu.vector_store %arg16[%swap3A_672, %swap3A_673], %swap3A_676 {strides = array<i32>} : memref<40x128xf32, #tpu.memory_space<vmem>>, vector<1x16xf32>,
          %get3A_677 = arith.index_cast %scan3A_560 : i32 to index
          %get3A_678 = arith.constant 112 : index
          %get3A_679 = tpu.vector_load %arg12[%get3A_677, %get3A_678] {strides = array<i32>} : memref<40x128xf32, #tpu.memory_space<vmem>>, vector<1x16xf32>,
          %get3A_680 = vector.shape_cast %get3A_679 : vector<1x16xf32> to vector<16xf32>
          %get3A_681 = arith.index_cast %scan3A_560 : i32 to index
          %get3A_682 = arith.constant 112 : index
          %get3A_683 = tpu.vector_load %arg16[%get3A_681, %get3A_682] {strides = array<i32>} : memref<40x128xf32, #tpu.memory_space<vmem>>, vector<1x16xf32>,
          %get3A_684 = vector.shape_cast %get3A_683 : vector<1x16xf32> to vector<16xf32>
          %add3A_685 = arith.addf %get3A_680, %get3A_684 : vector<16xf32>
          %max3A_686 = arith.constant 0.000000e+00 : f32
          %max3A_687 = vector.broadcast %max3A_686 : f32 to vector<16xf32>
          %max3A_688 = arith.maximumf %add3A_685, %max3A_687 : vector<16xf32>
          %swap3A_689 = arith.index_cast %scan3A_560 : i32 to index
          %swap3A_690 = arith.constant 112 : index
          %swap3A_691 = tpu.vector_load %arg16[%swap3A_689, %swap3A_690] {strides = array<i32>} : memref<40x128xf32, #tpu.memory_space<vmem>>, vector<1x16xf32>,
          %swap3A_692 = vector.shape_cast %swap3A_691 : vector<1x16xf32> to vector<16xf32>
          %swap3A_693 = vector.shape_cast %max3A_688 : vector<16xf32> to vector<1x16xf32>
          tpu.vector_store %arg16[%swap3A_689, %swap3A_690], %swap3A_693 {strides = array<i32>} : memref<40x128xf32, #tpu.memory_space<vmem>>, vector<1x16xf32>,
        }
        %scan3A_458 = arith.constant 40 : i32
        %jit3A_459 = arith.constant 25 : i32
        %div3A_460 = arith.divsi %add3A_186, %jit3A_459 : i32
        %sign3A_461 = arith.constant 0 : i32
        %sign3A_462 = arith.cmpi sgt, %add3A_186, %sign3A_461 : i32
        %sign3A_463 = arith.extui %sign3A_462 : i1 to i32
        %sign3A_464 = arith.constant 0 : i32
        %sign3A_465 = arith.cmpi slt, %add3A_186, %sign3A_464 : i32
        %sign3A_466 = arith.extui %sign3A_465 : i1 to i32
        %sign3A_467 = arith.subi %sign3A_463, %sign3A_466 : i32
        %sign3A_468 = arith.constant 0 : i32
        %sign3A_469 = arith.cmpi sgt, %jit3A_459, %sign3A_468 : i32
        %sign3A_470 = arith.extui %sign3A_469 : i1 to i32
        %sign3A_471 = arith.constant 0 : i32
        %sign3A_472 = arith.cmpi slt, %jit3A_459, %sign3A_471 : i32
        %sign3A_473 = arith.extui %sign3A_472 : i1 to i32
        %sign3A_474 = arith.subi %sign3A_470, %sign3A_473 : i32
        %ne3A_475 = arith.cmpi ne, %sign3A_467, %sign3A_474 : i32
        %rem3A_476 = arith.remsi %add3A_186, %jit3A_459 : i32
        %ne3A_477 = arith.constant 0 : i32
        %ne3A_478 = arith.cmpi ne, %rem3A_476, %ne3A_477 : i32
        %and3A_479 = arith.andi %ne3A_475, %ne3A_478 : i1
        %sub3A_480 = arith.constant 1 : i32
        %sub3A_481 = arith.subi %div3A_460, %sub3A_480 : i32
        %select_n3A_482 = arith.select %and3A_479, %sub3A_481, %div3A_460 : i32
        %jit3A_483 = arith.constant 3 : i32
        %eq3A_484 = arith.constant 0 : i32
        %eq3A_485 = arith.cmpi eq, %jit3A_483, %eq3A_484 : i32
        %jit3A_486 = arith.constant 1 : i32
        %select_n3A_487 = arith.select %eq3A_485, %jit3A_486, %jit3A_483 : i32
        %rem3A_488 = arith.remsi %select_n3A_482, %select_n3A_487 : i32
        %ne3A_489 = arith.constant 0 : i32
        %ne3A_490 = arith.cmpi ne, %rem3A_488, %ne3A_489 : i32
        %lt3A_491 = arith.constant 0 : i32
        %lt3A_492 = arith.cmpi slt, %rem3A_488, %lt3A_491 : i32
        %lt3A_493 = arith.constant 0 : i32
        %lt3A_494 = arith.cmpi slt, %select_n3A_487, %lt3A_493 : i32
        %ne3A_495 = arith.xori %lt3A_492, %lt3A_494 : i1
        %and3A_496 = arith.andi %ne3A_495, %ne3A_490 : i1
        %add3A_497 = arith.addi %rem3A_488, %select_n3A_487 : i32
        %select_n3A_498 = arith.select %and3A_496, %add3A_497, %rem3A_488 : i32
        %jit3A_499 = arith.constant 25 : i32
        %eq3A_500 = arith.constant 0 : i32
        %eq3A_501 = arith.cmpi eq, %jit3A_499, %eq3A_500 : i32
        %jit3A_502 = arith.constant 1 : i32
        %select_n3A_503 = arith.select %eq3A_501, %jit3A_502, %jit3A_499 : i32
        %rem3A_504 = arith.remsi %add3A_186, %select_n3A_503 : i32
        %ne3A_505 = arith.constant 0 : i32
        %ne3A_506 = arith.cmpi ne, %rem3A_504, %ne3A_505 : i32
        %lt3A_507 = arith.constant 0 : i32
        %lt3A_508 = arith.cmpi slt, %rem3A_504, %lt3A_507 : i32
        %lt3A_509 = arith.constant 0 : i32
        %lt3A_510 = arith.cmpi slt, %select_n3A_503, %lt3A_509 : i32
        %ne3A_511 = arith.xori %lt3A_508, %lt3A_510 : i1
        %and3A_512 = arith.andi %ne3A_511, %ne3A_506 : i1
        %add3A_513 = arith.addi %rem3A_504, %select_n3A_503 : i32
        %select_n3A_514 = arith.select %and3A_512, %add3A_513, %rem3A_504 : i32
        %dma_start3A_515 = arith.constant 0 : i32
        %dma_start3A_516 = tpu.memref_slice %arg8[%select_n3A_498, %select_n3A_514, %dma_start3A_515] : memref<3x25x40xi32, #tpu.memory_space<vmem>> -> memref<1x1x40xi32, #tpu.memory_space<vmem>>
        %dma_start3A_517 = tpu.memref_squeeze %dma_start3A_516 : memref<1x1x40xi32, #tpu.memory_space<vmem>> -> memref<40xi32, #tpu.memory_space<vmem>>
        %dma_start3A_518 = arith.constant 0 : i32
        %dma_start3A_519 = arith.constant 0 : i32
        %dma_start3A_520 = tpu.memref_slice %arg18[%dma_start3A_518, %dma_start3A_519] : memref<10000x128xf32, #tpu.memory_space<vmem_shared>> -> memref<10000x128xf32, #tpu.memory_space<vmem_shared>>
        tpu.enqueue_indirect_dma source(%arg16 : memref<40x128xf32, #tpu.memory_space<vmem>>) target(%dma_start3A_520 : memref<10000x128xf32, #tpu.memory_space<vmem_shared>>) offsets(%dma_start3A_517 : memref<40xi32, #tpu.memory_space<vmem>>) semaphore(%arg25 : memref<!tpu.dma_semaphore, #tpu.memory_space<semaphore_mem>>) {add = true}
        %ge3A = arith.constant 1 : i32
        %ge3A_521 = arith.cmpi sge, %add3A_186, %ge3A : i32
        %convert_element_type3A_522 = arith.extui %ge3A_521 : i1 to i32
        %cond3A_523 = arith.constant 0 : i32
        %cond3A_524 = arith.cmpi ne, %convert_element_type3A_522, %cond3A_523 : i32
        scf.if %cond3A_524 {
          %sub3A_560 = arith.constant 1 : i32
          %sub3A_561 = arith.subi %add3A_186, %sub3A_560 : i32
          %jit3A_562 = arith.constant 25 : i32
          %div3A_563 = arith.divsi %sub3A_561, %jit3A_562 : i32
          %sign3A_564 = arith.constant 0 : i32
          %sign3A_565 = arith.cmpi sgt, %sub3A_561, %sign3A_564 : i32
          %sign3A_566 = arith.extui %sign3A_565 : i1 to i32
          %sign3A_567 = arith.constant 0 : i32
          %sign3A_568 = arith.cmpi slt, %sub3A_561, %sign3A_567 : i32
          %sign3A_569 = arith.extui %sign3A_568 : i1 to i32
          %sign3A_570 = arith.subi %sign3A_566, %sign3A_569 : i32
          %sign3A_571 = arith.constant 0 : i32
          %sign3A_572 = arith.cmpi sgt, %jit3A_562, %sign3A_571 : i32
          %sign3A_573 = arith.extui %sign3A_572 : i1 to i32
          %sign3A_574 = arith.constant 0 : i32
          %sign3A_575 = arith.cmpi slt, %jit3A_562, %sign3A_574 : i32
          %sign3A_576 = arith.extui %sign3A_575 : i1 to i32
          %sign3A_577 = arith.subi %sign3A_573, %sign3A_576 : i32
          %ne3A_578 = arith.cmpi ne, %sign3A_570, %sign3A_577 : i32
          %rem3A_579 = arith.remsi %sub3A_561, %jit3A_562 : i32
          %ne3A_580 = arith.constant 0 : i32
          %ne3A_581 = arith.cmpi ne, %rem3A_579, %ne3A_580 : i32
          %and3A_582 = arith.andi %ne3A_578, %ne3A_581 : i1
          %sub3A_583 = arith.constant 1 : i32
          %sub3A_584 = arith.subi %div3A_563, %sub3A_583 : i32
          %select_n3A_585 = arith.select %and3A_582, %sub3A_584, %div3A_563 : i32
          %jit3A_586 = arith.constant 3 : i32
          %eq3A_587 = arith.constant 0 : i32
          %eq3A_588 = arith.cmpi eq, %jit3A_586, %eq3A_587 : i32
          %jit3A_589 = arith.constant 1 : i32
          %select_n3A_590 = arith.select %eq3A_588, %jit3A_589, %jit3A_586 : i32
          %rem3A_591 = arith.remsi %select_n3A_585, %select_n3A_590 : i32
          %ne3A_592 = arith.constant 0 : i32
          %ne3A_593 = arith.cmpi ne, %rem3A_591, %ne3A_592 : i32
          %lt3A_594 = arith.constant 0 : i32
          %lt3A_595 = arith.cmpi slt, %rem3A_591, %lt3A_594 : i32
          %lt3A_596 = arith.constant 0 : i32
          %lt3A_597 = arith.cmpi slt, %select_n3A_590, %lt3A_596 : i32
          %ne3A_598 = arith.xori %lt3A_595, %lt3A_597 : i1
          %and3A_599 = arith.andi %ne3A_598, %ne3A_593 : i1
          %add3A_600 = arith.addi %rem3A_591, %select_n3A_590 : i32
          %select_n3A_601 = arith.select %and3A_599, %add3A_600, %rem3A_591 : i32
          %jit3A_602 = arith.constant 25 : i32
          %eq3A_603 = arith.constant 0 : i32
          %eq3A_604 = arith.cmpi eq, %jit3A_602, %eq3A_603 : i32
          %jit3A_605 = arith.constant 1 : i32
          %select_n3A_606 = arith.select %eq3A_604, %jit3A_605, %jit3A_602 : i32
          %rem3A_607 = arith.remsi %sub3A_561, %select_n3A_606 : i32
          %ne3A_608 = arith.constant 0 : i32
          %ne3A_609 = arith.cmpi ne, %rem3A_607, %ne3A_608 : i32
          %lt3A_610 = arith.constant 0 : i32
          %lt3A_611 = arith.cmpi slt, %rem3A_607, %lt3A_610 : i32
          %lt3A_612 = arith.constant 0 : i32
          %lt3A_613 = arith.cmpi slt, %select_n3A_606, %lt3A_612 : i32
          %ne3A_614 = arith.xori %lt3A_611, %lt3A_613 : i1
          %and3A_615 = arith.andi %ne3A_614, %ne3A_609 : i1
          %add3A_616 = arith.addi %rem3A_607, %select_n3A_606 : i32
          %select_n3A_617 = arith.select %and3A_615, %add3A_616, %rem3A_607 : i32
          %dma_wait3A_618 = arith.constant 0 : i32
          %dma_wait3A_619 = tpu.memref_slice %arg8[%select_n3A_601, %select_n3A_617, %dma_wait3A_618] : memref<3x25x40xi32, #tpu.memory_space<vmem>> -> memref<1x1x40xi32, #tpu.memory_space<vmem>>
          %dma_wait3A_620 = tpu.memref_squeeze %dma_wait3A_619 : memref<1x1x40xi32, #tpu.memory_space<vmem>> -> memref<40xi32, #tpu.memory_space<vmem>>
          %dma_wait3A_621 = arith.constant 0 : i32
          %dma_wait3A_622 = arith.constant 0 : i32
          %dma_wait3A_623 = tpu.memref_slice %arg18[%dma_wait3A_621, %dma_wait3A_622] : memref<10000x128xf32, #tpu.memory_space<vmem_shared>> -> memref<10000x128xf32, #tpu.memory_space<vmem_shared>>
          tpu.wait_indirect_dma semaphore(%arg24 : memref<!tpu.dma_semaphore, #tpu.memory_space<semaphore_mem>>) src(%arg15 : memref<40x128xf32, #tpu.memory_space<vmem>>) dst(%dma_wait3A_623 : memref<10000x128xf32, #tpu.memory_space<vmem_shared>>)
        } else {
        }
        %add3A_525 = arith.constant 3 : i32
        %add3A_526 = arith.addi %add3A_186, %add3A_525 : i32
        %jit3A_527 = arith.constant 25 : i32
        %eq3A_528 = arith.constant 0 : i32
        %eq3A_529 = arith.cmpi eq, %jit3A_527, %eq3A_528 : i32
        %jit3A_530 = arith.constant 1 : i32
        %select_n3A_531 = arith.select %eq3A_529, %jit3A_530, %jit3A_527 : i32
        %rem3A_532 = arith.remsi %add3A_526, %select_n3A_531 : i32
        %ne3A_533 = arith.constant 0 : i32
        %ne3A_534 = arith.cmpi ne, %rem3A_532, %ne3A_533 : i32
        %lt3A_535 = arith.constant 0 : i32
        %lt3A_536 = arith.cmpi slt, %rem3A_532, %lt3A_535 : i32
        %lt3A_537 = arith.constant 0 : i32
        %lt3A_538 = arith.cmpi slt, %select_n3A_531, %lt3A_537 : i32
        %ne3A_539 = arith.xori %lt3A_536, %lt3A_538 : i1
        %and3A_540 = arith.andi %ne3A_539, %ne3A_534 : i1
        %add3A_541 = arith.addi %rem3A_532, %select_n3A_531 : i32
        %select_n3A_542 = arith.select %and3A_540, %add3A_541, %rem3A_532 : i32
        %eq3A_543 = arith.constant 0 : i32
        %eq3A_544 = arith.cmpi eq, %select_n3A_542, %eq3A_543 : i32
        %add3A_545 = arith.constant 3 : i32
        %add3A_546 = arith.addi %add3A_186, %add3A_545 : i32
        %lt3A_547 = arith.constant 250 : i32
        %lt3A_548 = arith.cmpi slt, %add3A_546, %lt3A_547 : i32
        %and3A_549 = arith.andi %eq3A_544, %lt3A_548 : i1
        %convert_element_type3A_550 = arith.extui %and3A_549 : i1 to i32
        %cond3A_551 = arith.constant 0 : i32
        %cond3A_552 = arith.cmpi ne, %convert_element_type3A_550, %cond3A_551 : i32
        scf.if %cond3A_552 {
          %add3A_560 = arith.constant 3 : i32
          %add3A_561 = arith.addi %add3A_186, %add3A_560 : i32
          %jit3A_562 = arith.constant 25 : i32
          %div3A_563 = arith.divsi %add3A_561, %jit3A_562 : i32
          %sign3A_564 = arith.constant 0 : i32
          %sign3A_565 = arith.cmpi sgt, %add3A_561, %sign3A_564 : i32
          %sign3A_566 = arith.extui %sign3A_565 : i1 to i32
          %sign3A_567 = arith.constant 0 : i32
          %sign3A_568 = arith.cmpi slt, %add3A_561, %sign3A_567 : i32
          %sign3A_569 = arith.extui %sign3A_568 : i1 to i32
          %sign3A_570 = arith.subi %sign3A_566, %sign3A_569 : i32
          %sign3A_571 = arith.constant 0 : i32
          %sign3A_572 = arith.cmpi sgt, %jit3A_562, %sign3A_571 : i32
          %sign3A_573 = arith.extui %sign3A_572 : i1 to i32
          %sign3A_574 = arith.constant 0 : i32
          %sign3A_575 = arith.cmpi slt, %jit3A_562, %sign3A_574 : i32
          %sign3A_576 = arith.extui %sign3A_575 : i1 to i32
          %sign3A_577 = arith.subi %sign3A_573, %sign3A_576 : i32
          %ne3A_578 = arith.cmpi ne, %sign3A_570, %sign3A_577 : i32
          %rem3A_579 = arith.remsi %add3A_561, %jit3A_562 : i32
          %ne3A_580 = arith.constant 0 : i32
          %ne3A_581 = arith.cmpi ne, %rem3A_579, %ne3A_580 : i32
          %and3A_582 = arith.andi %ne3A_578, %ne3A_581 : i1
          %sub3A_583 = arith.constant 1 : i32
          %sub3A_584 = arith.subi %div3A_563, %sub3A_583 : i32
          %select_n3A_585 = arith.select %and3A_582, %sub3A_584, %div3A_563 : i32
          %jit3A_586 = arith.constant 3 : i32
          %eq3A_587 = arith.constant 0 : i32
          %eq3A_588 = arith.cmpi eq, %jit3A_586, %eq3A_587 : i32
          %jit3A_589 = arith.constant 1 : i32
          %select_n3A_590 = arith.select %eq3A_588, %jit3A_589, %jit3A_586 : i32
          %rem3A_591 = arith.remsi %select_n3A_585, %select_n3A_590 : i32
          %ne3A_592 = arith.constant 0 : i32
          %ne3A_593 = arith.cmpi ne, %rem3A_591, %ne3A_592 : i32
          %lt3A_594 = arith.constant 0 : i32
          %lt3A_595 = arith.cmpi slt, %rem3A_591, %lt3A_594 : i32
          %lt3A_596 = arith.constant 0 : i32
          %lt3A_597 = arith.cmpi slt, %select_n3A_590, %lt3A_596 : i32
          %ne3A_598 = arith.xori %lt3A_595, %lt3A_597 : i1
          %and3A_599 = arith.andi %ne3A_598, %ne3A_593 : i1
          %add3A_600 = arith.addi %rem3A_591, %select_n3A_590 : i32
          %select_n3A_601 = arith.select %and3A_599, %add3A_600, %rem3A_591 : i32
          "tpu.region"() ({
            %run_scoped3A_602 = tpu.sem_alloc : memref<!tpu.dma_semaphore, #tpu.memory_space<semaphore_mem>>
            %dma_start3A_603 = arith.constant 0 : i32
            %dma_start3A_604 = arith.constant 0 : i32
            %dma_start3A_605 = tpu.memref_slice %arg8[%select_n3A_601, %dma_start3A_603, %dma_start3A_604] : memref<3x25x40xi32, #tpu.memory_space<vmem>> -> memref<1x25x40xi32, #tpu.memory_space<vmem>>
            %dma_start3A_606 = tpu.memref_squeeze %dma_start3A_605 : memref<1x25x40xi32, #tpu.memory_space<vmem>> -> memref<25x40xi32, #tpu.memory_space<vmem>>
            %dma_start3A_607 = arith.constant 0 : i32
            %dma_start3A_608 = tpu.memref_slice %arg4[%add3A, %add3A_561, %dma_start3A_607] : memref<32x250x40xi32, #tpu.memory_space<hbm>> -> memref<1x25x40xi32, #tpu.memory_space<hbm>>
            %dma_start3A_609 = tpu.memref_squeeze %dma_start3A_608 : memref<1x25x40xi32, #tpu.memory_space<hbm>> -> memref<25x40xi32, #tpu.memory_space<hbm>>
            %dma_start3A_610 = arith.constant 0 : i32
            %dma_start3A_611 = arith.constant 0 : i32
            %dma_start3A_612 = tpu.memref_slice %arg8[%select_n3A_601, %dma_start3A_610, %dma_start3A_611] : memref<3x25x40xi32, #tpu.memory_space<vmem>> -> memref<1x25x40xi32, #tpu.memory_space<vmem>>
            %dma_start3A_613 = tpu.memref_squeeze %dma_start3A_612 : memref<1x25x40xi32, #tpu.memory_space<vmem>> -> memref<25x40xi32, #tpu.memory_space<vmem>>
            %dma_start3A_614 = arith.constant 0 : i32
            %dma_start3A_615 = tpu.memref_slice %arg4[%add3A, %add3A_561, %dma_start3A_614] : memref<32x250x40xi32, #tpu.memory_space<hbm>> -> memref<1x25x40xi32, #tpu.memory_space<hbm>>
            %dma_start3A_616 = tpu.memref_squeeze %dma_start3A_615 : memref<1x25x40xi32, #tpu.memory_space<hbm>> -> memref<25x40xi32, #tpu.memory_space<hbm>>
            tpu.enqueue_dma source(%dma_start3A_616 : memref<25x40xi32, #tpu.memory_space<hbm>>) target(%dma_start3A_613 : memref<25x40xi32, #tpu.memory_space<vmem>>) target_semaphore(%run_scoped3A_602 : memref<!tpu.dma_semaphore, #tpu.memory_space<semaphore_mem>>)
            %dma_wait3A_617 = arith.constant 0 : i32
            %dma_wait3A_618 = arith.constant 0 : i32
            %dma_wait3A_619 = tpu.memref_slice %arg8[%select_n3A_601, %dma_wait3A_617, %dma_wait3A_618] : memref<3x25x40xi32, #tpu.memory_space<vmem>> -> memref<1x25x40xi32, #tpu.memory_space<vmem>>
            %dma_wait3A_620 = tpu.memref_squeeze %dma_wait3A_619 : memref<1x25x40xi32, #tpu.memory_space<vmem>> -> memref<25x40xi32, #tpu.memory_space<vmem>>
            %dma_wait3A_621 = arith.constant 0 : i32
            %dma_wait3A_622 = tpu.memref_slice %arg4[%add3A, %add3A_561, %dma_wait3A_621] : memref<32x250x40xi32, #tpu.memory_space<hbm>> -> memref<1x25x40xi32, #tpu.memory_space<hbm>>
            %dma_wait3A_623 = tpu.memref_squeeze %dma_wait3A_622 : memref<1x25x40xi32, #tpu.memory_space<hbm>> -> memref<25x40xi32, #tpu.memory_space<hbm>>
            %dma_wait3A_624 = arith.constant 0 : i32
            %dma_wait3A_625 = arith.constant 0 : i32
            %dma_wait3A_626 = tpu.memref_slice %arg8[%select_n3A_601, %dma_wait3A_624, %dma_wait3A_625] : memref<3x25x40xi32, #tpu.memory_space<vmem>> -> memref<1x25x40xi32, #tpu.memory_space<vmem>>
            %dma_wait3A_627 = tpu.memref_squeeze %dma_wait3A_626 : memref<1x25x40xi32, #tpu.memory_space<vmem>> -> memref<25x40xi32, #tpu.memory_space<vmem>>
            %dma_wait3A_628 = arith.constant 0 : i32
            %dma_wait3A_629 = tpu.memref_slice %arg4[%add3A, %add3A_561, %dma_wait3A_628] : memref<32x250x40xi32, #tpu.memory_space<hbm>> -> memref<1x25x40xi32, #tpu.memory_space<hbm>>
            %dma_wait3A_630 = tpu.memref_squeeze %dma_wait3A_629 : memref<1x25x40xi32, #tpu.memory_space<hbm>> -> memref<25x40xi32, #tpu.memory_space<hbm>>
            tpu.wait_dma2 semaphore(%run_scoped3A_602 : memref<!tpu.dma_semaphore, #tpu.memory_space<semaphore_mem>>) src(%dma_wait3A_630 : memref<25x40xi32, #tpu.memory_space<hbm>>) dst(%dma_wait3A_627 : memref<25x40xi32, #tpu.memory_space<vmem>>)
            tpu.yield
          }) : () -> ()
          "tpu.region"() ({
            %run_scoped3A_602 = tpu.sem_alloc : memref<!tpu.dma_semaphore, #tpu.memory_space<semaphore_mem>>
            %dma_start3A_603 = arith.constant 0 : i32
            %dma_start3A_604 = arith.constant 0 : i32
            %dma_start3A_605 = tpu.memref_slice %arg9[%select_n3A_601, %dma_start3A_603, %dma_start3A_604] : memref<3x25x40xi32, #tpu.memory_space<vmem>> -> memref<1x25x40xi32, #tpu.memory_space<vmem>>
            %dma_start3A_606 = tpu.memref_squeeze %dma_start3A_605 : memref<1x25x40xi32, #tpu.memory_space<vmem>> -> memref<25x40xi32, #tpu.memory_space<vmem>>
            %dma_start3A_607 = arith.constant 0 : i32
            %dma_start3A_608 = tpu.memref_slice %arg5[%add3A, %add3A_561, %dma_start3A_607] : memref<32x250x40xi32, #tpu.memory_space<hbm>> -> memref<1x25x40xi32, #tpu.memory_space<hbm>>
            %dma_start3A_609 = tpu.memref_squeeze %dma_start3A_608 : memref<1x25x40xi32, #tpu.memory_space<hbm>> -> memref<25x40xi32, #tpu.memory_space<hbm>>
            %dma_start3A_610 = arith.constant 0 : i32
            %dma_start3A_611 = arith.constant 0 : i32
            %dma_start3A_612 = tpu.memref_slice %arg9[%select_n3A_601, %dma_start3A_610, %dma_start3A_611] : memref<3x25x40xi32, #tpu.memory_space<vmem>> -> memref<1x25x40xi32, #tpu.memory_space<vmem>>
            %dma_start3A_613 = tpu.memref_squeeze %dma_start3A_612 : memref<1x25x40xi32, #tpu.memory_space<vmem>> -> memref<25x40xi32, #tpu.memory_space<vmem>>
            %dma_start3A_614 = arith.constant 0 : i32
            %dma_start3A_615 = tpu.memref_slice %arg5[%add3A, %add3A_561, %dma_start3A_614] : memref<32x250x40xi32, #tpu.memory_space<hbm>> -> memref<1x25x40xi32, #tpu.memory_space<hbm>>
            %dma_start3A_616 = tpu.memref_squeeze %dma_start3A_615 : memref<1x25x40xi32, #tpu.memory_space<hbm>> -> memref<25x40xi32, #tpu.memory_space<hbm>>
            tpu.enqueue_dma source(%dma_start3A_616 : memref<25x40xi32, #tpu.memory_space<hbm>>) target(%dma_start3A_613 : memref<25x40xi32, #tpu.memory_space<vmem>>) target_semaphore(%run_scoped3A_602 : memref<!tpu.dma_semaphore, #tpu.memory_space<semaphore_mem>>)
            %dma_wait3A_617 = arith.constant 0 : i32
            %dma_wait3A_618 = arith.constant 0 : i32
            %dma_wait3A_619 = tpu.memref_slice %arg9[%select_n3A_601, %dma_wait3A_617, %dma_wait3A_618] : memref<3x25x40xi32, #tpu.memory_space<vmem>> -> memref<1x25x40xi32, #tpu.memory_space<vmem>>
            %dma_wait3A_620 = tpu.memref_squeeze %dma_wait3A_619 : memref<1x25x40xi32, #tpu.memory_space<vmem>> -> memref<25x40xi32, #tpu.memory_space<vmem>>
            %dma_wait3A_621 = arith.constant 0 : i32
            %dma_wait3A_622 = tpu.memref_slice %arg5[%add3A, %add3A_561, %dma_wait3A_621] : memref<32x250x40xi32, #tpu.memory_space<hbm>> -> memref<1x25x40xi32, #tpu.memory_space<hbm>>
            %dma_wait3A_623 = tpu.memref_squeeze %dma_wait3A_622 : memref<1x25x40xi32, #tpu.memory_space<hbm>> -> memref<25x40xi32, #tpu.memory_space<hbm>>
            %dma_wait3A_624 = arith.constant 0 : i32
            %dma_wait3A_625 = arith.constant 0 : i32
            %dma_wait3A_626 = tpu.memref_slice %arg9[%select_n3A_601, %dma_wait3A_624, %dma_wait3A_625] : memref<3x25x40xi32, #tpu.memory_space<vmem>> -> memref<1x25x40xi32, #tpu.memory_space<vmem>>
            %dma_wait3A_627 = tpu.memref_squeeze %dma_wait3A_626 : memref<1x25x40xi32, #tpu.memory_space<vmem>> -> memref<25x40xi32, #tpu.memory_space<vmem>>
            %dma_wait3A_628 = arith.constant 0 : i32
            %dma_wait3A_629 = tpu.memref_slice %arg5[%add3A, %add3A_561, %dma_wait3A_628] : memref<32x250x40xi32, #tpu.memory_space<hbm>> -> memref<1x25x40xi32, #tpu.memory_space<hbm>>
            %dma_wait3A_630 = tpu.memref_squeeze %dma_wait3A_629 : memref<1x25x40xi32, #tpu.memory_space<hbm>> -> memref<25x40xi32, #tpu.memory_space<hbm>>
            tpu.wait_dma2 semaphore(%run_scoped3A_602 : memref<!tpu.dma_semaphore, #tpu.memory_space<semaphore_mem>>) src(%dma_wait3A_630 : memref<25x40xi32, #tpu.memory_space<hbm>>) dst(%dma_wait3A_627 : memref<25x40xi32, #tpu.memory_space<vmem>>)
            tpu.yield
          }) : () -> ()
        } else {
        }
        %add3A_553 = arith.constant 3 : i32
        %add3A_554 = arith.addi %add3A_186, %add3A_553 : i32
        %lt3A_555 = arith.constant 250 : i32
        %lt3A_556 = arith.cmpi slt, %add3A_554, %lt3A_555 : i32
        %convert_element_type3A_557 = arith.extui %lt3A_556 : i1 to i32
        %cond3A_558 = arith.constant 0 : i32
        %cond3A_559 = arith.cmpi ne, %convert_element_type3A_557, %cond3A_558 : i32
        scf.if %cond3A_559 {
          %add3A_560 = arith.constant 3 : i32
          %add3A_561 = arith.addi %add3A_186, %add3A_560 : i32
          %jit3A_562 = arith.constant 25 : i32
          %div3A_563 = arith.divsi %add3A_561, %jit3A_562 : i32
          %sign3A_564 = arith.constant 0 : i32
          %sign3A_565 = arith.cmpi sgt, %add3A_561, %sign3A_564 : i32
          %sign3A_566 = arith.extui %sign3A_565 : i1 to i32
          %sign3A_567 = arith.constant 0 : i32
          %sign3A_568 = arith.cmpi slt, %add3A_561, %sign3A_567 : i32
          %sign3A_569 = arith.extui %sign3A_568 : i1 to i32
          %sign3A_570 = arith.subi %sign3A_566, %sign3A_569 : i32
          %sign3A_571 = arith.constant 0 : i32
          %sign3A_572 = arith.cmpi sgt, %jit3A_562, %sign3A_571 : i32
          %sign3A_573 = arith.extui %sign3A_572 : i1 to i32
          %sign3A_574 = arith.constant 0 : i32
          %sign3A_575 = arith.cmpi slt, %jit3A_562, %sign3A_574 : i32
          %sign3A_576 = arith.extui %sign3A_575 : i1 to i32
          %sign3A_577 = arith.subi %sign3A_573, %sign3A_576 : i32
          %ne3A_578 = arith.cmpi ne, %sign3A_570, %sign3A_577 : i32
          %rem3A_579 = arith.remsi %add3A_561, %jit3A_562 : i32
          %ne3A_580 = arith.constant 0 : i32
          %ne3A_581 = arith.cmpi ne, %rem3A_579, %ne3A_580 : i32
          %and3A_582 = arith.andi %ne3A_578, %ne3A_581 : i1
          %sub3A_583 = arith.constant 1 : i32
          %sub3A_584 = arith.subi %div3A_563, %sub3A_583 : i32
          %select_n3A_585 = arith.select %and3A_582, %sub3A_584, %div3A_563 : i32
          %jit3A_586 = arith.constant 3 : i32
          %eq3A_587 = arith.constant 0 : i32
          %eq3A_588 = arith.cmpi eq, %jit3A_586, %eq3A_587 : i32
          %jit3A_589 = arith.constant 1 : i32
          %select_n3A_590 = arith.select %eq3A_588, %jit3A_589, %jit3A_586 : i32
          %rem3A_591 = arith.remsi %select_n3A_585, %select_n3A_590 : i32
          %ne3A_592 = arith.constant 0 : i32
          %ne3A_593 = arith.cmpi ne, %rem3A_591, %ne3A_592 : i32
          %lt3A_594 = arith.constant 0 : i32
          %lt3A_595 = arith.cmpi slt, %rem3A_591, %lt3A_594 : i32
          %lt3A_596 = arith.constant 0 : i32
          %lt3A_597 = arith.cmpi slt, %select_n3A_590, %lt3A_596 : i32
          %ne3A_598 = arith.xori %lt3A_595, %lt3A_597 : i1
          %and3A_599 = arith.andi %ne3A_598, %ne3A_593 : i1
          %add3A_600 = arith.addi %rem3A_591, %select_n3A_590 : i32
          %select_n3A_601 = arith.select %and3A_599, %add3A_600, %rem3A_591 : i32
          %jit3A_602 = arith.constant 25 : i32
          %eq3A_603 = arith.constant 0 : i32
          %eq3A_604 = arith.cmpi eq, %jit3A_602, %eq3A_603 : i32
          %jit3A_605 = arith.constant 1 : i32
          %select_n3A_606 = arith.select %eq3A_604, %jit3A_605, %jit3A_602 : i32
          %rem3A_607 = arith.remsi %add3A_561, %select_n3A_606 : i32
          %ne3A_608 = arith.constant 0 : i32
          %ne3A_609 = arith.cmpi ne, %rem3A_607, %ne3A_608 : i32
          %lt3A_610 = arith.constant 0 : i32
          %lt3A_611 = arith.cmpi slt, %rem3A_607, %lt3A_610 : i32
          %lt3A_612 = arith.constant 0 : i32
          %lt3A_613 = arith.cmpi slt, %select_n3A_606, %lt3A_612 : i32
          %ne3A_614 = arith.xori %lt3A_611, %lt3A_613 : i1
          %and3A_615 = arith.andi %ne3A_614, %ne3A_609 : i1
          %add3A_616 = arith.addi %rem3A_607, %select_n3A_606 : i32
          %select_n3A_617 = arith.select %and3A_615, %add3A_616, %rem3A_607 : i32
          %dma_start3A_618 = arith.constant 0 : i32
          %dma_start3A_619 = arith.constant 0 : i32
          %dma_start3A_620 = tpu.memref_slice %arg11[%dma_start3A_618, %dma_start3A_619] : memref<40x128xf32, #tpu.memory_space<vmem>> -> memref<24x128xf32, #tpu.memory_space<vmem>>
          %dma_start3A_621 = arith.constant 0 : i32
          %dma_start3A_622 = tpu.memref_slice %arg8[%select_n3A_601, %select_n3A_617, %dma_start3A_621] : memref<3x25x40xi32, #tpu.memory_space<vmem>> -> memref<1x1x24xi32, #tpu.memory_space<vmem>>
          %dma_start3A_623 = tpu.memref_squeeze %dma_start3A_622 : memref<1x1x24xi32, #tpu.memory_space<vmem>> -> memref<24xi32, #tpu.memory_space<vmem>>
          %dma_start3A_624 = arith.constant 0 : i32
          %dma_start3A_625 = arith.constant 0 : i32
          %dma_start3A_626 = tpu.memref_slice %arg2[%dma_start3A_624, %dma_start3A_625] : memref<10000x128xf32, #tpu.memory_space<hbm>> -> memref<10000x128xf32, #tpu.memory_space<hbm>>
          tpu.enqueue_indirect_dma source(%dma_start3A_626 : memref<10000x128xf32, #tpu.memory_space<hbm>>) target(%dma_start3A_620 : memref<24x128xf32, #tpu.memory_space<vmem>>) offsets(%dma_start3A_623 : memref<24xi32, #tpu.memory_space<vmem>>) semaphore(%arg20 : memref<!tpu.dma_semaphore, #tpu.memory_space<semaphore_mem>>)
          %jit3A_627 = arith.constant 25 : i32
          %div3A_628 = arith.divsi %add3A_561, %jit3A_627 : i32
          %sign3A_629 = arith.constant 0 : i32
          %sign3A_630 = arith.cmpi sgt, %add3A_561, %sign3A_629 : i32
          %sign3A_631 = arith.extui %sign3A_630 : i1 to i32
          %sign3A_632 = arith.constant 0 : i32
          %sign3A_633 = arith.cmpi slt, %add3A_561, %sign3A_632 : i32
          %sign3A_634 = arith.extui %sign3A_633 : i1 to i32
          %sign3A_635 = arith.subi %sign3A_631, %sign3A_634 : i32
          %sign3A_636 = arith.constant 0 : i32
          %sign3A_637 = arith.cmpi sgt, %jit3A_627, %sign3A_636 : i32
          %sign3A_638 = arith.extui %sign3A_637 : i1 to i32
          %sign3A_639 = arith.constant 0 : i32
          %sign3A_640 = arith.cmpi slt, %jit3A_627, %sign3A_639 : i32
          %sign3A_641 = arith.extui %sign3A_640 : i1 to i32
          %sign3A_642 = arith.subi %sign3A_638, %sign3A_641 : i32
          %ne3A_643 = arith.cmpi ne, %sign3A_635, %sign3A_642 : i32
          %rem3A_644 = arith.remsi %add3A_561, %jit3A_627 : i32
          %ne3A_645 = arith.constant 0 : i32
          %ne3A_646 = arith.cmpi ne, %rem3A_644, %ne3A_645 : i32
          %and3A_647 = arith.andi %ne3A_643, %ne3A_646 : i1
          %sub3A_648 = arith.constant 1 : i32
          %sub3A_649 = arith.subi %div3A_628, %sub3A_648 : i32
          %select_n3A_650 = arith.select %and3A_647, %sub3A_649, %div3A_628 : i32
          %jit3A_651 = arith.constant 3 : i32
          %eq3A_652 = arith.constant 0 : i32
          %eq3A_653 = arith.cmpi eq, %jit3A_651, %eq3A_652 : i32
          %jit3A_654 = arith.constant 1 : i32
          %select_n3A_655 = arith.select %eq3A_653, %jit3A_654, %jit3A_651 : i32
          %rem3A_656 = arith.remsi %select_n3A_650, %select_n3A_655 : i32
          %ne3A_657 = arith.constant 0 : i32
          %ne3A_658 = arith.cmpi ne, %rem3A_656, %ne3A_657 : i32
          %lt3A_659 = arith.constant 0 : i32
          %lt3A_660 = arith.cmpi slt, %rem3A_656, %lt3A_659 : i32
          %lt3A_661 = arith.constant 0 : i32
          %lt3A_662 = arith.cmpi slt, %select_n3A_655, %lt3A_661 : i32
          %ne3A_663 = arith.xori %lt3A_660, %lt3A_662 : i1
          %and3A_664 = arith.andi %ne3A_663, %ne3A_658 : i1
          %add3A_665 = arith.addi %rem3A_656, %select_n3A_655 : i32
          %select_n3A_666 = arith.select %and3A_664, %add3A_665, %rem3A_656 : i32
          %jit3A_667 = arith.constant 25 : i32
          %eq3A_668 = arith.constant 0 : i32
          %eq3A_669 = arith.cmpi eq, %jit3A_667, %eq3A_668 : i32
          %jit3A_670 = arith.constant 1 : i32
          %select_n3A_671 = arith.select %eq3A_669, %jit3A_670, %jit3A_667 : i32
          %rem3A_672 = arith.remsi %add3A_561, %select_n3A_671 : i32
          %ne3A_673 = arith.constant 0 : i32
          %ne3A_674 = arith.cmpi ne, %rem3A_672, %ne3A_673 : i32
          %lt3A_675 = arith.constant 0 : i32
          %lt3A_676 = arith.cmpi slt, %rem3A_672, %lt3A_675 : i32
          %lt3A_677 = arith.constant 0 : i32
          %lt3A_678 = arith.cmpi slt, %select_n3A_671, %lt3A_677 : i32
          %ne3A_679 = arith.xori %lt3A_676, %lt3A_678 : i1
          %and3A_680 = arith.andi %ne3A_679, %ne3A_674 : i1
          %add3A_681 = arith.addi %rem3A_672, %select_n3A_671 : i32
          %select_n3A_682 = arith.select %and3A_680, %add3A_681, %rem3A_672 : i32
          %dma_start3A_683 = arith.constant 0 : i32
          %dma_start3A_684 = arith.constant 0 : i32
          %dma_start3A_685 = tpu.memref_slice %arg15[%dma_start3A_683, %dma_start3A_684] : memref<40x128xf32, #tpu.memory_space<vmem>> -> memref<24x128xf32, #tpu.memory_space<vmem>>
          %dma_start3A_686 = arith.constant 0 : i32
          %dma_start3A_687 = tpu.memref_slice %arg9[%select_n3A_666, %select_n3A_682, %dma_start3A_686] : memref<3x25x40xi32, #tpu.memory_space<vmem>> -> memref<1x1x24xi32, #tpu.memory_space<vmem>>
          %dma_start3A_688 = tpu.memref_squeeze %dma_start3A_687 : memref<1x1x24xi32, #tpu.memory_space<vmem>> -> memref<24xi32, #tpu.memory_space<vmem>>
          %dma_start3A_689 = arith.constant 0 : i32
          %dma_start3A_690 = arith.constant 0 : i32
          %dma_start3A_691 = tpu.memref_slice %arg3[%dma_start3A_689, %dma_start3A_690] : memref<10000x128xf32, #tpu.memory_space<hbm>> -> memref<10000x128xf32, #tpu.memory_space<hbm>>
          tpu.enqueue_indirect_dma source(%dma_start3A_691 : memref<10000x128xf32, #tpu.memory_space<hbm>>) target(%dma_start3A_685 : memref<24x128xf32, #tpu.memory_space<vmem>>) offsets(%dma_start3A_688 : memref<24xi32, #tpu.memory_space<vmem>>) semaphore(%arg20 : memref<!tpu.dma_semaphore, #tpu.memory_space<semaphore_mem>>)
          %jit3A_692 = arith.constant 25 : i32
          %div3A_693 = arith.divsi %add3A_561, %jit3A_692 : i32
          %sign3A_694 = arith.constant 0 : i32
          %sign3A_695 = arith.cmpi sgt, %add3A_561, %sign3A_694 : i32
          %sign3A_696 = arith.extui %sign3A_695 : i1 to i32
          %sign3A_697 = arith.constant 0 : i32
          %sign3A_698 = arith.cmpi slt, %add3A_561, %sign3A_697 : i32
          %sign3A_699 = arith.extui %sign3A_698 : i1 to i32
          %sign3A_700 = arith.subi %sign3A_696, %sign3A_699 : i32
          %sign3A_701 = arith.constant 0 : i32
          %sign3A_702 = arith.cmpi sgt, %jit3A_692, %sign3A_701 : i32
          %sign3A_703 = arith.extui %sign3A_702 : i1 to i32
          %sign3A_704 = arith.constant 0 : i32
          %sign3A_705 = arith.cmpi slt, %jit3A_692, %sign3A_704 : i32
          %sign3A_706 = arith.extui %sign3A_705 : i1 to i32
          %sign3A_707 = arith.subi %sign3A_703, %sign3A_706 : i32
          %ne3A_708 = arith.cmpi ne, %sign3A_700, %sign3A_707 : i32
          %rem3A_709 = arith.remsi %add3A_561, %jit3A_692 : i32
          %ne3A_710 = arith.constant 0 : i32
          %ne3A_711 = arith.cmpi ne, %rem3A_709, %ne3A_710 : i32
          %and3A_712 = arith.andi %ne3A_708, %ne3A_711 : i1
          %sub3A_713 = arith.constant 1 : i32
          %sub3A_714 = arith.subi %div3A_693, %sub3A_713 : i32
          %select_n3A_715 = arith.select %and3A_712, %sub3A_714, %div3A_693 : i32
          %jit3A_716 = arith.constant 3 : i32
          %eq3A_717 = arith.constant 0 : i32
          %eq3A_718 = arith.cmpi eq, %jit3A_716, %eq3A_717 : i32
          %jit3A_719 = arith.constant 1 : i32
          %select_n3A_720 = arith.select %eq3A_718, %jit3A_719, %jit3A_716 : i32
          %rem3A_721 = arith.remsi %select_n3A_715, %select_n3A_720 : i32
          %ne3A_722 = arith.constant 0 : i32
          %ne3A_723 = arith.cmpi ne, %rem3A_721, %ne3A_722 : i32
          %lt3A_724 = arith.constant 0 : i32
          %lt3A_725 = arith.cmpi slt, %rem3A_721, %lt3A_724 : i32
          %lt3A_726 = arith.constant 0 : i32
          %lt3A_727 = arith.cmpi slt, %select_n3A_720, %lt3A_726 : i32
          %ne3A_728 = arith.xori %lt3A_725, %lt3A_727 : i1
          %and3A_729 = arith.andi %ne3A_728, %ne3A_723 : i1
          %add3A_730 = arith.addi %rem3A_721, %select_n3A_720 : i32
          %select_n3A_731 = arith.select %and3A_729, %add3A_730, %rem3A_721 : i32
          %jit3A_732 = arith.constant 25 : i32
          %eq3A_733 = arith.constant 0 : i32
          %eq3A_734 = arith.cmpi eq, %jit3A_732, %eq3A_733 : i32
          %jit3A_735 = arith.constant 1 : i32
          %select_n3A_736 = arith.select %eq3A_734, %jit3A_735, %jit3A_732 : i32
          %rem3A_737 = arith.remsi %add3A_561, %select_n3A_736 : i32
          %ne3A_738 = arith.constant 0 : i32
          %ne3A_739 = arith.cmpi ne, %rem3A_737, %ne3A_738 : i32
          %lt3A_740 = arith.constant 0 : i32
          %lt3A_741 = arith.cmpi slt, %rem3A_737, %lt3A_740 : i32
          %lt3A_742 = arith.constant 0 : i32
          %lt3A_743 = arith.cmpi slt, %select_n3A_736, %lt3A_742 : i32
          %ne3A_744 = arith.xori %lt3A_741, %lt3A_743 : i1
          %and3A_745 = arith.andi %ne3A_744, %ne3A_739 : i1
          %add3A_746 = arith.addi %rem3A_737, %select_n3A_736 : i32
          %select_n3A_747 = arith.select %and3A_745, %add3A_746, %rem3A_737 : i32
          %dma_start3A_748 = arith.constant 24 : i32
          %dma_start3A_749 = arith.constant 0 : i32
          %dma_start3A_750 = tpu.memref_slice %arg11[%dma_start3A_748, %dma_start3A_749] : memref<40x128xf32, #tpu.memory_space<vmem>> -> memref<16x128xf32, #tpu.memory_space<vmem>>
          %dma_start3A_751 = arith.constant 24 : i32
          %dma_start3A_752 = tpu.memref_slice %arg8[%select_n3A_731, %select_n3A_747, %dma_start3A_751] : memref<3x25x40xi32, #tpu.memory_space<vmem>> -> memref<1x1x16xi32, #tpu.memory_space<vmem>>
          %dma_start3A_753 = tpu.memref_squeeze %dma_start3A_752 : memref<1x1x16xi32, #tpu.memory_space<vmem>> -> memref<16xi32, #tpu.memory_space<vmem>>
          %dma_start3A_754 = arith.constant 0 : i32
          %dma_start3A_755 = arith.constant 0 : i32
          %dma_start3A_756 = tpu.memref_slice %arg2[%dma_start3A_754, %dma_start3A_755] : memref<10000x128xf32, #tpu.memory_space<hbm>> -> memref<10000x128xf32, #tpu.memory_space<hbm>>
          tpu.enqueue_indirect_dma source(%dma_start3A_756 : memref<10000x128xf32, #tpu.memory_space<hbm>>) target(%dma_start3A_750 : memref<16x128xf32, #tpu.memory_space<vmem>>) offsets(%dma_start3A_753 : memref<16xi32, #tpu.memory_space<vmem>>) semaphore(%arg20 : memref<!tpu.dma_semaphore, #tpu.memory_space<semaphore_mem>>)
          %jit3A_757 = arith.constant 25 : i32
          %div3A_758 = arith.divsi %add3A_561, %jit3A_757 : i32
          %sign3A_759 = arith.constant 0 : i32
          %sign3A_760 = arith.cmpi sgt, %add3A_561, %sign3A_759 : i32
          %sign3A_761 = arith.extui %sign3A_760 : i1 to i32
          %sign3A_762 = arith.constant 0 : i32
          %sign3A_763 = arith.cmpi slt, %add3A_561, %sign3A_762 : i32
          %sign3A_764 = arith.extui %sign3A_763 : i1 to i32
          %sign3A_765 = arith.subi %sign3A_761, %sign3A_764 : i32
          %sign3A_766 = arith.constant 0 : i32
          %sign3A_767 = arith.cmpi sgt, %jit3A_757, %sign3A_766 : i32
          %sign3A_768 = arith.extui %sign3A_767 : i1 to i32
          %sign3A_769 = arith.constant 0 : i32
          %sign3A_770 = arith.cmpi slt, %jit3A_757, %sign3A_769 : i32
          %sign3A_771 = arith.extui %sign3A_770 : i1 to i32
          %sign3A_772 = arith.subi %sign3A_768, %sign3A_771 : i32
          %ne3A_773 = arith.cmpi ne, %sign3A_765, %sign3A_772 : i32
          %rem3A_774 = arith.remsi %add3A_561, %jit3A_757 : i32
          %ne3A_775 = arith.constant 0 : i32
          %ne3A_776 = arith.cmpi ne, %rem3A_774, %ne3A_775 : i32
          %and3A_777 = arith.andi %ne3A_773, %ne3A_776 : i1
          %sub3A_778 = arith.constant 1 : i32
          %sub3A_779 = arith.subi %div3A_758, %sub3A_778 : i32
          %select_n3A_780 = arith.select %and3A_777, %sub3A_779, %div3A_758 : i32
          %jit3A_781 = arith.constant 3 : i32
          %eq3A_782 = arith.constant 0 : i32
          %eq3A_783 = arith.cmpi eq, %jit3A_781, %eq3A_782 : i32
          %jit3A_784 = arith.constant 1 : i32
          %select_n3A_785 = arith.select %eq3A_783, %jit3A_784, %jit3A_781 : i32
          %rem3A_786 = arith.remsi %select_n3A_780, %select_n3A_785 : i32
          %ne3A_787 = arith.constant 0 : i32
          %ne3A_788 = arith.cmpi ne, %rem3A_786, %ne3A_787 : i32
          %lt3A_789 = arith.constant 0 : i32
          %lt3A_790 = arith.cmpi slt, %rem3A_786, %lt3A_789 : i32
          %lt3A_791 = arith.constant 0 : i32
          %lt3A_792 = arith.cmpi slt, %select_n3A_785, %lt3A_791 : i32
          %ne3A_793 = arith.xori %lt3A_790, %lt3A_792 : i1
          %and3A_794 = arith.andi %ne3A_793, %ne3A_788 : i1
          %add3A_795 = arith.addi %rem3A_786, %select_n3A_785 : i32
          %select_n3A_796 = arith.select %and3A_794, %add3A_795, %rem3A_786 : i32
          %jit3A_797 = arith.constant 25 : i32
          %eq3A_798 = arith.constant 0 : i32
          %eq3A_799 = arith.cmpi eq, %jit3A_797, %eq3A_798 : i32
          %jit3A_800 = arith.constant 1 : i32
          %select_n3A_801 = arith.select %eq3A_799, %jit3A_800, %jit3A_797 : i32
          %rem3A_802 = arith.remsi %add3A_561, %select_n3A_801 : i32
          %ne3A_803 = arith.constant 0 : i32
          %ne3A_804 = arith.cmpi ne, %rem3A_802, %ne3A_803 : i32
          %lt3A_805 = arith.constant 0 : i32
          %lt3A_806 = arith.cmpi slt, %rem3A_802, %lt3A_805 : i32
          %lt3A_807 = arith.constant 0 : i32
          %lt3A_808 = arith.cmpi slt, %select_n3A_801, %lt3A_807 : i32
          %ne3A_809 = arith.xori %lt3A_806, %lt3A_808 : i1
          %and3A_810 = arith.andi %ne3A_809, %ne3A_804 : i1
          %add3A_811 = arith.addi %rem3A_802, %select_n3A_801 : i32
          %select_n3A_812 = arith.select %and3A_810, %add3A_811, %rem3A_802 : i32
          %dma_start3A_813 = arith.constant 24 : i32
          %dma_start3A_814 = arith.constant 0 : i32
          %dma_start3A_815 = tpu.memref_slice %arg15[%dma_start3A_813, %dma_start3A_814] : memref<40x128xf32, #tpu.memory_space<vmem>> -> memref<16x128xf32, #tpu.memory_space<vmem>>
          %dma_start3A_816 = arith.constant 24 : i32
          %dma_start3A_817 = tpu.memref_slice %arg9[%select_n3A_796, %select_n3A_812, %dma_start3A_816] : memref<3x25x40xi32, #tpu.memory_space<vmem>> -> memref<1x1x16xi32, #tpu.memory_space<vmem>>
          %dma_start3A_818 = tpu.memref_squeeze %dma_start3A_817 : memref<1x1x16xi32, #tpu.memory_space<vmem>> -> memref<16xi32, #tpu.memory_space<vmem>>
          %dma_start3A_819 = arith.constant 0 : i32
          %dma_start3A_820 = arith.constant 0 : i32
          %dma_start3A_821 = tpu.memref_slice %arg3[%dma_start3A_819, %dma_start3A_820] : memref<10000x128xf32, #tpu.memory_space<hbm>> -> memref<10000x128xf32, #tpu.memory_space<hbm>>
          tpu.enqueue_indirect_dma source(%dma_start3A_821 : memref<10000x128xf32, #tpu.memory_space<hbm>>) target(%dma_start3A_815 : memref<16x128xf32, #tpu.memory_space<vmem>>) offsets(%dma_start3A_818 : memref<16xi32, #tpu.memory_space<vmem>>) semaphore(%arg20 : memref<!tpu.dma_semaphore, #tpu.memory_space<semaphore_mem>>)
        } else {
        }
      } else {
      }
      %mul3A_192 = arith.constant 4 : i32
      %mul3A_193 = arith.muli %mul3A_192, %scan3A_164 : i32
      %add3A_194 = arith.constant 3 : i32
      %add3A_195 = arith.addi %mul3A_193, %add3A_194 : i32
      %lt3A_196 = arith.constant 250 : i32
      %lt3A_197 = arith.cmpi slt, %add3A_195, %lt3A_196 : i32
      %convert_element_type3A_198 = arith.extui %lt3A_197 : i1 to i32
      %cond3A_199 = arith.constant 0 : i32
      %cond3A_200 = arith.cmpi ne, %convert_element_type3A_198, %cond3A_199 : i32
      scf.if %cond3A_200 {
        %jit3A = arith.constant 25 : i32
        %div3A = arith.divsi %add3A_195, %jit3A : i32
        %sign3A = arith.constant 0 : i32
        %sign3A_201 = arith.cmpi sgt, %add3A_195, %sign3A : i32
        %sign3A_202 = arith.extui %sign3A_201 : i1 to i32
        %sign3A_203 = arith.constant 0 : i32
        %sign3A_204 = arith.cmpi slt, %add3A_195, %sign3A_203 : i32
        %sign3A_205 = arith.extui %sign3A_204 : i1 to i32
        %sign3A_206 = arith.subi %sign3A_202, %sign3A_205 : i32
        %sign3A_207 = arith.constant 0 : i32
        %sign3A_208 = arith.cmpi sgt, %jit3A, %sign3A_207 : i32
        %sign3A_209 = arith.extui %sign3A_208 : i1 to i32
        %sign3A_210 = arith.constant 0 : i32
        %sign3A_211 = arith.cmpi slt, %jit3A, %sign3A_210 : i32
        %sign3A_212 = arith.extui %sign3A_211 : i1 to i32
        %sign3A_213 = arith.subi %sign3A_209, %sign3A_212 : i32
        %ne3A = arith.cmpi ne, %sign3A_206, %sign3A_213 : i32
        %rem3A = arith.remsi %add3A_195, %jit3A : i32
        %ne3A_214 = arith.constant 0 : i32
        %ne3A_215 = arith.cmpi ne, %rem3A, %ne3A_214 : i32
        %and3A = arith.andi %ne3A, %ne3A_215 : i1
        %sub3A = arith.constant 1 : i32
        %sub3A_216 = arith.subi %div3A, %sub3A : i32
        %select_n3A = arith.select %and3A, %sub3A_216, %div3A : i32
        %jit3A_217 = arith.constant 3 : i32
        %eq3A_218 = arith.constant 0 : i32
        %eq3A_219 = arith.cmpi eq, %jit3A_217, %eq3A_218 : i32
        %jit3A_220 = arith.constant 1 : i32
        %select_n3A_221 = arith.select %eq3A_219, %jit3A_220, %jit3A_217 : i32
        %rem3A_222 = arith.remsi %select_n3A, %select_n3A_221 : i32
        %ne3A_223 = arith.constant 0 : i32
        %ne3A_224 = arith.cmpi ne, %rem3A_222, %ne3A_223 : i32
        %lt3A_225 = arith.constant 0 : i32
        %lt3A_226 = arith.cmpi slt, %rem3A_222, %lt3A_225 : i32
        %lt3A_227 = arith.constant 0 : i32
        %lt3A_228 = arith.cmpi slt, %select_n3A_221, %lt3A_227 : i32
        %ne3A_229 = arith.xori %lt3A_226, %lt3A_228 : i1
        %and3A_230 = arith.andi %ne3A_229, %ne3A_224 : i1
        %add3A_231 = arith.addi %rem3A_222, %select_n3A_221 : i32
        %select_n3A_232 = arith.select %and3A_230, %add3A_231, %rem3A_222 : i32
        %jit3A_233 = arith.constant 25 : i32
        %eq3A_234 = arith.constant 0 : i32
        %eq3A_235 = arith.cmpi eq, %jit3A_233, %eq3A_234 : i32
        %jit3A_236 = arith.constant 1 : i32
        %select_n3A_237 = arith.select %eq3A_235, %jit3A_236, %jit3A_233 : i32
        %rem3A_238 = arith.remsi %add3A_195, %select_n3A_237 : i32
        %ne3A_239 = arith.constant 0 : i32
        %ne3A_240 = arith.cmpi ne, %rem3A_238, %ne3A_239 : i32
        %lt3A_241 = arith.constant 0 : i32
        %lt3A_242 = arith.cmpi slt, %rem3A_238, %lt3A_241 : i32
        %lt3A_243 = arith.constant 0 : i32
        %lt3A_244 = arith.cmpi slt, %select_n3A_237, %lt3A_243 : i32
        %ne3A_245 = arith.xori %lt3A_242, %lt3A_244 : i1
        %and3A_246 = arith.andi %ne3A_245, %ne3A_240 : i1
        %add3A_247 = arith.addi %rem3A_238, %select_n3A_237 : i32
        %select_n3A_248 = arith.select %and3A_246, %add3A_247, %rem3A_238 : i32
        %dma_wait3A_249 = arith.constant 0 : i32
        %dma_wait3A_250 = arith.constant 0 : i32
        %dma_wait3A_251 = tpu.memref_slice %arg13[%dma_wait3A_249, %dma_wait3A_250] : memref<40x128xf32, #tpu.memory_space<vmem>> -> memref<24x128xf32, #tpu.memory_space<vmem>>
        %dma_wait3A_252 = arith.constant 0 : i32
        %dma_wait3A_253 = tpu.memref_slice %arg8[%select_n3A_232, %select_n3A_248, %dma_wait3A_252] : memref<3x25x40xi32, #tpu.memory_space<vmem>> -> memref<1x1x24xi32, #tpu.memory_space<vmem>>
        %dma_wait3A_254 = tpu.memref_squeeze %dma_wait3A_253 : memref<1x1x24xi32, #tpu.memory_space<vmem>> -> memref<24xi32, #tpu.memory_space<vmem>>
        %dma_wait3A_255 = arith.constant 0 : i32
        %dma_wait3A_256 = arith.constant 0 : i32
        %dma_wait3A_257 = tpu.memref_slice %arg2[%dma_wait3A_255, %dma_wait3A_256] : memref<10000x128xf32, #tpu.memory_space<hbm>> -> memref<10000x128xf32, #tpu.memory_space<hbm>>
        tpu.wait_indirect_dma semaphore(%arg22 : memref<!tpu.dma_semaphore, #tpu.memory_space<semaphore_mem>>) src(%dma_wait3A_257 : memref<10000x128xf32, #tpu.memory_space<hbm>>) dst(%dma_wait3A_251 : memref<24x128xf32, #tpu.memory_space<vmem>>)
        %jit3A_258 = arith.constant 25 : i32
        %div3A_259 = arith.divsi %add3A_195, %jit3A_258 : i32
        %sign3A_260 = arith.constant 0 : i32
        %sign3A_261 = arith.cmpi sgt, %add3A_195, %sign3A_260 : i32
        %sign3A_262 = arith.extui %sign3A_261 : i1 to i32
        %sign3A_263 = arith.constant 0 : i32
        %sign3A_264 = arith.cmpi slt, %add3A_195, %sign3A_263 : i32
        %sign3A_265 = arith.extui %sign3A_264 : i1 to i32
        %sign3A_266 = arith.subi %sign3A_262, %sign3A_265 : i32
        %sign3A_267 = arith.constant 0 : i32
        %sign3A_268 = arith.cmpi sgt, %jit3A_258, %sign3A_267 : i32
        %sign3A_269 = arith.extui %sign3A_268 : i1 to i32
        %sign3A_270 = arith.constant 0 : i32
        %sign3A_271 = arith.cmpi slt, %jit3A_258, %sign3A_270 : i32
        %sign3A_272 = arith.extui %sign3A_271 : i1 to i32
        %sign3A_273 = arith.subi %sign3A_269, %sign3A_272 : i32
        %ne3A_274 = arith.cmpi ne, %sign3A_266, %sign3A_273 : i32
        %rem3A_275 = arith.remsi %add3A_195, %jit3A_258 : i32
        %ne3A_276 = arith.constant 0 : i32
        %ne3A_277 = arith.cmpi ne, %rem3A_275, %ne3A_276 : i32
        %and3A_278 = arith.andi %ne3A_274, %ne3A_277 : i1
        %sub3A_279 = arith.constant 1 : i32
        %sub3A_280 = arith.subi %div3A_259, %sub3A_279 : i32
        %select_n3A_281 = arith.select %and3A_278, %sub3A_280, %div3A_259 : i32
        %jit3A_282 = arith.constant 3 : i32
        %eq3A_283 = arith.constant 0 : i32
        %eq3A_284 = arith.cmpi eq, %jit3A_282, %eq3A_283 : i32
        %jit3A_285 = arith.constant 1 : i32
        %select_n3A_286 = arith.select %eq3A_284, %jit3A_285, %jit3A_282 : i32
        %rem3A_287 = arith.remsi %select_n3A_281, %select_n3A_286 : i32
        %ne3A_288 = arith.constant 0 : i32
        %ne3A_289 = arith.cmpi ne, %rem3A_287, %ne3A_288 : i32
        %lt3A_290 = arith.constant 0 : i32
        %lt3A_291 = arith.cmpi slt, %rem3A_287, %lt3A_290 : i32
        %lt3A_292 = arith.constant 0 : i32
        %lt3A_293 = arith.cmpi slt, %select_n3A_286, %lt3A_292 : i32
        %ne3A_294 = arith.xori %lt3A_291, %lt3A_293 : i1
        %and3A_295 = arith.andi %ne3A_294, %ne3A_289 : i1
        %add3A_296 = arith.addi %rem3A_287, %select_n3A_286 : i32
        %select_n3A_297 = arith.select %and3A_295, %add3A_296, %rem3A_287 : i32
        %jit3A_298 = arith.constant 25 : i32
        %eq3A_299 = arith.constant 0 : i32
        %eq3A_300 = arith.cmpi eq, %jit3A_298, %eq3A_299 : i32
        %jit3A_301 = arith.constant 1 : i32
        %select_n3A_302 = arith.select %eq3A_300, %jit3A_301, %jit3A_298 : i32
        %rem3A_303 = arith.remsi %add3A_195, %select_n3A_302 : i32
        %ne3A_304 = arith.constant 0 : i32
        %ne3A_305 = arith.cmpi ne, %rem3A_303, %ne3A_304 : i32
        %lt3A_306 = arith.constant 0 : i32
        %lt3A_307 = arith.cmpi slt, %rem3A_303, %lt3A_306 : i32
        %lt3A_308 = arith.constant 0 : i32
        %lt3A_309 = arith.cmpi slt, %select_n3A_302, %lt3A_308 : i32
        %ne3A_310 = arith.xori %lt3A_307, %lt3A_309 : i1
        %and3A_311 = arith.andi %ne3A_310, %ne3A_305 : i1
        %add3A_312 = arith.addi %rem3A_303, %select_n3A_302 : i32
        %select_n3A_313 = arith.select %and3A_311, %add3A_312, %rem3A_303 : i32
        %dma_wait3A_314 = arith.constant 0 : i32
        %dma_wait3A_315 = arith.constant 0 : i32
        %dma_wait3A_316 = tpu.memref_slice %arg17[%dma_wait3A_314, %dma_wait3A_315] : memref<40x128xf32, #tpu.memory_space<vmem>> -> memref<24x128xf32, #tpu.memory_space<vmem>>
        %dma_wait3A_317 = arith.constant 0 : i32
        %dma_wait3A_318 = tpu.memref_slice %arg9[%select_n3A_297, %select_n3A_313, %dma_wait3A_317] : memref<3x25x40xi32, #tpu.memory_space<vmem>> -> memref<1x1x24xi32, #tpu.memory_space<vmem>>
        %dma_wait3A_319 = tpu.memref_squeeze %dma_wait3A_318 : memref<1x1x24xi32, #tpu.memory_space<vmem>> -> memref<24xi32, #tpu.memory_space<vmem>>
        %dma_wait3A_320 = arith.constant 0 : i32
        %dma_wait3A_321 = arith.constant 0 : i32
        %dma_wait3A_322 = tpu.memref_slice %arg3[%dma_wait3A_320, %dma_wait3A_321] : memref<10000x128xf32, #tpu.memory_space<hbm>> -> memref<10000x128xf32, #tpu.memory_space<hbm>>
        tpu.wait_indirect_dma semaphore(%arg22 : memref<!tpu.dma_semaphore, #tpu.memory_space<semaphore_mem>>) src(%dma_wait3A_322 : memref<10000x128xf32, #tpu.memory_space<hbm>>) dst(%dma_wait3A_316 : memref<24x128xf32, #tpu.memory_space<vmem>>)
        %jit3A_323 = arith.constant 25 : i32
        %div3A_324 = arith.divsi %add3A_195, %jit3A_323 : i32
        %sign3A_325 = arith.constant 0 : i32
        %sign3A_326 = arith.cmpi sgt, %add3A_195, %sign3A_325 : i32
        %sign3A_327 = arith.extui %sign3A_326 : i1 to i32
        %sign3A_328 = arith.constant 0 : i32
        %sign3A_329 = arith.cmpi slt, %add3A_195, %sign3A_328 : i32
        %sign3A_330 = arith.extui %sign3A_329 : i1 to i32
        %sign3A_331 = arith.subi %sign3A_327, %sign3A_330 : i32
        %sign3A_332 = arith.constant 0 : i32
        %sign3A_333 = arith.cmpi sgt, %jit3A_323, %sign3A_332 : i32
        %sign3A_334 = arith.extui %sign3A_333 : i1 to i32
        %sign3A_335 = arith.constant 0 : i32
        %sign3A_336 = arith.cmpi slt, %jit3A_323, %sign3A_335 : i32
        %sign3A_337 = arith.extui %sign3A_336 : i1 to i32
        %sign3A_338 = arith.subi %sign3A_334, %sign3A_337 : i32
        %ne3A_339 = arith.cmpi ne, %sign3A_331, %sign3A_338 : i32
        %rem3A_340 = arith.remsi %add3A_195, %jit3A_323 : i32
        %ne3A_341 = arith.constant 0 : i32
        %ne3A_342 = arith.cmpi ne, %rem3A_340, %ne3A_341 : i32
        %and3A_343 = arith.andi %ne3A_339, %ne3A_342 : i1
        %sub3A_344 = arith.constant 1 : i32
        %sub3A_345 = arith.subi %div3A_324, %sub3A_344 : i32
        %select_n3A_346 = arith.select %and3A_343, %sub3A_345, %div3A_324 : i32
        %jit3A_347 = arith.constant 3 : i32
        %eq3A_348 = arith.constant 0 : i32
        %eq3A_349 = arith.cmpi eq, %jit3A_347, %eq3A_348 : i32
        %jit3A_350 = arith.constant 1 : i32
        %select_n3A_351 = arith.select %eq3A_349, %jit3A_350, %jit3A_347 : i32
        %rem3A_352 = arith.remsi %select_n3A_346, %select_n3A_351 : i32
        %ne3A_353 = arith.constant 0 : i32
        %ne3A_354 = arith.cmpi ne, %rem3A_352, %ne3A_353 : i32
        %lt3A_355 = arith.constant 0 : i32
        %lt3A_356 = arith.cmpi slt, %rem3A_352, %lt3A_355 : i32
        %lt3A_357 = arith.constant 0 : i32
        %lt3A_358 = arith.cmpi slt, %select_n3A_351, %lt3A_357 : i32
        %ne3A_359 = arith.xori %lt3A_356, %lt3A_358 : i1
        %and3A_360 = arith.andi %ne3A_359, %ne3A_354 : i1
        %add3A_361 = arith.addi %rem3A_352, %select_n3A_351 : i32
        %select_n3A_362 = arith.select %and3A_360, %add3A_361, %rem3A_352 : i32
        %jit3A_363 = arith.constant 25 : i32
        %eq3A_364 = arith.constant 0 : i32
        %eq3A_365 = arith.cmpi eq, %jit3A_363, %eq3A_364 : i32
        %jit3A_366 = arith.constant 1 : i32
        %select_n3A_367 = arith.select %eq3A_365, %jit3A_366, %jit3A_363 : i32
        %rem3A_368 = arith.remsi %add3A_195, %select_n3A_367 : i32
        %ne3A_369 = arith.constant 0 : i32
        %ne3A_370 = arith.cmpi ne, %rem3A_368, %ne3A_369 : i32
        %lt3A_371 = arith.constant 0 : i32
        %lt3A_372 = arith.cmpi slt, %rem3A_368, %lt3A_371 : i32
        %lt3A_373 = arith.constant 0 : i32
        %lt3A_374 = arith.cmpi slt, %select_n3A_367, %lt3A_373 : i32
        %ne3A_375 = arith.xori %lt3A_372, %lt3A_374 : i1
        %and3A_376 = arith.andi %ne3A_375, %ne3A_370 : i1
        %add3A_377 = arith.addi %rem3A_368, %select_n3A_367 : i32
        %select_n3A_378 = arith.select %and3A_376, %add3A_377, %rem3A_368 : i32
        %dma_wait3A_379 = arith.constant 24 : i32
        %dma_wait3A_380 = arith.constant 0 : i32
        %dma_wait3A_381 = tpu.memref_slice %arg13[%dma_wait3A_379, %dma_wait3A_380] : memref<40x128xf32, #tpu.memory_space<vmem>> -> memref<16x128xf32, #tpu.memory_space<vmem>>
        %dma_wait3A_382 = arith.constant 24 : i32
        %dma_wait3A_383 = tpu.memref_slice %arg8[%select_n3A_362, %select_n3A_378, %dma_wait3A_382] : memref<3x25x40xi32, #tpu.memory_space<vmem>> -> memref<1x1x16xi32, #tpu.memory_space<vmem>>
        %dma_wait3A_384 = tpu.memref_squeeze %dma_wait3A_383 : memref<1x1x16xi32, #tpu.memory_space<vmem>> -> memref<16xi32, #tpu.memory_space<vmem>>
        %dma_wait3A_385 = arith.constant 0 : i32
        %dma_wait3A_386 = arith.constant 0 : i32
        %dma_wait3A_387 = tpu.memref_slice %arg2[%dma_wait3A_385, %dma_wait3A_386] : memref<10000x128xf32, #tpu.memory_space<hbm>> -> memref<10000x128xf32, #tpu.memory_space<hbm>>
        tpu.wait_indirect_dma semaphore(%arg22 : memref<!tpu.dma_semaphore, #tpu.memory_space<semaphore_mem>>) src(%dma_wait3A_387 : memref<10000x128xf32, #tpu.memory_space<hbm>>) dst(%dma_wait3A_381 : memref<16x128xf32, #tpu.memory_space<vmem>>)
        %jit3A_388 = arith.constant 25 : i32
        %div3A_389 = arith.divsi %add3A_195, %jit3A_388 : i32
        %sign3A_390 = arith.constant 0 : i32
        %sign3A_391 = arith.cmpi sgt, %add3A_195, %sign3A_390 : i32
        %sign3A_392 = arith.extui %sign3A_391 : i1 to i32
        %sign3A_393 = arith.constant 0 : i32
        %sign3A_394 = arith.cmpi slt, %add3A_195, %sign3A_393 : i32
        %sign3A_395 = arith.extui %sign3A_394 : i1 to i32
        %sign3A_396 = arith.subi %sign3A_392, %sign3A_395 : i32
        %sign3A_397 = arith.constant 0 : i32
        %sign3A_398 = arith.cmpi sgt, %jit3A_388, %sign3A_397 : i32
        %sign3A_399 = arith.extui %sign3A_398 : i1 to i32
        %sign3A_400 = arith.constant 0 : i32
        %sign3A_401 = arith.cmpi slt, %jit3A_388, %sign3A_400 : i32
        %sign3A_402 = arith.extui %sign3A_401 : i1 to i32
        %sign3A_403 = arith.subi %sign3A_399, %sign3A_402 : i32
        %ne3A_404 = arith.cmpi ne, %sign3A_396, %sign3A_403 : i32
        %rem3A_405 = arith.remsi %add3A_195, %jit3A_388 : i32
        %ne3A_406 = arith.constant 0 : i32
        %ne3A_407 = arith.cmpi ne, %rem3A_405, %ne3A_406 : i32
        %and3A_408 = arith.andi %ne3A_404, %ne3A_407 : i1
        %sub3A_409 = arith.constant 1 : i32
        %sub3A_410 = arith.subi %div3A_389, %sub3A_409 : i32
        %select_n3A_411 = arith.select %and3A_408, %sub3A_410, %div3A_389 : i32
        %jit3A_412 = arith.constant 3 : i32
        %eq3A_413 = arith.constant 0 : i32
        %eq3A_414 = arith.cmpi eq, %jit3A_412, %eq3A_413 : i32
        %jit3A_415 = arith.constant 1 : i32
        %select_n3A_416 = arith.select %eq3A_414, %jit3A_415, %jit3A_412 : i32
        %rem3A_417 = arith.remsi %select_n3A_411, %select_n3A_416 : i32
        %ne3A_418 = arith.constant 0 : i32
        %ne3A_419 = arith.cmpi ne, %rem3A_417, %ne3A_418 : i32
        %lt3A_420 = arith.constant 0 : i32
        %lt3A_421 = arith.cmpi slt, %rem3A_417, %lt3A_420 : i32
        %lt3A_422 = arith.constant 0 : i32
        %lt3A_423 = arith.cmpi slt, %select_n3A_416, %lt3A_422 : i32
        %ne3A_424 = arith.xori %lt3A_421, %lt3A_423 : i1
        %and3A_425 = arith.andi %ne3A_424, %ne3A_419 : i1
        %add3A_426 = arith.addi %rem3A_417, %select_n3A_416 : i32
        %select_n3A_427 = arith.select %and3A_425, %add3A_426, %rem3A_417 : i32
        %jit3A_428 = arith.constant 25 : i32
        %eq3A_429 = arith.constant 0 : i32
        %eq3A_430 = arith.cmpi eq, %jit3A_428, %eq3A_429 : i32
        %jit3A_431 = arith.constant 1 : i32
        %select_n3A_432 = arith.select %eq3A_430, %jit3A_431, %jit3A_428 : i32
        %rem3A_433 = arith.remsi %add3A_195, %select_n3A_432 : i32
        %ne3A_434 = arith.constant 0 : i32
        %ne3A_435 = arith.cmpi ne, %rem3A_433, %ne3A_434 : i32
        %lt3A_436 = arith.constant 0 : i32
        %lt3A_437 = arith.cmpi slt, %rem3A_433, %lt3A_436 : i32
        %lt3A_438 = arith.constant 0 : i32
        %lt3A_439 = arith.cmpi slt, %select_n3A_432, %lt3A_438 : i32
        %ne3A_440 = arith.xori %lt3A_437, %lt3A_439 : i1
        %and3A_441 = arith.andi %ne3A_440, %ne3A_435 : i1
        %add3A_442 = arith.addi %rem3A_433, %select_n3A_432 : i32
        %select_n3A_443 = arith.select %and3A_441, %add3A_442, %rem3A_433 : i32
        %dma_wait3A_444 = arith.constant 24 : i32
        %dma_wait3A_445 = arith.constant 0 : i32
        %dma_wait3A_446 = tpu.memref_slice %arg17[%dma_wait3A_444, %dma_wait3A_445] : memref<40x128xf32, #tpu.memory_space<vmem>> -> memref<16x128xf32, #tpu.memory_space<vmem>>
        %dma_wait3A_447 = arith.constant 24 : i32
        %dma_wait3A_448 = tpu.memref_slice %arg9[%select_n3A_427, %select_n3A_443, %dma_wait3A_447] : memref<3x25x40xi32, #tpu.memory_space<vmem>> -> memref<1x1x16xi32, #tpu.memory_space<vmem>>
        %dma_wait3A_449 = tpu.memref_squeeze %dma_wait3A_448 : memref<1x1x16xi32, #tpu.memory_space<vmem>> -> memref<16xi32, #tpu.memory_space<vmem>>
        %dma_wait3A_450 = arith.constant 0 : i32
        %dma_wait3A_451 = arith.constant 0 : i32
        %dma_wait3A_452 = tpu.memref_slice %arg3[%dma_wait3A_450, %dma_wait3A_451] : memref<10000x128xf32, #tpu.memory_space<hbm>> -> memref<10000x128xf32, #tpu.memory_space<hbm>>
        tpu.wait_indirect_dma semaphore(%arg22 : memref<!tpu.dma_semaphore, #tpu.memory_space<semaphore_mem>>) src(%dma_wait3A_452 : memref<10000x128xf32, #tpu.memory_space<hbm>>) dst(%dma_wait3A_446 : memref<16x128xf32, #tpu.memory_space<vmem>>)
        %scan3A_453 = arith.constant 0 : i32
        %scan3A_454 = arith.constant 0 : i32
        %scan3A_455 = arith.constant 40 : i32
        %scan3A_456 = arith.addi %scan3A_454, %scan3A_455 : i32
        %scan3A_457 = arith.constant 1 : i32
        scf.for %scan3A_560 = %scan3A_454 to %scan3A_456 step %scan3A_457  : i32 {
          %get3A = arith.index_cast %scan3A_560 : i32 to index
          %get3A_561 = arith.constant 0 : index
          %get3A_562 = tpu.vector_load %arg13[%get3A, %get3A_561] {strides = array<i32>} : memref<40x128xf32, #tpu.memory_space<vmem>>, vector<1x16xf32>,
          %get3A_563 = vector.shape_cast %get3A_562 : vector<1x16xf32> to vector<16xf32>
          %get3A_564 = arith.index_cast %scan3A_560 : i32 to index
          %get3A_565 = arith.constant 0 : index
          %get3A_566 = tpu.vector_load %arg17[%get3A_564, %get3A_565] {strides = array<i32>} : memref<40x128xf32, #tpu.memory_space<vmem>>, vector<1x16xf32>,
          %get3A_567 = vector.shape_cast %get3A_566 : vector<1x16xf32> to vector<16xf32>
          %add3A_568 = arith.addf %get3A_563, %get3A_567 : vector<16xf32>
          %max3A = arith.constant 0.000000e+00 : f32
          %max3A_569 = vector.broadcast %max3A : f32 to vector<16xf32>
          %max3A_570 = arith.maximumf %add3A_568, %max3A_569 : vector<16xf32>
          %swap3A = arith.index_cast %scan3A_560 : i32 to index
          %swap3A_571 = arith.constant 0 : index
          %swap3A_572 = tpu.vector_load %arg17[%swap3A, %swap3A_571] {strides = array<i32>} : memref<40x128xf32, #tpu.memory_space<vmem>>, vector<1x16xf32>,
          %swap3A_573 = vector.shape_cast %swap3A_572 : vector<1x16xf32> to vector<16xf32>
          %swap3A_574 = vector.shape_cast %max3A_570 : vector<16xf32> to vector<1x16xf32>
          tpu.vector_store %arg17[%swap3A, %swap3A_571], %swap3A_574 {strides = array<i32>} : memref<40x128xf32, #tpu.memory_space<vmem>>, vector<1x16xf32>,
          %get3A_575 = arith.index_cast %scan3A_560 : i32 to index
          %get3A_576 = arith.constant 16 : index
          %get3A_577 = tpu.vector_load %arg13[%get3A_575, %get3A_576] {strides = array<i32>} : memref<40x128xf32, #tpu.memory_space<vmem>>, vector<1x16xf32>,
          %get3A_578 = vector.shape_cast %get3A_577 : vector<1x16xf32> to vector<16xf32>
          %get3A_579 = arith.index_cast %scan3A_560 : i32 to index
          %get3A_580 = arith.constant 16 : index
          %get3A_581 = tpu.vector_load %arg17[%get3A_579, %get3A_580] {strides = array<i32>} : memref<40x128xf32, #tpu.memory_space<vmem>>, vector<1x16xf32>,
          %get3A_582 = vector.shape_cast %get3A_581 : vector<1x16xf32> to vector<16xf32>
          %add3A_583 = arith.addf %get3A_578, %get3A_582 : vector<16xf32>
          %max3A_584 = arith.constant 0.000000e+00 : f32
          %max3A_585 = vector.broadcast %max3A_584 : f32 to vector<16xf32>
          %max3A_586 = arith.maximumf %add3A_583, %max3A_585 : vector<16xf32>
          %swap3A_587 = arith.index_cast %scan3A_560 : i32 to index
          %swap3A_588 = arith.constant 16 : index
          %swap3A_589 = tpu.vector_load %arg17[%swap3A_587, %swap3A_588] {strides = array<i32>} : memref<40x128xf32, #tpu.memory_space<vmem>>, vector<1x16xf32>,
          %swap3A_590 = vector.shape_cast %swap3A_589 : vector<1x16xf32> to vector<16xf32>
          %swap3A_591 = vector.shape_cast %max3A_586 : vector<16xf32> to vector<1x16xf32>
          tpu.vector_store %arg17[%swap3A_587, %swap3A_588], %swap3A_591 {strides = array<i32>} : memref<40x128xf32, #tpu.memory_space<vmem>>, vector<1x16xf32>,
          %get3A_592 = arith.index_cast %scan3A_560 : i32 to index
          %get3A_593 = arith.constant 32 : index
          %get3A_594 = tpu.vector_load %arg13[%get3A_592, %get3A_593] {strides = array<i32>} : memref<40x128xf32, #tpu.memory_space<vmem>>, vector<1x16xf32>,
          %get3A_595 = vector.shape_cast %get3A_594 : vector<1x16xf32> to vector<16xf32>
          %get3A_596 = arith.index_cast %scan3A_560 : i32 to index
          %get3A_597 = arith.constant 32 : index
          %get3A_598 = tpu.vector_load %arg17[%get3A_596, %get3A_597] {strides = array<i32>} : memref<40x128xf32, #tpu.memory_space<vmem>>, vector<1x16xf32>,
          %get3A_599 = vector.shape_cast %get3A_598 : vector<1x16xf32> to vector<16xf32>
          %add3A_600 = arith.addf %get3A_595, %get3A_599 : vector<16xf32>
          %max3A_601 = arith.constant 0.000000e+00 : f32
          %max3A_602 = vector.broadcast %max3A_601 : f32 to vector<16xf32>
          %max3A_603 = arith.maximumf %add3A_600, %max3A_602 : vector<16xf32>
          %swap3A_604 = arith.index_cast %scan3A_560 : i32 to index
          %swap3A_605 = arith.constant 32 : index
          %swap3A_606 = tpu.vector_load %arg17[%swap3A_604, %swap3A_605] {strides = array<i32>} : memref<40x128xf32, #tpu.memory_space<vmem>>, vector<1x16xf32>,
          %swap3A_607 = vector.shape_cast %swap3A_606 : vector<1x16xf32> to vector<16xf32>
          %swap3A_608 = vector.shape_cast %max3A_603 : vector<16xf32> to vector<1x16xf32>
          tpu.vector_store %arg17[%swap3A_604, %swap3A_605], %swap3A_608 {strides = array<i32>} : memref<40x128xf32, #tpu.memory_space<vmem>>, vector<1x16xf32>,
          %get3A_609 = arith.index_cast %scan3A_560 : i32 to index
          %get3A_610 = arith.constant 48 : index
          %get3A_611 = tpu.vector_load %arg13[%get3A_609, %get3A_610] {strides = array<i32>} : memref<40x128xf32, #tpu.memory_space<vmem>>, vector<1x16xf32>,
          %get3A_612 = vector.shape_cast %get3A_611 : vector<1x16xf32> to vector<16xf32>
          %get3A_613 = arith.index_cast %scan3A_560 : i32 to index
          %get3A_614 = arith.constant 48 : index
          %get3A_615 = tpu.vector_load %arg17[%get3A_613, %get3A_614] {strides = array<i32>} : memref<40x128xf32, #tpu.memory_space<vmem>>, vector<1x16xf32>,
          %get3A_616 = vector.shape_cast %get3A_615 : vector<1x16xf32> to vector<16xf32>
          %add3A_617 = arith.addf %get3A_612, %get3A_616 : vector<16xf32>
          %max3A_618 = arith.constant 0.000000e+00 : f32
          %max3A_619 = vector.broadcast %max3A_618 : f32 to vector<16xf32>
          %max3A_620 = arith.maximumf %add3A_617, %max3A_619 : vector<16xf32>
          %swap3A_621 = arith.index_cast %scan3A_560 : i32 to index
          %swap3A_622 = arith.constant 48 : index
          %swap3A_623 = tpu.vector_load %arg17[%swap3A_621, %swap3A_622] {strides = array<i32>} : memref<40x128xf32, #tpu.memory_space<vmem>>, vector<1x16xf32>,
          %swap3A_624 = vector.shape_cast %swap3A_623 : vector<1x16xf32> to vector<16xf32>
          %swap3A_625 = vector.shape_cast %max3A_620 : vector<16xf32> to vector<1x16xf32>
          tpu.vector_store %arg17[%swap3A_621, %swap3A_622], %swap3A_625 {strides = array<i32>} : memref<40x128xf32, #tpu.memory_space<vmem>>, vector<1x16xf32>,
          %get3A_626 = arith.index_cast %scan3A_560 : i32 to index
          %get3A_627 = arith.constant 64 : index
          %get3A_628 = tpu.vector_load %arg13[%get3A_626, %get3A_627] {strides = array<i32>} : memref<40x128xf32, #tpu.memory_space<vmem>>, vector<1x16xf32>,
          %get3A_629 = vector.shape_cast %get3A_628 : vector<1x16xf32> to vector<16xf32>
          %get3A_630 = arith.index_cast %scan3A_560 : i32 to index
          %get3A_631 = arith.constant 64 : index
          %get3A_632 = tpu.vector_load %arg17[%get3A_630, %get3A_631] {strides = array<i32>} : memref<40x128xf32, #tpu.memory_space<vmem>>, vector<1x16xf32>,
          %get3A_633 = vector.shape_cast %get3A_632 : vector<1x16xf32> to vector<16xf32>
          %add3A_634 = arith.addf %get3A_629, %get3A_633 : vector<16xf32>
          %max3A_635 = arith.constant 0.000000e+00 : f32
          %max3A_636 = vector.broadcast %max3A_635 : f32 to vector<16xf32>
          %max3A_637 = arith.maximumf %add3A_634, %max3A_636 : vector<16xf32>
          %swap3A_638 = arith.index_cast %scan3A_560 : i32 to index
          %swap3A_639 = arith.constant 64 : index
          %swap3A_640 = tpu.vector_load %arg17[%swap3A_638, %swap3A_639] {strides = array<i32>} : memref<40x128xf32, #tpu.memory_space<vmem>>, vector<1x16xf32>,
          %swap3A_641 = vector.shape_cast %swap3A_640 : vector<1x16xf32> to vector<16xf32>
          %swap3A_642 = vector.shape_cast %max3A_637 : vector<16xf32> to vector<1x16xf32>
          tpu.vector_store %arg17[%swap3A_638, %swap3A_639], %swap3A_642 {strides = array<i32>} : memref<40x128xf32, #tpu.memory_space<vmem>>, vector<1x16xf32>,
          %get3A_643 = arith.index_cast %scan3A_560 : i32 to index
          %get3A_644 = arith.constant 80 : index
          %get3A_645 = tpu.vector_load %arg13[%get3A_643, %get3A_644] {strides = array<i32>} : memref<40x128xf32, #tpu.memory_space<vmem>>, vector<1x16xf32>,
          %get3A_646 = vector.shape_cast %get3A_645 : vector<1x16xf32> to vector<16xf32>
          %get3A_647 = arith.index_cast %scan3A_560 : i32 to index
          %get3A_648 = arith.constant 80 : index
          %get3A_649 = tpu.vector_load %arg17[%get3A_647, %get3A_648] {strides = array<i32>} : memref<40x128xf32, #tpu.memory_space<vmem>>, vector<1x16xf32>,
          %get3A_650 = vector.shape_cast %get3A_649 : vector<1x16xf32> to vector<16xf32>
          %add3A_651 = arith.addf %get3A_646, %get3A_650 : vector<16xf32>
          %max3A_652 = arith.constant 0.000000e+00 : f32
          %max3A_653 = vector.broadcast %max3A_652 : f32 to vector<16xf32>
          %max3A_654 = arith.maximumf %add3A_651, %max3A_653 : vector<16xf32>
          %swap3A_655 = arith.index_cast %scan3A_560 : i32 to index
          %swap3A_656 = arith.constant 80 : index
          %swap3A_657 = tpu.vector_load %arg17[%swap3A_655, %swap3A_656] {strides = array<i32>} : memref<40x128xf32, #tpu.memory_space<vmem>>, vector<1x16xf32>,
          %swap3A_658 = vector.shape_cast %swap3A_657 : vector<1x16xf32> to vector<16xf32>
          %swap3A_659 = vector.shape_cast %max3A_654 : vector<16xf32> to vector<1x16xf32>
          tpu.vector_store %arg17[%swap3A_655, %swap3A_656], %swap3A_659 {strides = array<i32>} : memref<40x128xf32, #tpu.memory_space<vmem>>, vector<1x16xf32>,
          %get3A_660 = arith.index_cast %scan3A_560 : i32 to index
          %get3A_661 = arith.constant 96 : index
          %get3A_662 = tpu.vector_load %arg13[%get3A_660, %get3A_661] {strides = array<i32>} : memref<40x128xf32, #tpu.memory_space<vmem>>, vector<1x16xf32>,
          %get3A_663 = vector.shape_cast %get3A_662 : vector<1x16xf32> to vector<16xf32>
          %get3A_664 = arith.index_cast %scan3A_560 : i32 to index
          %get3A_665 = arith.constant 96 : index
          %get3A_666 = tpu.vector_load %arg17[%get3A_664, %get3A_665] {strides = array<i32>} : memref<40x128xf32, #tpu.memory_space<vmem>>, vector<1x16xf32>,
          %get3A_667 = vector.shape_cast %get3A_666 : vector<1x16xf32> to vector<16xf32>
          %add3A_668 = arith.addf %get3A_663, %get3A_667 : vector<16xf32>
          %max3A_669 = arith.constant 0.000000e+00 : f32
          %max3A_670 = vector.broadcast %max3A_669 : f32 to vector<16xf32>
          %max3A_671 = arith.maximumf %add3A_668, %max3A_670 : vector<16xf32>
          %swap3A_672 = arith.index_cast %scan3A_560 : i32 to index
          %swap3A_673 = arith.constant 96 : index
          %swap3A_674 = tpu.vector_load %arg17[%swap3A_672, %swap3A_673] {strides = array<i32>} : memref<40x128xf32, #tpu.memory_space<vmem>>, vector<1x16xf32>,
          %swap3A_675 = vector.shape_cast %swap3A_674 : vector<1x16xf32> to vector<16xf32>
          %swap3A_676 = vector.shape_cast %max3A_671 : vector<16xf32> to vector<1x16xf32>
          tpu.vector_store %arg17[%swap3A_672, %swap3A_673], %swap3A_676 {strides = array<i32>} : memref<40x128xf32, #tpu.memory_space<vmem>>, vector<1x16xf32>,
          %get3A_677 = arith.index_cast %scan3A_560 : i32 to index
          %get3A_678 = arith.constant 112 : index
          %get3A_679 = tpu.vector_load %arg13[%get3A_677, %get3A_678] {strides = array<i32>} : memref<40x128xf32, #tpu.memory_space<vmem>>, vector<1x16xf32>,
          %get3A_680 = vector.shape_cast %get3A_679 : vector<1x16xf32> to vector<16xf32>
          %get3A_681 = arith.index_cast %scan3A_560 : i32 to index
          %get3A_682 = arith.constant 112 : index
          %get3A_683 = tpu.vector_load %arg17[%get3A_681, %get3A_682] {strides = array<i32>} : memref<40x128xf32, #tpu.memory_space<vmem>>, vector<1x16xf32>,
          %get3A_684 = vector.shape_cast %get3A_683 : vector<1x16xf32> to vector<16xf32>
          %add3A_685 = arith.addf %get3A_680, %get3A_684 : vector<16xf32>
          %max3A_686 = arith.constant 0.000000e+00 : f32
          %max3A_687 = vector.broadcast %max3A_686 : f32 to vector<16xf32>
          %max3A_688 = arith.maximumf %add3A_685, %max3A_687 : vector<16xf32>
          %swap3A_689 = arith.index_cast %scan3A_560 : i32 to index
          %swap3A_690 = arith.constant 112 : index
          %swap3A_691 = tpu.vector_load %arg17[%swap3A_689, %swap3A_690] {strides = array<i32>} : memref<40x128xf32, #tpu.memory_space<vmem>>, vector<1x16xf32>,
          %swap3A_692 = vector.shape_cast %swap3A_691 : vector<1x16xf32> to vector<16xf32>
          %swap3A_693 = vector.shape_cast %max3A_688 : vector<16xf32> to vector<1x16xf32>
          tpu.vector_store %arg17[%swap3A_689, %swap3A_690], %swap3A_693 {strides = array<i32>} : memref<40x128xf32, #tpu.memory_space<vmem>>, vector<1x16xf32>,
        }
        %scan3A_458 = arith.constant 40 : i32
        %jit3A_459 = arith.constant 25 : i32
        %div3A_460 = arith.divsi %add3A_195, %jit3A_459 : i32
        %sign3A_461 = arith.constant 0 : i32
        %sign3A_462 = arith.cmpi sgt, %add3A_195, %sign3A_461 : i32
        %sign3A_463 = arith.extui %sign3A_462 : i1 to i32
        %sign3A_464 = arith.constant 0 : i32
        %sign3A_465 = arith.cmpi slt, %add3A_195, %sign3A_464 : i32
        %sign3A_466 = arith.extui %sign3A_465 : i1 to i32
        %sign3A_467 = arith.subi %sign3A_463, %sign3A_466 : i32
        %sign3A_468 = arith.constant 0 : i32
        %sign3A_469 = arith.cmpi sgt, %jit3A_459, %sign3A_468 : i32
        %sign3A_470 = arith.extui %sign3A_469 : i1 to i32
        %sign3A_471 = arith.constant 0 : i32
        %sign3A_472 = arith.cmpi slt, %jit3A_459, %sign3A_471 : i32
        %sign3A_473 = arith.extui %sign3A_472 : i1 to i32
        %sign3A_474 = arith.subi %sign3A_470, %sign3A_473 : i32
        %ne3A_475 = arith.cmpi ne, %sign3A_467, %sign3A_474 : i32
        %rem3A_476 = arith.remsi %add3A_195, %jit3A_459 : i32
        %ne3A_477 = arith.constant 0 : i32
        %ne3A_478 = arith.cmpi ne, %rem3A_476, %ne3A_477 : i32
        %and3A_479 = arith.andi %ne3A_475, %ne3A_478 : i1
        %sub3A_480 = arith.constant 1 : i32
        %sub3A_481 = arith.subi %div3A_460, %sub3A_480 : i32
        %select_n3A_482 = arith.select %and3A_479, %sub3A_481, %div3A_460 : i32
        %jit3A_483 = arith.constant 3 : i32
        %eq3A_484 = arith.constant 0 : i32
        %eq3A_485 = arith.cmpi eq, %jit3A_483, %eq3A_484 : i32
        %jit3A_486 = arith.constant 1 : i32
        %select_n3A_487 = arith.select %eq3A_485, %jit3A_486, %jit3A_483 : i32
        %rem3A_488 = arith.remsi %select_n3A_482, %select_n3A_487 : i32
        %ne3A_489 = arith.constant 0 : i32
        %ne3A_490 = arith.cmpi ne, %rem3A_488, %ne3A_489 : i32
        %lt3A_491 = arith.constant 0 : i32
        %lt3A_492 = arith.cmpi slt, %rem3A_488, %lt3A_491 : i32
        %lt3A_493 = arith.constant 0 : i32
        %lt3A_494 = arith.cmpi slt, %select_n3A_487, %lt3A_493 : i32
        %ne3A_495 = arith.xori %lt3A_492, %lt3A_494 : i1
        %and3A_496 = arith.andi %ne3A_495, %ne3A_490 : i1
        %add3A_497 = arith.addi %rem3A_488, %select_n3A_487 : i32
        %select_n3A_498 = arith.select %and3A_496, %add3A_497, %rem3A_488 : i32
        %jit3A_499 = arith.constant 25 : i32
        %eq3A_500 = arith.constant 0 : i32
        %eq3A_501 = arith.cmpi eq, %jit3A_499, %eq3A_500 : i32
        %jit3A_502 = arith.constant 1 : i32
        %select_n3A_503 = arith.select %eq3A_501, %jit3A_502, %jit3A_499 : i32
        %rem3A_504 = arith.remsi %add3A_195, %select_n3A_503 : i32
        %ne3A_505 = arith.constant 0 : i32
        %ne3A_506 = arith.cmpi ne, %rem3A_504, %ne3A_505 : i32
        %lt3A_507 = arith.constant 0 : i32
        %lt3A_508 = arith.cmpi slt, %rem3A_504, %lt3A_507 : i32
        %lt3A_509 = arith.constant 0 : i32
        %lt3A_510 = arith.cmpi slt, %select_n3A_503, %lt3A_509 : i32
        %ne3A_511 = arith.xori %lt3A_508, %lt3A_510 : i1
        %and3A_512 = arith.andi %ne3A_511, %ne3A_506 : i1
        %add3A_513 = arith.addi %rem3A_504, %select_n3A_503 : i32
        %select_n3A_514 = arith.select %and3A_512, %add3A_513, %rem3A_504 : i32
        %dma_start3A_515 = arith.constant 0 : i32
        %dma_start3A_516 = tpu.memref_slice %arg8[%select_n3A_498, %select_n3A_514, %dma_start3A_515] : memref<3x25x40xi32, #tpu.memory_space<vmem>> -> memref<1x1x40xi32, #tpu.memory_space<vmem>>
        %dma_start3A_517 = tpu.memref_squeeze %dma_start3A_516 : memref<1x1x40xi32, #tpu.memory_space<vmem>> -> memref<40xi32, #tpu.memory_space<vmem>>
        %dma_start3A_518 = arith.constant 0 : i32
        %dma_start3A_519 = arith.constant 0 : i32
        %dma_start3A_520 = tpu.memref_slice %arg18[%dma_start3A_518, %dma_start3A_519] : memref<10000x128xf32, #tpu.memory_space<vmem_shared>> -> memref<10000x128xf32, #tpu.memory_space<vmem_shared>>
        tpu.enqueue_indirect_dma source(%arg17 : memref<40x128xf32, #tpu.memory_space<vmem>>) target(%dma_start3A_520 : memref<10000x128xf32, #tpu.memory_space<vmem_shared>>) offsets(%dma_start3A_517 : memref<40xi32, #tpu.memory_space<vmem>>) semaphore(%arg26 : memref<!tpu.dma_semaphore, #tpu.memory_space<semaphore_mem>>) {add = true}
        %ge3A = arith.constant 1 : i32
        %ge3A_521 = arith.cmpi sge, %add3A_195, %ge3A : i32
        %convert_element_type3A_522 = arith.extui %ge3A_521 : i1 to i32
        %cond3A_523 = arith.constant 0 : i32
        %cond3A_524 = arith.cmpi ne, %convert_element_type3A_522, %cond3A_523 : i32
        scf.if %cond3A_524 {
          %sub3A_560 = arith.constant 1 : i32
          %sub3A_561 = arith.subi %add3A_195, %sub3A_560 : i32
          %jit3A_562 = arith.constant 25 : i32
          %div3A_563 = arith.divsi %sub3A_561, %jit3A_562 : i32
          %sign3A_564 = arith.constant 0 : i32
          %sign3A_565 = arith.cmpi sgt, %sub3A_561, %sign3A_564 : i32
          %sign3A_566 = arith.extui %sign3A_565 : i1 to i32
          %sign3A_567 = arith.constant 0 : i32
          %sign3A_568 = arith.cmpi slt, %sub3A_561, %sign3A_567 : i32
          %sign3A_569 = arith.extui %sign3A_568 : i1 to i32
          %sign3A_570 = arith.subi %sign3A_566, %sign3A_569 : i32
          %sign3A_571 = arith.constant 0 : i32
          %sign3A_572 = arith.cmpi sgt, %jit3A_562, %sign3A_571 : i32
          %sign3A_573 = arith.extui %sign3A_572 : i1 to i32
          %sign3A_574 = arith.constant 0 : i32
          %sign3A_575 = arith.cmpi slt, %jit3A_562, %sign3A_574 : i32
          %sign3A_576 = arith.extui %sign3A_575 : i1 to i32
          %sign3A_577 = arith.subi %sign3A_573, %sign3A_576 : i32
          %ne3A_578 = arith.cmpi ne, %sign3A_570, %sign3A_577 : i32
          %rem3A_579 = arith.remsi %sub3A_561, %jit3A_562 : i32
          %ne3A_580 = arith.constant 0 : i32
          %ne3A_581 = arith.cmpi ne, %rem3A_579, %ne3A_580 : i32
          %and3A_582 = arith.andi %ne3A_578, %ne3A_581 : i1
          %sub3A_583 = arith.constant 1 : i32
          %sub3A_584 = arith.subi %div3A_563, %sub3A_583 : i32
          %select_n3A_585 = arith.select %and3A_582, %sub3A_584, %div3A_563 : i32
          %jit3A_586 = arith.constant 3 : i32
          %eq3A_587 = arith.constant 0 : i32
          %eq3A_588 = arith.cmpi eq, %jit3A_586, %eq3A_587 : i32
          %jit3A_589 = arith.constant 1 : i32
          %select_n3A_590 = arith.select %eq3A_588, %jit3A_589, %jit3A_586 : i32
          %rem3A_591 = arith.remsi %select_n3A_585, %select_n3A_590 : i32
          %ne3A_592 = arith.constant 0 : i32
          %ne3A_593 = arith.cmpi ne, %rem3A_591, %ne3A_592 : i32
          %lt3A_594 = arith.constant 0 : i32
          %lt3A_595 = arith.cmpi slt, %rem3A_591, %lt3A_594 : i32
          %lt3A_596 = arith.constant 0 : i32
          %lt3A_597 = arith.cmpi slt, %select_n3A_590, %lt3A_596 : i32
          %ne3A_598 = arith.xori %lt3A_595, %lt3A_597 : i1
          %and3A_599 = arith.andi %ne3A_598, %ne3A_593 : i1
          %add3A_600 = arith.addi %rem3A_591, %select_n3A_590 : i32
          %select_n3A_601 = arith.select %and3A_599, %add3A_600, %rem3A_591 : i32
          %jit3A_602 = arith.constant 25 : i32
          %eq3A_603 = arith.constant 0 : i32
          %eq3A_604 = arith.cmpi eq, %jit3A_602, %eq3A_603 : i32
          %jit3A_605 = arith.constant 1 : i32
          %select_n3A_606 = arith.select %eq3A_604, %jit3A_605, %jit3A_602 : i32
          %rem3A_607 = arith.remsi %sub3A_561, %select_n3A_606 : i32
          %ne3A_608 = arith.constant 0 : i32
          %ne3A_609 = arith.cmpi ne, %rem3A_607, %ne3A_608 : i32
          %lt3A_610 = arith.constant 0 : i32
          %lt3A_611 = arith.cmpi slt, %rem3A_607, %lt3A_610 : i32
          %lt3A_612 = arith.constant 0 : i32
          %lt3A_613 = arith.cmpi slt, %select_n3A_606, %lt3A_612 : i32
          %ne3A_614 = arith.xori %lt3A_611, %lt3A_613 : i1
          %and3A_615 = arith.andi %ne3A_614, %ne3A_609 : i1
          %add3A_616 = arith.addi %rem3A_607, %select_n3A_606 : i32
          %select_n3A_617 = arith.select %and3A_615, %add3A_616, %rem3A_607 : i32
          %dma_wait3A_618 = arith.constant 0 : i32
          %dma_wait3A_619 = tpu.memref_slice %arg8[%select_n3A_601, %select_n3A_617, %dma_wait3A_618] : memref<3x25x40xi32, #tpu.memory_space<vmem>> -> memref<1x1x40xi32, #tpu.memory_space<vmem>>
          %dma_wait3A_620 = tpu.memref_squeeze %dma_wait3A_619 : memref<1x1x40xi32, #tpu.memory_space<vmem>> -> memref<40xi32, #tpu.memory_space<vmem>>
          %dma_wait3A_621 = arith.constant 0 : i32
          %dma_wait3A_622 = arith.constant 0 : i32
          %dma_wait3A_623 = tpu.memref_slice %arg18[%dma_wait3A_621, %dma_wait3A_622] : memref<10000x128xf32, #tpu.memory_space<vmem_shared>> -> memref<10000x128xf32, #tpu.memory_space<vmem_shared>>
          tpu.wait_indirect_dma semaphore(%arg25 : memref<!tpu.dma_semaphore, #tpu.memory_space<semaphore_mem>>) src(%arg16 : memref<40x128xf32, #tpu.memory_space<vmem>>) dst(%dma_wait3A_623 : memref<10000x128xf32, #tpu.memory_space<vmem_shared>>)
        } else {
        }
        %add3A_525 = arith.constant 3 : i32
        %add3A_526 = arith.addi %add3A_195, %add3A_525 : i32
        %jit3A_527 = arith.constant 25 : i32
        %eq3A_528 = arith.constant 0 : i32
        %eq3A_529 = arith.cmpi eq, %jit3A_527, %eq3A_528 : i32
        %jit3A_530 = arith.constant 1 : i32
        %select_n3A_531 = arith.select %eq3A_529, %jit3A_530, %jit3A_527 : i32
        %rem3A_532 = arith.remsi %add3A_526, %select_n3A_531 : i32
        %ne3A_533 = arith.constant 0 : i32
        %ne3A_534 = arith.cmpi ne, %rem3A_532, %ne3A_533 : i32
        %lt3A_535 = arith.constant 0 : i32
        %lt3A_536 = arith.cmpi slt, %rem3A_532, %lt3A_535 : i32
        %lt3A_537 = arith.constant 0 : i32
        %lt3A_538 = arith.cmpi slt, %select_n3A_531, %lt3A_537 : i32
        %ne3A_539 = arith.xori %lt3A_536, %lt3A_538 : i1
        %and3A_540 = arith.andi %ne3A_539, %ne3A_534 : i1
        %add3A_541 = arith.addi %rem3A_532, %select_n3A_531 : i32
        %select_n3A_542 = arith.select %and3A_540, %add3A_541, %rem3A_532 : i32
        %eq3A_543 = arith.constant 0 : i32
        %eq3A_544 = arith.cmpi eq, %select_n3A_542, %eq3A_543 : i32
        %add3A_545 = arith.constant 3 : i32
        %add3A_546 = arith.addi %add3A_195, %add3A_545 : i32
        %lt3A_547 = arith.constant 250 : i32
        %lt3A_548 = arith.cmpi slt, %add3A_546, %lt3A_547 : i32
        %and3A_549 = arith.andi %eq3A_544, %lt3A_548 : i1
        %convert_element_type3A_550 = arith.extui %and3A_549 : i1 to i32
        %cond3A_551 = arith.constant 0 : i32
        %cond3A_552 = arith.cmpi ne, %convert_element_type3A_550, %cond3A_551 : i32
        scf.if %cond3A_552 {
          %add3A_560 = arith.constant 3 : i32
          %add3A_561 = arith.addi %add3A_195, %add3A_560 : i32
          %jit3A_562 = arith.constant 25 : i32
          %div3A_563 = arith.divsi %add3A_561, %jit3A_562 : i32
          %sign3A_564 = arith.constant 0 : i32
          %sign3A_565 = arith.cmpi sgt, %add3A_561, %sign3A_564 : i32
          %sign3A_566 = arith.extui %sign3A_565 : i1 to i32
          %sign3A_567 = arith.constant 0 : i32
          %sign3A_568 = arith.cmpi slt, %add3A_561, %sign3A_567 : i32
          %sign3A_569 = arith.extui %sign3A_568 : i1 to i32
          %sign3A_570 = arith.subi %sign3A_566, %sign3A_569 : i32
          %sign3A_571 = arith.constant 0 : i32
          %sign3A_572 = arith.cmpi sgt, %jit3A_562, %sign3A_571 : i32
          %sign3A_573 = arith.extui %sign3A_572 : i1 to i32
          %sign3A_574 = arith.constant 0 : i32
          %sign3A_575 = arith.cmpi slt, %jit3A_562, %sign3A_574 : i32
          %sign3A_576 = arith.extui %sign3A_575 : i1 to i32
          %sign3A_577 = arith.subi %sign3A_573, %sign3A_576 : i32
          %ne3A_578 = arith.cmpi ne, %sign3A_570, %sign3A_577 : i32
          %rem3A_579 = arith.remsi %add3A_561, %jit3A_562 : i32
          %ne3A_580 = arith.constant 0 : i32
          %ne3A_581 = arith.cmpi ne, %rem3A_579, %ne3A_580 : i32
          %and3A_582 = arith.andi %ne3A_578, %ne3A_581 : i1
          %sub3A_583 = arith.constant 1 : i32
          %sub3A_584 = arith.subi %div3A_563, %sub3A_583 : i32
          %select_n3A_585 = arith.select %and3A_582, %sub3A_584, %div3A_563 : i32
          %jit3A_586 = arith.constant 3 : i32
          %eq3A_587 = arith.constant 0 : i32
          %eq3A_588 = arith.cmpi eq, %jit3A_586, %eq3A_587 : i32
          %jit3A_589 = arith.constant 1 : i32
          %select_n3A_590 = arith.select %eq3A_588, %jit3A_589, %jit3A_586 : i32
          %rem3A_591 = arith.remsi %select_n3A_585, %select_n3A_590 : i32
          %ne3A_592 = arith.constant 0 : i32
          %ne3A_593 = arith.cmpi ne, %rem3A_591, %ne3A_592 : i32
          %lt3A_594 = arith.constant 0 : i32
          %lt3A_595 = arith.cmpi slt, %rem3A_591, %lt3A_594 : i32
          %lt3A_596 = arith.constant 0 : i32
          %lt3A_597 = arith.cmpi slt, %select_n3A_590, %lt3A_596 : i32
          %ne3A_598 = arith.xori %lt3A_595, %lt3A_597 : i1
          %and3A_599 = arith.andi %ne3A_598, %ne3A_593 : i1
          %add3A_600 = arith.addi %rem3A_591, %select_n3A_590 : i32
          %select_n3A_601 = arith.select %and3A_599, %add3A_600, %rem3A_591 : i32
          "tpu.region"() ({
            %run_scoped3A_602 = tpu.sem_alloc : memref<!tpu.dma_semaphore, #tpu.memory_space<semaphore_mem>>
            %dma_start3A_603 = arith.constant 0 : i32
            %dma_start3A_604 = arith.constant 0 : i32
            %dma_start3A_605 = tpu.memref_slice %arg8[%select_n3A_601, %dma_start3A_603, %dma_start3A_604] : memref<3x25x40xi32, #tpu.memory_space<vmem>> -> memref<1x25x40xi32, #tpu.memory_space<vmem>>
            %dma_start3A_606 = tpu.memref_squeeze %dma_start3A_605 : memref<1x25x40xi32, #tpu.memory_space<vmem>> -> memref<25x40xi32, #tpu.memory_space<vmem>>
            %dma_start3A_607 = arith.constant 0 : i32
            %dma_start3A_608 = tpu.memref_slice %arg4[%add3A, %add3A_561, %dma_start3A_607] : memref<32x250x40xi32, #tpu.memory_space<hbm>> -> memref<1x25x40xi32, #tpu.memory_space<hbm>>
            %dma_start3A_609 = tpu.memref_squeeze %dma_start3A_608 : memref<1x25x40xi32, #tpu.memory_space<hbm>> -> memref<25x40xi32, #tpu.memory_space<hbm>>
            %dma_start3A_610 = arith.constant 0 : i32
            %dma_start3A_611 = arith.constant 0 : i32
            %dma_start3A_612 = tpu.memref_slice %arg8[%select_n3A_601, %dma_start3A_610, %dma_start3A_611] : memref<3x25x40xi32, #tpu.memory_space<vmem>> -> memref<1x25x40xi32, #tpu.memory_space<vmem>>
            %dma_start3A_613 = tpu.memref_squeeze %dma_start3A_612 : memref<1x25x40xi32, #tpu.memory_space<vmem>> -> memref<25x40xi32, #tpu.memory_space<vmem>>
            %dma_start3A_614 = arith.constant 0 : i32
            %dma_start3A_615 = tpu.memref_slice %arg4[%add3A, %add3A_561, %dma_start3A_614] : memref<32x250x40xi32, #tpu.memory_space<hbm>> -> memref<1x25x40xi32, #tpu.memory_space<hbm>>
            %dma_start3A_616 = tpu.memref_squeeze %dma_start3A_615 : memref<1x25x40xi32, #tpu.memory_space<hbm>> -> memref<25x40xi32, #tpu.memory_space<hbm>>
            tpu.enqueue_dma source(%dma_start3A_616 : memref<25x40xi32, #tpu.memory_space<hbm>>) target(%dma_start3A_613 : memref<25x40xi32, #tpu.memory_space<vmem>>) target_semaphore(%run_scoped3A_602 : memref<!tpu.dma_semaphore, #tpu.memory_space<semaphore_mem>>)
            %dma_wait3A_617 = arith.constant 0 : i32
            %dma_wait3A_618 = arith.constant 0 : i32
            %dma_wait3A_619 = tpu.memref_slice %arg8[%select_n3A_601, %dma_wait3A_617, %dma_wait3A_618] : memref<3x25x40xi32, #tpu.memory_space<vmem>> -> memref<1x25x40xi32, #tpu.memory_space<vmem>>
            %dma_wait3A_620 = tpu.memref_squeeze %dma_wait3A_619 : memref<1x25x40xi32, #tpu.memory_space<vmem>> -> memref<25x40xi32, #tpu.memory_space<vmem>>
            %dma_wait3A_621 = arith.constant 0 : i32
            %dma_wait3A_622 = tpu.memref_slice %arg4[%add3A, %add3A_561, %dma_wait3A_621] : memref<32x250x40xi32, #tpu.memory_space<hbm>> -> memref<1x25x40xi32, #tpu.memory_space<hbm>>
            %dma_wait3A_623 = tpu.memref_squeeze %dma_wait3A_622 : memref<1x25x40xi32, #tpu.memory_space<hbm>> -> memref<25x40xi32, #tpu.memory_space<hbm>>
            %dma_wait3A_624 = arith.constant 0 : i32
            %dma_wait3A_625 = arith.constant 0 : i32
            %dma_wait3A_626 = tpu.memref_slice %arg8[%select_n3A_601, %dma_wait3A_624, %dma_wait3A_625] : memref<3x25x40xi32, #tpu.memory_space<vmem>> -> memref<1x25x40xi32, #tpu.memory_space<vmem>>
            %dma_wait3A_627 = tpu.memref_squeeze %dma_wait3A_626 : memref<1x25x40xi32, #tpu.memory_space<vmem>> -> memref<25x40xi32, #tpu.memory_space<vmem>>
            %dma_wait3A_628 = arith.constant 0 : i32
            %dma_wait3A_629 = tpu.memref_slice %arg4[%add3A, %add3A_561, %dma_wait3A_628] : memref<32x250x40xi32, #tpu.memory_space<hbm>> -> memref<1x25x40xi32, #tpu.memory_space<hbm>>
            %dma_wait3A_630 = tpu.memref_squeeze %dma_wait3A_629 : memref<1x25x40xi32, #tpu.memory_space<hbm>> -> memref<25x40xi32, #tpu.memory_space<hbm>>
            tpu.wait_dma2 semaphore(%run_scoped3A_602 : memref<!tpu.dma_semaphore, #tpu.memory_space<semaphore_mem>>) src(%dma_wait3A_630 : memref<25x40xi32, #tpu.memory_space<hbm>>) dst(%dma_wait3A_627 : memref<25x40xi32, #tpu.memory_space<vmem>>)
            tpu.yield
          }) : () -> ()
          "tpu.region"() ({
            %run_scoped3A_602 = tpu.sem_alloc : memref<!tpu.dma_semaphore, #tpu.memory_space<semaphore_mem>>
            %dma_start3A_603 = arith.constant 0 : i32
            %dma_start3A_604 = arith.constant 0 : i32
            %dma_start3A_605 = tpu.memref_slice %arg9[%select_n3A_601, %dma_start3A_603, %dma_start3A_604] : memref<3x25x40xi32, #tpu.memory_space<vmem>> -> memref<1x25x40xi32, #tpu.memory_space<vmem>>
            %dma_start3A_606 = tpu.memref_squeeze %dma_start3A_605 : memref<1x25x40xi32, #tpu.memory_space<vmem>> -> memref<25x40xi32, #tpu.memory_space<vmem>>
            %dma_start3A_607 = arith.constant 0 : i32
            %dma_start3A_608 = tpu.memref_slice %arg5[%add3A, %add3A_561, %dma_start3A_607] : memref<32x250x40xi32, #tpu.memory_space<hbm>> -> memref<1x25x40xi32, #tpu.memory_space<hbm>>
            %dma_start3A_609 = tpu.memref_squeeze %dma_start3A_608 : memref<1x25x40xi32, #tpu.memory_space<hbm>> -> memref<25x40xi32, #tpu.memory_space<hbm>>
            %dma_start3A_610 = arith.constant 0 : i32
            %dma_start3A_611 = arith.constant 0 : i32
            %dma_start3A_612 = tpu.memref_slice %arg9[%select_n3A_601, %dma_start3A_610, %dma_start3A_611] : memref<3x25x40xi32, #tpu.memory_space<vmem>> -> memref<1x25x40xi32, #tpu.memory_space<vmem>>
            %dma_start3A_613 = tpu.memref_squeeze %dma_start3A_612 : memref<1x25x40xi32, #tpu.memory_space<vmem>> -> memref<25x40xi32, #tpu.memory_space<vmem>>
            %dma_start3A_614 = arith.constant 0 : i32
            %dma_start3A_615 = tpu.memref_slice %arg5[%add3A, %add3A_561, %dma_start3A_614] : memref<32x250x40xi32, #tpu.memory_space<hbm>> -> memref<1x25x40xi32, #tpu.memory_space<hbm>>
            %dma_start3A_616 = tpu.memref_squeeze %dma_start3A_615 : memref<1x25x40xi32, #tpu.memory_space<hbm>> -> memref<25x40xi32, #tpu.memory_space<hbm>>
            tpu.enqueue_dma source(%dma_start3A_616 : memref<25x40xi32, #tpu.memory_space<hbm>>) target(%dma_start3A_613 : memref<25x40xi32, #tpu.memory_space<vmem>>) target_semaphore(%run_scoped3A_602 : memref<!tpu.dma_semaphore, #tpu.memory_space<semaphore_mem>>)
            %dma_wait3A_617 = arith.constant 0 : i32
            %dma_wait3A_618 = arith.constant 0 : i32
            %dma_wait3A_619 = tpu.memref_slice %arg9[%select_n3A_601, %dma_wait3A_617, %dma_wait3A_618] : memref<3x25x40xi32, #tpu.memory_space<vmem>> -> memref<1x25x40xi32, #tpu.memory_space<vmem>>
            %dma_wait3A_620 = tpu.memref_squeeze %dma_wait3A_619 : memref<1x25x40xi32, #tpu.memory_space<vmem>> -> memref<25x40xi32, #tpu.memory_space<vmem>>
            %dma_wait3A_621 = arith.constant 0 : i32
            %dma_wait3A_622 = tpu.memref_slice %arg5[%add3A, %add3A_561, %dma_wait3A_621] : memref<32x250x40xi32, #tpu.memory_space<hbm>> -> memref<1x25x40xi32, #tpu.memory_space<hbm>>
            %dma_wait3A_623 = tpu.memref_squeeze %dma_wait3A_622 : memref<1x25x40xi32, #tpu.memory_space<hbm>> -> memref<25x40xi32, #tpu.memory_space<hbm>>
            %dma_wait3A_624 = arith.constant 0 : i32
            %dma_wait3A_625 = arith.constant 0 : i32
            %dma_wait3A_626 = tpu.memref_slice %arg9[%select_n3A_601, %dma_wait3A_624, %dma_wait3A_625] : memref<3x25x40xi32, #tpu.memory_space<vmem>> -> memref<1x25x40xi32, #tpu.memory_space<vmem>>
            %dma_wait3A_627 = tpu.memref_squeeze %dma_wait3A_626 : memref<1x25x40xi32, #tpu.memory_space<vmem>> -> memref<25x40xi32, #tpu.memory_space<vmem>>
            %dma_wait3A_628 = arith.constant 0 : i32
            %dma_wait3A_629 = tpu.memref_slice %arg5[%add3A, %add3A_561, %dma_wait3A_628] : memref<32x250x40xi32, #tpu.memory_space<hbm>> -> memref<1x25x40xi32, #tpu.memory_space<hbm>>
            %dma_wait3A_630 = tpu.memref_squeeze %dma_wait3A_629 : memref<1x25x40xi32, #tpu.memory_space<hbm>> -> memref<25x40xi32, #tpu.memory_space<hbm>>
            tpu.wait_dma2 semaphore(%run_scoped3A_602 : memref<!tpu.dma_semaphore, #tpu.memory_space<semaphore_mem>>) src(%dma_wait3A_630 : memref<25x40xi32, #tpu.memory_space<hbm>>) dst(%dma_wait3A_627 : memref<25x40xi32, #tpu.memory_space<vmem>>)
            tpu.yield
          }) : () -> ()
        } else {
        }
        %add3A_553 = arith.constant 3 : i32
        %add3A_554 = arith.addi %add3A_195, %add3A_553 : i32
        %lt3A_555 = arith.constant 250 : i32
        %lt3A_556 = arith.cmpi slt, %add3A_554, %lt3A_555 : i32
        %convert_element_type3A_557 = arith.extui %lt3A_556 : i1 to i32
        %cond3A_558 = arith.constant 0 : i32
        %cond3A_559 = arith.cmpi ne, %convert_element_type3A_557, %cond3A_558 : i32
        scf.if %cond3A_559 {
          %add3A_560 = arith.constant 3 : i32
          %add3A_561 = arith.addi %add3A_195, %add3A_560 : i32
          %jit3A_562 = arith.constant 25 : i32
          %div3A_563 = arith.divsi %add3A_561, %jit3A_562 : i32
          %sign3A_564 = arith.constant 0 : i32
          %sign3A_565 = arith.cmpi sgt, %add3A_561, %sign3A_564 : i32
          %sign3A_566 = arith.extui %sign3A_565 : i1 to i32
          %sign3A_567 = arith.constant 0 : i32
          %sign3A_568 = arith.cmpi slt, %add3A_561, %sign3A_567 : i32
          %sign3A_569 = arith.extui %sign3A_568 : i1 to i32
          %sign3A_570 = arith.subi %sign3A_566, %sign3A_569 : i32
          %sign3A_571 = arith.constant 0 : i32
          %sign3A_572 = arith.cmpi sgt, %jit3A_562, %sign3A_571 : i32
          %sign3A_573 = arith.extui %sign3A_572 : i1 to i32
          %sign3A_574 = arith.constant 0 : i32
          %sign3A_575 = arith.cmpi slt, %jit3A_562, %sign3A_574 : i32
          %sign3A_576 = arith.extui %sign3A_575 : i1 to i32
          %sign3A_577 = arith.subi %sign3A_573, %sign3A_576 : i32
          %ne3A_578 = arith.cmpi ne, %sign3A_570, %sign3A_577 : i32
          %rem3A_579 = arith.remsi %add3A_561, %jit3A_562 : i32
          %ne3A_580 = arith.constant 0 : i32
          %ne3A_581 = arith.cmpi ne, %rem3A_579, %ne3A_580 : i32
          %and3A_582 = arith.andi %ne3A_578, %ne3A_581 : i1
          %sub3A_583 = arith.constant 1 : i32
          %sub3A_584 = arith.subi %div3A_563, %sub3A_583 : i32
          %select_n3A_585 = arith.select %and3A_582, %sub3A_584, %div3A_563 : i32
          %jit3A_586 = arith.constant 3 : i32
          %eq3A_587 = arith.constant 0 : i32
          %eq3A_588 = arith.cmpi eq, %jit3A_586, %eq3A_587 : i32
          %jit3A_589 = arith.constant 1 : i32
          %select_n3A_590 = arith.select %eq3A_588, %jit3A_589, %jit3A_586 : i32
          %rem3A_591 = arith.remsi %select_n3A_585, %select_n3A_590 : i32
          %ne3A_592 = arith.constant 0 : i32
          %ne3A_593 = arith.cmpi ne, %rem3A_591, %ne3A_592 : i32
          %lt3A_594 = arith.constant 0 : i32
          %lt3A_595 = arith.cmpi slt, %rem3A_591, %lt3A_594 : i32
          %lt3A_596 = arith.constant 0 : i32
          %lt3A_597 = arith.cmpi slt, %select_n3A_590, %lt3A_596 : i32
          %ne3A_598 = arith.xori %lt3A_595, %lt3A_597 : i1
          %and3A_599 = arith.andi %ne3A_598, %ne3A_593 : i1
          %add3A_600 = arith.addi %rem3A_591, %select_n3A_590 : i32
          %select_n3A_601 = arith.select %and3A_599, %add3A_600, %rem3A_591 : i32
          %jit3A_602 = arith.constant 25 : i32
          %eq3A_603 = arith.constant 0 : i32
          %eq3A_604 = arith.cmpi eq, %jit3A_602, %eq3A_603 : i32
          %jit3A_605 = arith.constant 1 : i32
          %select_n3A_606 = arith.select %eq3A_604, %jit3A_605, %jit3A_602 : i32
          %rem3A_607 = arith.remsi %add3A_561, %select_n3A_606 : i32
          %ne3A_608 = arith.constant 0 : i32
          %ne3A_609 = arith.cmpi ne, %rem3A_607, %ne3A_608 : i32
          %lt3A_610 = arith.constant 0 : i32
          %lt3A_611 = arith.cmpi slt, %rem3A_607, %lt3A_610 : i32
          %lt3A_612 = arith.constant 0 : i32
          %lt3A_613 = arith.cmpi slt, %select_n3A_606, %lt3A_612 : i32
          %ne3A_614 = arith.xori %lt3A_611, %lt3A_613 : i1
          %and3A_615 = arith.andi %ne3A_614, %ne3A_609 : i1
          %add3A_616 = arith.addi %rem3A_607, %select_n3A_606 : i32
          %select_n3A_617 = arith.select %and3A_615, %add3A_616, %rem3A_607 : i32
          %dma_start3A_618 = arith.constant 0 : i32
          %dma_start3A_619 = arith.constant 0 : i32
          %dma_start3A_620 = tpu.memref_slice %arg12[%dma_start3A_618, %dma_start3A_619] : memref<40x128xf32, #tpu.memory_space<vmem>> -> memref<24x128xf32, #tpu.memory_space<vmem>>
          %dma_start3A_621 = arith.constant 0 : i32
          %dma_start3A_622 = tpu.memref_slice %arg8[%select_n3A_601, %select_n3A_617, %dma_start3A_621] : memref<3x25x40xi32, #tpu.memory_space<vmem>> -> memref<1x1x24xi32, #tpu.memory_space<vmem>>
          %dma_start3A_623 = tpu.memref_squeeze %dma_start3A_622 : memref<1x1x24xi32, #tpu.memory_space<vmem>> -> memref<24xi32, #tpu.memory_space<vmem>>
          %dma_start3A_624 = arith.constant 0 : i32
          %dma_start3A_625 = arith.constant 0 : i32
          %dma_start3A_626 = tpu.memref_slice %arg2[%dma_start3A_624, %dma_start3A_625] : memref<10000x128xf32, #tpu.memory_space<hbm>> -> memref<10000x128xf32, #tpu.memory_space<hbm>>
          tpu.enqueue_indirect_dma source(%dma_start3A_626 : memref<10000x128xf32, #tpu.memory_space<hbm>>) target(%dma_start3A_620 : memref<24x128xf32, #tpu.memory_space<vmem>>) offsets(%dma_start3A_623 : memref<24xi32, #tpu.memory_space<vmem>>) semaphore(%arg21 : memref<!tpu.dma_semaphore, #tpu.memory_space<semaphore_mem>>)
          %jit3A_627 = arith.constant 25 : i32
          %div3A_628 = arith.divsi %add3A_561, %jit3A_627 : i32
          %sign3A_629 = arith.constant 0 : i32
          %sign3A_630 = arith.cmpi sgt, %add3A_561, %sign3A_629 : i32
          %sign3A_631 = arith.extui %sign3A_630 : i1 to i32
          %sign3A_632 = arith.constant 0 : i32
          %sign3A_633 = arith.cmpi slt, %add3A_561, %sign3A_632 : i32
          %sign3A_634 = arith.extui %sign3A_633 : i1 to i32
          %sign3A_635 = arith.subi %sign3A_631, %sign3A_634 : i32
          %sign3A_636 = arith.constant 0 : i32
          %sign3A_637 = arith.cmpi sgt, %jit3A_627, %sign3A_636 : i32
          %sign3A_638 = arith.extui %sign3A_637 : i1 to i32
          %sign3A_639 = arith.constant 0 : i32
          %sign3A_640 = arith.cmpi slt, %jit3A_627, %sign3A_639 : i32
          %sign3A_641 = arith.extui %sign3A_640 : i1 to i32
          %sign3A_642 = arith.subi %sign3A_638, %sign3A_641 : i32
          %ne3A_643 = arith.cmpi ne, %sign3A_635, %sign3A_642 : i32
          %rem3A_644 = arith.remsi %add3A_561, %jit3A_627 : i32
          %ne3A_645 = arith.constant 0 : i32
          %ne3A_646 = arith.cmpi ne, %rem3A_644, %ne3A_645 : i32
          %and3A_647 = arith.andi %ne3A_643, %ne3A_646 : i1
          %sub3A_648 = arith.constant 1 : i32
          %sub3A_649 = arith.subi %div3A_628, %sub3A_648 : i32
          %select_n3A_650 = arith.select %and3A_647, %sub3A_649, %div3A_628 : i32
          %jit3A_651 = arith.constant 3 : i32
          %eq3A_652 = arith.constant 0 : i32
          %eq3A_653 = arith.cmpi eq, %jit3A_651, %eq3A_652 : i32
          %jit3A_654 = arith.constant 1 : i32
          %select_n3A_655 = arith.select %eq3A_653, %jit3A_654, %jit3A_651 : i32
          %rem3A_656 = arith.remsi %select_n3A_650, %select_n3A_655 : i32
          %ne3A_657 = arith.constant 0 : i32
          %ne3A_658 = arith.cmpi ne, %rem3A_656, %ne3A_657 : i32
          %lt3A_659 = arith.constant 0 : i32
          %lt3A_660 = arith.cmpi slt, %rem3A_656, %lt3A_659 : i32
          %lt3A_661 = arith.constant 0 : i32
          %lt3A_662 = arith.cmpi slt, %select_n3A_655, %lt3A_661 : i32
          %ne3A_663 = arith.xori %lt3A_660, %lt3A_662 : i1
          %and3A_664 = arith.andi %ne3A_663, %ne3A_658 : i1
          %add3A_665 = arith.addi %rem3A_656, %select_n3A_655 : i32
          %select_n3A_666 = arith.select %and3A_664, %add3A_665, %rem3A_656 : i32
          %jit3A_667 = arith.constant 25 : i32
          %eq3A_668 = arith.constant 0 : i32
          %eq3A_669 = arith.cmpi eq, %jit3A_667, %eq3A_668 : i32
          %jit3A_670 = arith.constant 1 : i32
          %select_n3A_671 = arith.select %eq3A_669, %jit3A_670, %jit3A_667 : i32
          %rem3A_672 = arith.remsi %add3A_561, %select_n3A_671 : i32
          %ne3A_673 = arith.constant 0 : i32
          %ne3A_674 = arith.cmpi ne, %rem3A_672, %ne3A_673 : i32
          %lt3A_675 = arith.constant 0 : i32
          %lt3A_676 = arith.cmpi slt, %rem3A_672, %lt3A_675 : i32
          %lt3A_677 = arith.constant 0 : i32
          %lt3A_678 = arith.cmpi slt, %select_n3A_671, %lt3A_677 : i32
          %ne3A_679 = arith.xori %lt3A_676, %lt3A_678 : i1
          %and3A_680 = arith.andi %ne3A_679, %ne3A_674 : i1
          %add3A_681 = arith.addi %rem3A_672, %select_n3A_671 : i32
          %select_n3A_682 = arith.select %and3A_680, %add3A_681, %rem3A_672 : i32
          %dma_start3A_683 = arith.constant 0 : i32
          %dma_start3A_684 = arith.constant 0 : i32
          %dma_start3A_685 = tpu.memref_slice %arg16[%dma_start3A_683, %dma_start3A_684] : memref<40x128xf32, #tpu.memory_space<vmem>> -> memref<24x128xf32, #tpu.memory_space<vmem>>
          %dma_start3A_686 = arith.constant 0 : i32
          %dma_start3A_687 = tpu.memref_slice %arg9[%select_n3A_666, %select_n3A_682, %dma_start3A_686] : memref<3x25x40xi32, #tpu.memory_space<vmem>> -> memref<1x1x24xi32, #tpu.memory_space<vmem>>
          %dma_start3A_688 = tpu.memref_squeeze %dma_start3A_687 : memref<1x1x24xi32, #tpu.memory_space<vmem>> -> memref<24xi32, #tpu.memory_space<vmem>>
          %dma_start3A_689 = arith.constant 0 : i32
          %dma_start3A_690 = arith.constant 0 : i32
          %dma_start3A_691 = tpu.memref_slice %arg3[%dma_start3A_689, %dma_start3A_690] : memref<10000x128xf32, #tpu.memory_space<hbm>> -> memref<10000x128xf32, #tpu.memory_space<hbm>>
          tpu.enqueue_indirect_dma source(%dma_start3A_691 : memref<10000x128xf32, #tpu.memory_space<hbm>>) target(%dma_start3A_685 : memref<24x128xf32, #tpu.memory_space<vmem>>) offsets(%dma_start3A_688 : memref<24xi32, #tpu.memory_space<vmem>>) semaphore(%arg21 : memref<!tpu.dma_semaphore, #tpu.memory_space<semaphore_mem>>)
          %jit3A_692 = arith.constant 25 : i32
          %div3A_693 = arith.divsi %add3A_561, %jit3A_692 : i32
          %sign3A_694 = arith.constant 0 : i32
          %sign3A_695 = arith.cmpi sgt, %add3A_561, %sign3A_694 : i32
          %sign3A_696 = arith.extui %sign3A_695 : i1 to i32
          %sign3A_697 = arith.constant 0 : i32
          %sign3A_698 = arith.cmpi slt, %add3A_561, %sign3A_697 : i32
          %sign3A_699 = arith.extui %sign3A_698 : i1 to i32
          %sign3A_700 = arith.subi %sign3A_696, %sign3A_699 : i32
          %sign3A_701 = arith.constant 0 : i32
          %sign3A_702 = arith.cmpi sgt, %jit3A_692, %sign3A_701 : i32
          %sign3A_703 = arith.extui %sign3A_702 : i1 to i32
          %sign3A_704 = arith.constant 0 : i32
          %sign3A_705 = arith.cmpi slt, %jit3A_692, %sign3A_704 : i32
          %sign3A_706 = arith.extui %sign3A_705 : i1 to i32
          %sign3A_707 = arith.subi %sign3A_703, %sign3A_706 : i32
          %ne3A_708 = arith.cmpi ne, %sign3A_700, %sign3A_707 : i32
          %rem3A_709 = arith.remsi %add3A_561, %jit3A_692 : i32
          %ne3A_710 = arith.constant 0 : i32
          %ne3A_711 = arith.cmpi ne, %rem3A_709, %ne3A_710 : i32
          %and3A_712 = arith.andi %ne3A_708, %ne3A_711 : i1
          %sub3A_713 = arith.constant 1 : i32
          %sub3A_714 = arith.subi %div3A_693, %sub3A_713 : i32
          %select_n3A_715 = arith.select %and3A_712, %sub3A_714, %div3A_693 : i32
          %jit3A_716 = arith.constant 3 : i32
          %eq3A_717 = arith.constant 0 : i32
          %eq3A_718 = arith.cmpi eq, %jit3A_716, %eq3A_717 : i32
          %jit3A_719 = arith.constant 1 : i32
          %select_n3A_720 = arith.select %eq3A_718, %jit3A_719, %jit3A_716 : i32
          %rem3A_721 = arith.remsi %select_n3A_715, %select_n3A_720 : i32
          %ne3A_722 = arith.constant 0 : i32
          %ne3A_723 = arith.cmpi ne, %rem3A_721, %ne3A_722 : i32
          %lt3A_724 = arith.constant 0 : i32
          %lt3A_725 = arith.cmpi slt, %rem3A_721, %lt3A_724 : i32
          %lt3A_726 = arith.constant 0 : i32
          %lt3A_727 = arith.cmpi slt, %select_n3A_720, %lt3A_726 : i32
          %ne3A_728 = arith.xori %lt3A_725, %lt3A_727 : i1
          %and3A_729 = arith.andi %ne3A_728, %ne3A_723 : i1
          %add3A_730 = arith.addi %rem3A_721, %select_n3A_720 : i32
          %select_n3A_731 = arith.select %and3A_729, %add3A_730, %rem3A_721 : i32
          %jit3A_732 = arith.constant 25 : i32
          %eq3A_733 = arith.constant 0 : i32
          %eq3A_734 = arith.cmpi eq, %jit3A_732, %eq3A_733 : i32
          %jit3A_735 = arith.constant 1 : i32
          %select_n3A_736 = arith.select %eq3A_734, %jit3A_735, %jit3A_732 : i32
          %rem3A_737 = arith.remsi %add3A_561, %select_n3A_736 : i32
          %ne3A_738 = arith.constant 0 : i32
          %ne3A_739 = arith.cmpi ne, %rem3A_737, %ne3A_738 : i32
          %lt3A_740 = arith.constant 0 : i32
          %lt3A_741 = arith.cmpi slt, %rem3A_737, %lt3A_740 : i32
          %lt3A_742 = arith.constant 0 : i32
          %lt3A_743 = arith.cmpi slt, %select_n3A_736, %lt3A_742 : i32
          %ne3A_744 = arith.xori %lt3A_741, %lt3A_743 : i1
          %and3A_745 = arith.andi %ne3A_744, %ne3A_739 : i1
          %add3A_746 = arith.addi %rem3A_737, %select_n3A_736 : i32
          %select_n3A_747 = arith.select %and3A_745, %add3A_746, %rem3A_737 : i32
          %dma_start3A_748 = arith.constant 24 : i32
          %dma_start3A_749 = arith.constant 0 : i32
          %dma_start3A_750 = tpu.memref_slice %arg12[%dma_start3A_748, %dma_start3A_749] : memref<40x128xf32, #tpu.memory_space<vmem>> -> memref<16x128xf32, #tpu.memory_space<vmem>>
          %dma_start3A_751 = arith.constant 24 : i32
          %dma_start3A_752 = tpu.memref_slice %arg8[%select_n3A_731, %select_n3A_747, %dma_start3A_751] : memref<3x25x40xi32, #tpu.memory_space<vmem>> -> memref<1x1x16xi32, #tpu.memory_space<vmem>>
          %dma_start3A_753 = tpu.memref_squeeze %dma_start3A_752 : memref<1x1x16xi32, #tpu.memory_space<vmem>> -> memref<16xi32, #tpu.memory_space<vmem>>
          %dma_start3A_754 = arith.constant 0 : i32
          %dma_start3A_755 = arith.constant 0 : i32
          %dma_start3A_756 = tpu.memref_slice %arg2[%dma_start3A_754, %dma_start3A_755] : memref<10000x128xf32, #tpu.memory_space<hbm>> -> memref<10000x128xf32, #tpu.memory_space<hbm>>
          tpu.enqueue_indirect_dma source(%dma_start3A_756 : memref<10000x128xf32, #tpu.memory_space<hbm>>) target(%dma_start3A_750 : memref<16x128xf32, #tpu.memory_space<vmem>>) offsets(%dma_start3A_753 : memref<16xi32, #tpu.memory_space<vmem>>) semaphore(%arg21 : memref<!tpu.dma_semaphore, #tpu.memory_space<semaphore_mem>>)
          %jit3A_757 = arith.constant 25 : i32
          %div3A_758 = arith.divsi %add3A_561, %jit3A_757 : i32
          %sign3A_759 = arith.constant 0 : i32
          %sign3A_760 = arith.cmpi sgt, %add3A_561, %sign3A_759 : i32
          %sign3A_761 = arith.extui %sign3A_760 : i1 to i32
          %sign3A_762 = arith.constant 0 : i32
          %sign3A_763 = arith.cmpi slt, %add3A_561, %sign3A_762 : i32
          %sign3A_764 = arith.extui %sign3A_763 : i1 to i32
          %sign3A_765 = arith.subi %sign3A_761, %sign3A_764 : i32
          %sign3A_766 = arith.constant 0 : i32
          %sign3A_767 = arith.cmpi sgt, %jit3A_757, %sign3A_766 : i32
          %sign3A_768 = arith.extui %sign3A_767 : i1 to i32
          %sign3A_769 = arith.constant 0 : i32
          %sign3A_770 = arith.cmpi slt, %jit3A_757, %sign3A_769 : i32
          %sign3A_771 = arith.extui %sign3A_770 : i1 to i32
          %sign3A_772 = arith.subi %sign3A_768, %sign3A_771 : i32
          %ne3A_773 = arith.cmpi ne, %sign3A_765, %sign3A_772 : i32
          %rem3A_774 = arith.remsi %add3A_561, %jit3A_757 : i32
          %ne3A_775 = arith.constant 0 : i32
          %ne3A_776 = arith.cmpi ne, %rem3A_774, %ne3A_775 : i32
          %and3A_777 = arith.andi %ne3A_773, %ne3A_776 : i1
          %sub3A_778 = arith.constant 1 : i32
          %sub3A_779 = arith.subi %div3A_758, %sub3A_778 : i32
          %select_n3A_780 = arith.select %and3A_777, %sub3A_779, %div3A_758 : i32
          %jit3A_781 = arith.constant 3 : i32
          %eq3A_782 = arith.constant 0 : i32
          %eq3A_783 = arith.cmpi eq, %jit3A_781, %eq3A_782 : i32
          %jit3A_784 = arith.constant 1 : i32
          %select_n3A_785 = arith.select %eq3A_783, %jit3A_784, %jit3A_781 : i32
          %rem3A_786 = arith.remsi %select_n3A_780, %select_n3A_785 : i32
          %ne3A_787 = arith.constant 0 : i32
          %ne3A_788 = arith.cmpi ne, %rem3A_786, %ne3A_787 : i32
          %lt3A_789 = arith.constant 0 : i32
          %lt3A_790 = arith.cmpi slt, %rem3A_786, %lt3A_789 : i32
          %lt3A_791 = arith.constant 0 : i32
          %lt3A_792 = arith.cmpi slt, %select_n3A_785, %lt3A_791 : i32
          %ne3A_793 = arith.xori %lt3A_790, %lt3A_792 : i1
          %and3A_794 = arith.andi %ne3A_793, %ne3A_788 : i1
          %add3A_795 = arith.addi %rem3A_786, %select_n3A_785 : i32
          %select_n3A_796 = arith.select %and3A_794, %add3A_795, %rem3A_786 : i32
          %jit3A_797 = arith.constant 25 : i32
          %eq3A_798 = arith.constant 0 : i32
          %eq3A_799 = arith.cmpi eq, %jit3A_797, %eq3A_798 : i32
          %jit3A_800 = arith.constant 1 : i32
          %select_n3A_801 = arith.select %eq3A_799, %jit3A_800, %jit3A_797 : i32
          %rem3A_802 = arith.remsi %add3A_561, %select_n3A_801 : i32
          %ne3A_803 = arith.constant 0 : i32
          %ne3A_804 = arith.cmpi ne, %rem3A_802, %ne3A_803 : i32
          %lt3A_805 = arith.constant 0 : i32
          %lt3A_806 = arith.cmpi slt, %rem3A_802, %lt3A_805 : i32
          %lt3A_807 = arith.constant 0 : i32
          %lt3A_808 = arith.cmpi slt, %select_n3A_801, %lt3A_807 : i32
          %ne3A_809 = arith.xori %lt3A_806, %lt3A_808 : i1
          %and3A_810 = arith.andi %ne3A_809, %ne3A_804 : i1
          %add3A_811 = arith.addi %rem3A_802, %select_n3A_801 : i32
          %select_n3A_812 = arith.select %and3A_810, %add3A_811, %rem3A_802 : i32
          %dma_start3A_813 = arith.constant 24 : i32
          %dma_start3A_814 = arith.constant 0 : i32
          %dma_start3A_815 = tpu.memref_slice %arg16[%dma_start3A_813, %dma_start3A_814] : memref<40x128xf32, #tpu.memory_space<vmem>> -> memref<16x128xf32, #tpu.memory_space<vmem>>
          %dma_start3A_816 = arith.constant 24 : i32
          %dma_start3A_817 = tpu.memref_slice %arg9[%select_n3A_796, %select_n3A_812, %dma_start3A_816] : memref<3x25x40xi32, #tpu.memory_space<vmem>> -> memref<1x1x16xi32, #tpu.memory_space<vmem>>
          %dma_start3A_818 = tpu.memref_squeeze %dma_start3A_817 : memref<1x1x16xi32, #tpu.memory_space<vmem>> -> memref<16xi32, #tpu.memory_space<vmem>>
          %dma_start3A_819 = arith.constant 0 : i32
          %dma_start3A_820 = arith.constant 0 : i32
          %dma_start3A_821 = tpu.memref_slice %arg3[%dma_start3A_819, %dma_start3A_820] : memref<10000x128xf32, #tpu.memory_space<hbm>> -> memref<10000x128xf32, #tpu.memory_space<hbm>>
          tpu.enqueue_indirect_dma source(%dma_start3A_821 : memref<10000x128xf32, #tpu.memory_space<hbm>>) target(%dma_start3A_815 : memref<16x128xf32, #tpu.memory_space<vmem>>) offsets(%dma_start3A_818 : memref<16xi32, #tpu.memory_space<vmem>>) semaphore(%arg21 : memref<!tpu.dma_semaphore, #tpu.memory_space<semaphore_mem>>)
        } else {
        }
      } else {
      }
    }
    %scan3A_145 = arith.constant 63 : i32
    %dma_wait3A = arith.constant 0 : i32
    %dma_wait3A_146 = arith.constant 24 : i32
    %dma_wait3A_147 = arith.constant 0 : i32
    %dma_wait3A_148 = tpu.memref_slice %arg8[%dma_wait3A, %dma_wait3A_146, %dma_wait3A_147] : memref<3x25x40xi32, #tpu.memory_space<vmem>> -> memref<1x1x40xi32, #tpu.memory_space<vmem>>
    %dma_wait3A_149 = tpu.memref_squeeze %dma_wait3A_148 : memref<1x1x40xi32, #tpu.memory_space<vmem>> -> memref<40xi32, #tpu.memory_space<vmem>>
    %dma_wait3A_150 = arith.constant 0 : i32
    %dma_wait3A_151 = arith.constant 0 : i32
    %dma_wait3A_152 = tpu.memref_slice %arg18[%dma_wait3A_150, %dma_wait3A_151] : memref<10000x128xf32, #tpu.memory_space<vmem_shared>> -> memref<10000x128xf32, #tpu.memory_space<vmem_shared>>
    tpu.wait_indirect_dma semaphore(%arg24 : memref<!tpu.dma_semaphore, #tpu.memory_space<semaphore_mem>>) src(%arg15 : memref<40x128xf32, #tpu.memory_space<vmem>>) dst(%dma_wait3A_152 : memref<10000x128xf32, #tpu.memory_space<vmem_shared>>)
    %barrier3A_153 = arith.constant 0 : index
    tpu.barrier barrier_id(%barrier3A_153)
    %lt3A_154 = arith.constant 15 : i32
    %lt3A_155 = arith.cmpi slt, %arg1, %lt3A_154 : i32
    %convert_element_type3A_156 = arith.extui %lt3A_155 : i1 to i32
    %cond3A_157 = arith.constant 0 : i32
    %cond3A_158 = arith.cmpi ne, %convert_element_type3A_156, %cond3A_157 : i32
    scf.if %cond3A_158 {
      %mul3A_164 = arith.constant 624 : i32
      %mul3A_165 = arith.muli %arg1, %mul3A_164 : i32
      %mul3A_166 = arith.constant 10000 : i32
      %mul3A_167 = arith.muli %arg0, %mul3A_166 : i32
      %mul3A_168 = arith.constant 624 : i32
      %mul3A_169 = arith.muli %arg1, %mul3A_168 : i32
      %add3A_170 = arith.addi %mul3A_167, %mul3A_169 : i32
      "tpu.region"() ({
        %run_scoped3A_171 = tpu.sem_alloc : memref<!tpu.dma_semaphore, #tpu.memory_space<semaphore_mem>>
        %dma_start3A_172 = arith.constant 0 : i32
        %dma_start3A_173 = tpu.memref_slice %arg7[%add3A_170, %dma_start3A_172] : memref<20000x128xf32, #tpu.memory_space<hbm>> -> memref<624x128xf32, #tpu.memory_space<hbm>>
        %dma_start3A_174 = arith.constant 0 : i32
        %dma_start3A_175 = tpu.memref_slice %arg18[%mul3A_165, %dma_start3A_174] : memref<10000x128xf32, #tpu.memory_space<vmem_shared>> -> memref<624x128xf32, #tpu.memory_space<vmem_shared>>
        tpu.enqueue_dma source(%dma_start3A_175 : memref<624x128xf32, #tpu.memory_space<vmem_shared>>) target(%dma_start3A_173 : memref<624x128xf32, #tpu.memory_space<hbm>>) target_semaphore(%run_scoped3A_171 : memref<!tpu.dma_semaphore, #tpu.memory_space<semaphore_mem>>)
        %dma_wait3A_176 = arith.constant 0 : i32
        %dma_wait3A_177 = tpu.memref_slice %arg7[%add3A_170, %dma_wait3A_176] : memref<20000x128xf32, #tpu.memory_space<hbm>> -> memref<624x128xf32, #tpu.memory_space<hbm>>
        %dma_wait3A_178 = arith.constant 0 : i32
        %dma_wait3A_179 = tpu.memref_slice %arg18[%mul3A_165, %dma_wait3A_178] : memref<10000x128xf32, #tpu.memory_space<vmem_shared>> -> memref<624x128xf32, #tpu.memory_space<vmem_shared>>
        tpu.wait_dma2 semaphore(%run_scoped3A_171 : memref<!tpu.dma_semaphore, #tpu.memory_space<semaphore_mem>>) src(%dma_wait3A_179 : memref<624x128xf32, #tpu.memory_space<vmem_shared>>) dst(%dma_wait3A_177 : memref<624x128xf32, #tpu.memory_space<hbm>>)
        tpu.yield
      }) : () -> ()
    } else {
    }
    %eq3A_159 = arith.constant 15 : i32
    %eq3A_160 = arith.cmpi eq, %arg1, %eq3A_159 : i32
    %convert_element_type3A_161 = arith.extui %eq3A_160 : i1 to i32
    %cond3A_162 = arith.constant 0 : i32
    %cond3A_163 = arith.cmpi ne, %convert_element_type3A_161, %cond3A_162 : i32
    scf.if %cond3A_163 {
      %mul3A_164 = arith.constant 10000 : i32
      %mul3A_165 = arith.muli %arg0, %mul3A_164 : i32
      %add3A_166 = arith.constant 9360 : i32
      %add3A_167 = arith.addi %mul3A_165, %add3A_166 : i32
      "tpu.region"() ({
        %run_scoped3A_168 = tpu.sem_alloc : memref<!tpu.dma_semaphore, #tpu.memory_space<semaphore_mem>>
        %dma_start3A_169 = arith.constant 0 : i32
        %dma_start3A_170 = tpu.memref_slice %arg7[%add3A_167, %dma_start3A_169] : memref<20000x128xf32, #tpu.memory_space<hbm>> -> memref<640x128xf32, #tpu.memory_space<hbm>>
        %dma_start3A_171 = arith.constant 9360 : i32
        %dma_start3A_172 = arith.constant 0 : i32
        %dma_start3A_173 = tpu.memref_slice %arg18[%dma_start3A_171, %dma_start3A_172] : memref<10000x128xf32, #tpu.memory_space<vmem_shared>> -> memref<640x128xf32, #tpu.memory_space<vmem_shared>>
        tpu.enqueue_dma source(%dma_start3A_173 : memref<640x128xf32, #tpu.memory_space<vmem_shared>>) target(%dma_start3A_170 : memref<640x128xf32, #tpu.memory_space<hbm>>) target_semaphore(%run_scoped3A_168 : memref<!tpu.dma_semaphore, #tpu.memory_space<semaphore_mem>>)
        %dma_wait3A_174 = arith.constant 0 : i32
        %dma_wait3A_175 = tpu.memref_slice %arg7[%add3A_167, %dma_wait3A_174] : memref<20000x128xf32, #tpu.memory_space<hbm>> -> memref<640x128xf32, #tpu.memory_space<hbm>>
        %dma_wait3A_176 = arith.constant 9360 : i32
        %dma_wait3A_177 = arith.constant 0 : i32
        %dma_wait3A_178 = tpu.memref_slice %arg18[%dma_wait3A_176, %dma_wait3A_177] : memref<10000x128xf32, #tpu.memory_space<vmem_shared>> -> memref<640x128xf32, #tpu.memory_space<vmem_shared>>
        tpu.wait_dma2 semaphore(%run_scoped3A_168 : memref<!tpu.dma_semaphore, #tpu.memory_space<semaphore_mem>>) src(%dma_wait3A_178 : memref<640x128xf32, #tpu.memory_space<vmem_shared>>) dst(%dma_wait3A_175 : memref<640x128xf32, #tpu.memory_space<hbm>>)
        tpu.yield
      }) : () -> ()
    } else {
    }
    return
  }
}

module attributes {stable_mosaic.version = 14 : i64} {
  func.func @_pre_body(%arg0: i32, %arg1: memref<2000x128xf32, #tpu.memory_space<vmem>>, %arg2: memref<2000x128xf32, #tpu.memory_space<vmem>>, %arg3: memref<128x128xf32, #tpu.memory_space<vmem>>, %arg4: memref<128x128xf32, #tpu.memory_space<vmem>>, %arg5: memref<1x128xf32, #tpu.memory_space<vmem>>, %arg6: memref<2000x128xf32, #tpu.memory_space<vmem>>, %arg7: memref<2000x128xf32, #tpu.memory_space<vmem>>) attributes {dimension_semantics = [#tpu.dimension_semantics<arbitrary>], iteration_bounds = array<i64: 5>, scalar_prefetch = 0 : i64, scratch_operands = 0 : i64, tpu.core_type = #tpu.core_type<tc>, window_params = [{transform_indices = @transform_0, window_bounds = array<i64: 2000, 128>}, {transform_indices = @transform_1, window_bounds = array<i64: 2000, 128>}, {transform_indices = @transform_2, window_bounds = array<i64: 128, 128>}, {transform_indices = @transform_3, window_bounds = array<i64: 128, 128>}, {pipeline_mode = #tpu.pipeline_mode<synchronous>, transform_indices = @transform_4, window_bounds = array<i64: 1, 128>}, {transform_indices = @transform_5, window_bounds = array<i64: 2000, 128>}, {transform_indices = @transform_6, window_bounds = array<i64: 2000, 128>}]} {
    %get3A = arith.constant 0 : index
    %get3A_0 = arith.constant 0 : index
    %get3A_1 = vector.load %arg1[%get3A, %get3A_0] : memref<2000x128xf32, #tpu.memory_space<vmem>>, vector<2000x128xf32>
    %get3A_2 = arith.constant 0 : index
    %get3A_3 = arith.constant 0 : index
    %get3A_4 = vector.load %arg3[%get3A_2, %get3A_3] : memref<128x128xf32, #tpu.memory_space<vmem>>, vector<128x128xf32>
    %dot_general3A = arith.constant dense<0.000000e+00> : vector<2000x128xf32>
    %dot_general3A_5 = tpu.matmul %get3A_1, %get3A_4, %dot_general3A {dimension_numbers = #tpu.dot_dimension_numbers<[1], [0], [0], [1], [0, 0, 1, 1], [], []>, transpose_lhs_hint = false} : vector<2000x128xf32>, vector<128x128xf32>, vector<2000x128xf32> -> vector<2000x128xf32>
    %get3A_6 = arith.constant 0 : index
    %get3A_7 = arith.constant 0 : index
    %get3A_8 = vector.load %arg5[%get3A_6, %get3A_7] : memref<1x128xf32, #tpu.memory_space<vmem>>, vector<1x128xf32>
    %add3A = vector.broadcast %get3A_8 : vector<1x128xf32> to vector<2000x128xf32>
    %add3A_9 = arith.addf %dot_general3A_5, %add3A : vector<2000x128xf32>
    %swap3A = arith.constant 0 : index
    %swap3A_10 = arith.constant 0 : index
    %swap3A_11 = vector.load %arg6[%swap3A, %swap3A_10] : memref<2000x128xf32, #tpu.memory_space<vmem>>, vector<2000x128xf32>
    tpu.vector_store %arg6[%swap3A, %swap3A_10], %add3A_9 {strides = array<i32>} : memref<2000x128xf32, #tpu.memory_space<vmem>>, vector<2000x128xf32>,
    %get3A_12 = arith.constant 0 : index
    %get3A_13 = arith.constant 0 : index
    %get3A_14 = vector.load %arg2[%get3A_12, %get3A_13] : memref<2000x128xf32, #tpu.memory_space<vmem>>, vector<2000x128xf32>
    %get3A_15 = arith.constant 0 : index
    %get3A_16 = arith.constant 0 : index
    %get3A_17 = vector.load %arg4[%get3A_15, %get3A_16] : memref<128x128xf32, #tpu.memory_space<vmem>>, vector<128x128xf32>
    %dot_general3A_18 = arith.constant dense<0.000000e+00> : vector<2000x128xf32>
    %dot_general3A_19 = tpu.matmul %get3A_14, %get3A_17, %dot_general3A_18 {dimension_numbers = #tpu.dot_dimension_numbers<[1], [0], [0], [1], [0, 0, 1, 1], [], []>, transpose_lhs_hint = false} : vector<2000x128xf32>, vector<128x128xf32>, vector<2000x128xf32> -> vector<2000x128xf32>
    %swap3A_20 = arith.constant 0 : index
    %swap3A_21 = arith.constant 0 : index
    %swap3A_22 = vector.load %arg7[%swap3A_20, %swap3A_21] : memref<2000x128xf32, #tpu.memory_space<vmem>>, vector<2000x128xf32>
    tpu.vector_store %arg7[%swap3A_20, %swap3A_21], %dot_general3A_19 {strides = array<i32>} : memref<2000x128xf32, #tpu.memory_space<vmem>>, vector<2000x128xf32>,
    return
  }
  func.func @transform_0(%arg0: i32) -> (i32, i32) {
    %c0_i32 = arith.constant 0 : i32
    %c0_i32_0 = arith.constant 0 : i32
    return %arg0, %c0_i32 : i32, i32
  }
  func.func @transform_1(%arg0: i32) -> (i32, i32) {
    %c0_i32 = arith.constant 0 : i32
    %c0_i32_0 = arith.constant 0 : i32
    return %arg0, %c0_i32 : i32, i32
  }
  func.func @transform_2(%arg0: i32) -> (i32, i32) {
    %c0_i32 = arith.constant 0 : i32
    %c0_i32_0 = arith.constant 0 : i32
    %c0_i32_1 = arith.constant 0 : i32
    return %c0_i32, %c0_i32_0 : i32, i32
  }
  func.func @transform_3(%arg0: i32) -> (i32, i32) {
    %c1_i32 = arith.constant 1 : i32
    %c0_i32 = arith.constant 0 : i32
    %c0_i32_0 = arith.constant 0 : i32
    return %c1_i32, %c0_i32 : i32, i32
  }
  func.func @transform_4(%arg0: i32) -> (i32, i32) {
    %c0_i32 = arith.constant 0 : i32
    %c0_i32_0 = arith.constant 0 : i32
    %c0_i32_1 = arith.constant 0 : i32
    return %c0_i32, %c0_i32_0 : i32, i32
  }
  func.func @transform_5(%arg0: i32) -> (i32, i32) {
    %c0_i32 = arith.constant 0 : i32
    %c0_i32_0 = arith.constant 0 : i32
    return %arg0, %c0_i32 : i32, i32
  }
  func.func @transform_6(%arg0: i32) -> (i32, i32) {
    %c0_i32 = arith.constant 0 : i32
    %c0_i32_0 = arith.constant 0 : i32
    return %arg0, %c0_i32 : i32, i32
  }
}

module attributes {stable_mosaic.version = 14 : i64} {
  func.func @_comb_body(%arg0: i32, %arg1: memref<2000x128xf32, #tpu.memory_space<vmem>>, %arg2: memref<2000x128xf32, #tpu.memory_space<vmem>>, %arg3: memref<2000x128xf32, #tpu.memory_space<vmem>>, %arg4: memref<128x128xf32, #tpu.memory_space<vmem>>, %arg5: memref<128x128xf32, #tpu.memory_space<vmem>>, %arg6: memref<1x128xf32, #tpu.memory_space<vmem>>, %arg7: memref<2000x128xf32, #tpu.memory_space<vmem>>) attributes {dimension_semantics = [#tpu.dimension_semantics<arbitrary>], iteration_bounds = array<i64: 5>, scalar_prefetch = 0 : i64, scratch_operands = 0 : i64, tpu.core_type = #tpu.core_type<tc>, window_params = [{transform_indices = @transform_0, window_bounds = array<i64: 2000, 128>}, {transform_indices = @transform_1, window_bounds = array<i64: 2000, 128>}, {transform_indices = @transform_2, window_bounds = array<i64: 2000, 128>}, {transform_indices = @transform_3, window_bounds = array<i64: 128, 128>}, {transform_indices = @transform_4, window_bounds = array<i64: 128, 128>}, {pipeline_mode = #tpu.pipeline_mode<synchronous>, transform_indices = @transform_5, window_bounds = array<i64: 1, 128>}, {transform_indices = @transform_6, window_bounds = array<i64: 2000, 128>}]} {
    %get3A = arith.constant 0 : index
    %get3A_0 = arith.constant 0 : index
    %get3A_1 = vector.load %arg1[%get3A, %get3A_0] : memref<2000x128xf32, #tpu.memory_space<vmem>>, vector<2000x128xf32>
    %get3A_2 = arith.constant 0 : index
    %get3A_3 = arith.constant 0 : index
    %get3A_4 = vector.load %arg2[%get3A_2, %get3A_3] : memref<2000x128xf32, #tpu.memory_space<vmem>>, vector<2000x128xf32>
    %get3A_5 = arith.constant 0 : index
    %get3A_6 = arith.constant 0 : index
    %get3A_7 = vector.load %arg3[%get3A_5, %get3A_6] : memref<2000x128xf32, #tpu.memory_space<vmem>>, vector<2000x128xf32>
    %add3A = arith.addf %get3A_4, %get3A_7 : vector<2000x128xf32>
    %get3A_8 = arith.constant 0 : index
    %get3A_9 = arith.constant 0 : index
    %get3A_10 = vector.load %arg4[%get3A_8, %get3A_9] : memref<128x128xf32, #tpu.memory_space<vmem>>, vector<128x128xf32>
    %dot_general3A = arith.constant dense<0.000000e+00> : vector<2000x128xf32>
    %dot_general3A_11 = tpu.matmul %get3A_1, %get3A_10, %dot_general3A {dimension_numbers = #tpu.dot_dimension_numbers<[1], [0], [0], [1], [0, 0, 1, 1], [], []>, transpose_lhs_hint = false} : vector<2000x128xf32>, vector<128x128xf32>, vector<2000x128xf32> -> vector<2000x128xf32>
    %get3A_12 = arith.constant 0 : index
    %get3A_13 = arith.constant 0 : index
    %get3A_14 = vector.load %arg5[%get3A_12, %get3A_13] : memref<128x128xf32, #tpu.memory_space<vmem>>, vector<128x128xf32>
    %dot_general3A_15 = arith.constant dense<0.000000e+00> : vector<2000x128xf32>
    %dot_general3A_16 = tpu.matmul %add3A, %get3A_14, %dot_general3A_15 {dimension_numbers = #tpu.dot_dimension_numbers<[1], [0], [0], [1], [0, 0, 1, 1], [], []>, transpose_lhs_hint = false} : vector<2000x128xf32>, vector<128x128xf32>, vector<2000x128xf32> -> vector<2000x128xf32>
    %add3A_17 = arith.addf %dot_general3A_11, %dot_general3A_16 : vector<2000x128xf32>
    %get3A_18 = arith.constant 0 : index
    %get3A_19 = arith.constant 0 : index
    %get3A_20 = vector.load %arg6[%get3A_18, %get3A_19] : memref<1x128xf32, #tpu.memory_space<vmem>>, vector<1x128xf32>
    %add3A_21 = vector.broadcast %get3A_20 : vector<1x128xf32> to vector<2000x128xf32>
    %add3A_22 = arith.addf %add3A_17, %add3A_21 : vector<2000x128xf32>
    %max3A = arith.constant 0.000000e+00 : f32
    %max3A_23 = vector.broadcast %max3A : f32 to vector<2000x128xf32>
    %max3A_24 = arith.maximumf %add3A_22, %max3A_23 : vector<2000x128xf32>
    %add3A_25 = arith.addf %get3A_1, %max3A_24 : vector<2000x128xf32>
    %swap3A = arith.constant 0 : index
    %swap3A_26 = arith.constant 0 : index
    %swap3A_27 = vector.load %arg7[%swap3A, %swap3A_26] : memref<2000x128xf32, #tpu.memory_space<vmem>>, vector<2000x128xf32>
    tpu.vector_store %arg7[%swap3A, %swap3A_26], %add3A_25 {strides = array<i32>} : memref<2000x128xf32, #tpu.memory_space<vmem>>, vector<2000x128xf32>,
    return
  }
  func.func @transform_0(%arg0: i32) -> (i32, i32) {
    %c0_i32 = arith.constant 0 : i32
    %c0_i32_0 = arith.constant 0 : i32
    return %arg0, %c0_i32 : i32, i32
  }
  func.func @transform_1(%arg0: i32) -> (i32, i32) {
    %c0_i32 = arith.constant 0 : i32
    %c0_i32_0 = arith.constant 0 : i32
    return %arg0, %c0_i32 : i32, i32
  }
  func.func @transform_2(%arg0: i32) -> (i32, i32) {
    %add3A = arith.constant 5 : i32
    %add3A_0 = arith.addi %arg0, %add3A : i32
    %c0_i32 = arith.constant 0 : i32
    %c0_i32_1 = arith.constant 0 : i32
    return %add3A_0, %c0_i32 : i32, i32
  }
  func.func @transform_3(%arg0: i32) -> (i32, i32) {
    %c0_i32 = arith.constant 0 : i32
    %c0_i32_0 = arith.constant 0 : i32
    %c0_i32_1 = arith.constant 0 : i32
    return %c0_i32, %c0_i32_0 : i32, i32
  }
  func.func @transform_4(%arg0: i32) -> (i32, i32) {
    %c1_i32 = arith.constant 1 : i32
    %c0_i32 = arith.constant 0 : i32
    %c0_i32_0 = arith.constant 0 : i32
    return %c1_i32, %c0_i32 : i32, i32
  }
  func.func @transform_5(%arg0: i32) -> (i32, i32) {
    %c0_i32 = arith.constant 0 : i32
    %c0_i32_0 = arith.constant 0 : i32
    %c0_i32_1 = arith.constant 0 : i32
    return %c0_i32, %c0_i32_0 : i32, i32
  }
  func.func @transform_6(%arg0: i32) -> (i32, i32) {
    %c0_i32 = arith.constant 0 : i32
    %c0_i32_0 = arith.constant 0 : i32
    return %arg0, %c0_i32 : i32, i32
  }
}

</mosaic_0001>

<sc_bundles>
// kernel: kernel.5.cloned.1.call-start
scs
__scs_entry_jumppad:
0x0: {  	(pc) =	sbr.rel $0x88, $3  }
0x1: {  	(tag) =	ssettag $0x0;
	lr =	simm.s32 $0x1  }
0x2: {  	[smem:$0x3F99] =	sst lr;
	_ =	strace $0xD0000000  }
0x3: {  	_ = 	snop  }
0x4: {  	_ = 	snop  }
0x5: {  	_ = 	snop  }
0x6: {  	_ = 	snop  }
0x7: {  	_ = 	snop  }
__scs_overlays_trampoline_lowered:
0x8: {  	[smem:$0x3FA8] =	sst s0  }
0x9: {  	[smem:$0x3FA9] =	sst s1  }
0xa: {  	[smem:$0x3FAA] =	sst s2  }
0xb: {  	[smem:$0x3FAB] =	sst s3  }
0xc: {  	[smem:$0x3FAC] =	sst s4  }
0xd: {  	[smem:$0x3FAD] =	sst s5  }
0xe: {  	[smem:$0x3FAE] =	sst s6  }
0xf: {  	[smem:$0x3FAF] =	sst s7  }
0x10: {  	[smem:$0x3FB0] =	sst s8  }
0x11: {  	[smem:$0x3FB1] =	sst s9;
	s0 =	simm.s32 @!p0 $0x0  }
0x12: {  	s1 =	sld [smem:$0x3F97];
	s0 =	simm.s32 @p0 $0x1  }
0x13: {  	[smem:$0x3FB2] =	sst s0;
	s0 =	simm.s32 @!p1 $0x0  }
0x14: {  	s2 =	sld [smem:$0x3F96];
	s0 =	simm.s32 @p1 $0x1  }
0x15: {  	[smem:$0x3FB3] =	sst s0;
	s0 =	simm.s32 @!p2 $0x0  }
0x16: {  	s3 =	sld [smem:$0x3FDB];
	s0 =	simm.s32 @p2 $0x1  }
0x17: {  	s4 =	simm.s32 $0x1BF5;
	[smem:$0x3FB5] =	sst s0  }
0x18: {  	s0 =	sld [smem:$0x3F98];
	_ =	swait.ge [sflag:s4], $0x0  }
0x19: {  	s7 =	sld [smem:$0x3F99]  }
0x1a: {  	s8 =	sadd.s32 $0xFFFFE003, lr  }
0x1b: {  	s9 =	sadd.s32 $0xFFFFFEF7, lr;
	s5 =	simm.s32 $0xFFFFFFFF;
	p2 =	slt.u32 s8, $0xFFFFF086  }
0x1c: {  	p1 =	slt.u32 s9, $0xF7A;
	s5 =	simm.s32 @!p2 $0x0  }
0x1d: {  	s5 =	simm.s32 @p1 $0x1;
	p0 =	seq.s32 s7, s2  }
0x1e: {  	s7 =	smul.u32 @!p0 $0xF7A, s2;
	p2 =	seq.s32 @!p0 s5, $0x0  }
0x1f: {  	s9 =	smul.u32 $0xF7A, s1;
	s8 =	simm.s32 @!p0 $0x1BF5;
	p2 =	por !p2, p0  }
0x20: {  	[sflag:s8] =	ssyncset.s32 @!p0 $0xFFFFF086;
	s6 =	sadd.s32 @!p0 s3, s7;
	s7 =	simm.s32 @!p0 $0x108  }
0x21: {  	s3 =	sadd.s32 s3, s9;
	s6 =	sadd.s32 @!p0 $0x88, s6;
	s7 =	simm.s32 @p2 $0x1082  }
0x22: {  	[simem:s7], [sflag:s8] =	dma.local @!p0 [hbm:s6], $0xF7A  }
0x23: {  	s9 =	sor.u32 $0xD0000000, s2;
	s6 =	simm.s32 $0x108;
	_ =	swait.ge @!p0 [sflag:s8], $0x0  }
0x24: {  	s3 =	sadd.s32 $0x88, s3;
	s6 =	simm.s32 @!p1 $0x1082;
	[sflag:s4] =	ssyncset.s32 $0xFFFFF086  }
0x25: {  	[simem:s6], [sflag:s4] =	dma.local [hbm:s3], $0xF7A  }
0x26: {  	[smem:$0x3F99] =	sst s1;
	(tag) =	ssettag s2;
	_ =	strace s9  }
0x27: {  	s1 =	sld [smem:$0x3FA9]  }
0x28: {  	s2 =	sld [smem:$0x3FAA]  }
0x29: {  	s4 =	sld [smem:$0x3FAC]  }
0x2a: {  	p0 =	seq.s32 s5, $0x0;
	s5 =	sld [smem:$0x3FAD]  }
0x2b: {  	s6 =	sld [smem:$0x3FAE]  }
0x2c: {  	s7 =	sld [smem:$0x3FAF]  }
0x2d: {  	s3 =	simm.s32 $0x108;
	s8 =	sld [smem:$0x3FB0]  }
0x2e: {  	s3 =	simm.s32 @!p0 $0x1082;
	s9 =	sld [smem:$0x3FB1]  }
0x2f: {  	lr =	sadd.s32 s0, s3;
	s0 =	sld [smem:$0x3FA8]  }
0x30: {  	s3 =	sld [smem:$0x3FAB]  }
0x31: {  	[smem:$0x3FB4] =	sst s10  }
0x32: {  	s10 =	sld [smem:$0x3FB2];
	_ =	sdelay $0x3  }
0x33: {  	p0 =	seq.s32 s10, $0x1;
	s10 =	sld [smem:$0x3FB4];
	_ =	sdelay $0x3  }
0x34: {  	[smem:$0x3FB4] =	sst s10  }
0x35: {  	s10 =	sld [smem:$0x3FB3];
	_ =	sdelay $0x3  }
0x36: {  	p1 =	seq.s32 s10, $0x1;
	s10 =	sld [smem:$0x3FB4];
	_ =	sdelay $0x3  }
0x37: {  	[smem:$0x3FB4] =	sst s10  }
0x38: {  	s10 =	sld [smem:$0x3FB5]  }
0x39: {  	_ = 	snop;
	(pc) =	sbr.ind lr, $3  }
0x3a: {  	_ = 	snop  }
0x3b: {  	_ = 	snop  }
0x3c: {  	p2 =	seq.s32 s10, $0x1;
	s10 =	sld [smem:$0x3FB4]  }
0x3d: {  	_ =	shalt  }
0x3e: {  	_ =	shalt  }
0x3f: {  	_ =	shalt  }
0x40: {  	_ =	shalt  }
0x41: {  	_ =	shalt  }
0x42: {  	_ =	shalt  }
0x43: {  	_ =	shalt  }
0x44: {  	_ =	shalt  }
0x45: {  	_ =	shalt  }
0x46: {  	_ =	shalt  }
0x47: {  	_ =	shalt  }
0x48: {  	_ =	shalt  }
0x49: {  	_ =	shalt  }
0x4a: {  	_ =	shalt  }
0x4b: {  	_ =	shalt  }
0x4c: {  	_ =	shalt  }
0x4d: {  	_ =	shalt  }
0x4e: {  	_ =	shalt  }
0x4f: {  	_ =	shalt  }
0x50: {  	_ =	shalt  }
0x51: {  	_ =	shalt  }
0x52: {  	_ =	shalt  }
0x53: {  	_ =	shalt  }
0x54: {  	_ =	shalt  }
0x55: {  	_ =	shalt  }
0x56: {  	_ =	shalt  }
0x57: {  	_ =	shalt  }
0x58: {  	_ =	shalt  }
0x59: {  	_ =	shalt  }
0x5a: {  	_ =	shalt  }
0x5b: {  	_ =	shalt  }
0x5c: {  	_ =	shalt  }
0x5d: {  	_ =	shalt  }
0x5e: {  	_ =	shalt  }
0x5f: {  	_ =	shalt  }
0x60: {  	_ =	shalt  }
0x61: {  	_ =	shalt  }
0x62: {  	_ =	shalt  }
0x63: {  	_ =	shalt  }
0x64: {  	_ =	shalt  }
0x65: {  	_ =	shalt  }
0x66: {  	_ =	shalt  }
0x67: {  	_ =	shalt  }
0x68: {  	_ =	shalt  }
0x69: {  	_ =	shalt  }
0x6a: {  	_ =	shalt  }
0x6b: {  	_ =	shalt  }
0x6c: {  	_ =	shalt  }
0x6d: {  	_ =	shalt  }
0x6e: {  	_ =	shalt  }
0x6f: {  	_ =	shalt  }
0x70: {  	_ =	shalt  }
0x71: {  	_ =	shalt  }
0x72: {  	_ =	shalt  }
0x73: {  	_ =	shalt  }
0x74: {  	_ =	shalt  }
0x75: {  	_ =	shalt  }
0x76: {  	_ =	shalt  }
0x77: {  	_ =	shalt  }
0x78: {  	_ =	shalt  }
0x79: {  	_ =	shalt  }
0x7a: {  	_ =	shalt  }
0x7b: {  	_ =	shalt  }
0x7c: {  	_ =	shalt  }
0x7d: {  	_ =	shalt  }
0x7e: {  	_ =	shalt  }
0x7f: {  	_ =	shalt  }
0x80: {  	_ =	shalt  }
0x81: {  	_ =	shalt  }
0x82: {  	_ =	shalt  }
0x83: {  	_ =	shalt  }
0x84: {  	_ =	shalt  }
0x85: {  	_ =	shalt  }
0x86: {  	_ =	shalt  }
0x87: {  	_ =	shalt  }
.Lfunc_end0:
.L_simem_size_0:
called_computation_lowered:
.L_overlay_start_0:
0x88: {  	s2 =	sld [smem:$0x3FD9]  }
0x89: {  	s3 =	sld [smem:$0x3FFE];
	_ =	sdelay $0x1  }
0x8a: {  	s1 =	srdreg.scid  }
0x8b: {  	s0 =	sand.u32 $0x1, s1  }
0x8c: {  	s17 =	sshll.u32 s0, $0xA;
	s2 =	sadd.s32 s3, s2  }
0x8d: {  	s2 =	sadd.s32 s2, s17  }
0x8e: {  	[smem:$0x3FC0] =	sst s2  }
0x8f: {  	_ = 	snop  }
0x90: {  	s2 =	sld [smem:$0x3FC7]  }
0x91: {  	s18 =	sld [smem:$0x3FC6]  }
0x92: {  	s4 =	sld [smem:$0x3FD0];
	(tm) =	ssettm $0x1  }
0x93: {  	s5 =	sld [smem:$0x3FFB];
	_ =	sdelay $0x3  }
0x94: {  	_ =	strace s5  }
0x95: {  	s5 =	sld [smem:$0x3FFC];
	_ =	sdelay $0x3  }
0x96: {  	_ =	strace s5  }
0x97: {  	s5 =	sld [smem:$0x3FFD];
	_ =	sdelay $0x3  }
0x98: {  	_ =	strace s5  }
0x99: {  	_ =	strace $0x8FFFFFFF  }
0x9a: {  	s19 =	sld [smem:$0x3FDB];
	_ =	sdelay $0x1  }
0x9b: {  	s6 =	simm.s32 $_scs_section_size  }
0x9c: {  	s7 =	simm.s32 $_size__tile_overlayer_lowered;
	s8 =	simm.s32 $_tile_overlayer_lowered  }
0x9d: {  	s22 =	simm.s32 $0x1BFF;
	s21 =	sshll.u32 s8, $0x1;
	s5 =	sadd.s32 s6, s19  }
0x9e: {  	s9 =	simm.s32 $0x0;
	s20 =	sshll.u32 s7, $0x1;
	s7 =	sadd.s32 s21, s5  }
0x9f: {  	[timem:s9], [sflag:s22] =	dma.local [hbm:s7], s20  }
0xa0: {  	_ =	swait.ge [sflag:s22], s20  }
0xa1: {  	s6 =	ssub.s32 $0x0, s20;
	[sflag:s22] =	ssyncset.done $0x0  }
0xa2: {  	[sflag:s22] =	ssyncadd.s32 s6;
	_ =	sdelay $0x1  }
0xa3: {  	s23 =	simm.s32 $0x1B8B  }
0xa4: {  	_ =	swait.ge [sflag:s23], $0x1  }
0xa5: {  	[sflag:s23] =	ssyncset.done $0x0  }
0xa6: {  	s25 =	simm.s32 $0x1B8E;
	s24 =	sld [smem:$0x3FFE];
	[sflag:s23] =	ssyncadd.s32 $0xFFFFFFFF  }
0xa7: {  	s26 =	simm.s32 $execute0_lowered;
	[smem:$0x3FD2] =	sst s25  }
0xa8: {  	s7 =	sshll.u32 s26, $0x1;
	_ =	strace $0x80000046;
	[dreg:$0x1] =	wrdreg $0xFFFFFFFF  }
0xa9: {  	s28 =	simm.s32 $_size_execute0_lowered;
	s5 =	sadd.s32 s5, s7;
	[dreg:$0x0] =	wrdreg $0x0  }
0xaa: {  	s7 =	sshll.u32 s28, $0x1;
	[dreg:$0x2] =	wrdreg s5  }
0xab: {  	[dreg:$0x3] =	wrdreg s7  }
0xac: {  	[dreg:$0x4] =	wrdreg $0xC0  }
0xad: {  	_ =	task [dreg:s9], $0x5FFFF  }
0xae: {  	[dreg:$0x1] =	wrdreg $0xFFFFFFFF  }
0xaf: {  	[dreg:$0x0] =	wrdreg $0x60  }
0xb0: {  	[dreg:$0x2] =	wrdreg s4  }
0xb1: {  	[dreg:$0x3] =	wrdreg s24  }
0xb2: {  	[dreg:$0x4] =	wrdreg s2  }
0xb3: {  	[dreg:$0x5] =	wrdreg s18  }
0xb4: {  	[dreg:$0x6] =	wrdreg $0xB7700  }
0xb5: {  	[dreg:$0x7] =	wrdreg $0x9  }
0xb6: {  	_ =	task.clear_ibuf [dreg:s9], $0x8FFFF;
	_ =	strace $0x90000046  }
0xb7: {  	s29 =	simm.s32 $0x9;
	_ =	strace $0x80000048  }
0xb8: {  	_ =	swait.ge [sflag:s29], $0x1  }
0xb9: {  	[sflag:s29] =	ssyncadd.s32 $0xFFFFFFFF  }
0xba: {  	_ =	strace $0x90000048  }
0xbb: {  	_ =	sfence  }
0xbc: {  	s30 =	sld [smem:$0x0];
	_ =	sdelay $0x2  }
0xbd: {  	s31 =	sshll.u32 s1, $0xD;
	s1 =	sshrl.u32 s1, $0x2  }
0xbe: {  	s3 =	sand.u32 $0x4000, s31;
	s1 =	sadd.s32 s1, s30  }
0xbf: {  	s0 =	sor.u32 s3, s0;
	s1 =	sshll.u32 s1, $0x11  }
0xc0: {  	s0 =	sor.u32 s1, s0  }
0xc1: {  	s0 =	sadd.s32 $0x8F2B, s0  }
0xc2: {  	[sflag:s0] =	ssyncadd.remote.s32 $0x1  }
0xc3: {  	_ =	sfence.sel $0xFFFF  }
0xc4: {  	[dreg:$0x0] =	wrdreg $0xFFFFFFFF;
	(pc) =	sbr.abs _section_cstart, $3  }
0xc5: {  	[dreg:$0x1] =	wrdreg $0xFFFFFFFF  }
0xc6: {  	_ =	task.clear_ibuf [dreg:s9], $0x2FFFF;
	_ =	strace $0x9FFFFFFF  }
0xc7: {  	(tm) =	ssettm $0x7FFFFFFF  }
tec
execute0_lowered:
.L_overlay_start_1:
0x0: {  	(tag) =	ssettag $0x1  }
0x1: {  	s1 =	rddreg [dreg:$0x0]  }
0x2: {  	s0 =	rddreg [dreg:$0x1]  }
0x3: {  	s2 =	rddreg [dreg:$0x2]  }
0x4: {  	s3 =	rddreg [dreg:$0x3]  }
0x5: {  	s4 =	rddreg [dreg:$0x4];
	s5 =	simm.s32 $0x0  }
0x6: {  	s6 =	srdreg.scid;
	s14 =	stileid.u32;
	s19 =	simm.s32 $0x9  }
0x7: {  	s31 =	simm.s32 $0x28;
	s17 =	simm.s32 $0x2;
	s18 =	simm.s32 $0x5  }
0x8: {  	s29 =	simm.s32 $0x7;
	[smem:$0x7FF] =	sst s5;
	s6 =	sand.u32 $0x1, s6  }
0x9: {  	s7 =	sadd.s32 $0x1800, s0;
	s9 =	sadd.s32 $0x28A00, s0;
	s21 =	smul.u32 $0x4E000, s14  }
0xa: {  	s0 =	sadd.s32 $0x2B200, s0;
	s24 =	smul.u32 $0x2700, s14;
	s26 =	sadd.s32 $0x124800, s4  }
0xb: {  	p0 =	seq.s32 s14, $0xF;
	_ =	strace $0x80000047;
	s8 =	sshll.u32 s6, $0x4  }
0xc: {  	s10 =	ssub.s32 $0x2, s6;
	[dreg:$0x6] =	wrdreg s9;
	s13 =	smul.u32 $0x27100, s6  }
0xd: {  	s6 =	smul.u32 $0x138800, s6;
	[dreg:$0xc] =	wrdreg s26;
	s8 =	sor.u32 s14, s8  }
0xe: {  	s26 =	simm.s32 $0x10;
	s11 =	sshrl.u32 s10, $0x1;
	s9 =	smul.u32 $0x2710, s8  }
0xf: {  	s20 =	ssub.s32 s10, s11;
	s10 =	sshrl.u32 s21, $0x2;
	s6 =	sshrl.u32 s6, $0x3  }
0x10: {  	s25 =	sadd.s32 s24, s13;
	s21 =	simm.s32 $0x1;
	s8 =	simm.s32 $0x3  }
0x11: {  	s10 =	sadd.s32 s10, s4;
	s6 =	sadd.s32 s0, s6;
	s0 =	sadd.s32 s0, s25  }
0x12: {  	s30 =	smax.u32 s20, $0x1;
	s25 =	simm.s32 $0x6770;
	[dreg:$0xb] =	wrdreg s10  }
0x13: {  	s20 =	simm.s32 $0x4;
	s22 =	sshrl.u32 s9, $0x3;
	[dreg:$0xd] =	wrdreg s0  }
0x14: {  	s12 =	sadd.s32 $0x3E8, s9;
	s28 =	sadd.s32 $0x24900, s6;
	[dreg:$0xf] =	wrdreg s30  }
.Ltmp0:
0x15: {  	s15 =	sadd.s32 s2, s22;
	[dreg:$0xe] =	wrdreg s28;
	(pc) =	sbr.rel .LBB2_1-.Ltmp0, $4  }
0x16: {  	s12 =	sshrl.u32 s12, $0x3;
	s11 =	sadd.s32 s3, s22;
	[dreg:$0x7] =	wrdreg s15  }
0x17: {  	s6 =	simm.s32 $0x8;
	s23 =	sadd.s32 s2, s12;
	[dreg:$0x9] =	wrdreg s11  }
0x18: {  	s22 =	simm.s32 $0x1770;
	s12 =	sadd.s32 s3, s12;
	[dreg:$0x8] =	wrdreg s23  }
0x19: {  	s11 =	simm.s32 $0x0;
	[dreg:$0xa] =	wrdreg s12;
	s23 =	simm.s32 $0x18  }
.LBB2_29:
0x1a: {  	s0 =	simm.s32 $0x6  }
0x1b: {  	_ =	swait.ge [sflag:s0], $0x1400  }
0x1c: {  	[sflag:s0] =	ssyncset.done $0x0  }
0x1d: {  	[sflag:s0] =	ssyncadd.s32 $0xFFFFEC00  }
0x1e: {  	[bflag:$0x0] =	sbarrier.arrive $0xFFFF  }
0x1f: {  	s10 =	rddreg [dreg:$0xe]  }
0x20: {  	s0 =	simm.s32 @p0 $0x1FC9;
	s11 =	rddreg [dreg:$0x11]  }
0x21: {  	[hbm:s10], [sflag:s0] =	dma.local @p0 [spmem:s11], $0x2800  }
0x22: {  	s0 =	simm.s32 @p0 $0x9  }
0x23: {  	_ =	swait.ge @p0 [sflag:s0], $0x2800  }
0x24: {  	s10 =	rddreg [dreg:$0x12]  }
0x25: {  	[sflag:s0] =	ssyncset.done @p0 $0x0;
	s11 =	rddreg [dreg:$0x13]  }
0x26: {  	[sflag:s0] =	ssyncadd.s32 @p0 $0xFFFFD800;
	s0 =	rddreg [dreg:$0xd]  }
0x27: {  	[hbm:s0], [sflag:s10] =	dma.local @!p0 [spmem:s11], $0x2700  }
0x28: {  	s0 =	simm.s32 @!p0 $0x9  }
0x29: {  	_ =	swait.ge @!p0 [sflag:s0], $0x2700  }
0x2a: {  	s28 =	rddreg [dreg:$0x10]  }
0x2b: {  	s30 =	rddreg [dreg:$0xf];
	s11 =	sadd.s32 $0x1, s28  }
0x2c: {  	p1 =	sne.s32 s11, s30  }
.Ltmp1:
0x2d: {  	_ = 	snop;
	(pc) =	sbr.rel @!p1 .LBB2_30-.Ltmp1, $3  }
0x2e: {  	_ =	sdelay $0x1  }
0x2f: {  	[sflag:s0] =	ssyncset.done @!p0 $0x0  }
0x30: {  	[sflag:s0] =	ssyncadd.s32 @!p0 $0xFFFFD900  }
.LBB2_1:
0x31: {  	[dreg:$0x10] =	wrdreg s11  }
0x32: {  	s0 =	rddreg [dreg:$0x7]  }
0x33: {  	[tilespmem:s5], [sflag:$0x9] =	stream.linear.gather [hbm4b:s0+s5], $0x3E8, $0x38;
	[tilespmem:$0x1EFF0] =	vst v63  }
0x34: {  	_ =	swait.ge [sflag:s19], $0x3E8  }
0x35: {  	[sflag:s19] =	ssyncset.done $0x0  }
0x36: {  	s10 =	simm.s32 $0x3E8;
	s15 =	rddreg [dreg:$0x8];
	[sflag:s19] =	ssyncadd.s32 $0xFFFFFC18  }
0x37: {  	[tilespmem:s10], [sflag:$0x9] =	stream.linear.gather [hbm4b:s15+s5], $0x3E8, $0x38;
	[tilespmem:$0x1EFF0] =	vst v63  }
0x38: {  	_ =	swait.ge [sflag:s19], $0x3E8  }
0x39: {  	[sflag:s19] =	ssyncset.done $0x0  }
0x3a: {  	s24 =	simm.s32 $0xBB8;
	s16 =	rddreg [dreg:$0x9];
	[sflag:s19] =	ssyncadd.s32 $0xFFFFFC18  }
0x3b: {  	[tilespmem:s24], [sflag:$0x9] =	stream.linear.gather [hbm4b:s16+s5], $0x3E8, $0x38;
	[tilespmem:$0x1EFF0] =	vst v63  }
0x3c: {  	_ =	swait.ge [sflag:s19], $0x3E8  }
0x3d: {  	[sflag:s19] =	ssyncset.done $0x0  }
0x3e: {  	s30 =	simm.s32 $0xFA0;
	s28 =	rddreg [dreg:$0xa];
	[sflag:s19] =	ssyncadd.s32 $0xFFFFFC18  }
0x3f: {  	[tilespmem:s30], [sflag:$0x9] =	stream.linear.gather [hbm4b:s28+s5], $0x3E8, $0x38;
	[tilespmem:$0x1EFF0] =	vst v63  }
0x40: {  	_ =	swait.ge [sflag:s19], $0x3E8  }
0x41: {  	[sflag:s19] =	ssyncset.done $0x0  }
0x42: {  	[sflag:s19] =	ssyncadd.s32 $0xFFFFFC18  }
0x43: {  	[tilespmem:s22], [sflag:$0x1] =	stream.indirect.gather [hbm4b:s1+s23], $0x80, s5, s23, $0xb8;
	[tilespmem:$0x1EFF0] =	vst v63  }
0x44: {  	_ = 	snop  }
0x45: {  	[tilespmem:s25], [sflag:$0x1] =	stream.indirect.gather [hbm4b:s7+s23], $0x80, s24, s23, $0xb8;
	[tilespmem:$0x1EFF0] =	vst v63  }
0x46: {  	s12 =	simm.s32 $0x2370  }
0x47: {  	[tilespmem:s12], [sflag:$0x1] =	stream.indirect.gather [hbm4b:s1+s26], $0x80, s23, s26, $0xb8;
	[tilespmem:$0x1EFF0] =	vst v63  }
0x48: {  	s13 =	simm.s32 $0xBD0;
	s14 =	simm.s32 $0x7370  }
0x49: {  	[tilespmem:s14], [sflag:$0x1] =	stream.indirect.gather [hbm4b:s7+s26], $0x80, s13, s26, $0xb8;
	[tilespmem:$0x1EFF0] =	vst v63  }
0x4a: {  	s15 =	simm.s32 $0x2B70  }
0x4b: {  	[tilespmem:s15], [sflag:$0x2] =	stream.indirect.gather [hbm4b:s1+s23], $0x80, s31, s23, $0xb8;
	[tilespmem:$0x1EFF0] =	vst v63  }
0x4c: {  	s16 =	simm.s32 $0xBE0;
	s24 =	simm.s32 $0x7B70  }
0x4d: {  	[tilespmem:s24], [sflag:$0x2] =	stream.indirect.gather [hbm4b:s7+s23], $0x80, s16, s23, $0xb8;
	[tilespmem:$0x1EFF0] =	vst v63  }
0x4e: {  	s28 =	simm.s32 $0x40;
	s30 =	simm.s32 $0x3770  }
0x4f: {  	[tilespmem:s30], [sflag:$0x2] =	stream.indirect.gather [hbm4b:s1+s26], $0x80, s28, s26, $0xb8;
	[tilespmem:$0x1EFF0] =	vst v63  }
0x50: {  	s11 =	simm.s32 $0x8770;
	s10 =	simm.s32 $0xBF8;
	s0 =	rddreg [dreg:$0xc]  }
0x51: {  	[tilespmem:s11], [sflag:$0x2] =	stream.indirect.gather [hbm4b:s7+s26], $0x80, s10, s26, $0xb8;
	[tilespmem:$0x1EFF0] =	vst v63  }
0x52: {  	s0 =	sshrl.u32 @p0 s0, $0x3;
	s12 =	simm.s32 $0x50;
	s13 =	simm.s32 $0x3F70  }
0x53: {  	[tilespmem:s13], [sflag:$0x3] =	stream.indirect.gather [hbm4b:s1+s23], $0x80, s12, s23, $0xb8;
	[tilespmem:$0x1EFF0] =	vst v63  }
0x54: {  	[dreg:$0x11] =	wrdreg s0;
	s14 =	simm.s32 $0xC08;
	s15 =	simm.s32 $0x8F70  }
0x55: {  	[tilespmem:s15], [sflag:$0x3] =	stream.indirect.gather [hbm4b:s7+s23], $0x80, s14, s23, $0xb8;
	[tilespmem:$0x1EFF0] =	vst v63  }
0x56: {  	s16 =	simm.s32 $0x68;
	s24 =	simm.s32 $0x4B70;
	s28 =	simm.s32 $0xC20  }
0x57: {  	[tilespmem:s24], [sflag:$0x3] =	stream.indirect.gather [hbm4b:s1+s26], $0x80, s16, s26, $0xb8;
	[tilespmem:$0x1EFF0] =	vst v63  }
0x58: {  	s30 =	simm.s32 $0x9B70;
	s10 =	simm.s32 @p0 $0x1FC9;
	s12 =	rddreg [dreg:$0x6]  }
0x59: {  	[tilespmem:s30], [sflag:$0x3] =	stream.indirect.gather [hbm4b:s7+s26], $0x80, s28, s26, $0xb8;
	[tilespmem:$0x1EFF0] =	vst v63  }
0x5a: {  	[spmem:s0], [sflag:s10] =	dma.local @p0 [hbm:s12], $0x2800  }
0x5b: {  	s10 =	simm.s32 @p0 $0x9  }
0x5c: {  	s0 =	stileid.u32;
	_ =	swait.ge @p0 [sflag:s10], $0x2800  }
0x5d: {  	s11 =	sshll.u32 @!p0 s0, $0x6;
	[sflag:s10] =	ssyncset.done @p0 $0x0  }
0x5e: {  	s0 =	rddreg [dreg:$0xb];
	[sflag:s10] =	ssyncadd.s32 @p0 $0xFFFFD800;
	s10 =	sor.u32 @!p0 $0x1C09, s11  }
0x5f: {  	s0 =	sshrl.u32 @!p0 s0, $0x3;
	[dreg:$0x12] =	wrdreg s10  }
0x60: {  	[dreg:$0x13] =	wrdreg s0  }
0x61: {  	[spmem:s0], [sflag:s10] =	dma.local @!p0 [hbm:s12], $0x2700  }
0x62: {  	s10 =	simm.s32 @!p0 $0x9  }
.Ltmp2:
0x63: {  	_ =	swait.ge @!p0 [sflag:s10], $0x2700;
	(pc) =	sbr.rel .LBB2_2-.Ltmp2, $4  }
0x64: {  	[sflag:s10] =	ssyncset.done @!p0 $0x0  }
0x65: {  	[sflag:s10] =	ssyncadd.s32 @!p0 $0xFFFFD900  }
0x66: {  	[bflag:$0x0] =	sbarrier.arrive $0xFFFF  }
0x67: {  	s11 =	simm.s32 $0x0  }
.LBB2_24:
0x68: {  	s0 =	smulhi.u32 $0x55555556, s13  }
0x69: {  	s12 =	smul.u32 $0x28, s12  }
0x6a: {  	s0 =	smul.u32 $0x3, s0;
	_ =	sdelay $0x1  }
0x6b: {  	s14 =	sadd.s32 s9, s12;
	s0 =	ssub.s32 s13, s0  }
0x6c: {  	s24 =	sshrl.u32 s14, $0x3;
	s12 =	smul.u32 $0x3E8, s0  }
0x6d: {  	s28 =	sadd.s32 s2, s24  }
0x6e: {  	[tilespmem:s12], [sflag:$0x9] =	stream.linear.gather [hbm4b:s28+s5], $0x3E8, $0x38;
	[tilespmem:$0x1EFF0] =	vst v63  }
0x6f: {  	_ =	swait.ge [sflag:s19], $0x3E8  }
0x70: {  	[sflag:s19] =	ssyncset.done $0x0  }
0x71: {  	s0 =	sadd.s32 s3, s24;
	s30 =	sadd.s32 $0xBB8, s12;
	[sflag:s19] =	ssyncadd.s32 $0xFFFFFC18  }
0x72: {  	[tilespmem:s30], [sflag:$0x9] =	stream.linear.gather [hbm4b:s0+s5], $0x3E8, $0x38;
	[tilespmem:$0x1EFF0] =	vst v63  }
0x73: {  	_ =	swait.ge [sflag:s19], $0x3E8  }
0x74: {  	[sflag:s19] =	ssyncset.done $0x0  }
0x75: {  	[sflag:s19] =	ssyncadd.s32 $0xFFFFFC18  }
.LBB2_27:
0x76: {  	s0 =	smul.u32 $0x28, s10;
	_ =	sdelay $0x1  }
0x77: {  	s14 =	simm.s32 $0x3F70;
	s0 =	sadd.s32 s0, s12  }
0x78: {  	[tilespmem:s14], [sflag:$0x3] =	stream.indirect.gather [hbm4b:s1+s23], $0x80, s0, s23, $0xb8;
	[tilespmem:$0x1EFF0] =	vst v63  }
0x79: {  	s16 =	simm.s32 $0x8F70;
	s15 =	sadd.s32 $0xBB8, s0  }
0x7a: {  	[tilespmem:s16], [sflag:$0x3] =	stream.indirect.gather [hbm4b:s7+s23], $0x80, s15, s23, $0xb8;
	[tilespmem:$0x1EFF0] =	vst v63  }
0x7b: {  	s28 =	simm.s32 $0x4B70;
	s24 =	sadd.s32 $0x18, s0  }
0x7c: {  	[tilespmem:s28], [sflag:$0x3] =	stream.indirect.gather [hbm4b:s1+s26], $0x80, s24, s26, $0xb8;
	[tilespmem:$0x1EFF0] =	vst v63  }
0x7d: {  	s30 =	simm.s32 $0x9B70;
	s0 =	sadd.s32 $0xBD0, s0  }
0x7e: {  	[tilespmem:s30], [sflag:$0x3] =	stream.indirect.gather [hbm4b:s7+s26], $0x80, s0, s26, $0xb8;
	[tilespmem:$0x1EFF0] =	vst v63  }
.LBB2_28:
0x7f: {  	s11 =	sadd.s32 $0x1, s11  }
0x80: {  	p1 =	sne.s32 s11, $0x3F  }
.Ltmp3:
0x81: {  	_ = 	snop;
	(pc) =	sbr.rel @!p1 .LBB2_29-.Ltmp3, $1  }
0x82: {  	_ =	sdelay $0x3  }
.LBB2_2:
0x83: {  	_ =	swait.ge [sflag:s21], $0xC00  }
0x84: {  	[sflag:s21] =	ssyncset.done $0x0  }
0x85: {  	[sflag:s21] =	ssyncadd.s32 $0xFFFFF400  }
0x86: {  	_ =	swait.ge [sflag:s21], $0xC00  }
0x87: {  	[sflag:s21] =	ssyncset.done $0x0  }
0x88: {  	[sflag:s21] =	ssyncadd.s32 $0xFFFFF400  }
0x89: {  	_ =	swait.ge [sflag:s21], $0x800  }
0x8a: {  	[sflag:s21] =	ssyncset.done $0x0  }
0x8b: {  	[sflag:s21] =	ssyncadd.s32 $0xFFFFF800  }
0x8c: {  	_ =	swait.ge [sflag:s21], $0x800  }
0x8d: {  	[sflag:s21] =	ssyncset.done $0x0  }
0x8e: {  	s10 =	simm.s32 $0x0;
	[sflag:s21] =	ssyncadd.s32 $0xFFFFF800  }
0x8f: {  	v6 =	vld [tilespmem:s10+$0x1770]  }
0x90: {  	v11 =	vld [tilespmem:s10+$0x1780]  }
0x91: {  	v5 =	vld [tilespmem:s10+$0x1790]  }
0x92: {  	v4 =	vld [tilespmem:s10+$0x17A0]  }
0x93: {  	v3 =	vld [tilespmem:s10+$0x17B0]  }
0x94: {  	v2 =	vld [tilespmem:s10+$0x17C0]  }
0x95: {  	v1 =	vld [tilespmem:s10+$0x17D0]  }
0x96: {  	v0 =	vld [tilespmem:s10+$0x17E0]  }
0x97: {  	v12 =	vld [tilespmem:s10+$0x6770]  }
0x98: {  	v13 =	vld [tilespmem:s10+$0x6780]  }
0x99: {  	v10 =	vld [tilespmem:s10+$0x6790]  }
0x9a: {  	v9 =	vld [tilespmem:s10+$0x67A0]  }
0x9b: {  	v8 =	vld [tilespmem:s10+$0x67B0]  }
0x9c: {  	v7 =	vld [tilespmem:s10+$0x67C0];
	v12 =	vadd.f32 v12, v6  }
0x9d: {  	s12 =	simm.s32 $0x200;
	v11 =	vadd.f32 v13, v11;
	v6 =	vld [tilespmem:s10+$0x67D0]  }
.LBB2_3:
0x9e: {  	s13 =	sshra.s32 s12, $0x2;
	p1 =	sne.s32 s12, $0x4E00;
	v12 =	vmax.f32 v12, $0.0e+00;
	v5 =	vadd.f32 v10, v5;
	v10 =	vld [tilespmem:s10+$0x67E0]  }
0x9f: {  	v13 =	vld [tilespmem:s13+$0x1770];
	[tilespmem:s10+$0x6770] =	vst v12;
	v11 =	vmax.f32 v11, $0.0e+00;
	v4 =	vadd.f32 v9, v4  }
0xa0: {  	v14 =	vld [tilespmem:s13+$0x1780];
	[tilespmem:s10+$0x6780] =	vst v11;
	v9 =	vmax.f32 v5, $0.0e+00;
	v3 =	vadd.f32 v8, v3  }
0xa1: {  	v5 =	vld [tilespmem:s13+$0x1790];
	[tilespmem:s10+$0x6790] =	vst v9;
	v8 =	vmax.f32 v4, $0.0e+00;
	v2 =	vadd.f32 v7, v2  }
0xa2: {  	v4 =	vld [tilespmem:s13+$0x17A0];
	[tilespmem:s10+$0x67A0] =	vst v8;
	v7 =	vmax.f32 v3, $0.0e+00;
	v1 =	vadd.f32 v6, v1  }
0xa3: {  	v3 =	vld [tilespmem:s13+$0x17B0];
	[tilespmem:s10+$0x67B0] =	vst v7;
	v6 =	vmax.f32 v2, $0.0e+00;
	v0 =	vadd.f32 v10, v0  }
0xa4: {  	v2 =	vld [tilespmem:s13+$0x17C0];
	[tilespmem:s10+$0x67C0] =	vst v6;
	v6 =	vmax.f32 v1, $0.0e+00  }
0xa5: {  	v1 =	vld [tilespmem:s13+$0x17D0];
	[tilespmem:s10+$0x67D0] =	vst v6;
	v6 =	vmax.f32 v0, $0.0e+00  }
0xa6: {  	v0 =	vld [tilespmem:s13+$0x17E0];
	[tilespmem:s10+$0x67E0] =	vst v6;
	s10 =	smov.u32 s13  }
0xa7: {  	v6 =	vld [tilespmem:s10+$0x6770]  }
0xa8: {  	v11 =	vld [tilespmem:s10+$0x6780]  }
.Ltmp4:
0xa9: {  	v10 =	vld [tilespmem:s10+$0x6790];
	(pc) =	sbr.rel @p1 .LBB2_3-.Ltmp4, $4  }
0xaa: {  	v9 =	vld [tilespmem:s10+$0x67A0]  }
0xab: {  	v8 =	vld [tilespmem:s10+$0x67B0]  }
0xac: {  	v12 =	vadd.f32 v6, v13;
	v7 =	vld [tilespmem:s10+$0x67C0]  }
0xad: {  	s12 =	sadd.s32 $0x200, s12;
	v11 =	vadd.f32 v11, v14;
	v6 =	vld [tilespmem:s10+$0x67D0]  }
0xae: {  	s12 =	sshll.u32 s11, $0x2  }
0xaf: {  	s13 =	smulhi.u32 $0x51EB851F, s12;
	_ =	sdelay $0x1  }
0xb0: {  	s13 =	sshrl.u32 s13, $0x3  }
0xb1: {  	s24 =	smulhi.u32 $0x55555556, s13  }
0xb2: {  	v12 =	vmax.f32 v12, $0.0e+00;
	v5 =	vadd.f32 v10, v5;
	v63 =	vld [tilespmem:s10+$0x67E0];
	s28 =	smul.u32 $0x19, s13  }
0xb3: {  	[tilespmem:s10+$0x6770] =	vst v12;
	v11 =	vmax.f32 v11, $0.0e+00;
	v4 =	vadd.f32 v9, v4;
	s24 =	smul.u32 $0x3, s24  }
0xb4: {  	[tilespmem:s10+$0x6780] =	vst v11;
	v5 =	vmax.f32 v5, $0.0e+00;
	v3 =	vadd.f32 v8, v3;
	s28 =	ssub.s32 s12, s28  }
0xb5: {  	[tilespmem:s10+$0x6790] =	vst v5;
	v4 =	vmax.f32 v4, $0.0e+00;
	v2 =	vadd.f32 v7, v2;
	s13 =	ssub.s32 s13, s24;
	s24 =	smul.u32 $0xA0, s28  }
0xb6: {  	p1 =	seq.s32 s11, $0x0;
	[tilespmem:s10+$0x67A0] =	vst v4;
	v3 =	vmax.f32 v3, $0.0e+00;
	v1 =	vadd.f32 v6, v1;
	s13 =	smul.u32 $0xFA0, s13  }
.Ltmp5:
0xb7: {  	[tilespmem:s10+$0x67B0] =	vst v3;
	v2 =	vmax.f32 v2, $0.0e+00;
	v0 =	vadd.f32 v63, v0;
	(pc) =	sbr.rel @p1 .LBB2_5-.Ltmp5, $4  }
0xb8: {  	[tilespmem:s10+$0x67C0] =	vst v2;
	v1 =	vmax.f32 v1, $0.0e+00  }
0xb9: {  	[tilespmem:s10+$0x67D0] =	vst v1;
	v0 =	vmax.f32 v0, $0.0e+00;
	s24 =	sshrl.u32 s24, $0x2;
	s13 =	sshrl.u32 s13, $0x2  }
0xba: {  	[tilespmem:s10+$0x67E0] =	vst v0;
	s30 =	sadd.s32 s24, s13  }
0xbb: {  	[spmem:s4] =	stream.indirect.scatter.add.f32 [tilespmem:s25], [sflag:$0x5], $0x80, s30, s31, $0xb8;
	[tilespmem:$0x1EFF0] =	vst v63  }
0xbc: {  	s28 =	sor.u32 $0x3, s12  }
0xbd: {  	s10 =	smulhi.u32 $0x51EB851F, s28;
	_ =	sdelay $0x1  }
0xbe: {  	s10 =	sshrl.u32 s10, $0x3  }
0xbf: {  	s10 =	smul.u32 $0x19, s10;
	_ =	sdelay $0x1  }
0xc0: {  	p2 =	sgt.u32 s28, $0xF9;
	s24 =	ssub.s32 s28, s10  }
0xc1: {  	p1 =	sne.s32 @!p2 s24, $0x0  }
0xc2: {  	p1 =	por p2, p1  }
.Ltmp6:
0xc3: {  	_ = 	snop;
	(pc) =	sbr.rel @p1 .LBB2_8-.Ltmp6, $4  }
0xc4: {  	_ = 	snop  }
0xc5: {  	_ =	swait.ge [sflag:s6], $0x1400  }
0xc6: {  	[sflag:s6] =	ssyncset.done $0x0  }
0xc7: {  	[sflag:s6] =	ssyncadd.s32 $0xFFFFEC00  }
0xc8: {  	s10 =	smul.u32 $0x29, s28;
	_ =	sdelay $0x1  }
0xc9: {  	s10 =	sshrl.u32 s10, $0xA  }
0xca: {  	s10 =	sand.u32 $0x3F, s10  }
0xcb: {  	s13 =	smul.u32 $0x56, s10;
	_ =	sdelay $0x1  }
0xcc: {  	s13 =	sshrl.u32 s13, $0x8  }
0xcd: {  	s13 =	smul.u32 $0x3, s13  }
0xce: {  	s24 =	smul.u32 $0x28, s28  }
0xcf: {  	s10 =	ssub.s32 s10, s13  }
0xd0: {  	s30 =	sadd.s32 s9, s24;
	s10 =	sand.u32 $0xFF, s10  }
0xd1: {  	s13 =	sshrl.u32 s30, $0x3;
	s10 =	smul.u32 $0x3E8, s10  }
0xd2: {  	s24 =	simm.s32 $0x0;
	s30 =	sadd.s32 s2, s13  }
0xd3: {  	[tilespmem:s10], [sflag:$0x9] =	stream.linear.gather [hbm4b:s30+s24], $0x3E8, $0x38;
	[tilespmem:$0x1EFF0] =	vst v63  }
0xd4: {  	_ =	swait.ge [sflag:s19], $0x3E8  }
0xd5: {  	s13 =	sadd.s32 s3, s13;
	[sflag:s19] =	ssyncset.done $0x0  }
.Ltmp7:
0xd6: {  	s10 =	sadd.s32 $0xBB8, s10;
	[sflag:s19] =	ssyncadd.s32 $0xFFFFFC18;
	(pc) =	sbr.rel .LBB2_9-.Ltmp7, $4  }
0xd7: {  	[tilespmem:s10], [sflag:$0x9] =	stream.linear.gather [hbm4b:s13+s24], $0x3E8, $0x38;
	[tilespmem:$0x1EFF0] =	vst v63  }
0xd8: {  	_ =	swait.ge [sflag:s19], $0x3E8  }
0xd9: {  	[sflag:s19] =	ssyncset.done $0x0  }
0xda: {  	[sflag:s19] =	ssyncadd.s32 $0xFFFFFC18  }
.LBB2_5:
.Ltmp8:
0xdb: {  	(pc) =	sbr.rel .LBB2_9-.Ltmp8, $2  }
0xdc: {  	_ =	sdelay $0x2  }
0xdd: {  	s28 =	simm.s32 $0x3;
	s24 =	simm.s32 $0x3  }
.LBB2_8:
.Ltmp9:
0xde: {  	(pc) =	sbr.rel @p2 .LBB2_10-.Ltmp9, $2  }
0xdf: {  	_ =	sdelay $0x2  }
0xe0: {  	p1 =	por $0x0, $0x0  }
.LBB2_9:
0xe1: {  	s10 =	smul.u32 $0x29, s28;
	_ =	sdelay $0x1  }
0xe2: {  	s10 =	sshrl.u32 s10, $0xA  }
0xe3: {  	s10 =	sand.u32 $0x3F, s10  }
0xe4: {  	s13 =	smul.u32 $0x56, s10;
	_ =	sdelay $0x1  }
0xe5: {  	s13 =	sshrl.u32 s13, $0x8  }
0xe6: {  	s13 =	smul.u32 $0x3, s13;
	_ =	sdelay $0x1  }
0xe7: {  	s10 =	ssub.s32 s10, s13  }
0xe8: {  	s0 =	smul.u32 $0x28, s24;
	s10 =	sand.u32 $0xFF, s10  }
0xe9: {  	s10 =	smul.u32 $0x3E8, s10;
	_ =	sdelay $0x1  }
0xea: {  	s10 =	sadd.s32 s0, s10;
	s0 =	simm.s32 $0x5370  }
0xeb: {  	[tilespmem:s0], [sflag:$0x4] =	stream.indirect.gather [hbm4b:s1+s23], $0x80, s10, s23, $0xb8;
	[tilespmem:$0x1EFF0] =	vst v63  }
0xec: {  	s14 =	simm.s32 $0xA370;
	s13 =	sadd.s32 $0xBB8, s10  }
0xed: {  	[tilespmem:s14], [sflag:$0x4] =	stream.indirect.gather [hbm4b:s7+s23], $0x80, s13, s23, $0xb8;
	[tilespmem:$0x1EFF0] =	vst v63  }
0xee: {  	s16 =	simm.s32 $0x5F70;
	s15 =	sadd.s32 $0x18, s10  }
0xef: {  	[tilespmem:s16], [sflag:$0x4] =	stream.indirect.gather [hbm4b:s1+s26], $0x80, s15, s26, $0xb8;
	[tilespmem:$0x1EFF0] =	vst v63  }
0xf0: {  	s30 =	simm.s32 $0xAF70;
	p1 =	por $0x1, $0x1;
	s10 =	sadd.s32 $0xBD0, s10  }
0xf1: {  	[tilespmem:s30], [sflag:$0x4] =	stream.indirect.gather [hbm4b:s7+s26], $0x80, s10, s26, $0xb8;
	[tilespmem:$0x1EFF0] =	vst v63  }
.LBB2_10:
0xf2: {  	_ =	swait.ge [sflag:s17], $0xC00  }
0xf3: {  	[sflag:s17] =	ssyncset.done $0x0  }
0xf4: {  	[sflag:s17] =	ssyncadd.s32 $0xFFFFF400  }
0xf5: {  	_ =	swait.ge [sflag:s17], $0xC00  }
0xf6: {  	[sflag:s17] =	ssyncset.done $0x0  }
0xf7: {  	[sflag:s17] =	ssyncadd.s32 $0xFFFFF400  }
0xf8: {  	_ =	swait.ge [sflag:s17], $0x800  }
0xf9: {  	[sflag:s17] =	ssyncset.done $0x0  }
0xfa: {  	[sflag:s17] =	ssyncadd.s32 $0xFFFFF800  }
0xfb: {  	_ =	swait.ge [sflag:s17], $0x800  }
0xfc: {  	[sflag:s17] =	ssyncset.done $0x0  }
0xfd: {  	s10 =	simm.s32 $0x0;
	[sflag:s17] =	ssyncadd.s32 $0xFFFFF800  }
0xfe: {  	v6 =	vld [tilespmem:s10+$0x2B70]  }
0xff: {  	v11 =	vld [tilespmem:s10+$0x2B80]  }
0x100: {  	v5 =	vld [tilespmem:s10+$0x2B90]  }
0x101: {  	v4 =	vld [tilespmem:s10+$0x2BA0]  }
0x102: {  	v3 =	vld [tilespmem:s10+$0x2BB0]  }
0x103: {  	v2 =	vld [tilespmem:s10+$0x2BC0]  }
0x104: {  	v1 =	vld [tilespmem:s10+$0x2BD0]  }
0x105: {  	v0 =	vld [tilespmem:s10+$0x2BE0]  }
0x106: {  	v12 =	vld [tilespmem:s10+$0x7B70]  }
0x107: {  	v13 =	vld [tilespmem:s10+$0x7B80]  }
0x108: {  	v10 =	vld [tilespmem:s10+$0x7B90]  }
0x109: {  	v9 =	vld [tilespmem:s10+$0x7BA0]  }
0x10a: {  	v8 =	vld [tilespmem:s10+$0x7BB0]  }
0x10b: {  	v7 =	vld [tilespmem:s10+$0x7BC0];
	v12 =	vadd.f32 v12, v6  }
0x10c: {  	s30 =	simm.s32 $0x200;
	v11 =	vadd.f32 v13, v11;
	v6 =	vld [tilespmem:s10+$0x7BD0]  }
.LBB2_11:
0x10d: {  	s13 =	sshra.s32 s30, $0x2;
	p2 =	sne.s32 s30, $0x4E00;
	v12 =	vmax.f32 v12, $0.0e+00;
	v5 =	vadd.f32 v10, v5;
	v10 =	vld [tilespmem:s10+$0x7BE0]  }
0x10e: {  	v13 =	vld [tilespmem:s13+$0x2B70];
	[tilespmem:s10+$0x7B70] =	vst v12;
	v11 =	vmax.f32 v11, $0.0e+00;
	v4 =	vadd.f32 v9, v4  }
0x10f: {  	v14 =	vld [tilespmem:s13+$0x2B80];
	[tilespmem:s10+$0x7B80] =	vst v11;
	v9 =	vmax.f32 v5, $0.0e+00;
	v3 =	vadd.f32 v8, v3  }
0x110: {  	v5 =	vld [tilespmem:s13+$0x2B90];
	[tilespmem:s10+$0x7B90] =	vst v9;
	v8 =	vmax.f32 v4, $0.0e+00;
	v2 =	vadd.f32 v7, v2  }
0x111: {  	v4 =	vld [tilespmem:s13+$0x2BA0];
	[tilespmem:s10+$0x7BA0] =	vst v8;
	v7 =	vmax.f32 v3, $0.0e+00;
	v1 =	vadd.f32 v6, v1  }
0x112: {  	v3 =	vld [tilespmem:s13+$0x2BB0];
	[tilespmem:s10+$0x7BB0] =	vst v7;
	v6 =	vmax.f32 v2, $0.0e+00;
	v0 =	vadd.f32 v10, v0  }
0x113: {  	v2 =	vld [tilespmem:s13+$0x2BC0];
	[tilespmem:s10+$0x7BC0] =	vst v6;
	v6 =	vmax.f32 v1, $0.0e+00  }
0x114: {  	v1 =	vld [tilespmem:s13+$0x2BD0];
	[tilespmem:s10+$0x7BD0] =	vst v6;
	v6 =	vmax.f32 v0, $0.0e+00  }
0x115: {  	v0 =	vld [tilespmem:s13+$0x2BE0];
	[tilespmem:s10+$0x7BE0] =	vst v6;
	s10 =	smov.u32 s13  }
0x116: {  	v6 =	vld [tilespmem:s10+$0x7B70]  }
0x117: {  	v11 =	vld [tilespmem:s10+$0x7B80]  }
.Ltmp10:
0x118: {  	v10 =	vld [tilespmem:s10+$0x7B90];
	(pc) =	sbr.rel @p2 .LBB2_11-.Ltmp10, $4  }
0x119: {  	v9 =	vld [tilespmem:s10+$0x7BA0]  }
0x11a: {  	v8 =	vld [tilespmem:s10+$0x7BB0]  }
0x11b: {  	v12 =	vadd.f32 v6, v13;
	v7 =	vld [tilespmem:s10+$0x7BC0]  }
0x11c: {  	s30 =	sadd.s32 $0x200, s30;
	v11 =	vadd.f32 v11, v14;
	v6 =	vld [tilespmem:s10+$0x7BD0]  }
0x11d: {  	s13 =	sor.u32 $0x1, s12  }
0x11e: {  	s30 =	smulhi.u32 $0x51EB851F, s13;
	_ =	sdelay $0x1  }
0x11f: {  	s30 =	sshrl.u32 s30, $0x3  }
0x120: {  	s15 =	smulhi.u32 $0x55555556, s30  }
0x121: {  	s16 =	smul.u32 $0x19, s30;
	_ =	sdelay $0x1  }
0x122: {  	v12 =	vmax.f32 v12, $0.0e+00;
	v5 =	vadd.f32 v10, v5;
	v63 =	vld [tilespmem:s10+$0x7BE0];
	s15 =	smul.u32 $0x3, s15;
	s13 =	ssub.s32 s13, s16  }
0x123: {  	[tilespmem:s10+$0x7B70] =	vst v12;
	v11 =	vmax.f32 v11, $0.0e+00;
	v4 =	vadd.f32 v9, v4;
	s16 =	smul.u32 $0xA0, s13;
	s13 =	sadd.s32 $0x4, s12  }
0x124: {  	[tilespmem:s10+$0x7B80] =	vst v11;
	v5 =	vmax.f32 v5, $0.0e+00;
	v3 =	vadd.f32 v8, v3;
	s15 =	ssub.s32 s30, s15;
	s30 =	smulhi.u32 $0x51EB851F, s13  }
0x125: {  	[tilespmem:s10+$0x7B90] =	vst v5;
	v4 =	vmax.f32 v4, $0.0e+00;
	v2 =	vadd.f32 v7, v2;
	s15 =	smul.u32 $0xFA0, s15  }
0x126: {  	[tilespmem:s10+$0x7BA0] =	vst v4;
	v3 =	vmax.f32 v3, $0.0e+00;
	v1 =	vadd.f32 v6, v1  }
0x127: {  	[tilespmem:s10+$0x7BB0] =	vst v3;
	v2 =	vmax.f32 v2, $0.0e+00;
	v0 =	vadd.f32 v63, v0;
	s16 =	sshrl.u32 s16, $0x2;
	s30 =	sshrl.u32 s30, $0x3;
	s15 =	sshrl.u32 s15, $0x2  }
0x128: {  	[tilespmem:s10+$0x7BC0] =	vst v2;
	v1 =	vmax.f32 v1, $0.0e+00;
	s15 =	sadd.s32 s16, s15;
	s16 =	smul.u32 $0x19, s30  }
0x129: {  	[tilespmem:s10+$0x7BD0] =	vst v1;
	v0 =	vmax.f32 v0, $0.0e+00  }
0x12a: {  	p2 =	seq.s32 s11, $0x3E;
	[tilespmem:s10+$0x7BE0] =	vst v0;
	s10 =	ssub.s32 s13, s16  }
0x12b: {  	p3 =	sne.s32 @!p2 s10, $0x0  }
0x12c: {  	p3 =	por p2, p3  }
.Ltmp11:
0x12d: {  	s0 =	simm.s32 $0x7B70;
	(pc) =	sbr.rel @p3 .LBB2_14-.Ltmp11, $4  }
0x12e: {  	[spmem:s4] =	stream.indirect.scatter.add.f32 [tilespmem:s0], [sflag:$0x6], $0x80, s15, s31, $0xb8;
	[tilespmem:$0x1EFF0] =	vst v63  }
0x12f: {  	_ =	swait.ge [sflag:s18], $0x1400  }
0x130: {  	[sflag:s18] =	ssyncset.done $0x0  }
0x131: {  	[sflag:s18] =	ssyncadd.s32 $0xFFFFEC00  }
0x132: {  	s15 =	smulhi.u32 $0x55555556, s30  }
0x133: {  	s13 =	smul.u32 $0x28, s13  }
0x134: {  	s15 =	smul.u32 $0x3, s15;
	_ =	sdelay $0x1  }
0x135: {  	s16 =	sadd.s32 s9, s13;
	s0 =	ssub.s32 s30, s15  }
0x136: {  	s14 =	sshrl.u32 s16, $0x3;
	s13 =	smul.u32 $0x3E8, s0  }
0x137: {  	s16 =	sadd.s32 s2, s14  }
0x138: {  	[tilespmem:s13], [sflag:$0x9] =	stream.linear.gather [hbm4b:s16+s5], $0x3E8, $0x38;
	[tilespmem:$0x1EFF0] =	vst v63  }
0x139: {  	_ =	swait.ge [sflag:s19], $0x3E8  }
0x13a: {  	[sflag:s19] =	ssyncset.done $0x0  }
0x13b: {  	s15 =	sadd.s32 s3, s14;
	s30 =	sadd.s32 $0xBB8, s13;
	[sflag:s19] =	ssyncadd.s32 $0xFFFFFC18  }
0x13c: {  	[tilespmem:s30], [sflag:$0x9] =	stream.linear.gather [hbm4b:s15+s5], $0x3E8, $0x38;
	[tilespmem:$0x1EFF0] =	vst v63  }
0x13d: {  	_ =	swait.ge [sflag:s19], $0x3E8  }
0x13e: {  	[sflag:s19] =	ssyncset.done $0x0  }
0x13f: {  	[sflag:s19] =	ssyncadd.s32 $0xFFFFFC18  }
.LBB2_16:
0x140: {  	s10 =	smul.u32 $0x28, s10;
	_ =	sdelay $0x1  }
0x141: {  	s10 =	sadd.s32 s10, s13  }
0x142: {  	[tilespmem:s22], [sflag:$0x1] =	stream.indirect.gather [hbm4b:s1+s23], $0x80, s10, s23, $0xb8;
	[tilespmem:$0x1EFF0] =	vst v63  }
0x143: {  	s13 =	sadd.s32 $0xBB8, s10  }
0x144: {  	[tilespmem:s25], [sflag:$0x1] =	stream.indirect.gather [hbm4b:s7+s23], $0x80, s13, s23, $0xb8;
	[tilespmem:$0x1EFF0] =	vst v63  }
0x145: {  	s0 =	simm.s32 $0x2370;
	s16 =	sadd.s32 $0x18, s10  }
0x146: {  	[tilespmem:s0], [sflag:$0x1] =	stream.indirect.gather [hbm4b:s1+s26], $0x80, s16, s26, $0xb8;
	[tilespmem:$0x1EFF0] =	vst v63  }
0x147: {  	s30 =	simm.s32 $0x7370;
	s10 =	sadd.s32 $0xBD0, s10  }
0x148: {  	[tilespmem:s30], [sflag:$0x1] =	stream.indirect.gather [hbm4b:s7+s26], $0x80, s10, s26, $0xb8;
	[tilespmem:$0x1EFF0] =	vst v63  }
0x149: {  	s10 =	sor.u32 $0x2, s12  }
0x14a: {  	p2 =	sgt.u32 s10, $0xF9  }
.Ltmp12:
0x14b: {  	_ = 	snop;
	(pc) =	sbr.rel @p2 .LBB2_20-.Ltmp12, $1  }
0x14c: {  	_ =	sdelay $0x3  }
0x14d: {  	_ =	swait.ge [sflag:s8], $0xC00  }
0x14e: {  	[sflag:s8] =	ssyncset.done $0x0  }
0x14f: {  	[sflag:s8] =	ssyncadd.s32 $0xFFFFF400  }
0x150: {  	_ =	swait.ge [sflag:s8], $0xC00  }
0x151: {  	[sflag:s8] =	ssyncset.done $0x0  }
0x152: {  	[sflag:s8] =	ssyncadd.s32 $0xFFFFF400  }
0x153: {  	_ =	swait.ge [sflag:s8], $0x800  }
0x154: {  	[sflag:s8] =	ssyncset.done $0x0  }
0x155: {  	[sflag:s8] =	ssyncadd.s32 $0xFFFFF800  }
0x156: {  	_ =	swait.ge [sflag:s8], $0x800  }
0x157: {  	[sflag:s8] =	ssyncset.done $0x0  }
0x158: {  	s30 =	simm.s32 $0x0;
	[sflag:s8] =	ssyncadd.s32 $0xFFFFF800  }
0x159: {  	v6 =	vld [tilespmem:s30+$0x3F70]  }
0x15a: {  	v11 =	vld [tilespmem:s30+$0x3F80]  }
0x15b: {  	v5 =	vld [tilespmem:s30+$0x3F90]  }
0x15c: {  	v4 =	vld [tilespmem:s30+$0x3FA0]  }
0x15d: {  	v3 =	vld [tilespmem:s30+$0x3FB0]  }
0x15e: {  	v2 =	vld [tilespmem:s30+$0x3FC0]  }
0x15f: {  	v1 =	vld [tilespmem:s30+$0x3FD0]  }
0x160: {  	v0 =	vld [tilespmem:s30+$0x3FE0]  }
0x161: {  	v12 =	vld [tilespmem:s30+$0x8F70]  }
0x162: {  	v13 =	vld [tilespmem:s30+$0x8F80]  }
0x163: {  	v10 =	vld [tilespmem:s30+$0x8F90]  }
0x164: {  	v9 =	vld [tilespmem:s30+$0x8FA0]  }
0x165: {  	v8 =	vld [tilespmem:s30+$0x8FB0]  }
0x166: {  	v7 =	vld [tilespmem:s30+$0x8FC0];
	v12 =	vadd.f32 v12, v6  }
0x167: {  	s13 =	simm.s32 $0x200;
	v11 =	vadd.f32 v13, v11;
	v6 =	vld [tilespmem:s30+$0x8FD0]  }
.LBB2_18:
0x168: {  	s15 =	sshra.s32 s13, $0x2;
	p2 =	sne.s32 s13, $0x4E00;
	v12 =	vmax.f32 v12, $0.0e+00;
	v5 =	vadd.f32 v10, v5;
	v10 =	vld [tilespmem:s30+$0x8FE0]  }
0x169: {  	v13 =	vld [tilespmem:s15+$0x3F70];
	[tilespmem:s30+$0x8F70] =	vst v12;
	v11 =	vmax.f32 v11, $0.0e+00;
	v4 =	vadd.f32 v9, v4  }
0x16a: {  	v14 =	vld [tilespmem:s15+$0x3F80];
	[tilespmem:s30+$0x8F80] =	vst v11;
	v9 =	vmax.f32 v5, $0.0e+00;
	v3 =	vadd.f32 v8, v3  }
0x16b: {  	v5 =	vld [tilespmem:s15+$0x3F90];
	[tilespmem:s30+$0x8F90] =	vst v9;
	v8 =	vmax.f32 v4, $0.0e+00;
	v2 =	vadd.f32 v7, v2  }
0x16c: {  	v4 =	vld [tilespmem:s15+$0x3FA0];
	[tilespmem:s30+$0x8FA0] =	vst v8;
	v7 =	vmax.f32 v3, $0.0e+00;
	v1 =	vadd.f32 v6, v1  }
0x16d: {  	v3 =	vld [tilespmem:s15+$0x3FB0];
	[tilespmem:s30+$0x8FB0] =	vst v7;
	v6 =	vmax.f32 v2, $0.0e+00;
	v0 =	vadd.f32 v10, v0  }
0x16e: {  	v2 =	vld [tilespmem:s15+$0x3FC0];
	[tilespmem:s30+$0x8FC0] =	vst v6;
	v6 =	vmax.f32 v1, $0.0e+00  }
0x16f: {  	v1 =	vld [tilespmem:s15+$0x3FD0];
	[tilespmem:s30+$0x8FD0] =	vst v6;
	v6 =	vmax.f32 v0, $0.0e+00  }
0x170: {  	v0 =	vld [tilespmem:s15+$0x3FE0];
	[tilespmem:s30+$0x8FE0] =	vst v6;
	s30 =	smov.u32 s15  }
0x171: {  	v6 =	vld [tilespmem:s30+$0x8F70]  }
0x172: {  	v11 =	vld [tilespmem:s30+$0x8F80]  }
.Ltmp13:
0x173: {  	v10 =	vld [tilespmem:s30+$0x8F90];
	(pc) =	sbr.rel @p2 .LBB2_18-.Ltmp13, $4  }
0x174: {  	v9 =	vld [tilespmem:s30+$0x8FA0]  }
0x175: {  	v8 =	vld [tilespmem:s30+$0x8FB0]  }
0x176: {  	v12 =	vadd.f32 v6, v13;
	v7 =	vld [tilespmem:s30+$0x8FC0]  }
0x177: {  	s13 =	sadd.s32 $0x200, s13;
	v11 =	vadd.f32 v11, v14;
	v6 =	vld [tilespmem:s30+$0x8FD0]  }
0x178: {  	s13 =	smul.u32 $0x29, s10  }
0x179: {  	s15 =	sadd.s32 $0x5, s12  }
0x17a: {  	s0 =	sand.u32 $0xFF, s15;
	s13 =	sshrl.u32 s13, $0xA  }
0x17b: {  	s0 =	smul.u32 $0x29, s0;
	s13 =	sand.u32 $0x3F, s13  }
0x17c: {  	s16 =	smul.u32 $0x56, s13  }
0x17d: {  	s0 =	sshrl.u32 s0, $0xA  }
0x17e: {  	s0 =	smul.u32 $0x19, s0;
	s16 =	sshrl.u32 s16, $0x8  }
0x17f: {  	s16 =	smul.u32 $0x3, s16  }
0x180: {  	v12 =	vmax.f32 v12, $0.0e+00;
	v5 =	vadd.f32 v10, v5;
	v63 =	vld [tilespmem:s30+$0x8FE0];
	s14 =	smul.u32 $0x19, s13  }
0x181: {  	[tilespmem:s30+$0x8F70] =	vst v12;
	v11 =	vmax.f32 v11, $0.0e+00;
	v4 =	vadd.f32 v9, v4;
	s0 =	ssub.s32 s15, s0;
	s13 =	ssub.s32 s13, s16  }
0x182: {  	[tilespmem:s30+$0x8F80] =	vst v11;
	v5 =	vmax.f32 v5, $0.0e+00;
	v3 =	vadd.f32 v8, v3;
	s0 =	sand.u32 $0xFF, s0;
	s16 =	ssub.s32 s10, s14;
	s13 =	sand.u32 $0xFF, s13  }
0x183: {  	[tilespmem:s30+$0x8F90] =	vst v5;
	v4 =	vmax.f32 v4, $0.0e+00;
	v2 =	vadd.f32 v7, v2;
	p2 =	seq.s32 s0, $0x0;
	s10 =	sand.u32 $0xFF, s16;
	s13 =	smul.u32 $0xFA0, s13  }
0x184: {  	[tilespmem:s30+$0x8FA0] =	vst v4;
	v3 =	vmax.f32 v3, $0.0e+00;
	v1 =	vadd.f32 v6, v1;
	s14 =	sand.u32 @p2 $0xFF, s15;
	s10 =	smul.u32 $0xA0, s10  }
0x185: {  	[tilespmem:s30+$0x8FB0] =	vst v3;
	v2 =	vmax.f32 v2, $0.0e+00;
	v0 =	vadd.f32 v63, v0;
	s14 =	smul.u32 @p2 $0x29, s14  }
0x186: {  	[tilespmem:s30+$0x8FC0] =	vst v2;
	v1 =	vmax.f32 v1, $0.0e+00  }
0x187: {  	[tilespmem:s30+$0x8FD0] =	vst v1;
	v0 =	vmax.f32 v0, $0.0e+00;
	s13 =	sshrl.u32 s13, $0x2;
	s10 =	sshrl.u32 s10, $0x2;
	s14 =	sshrl.u32 @p2 s14, $0xA  }
0x188: {  	s22 =	simm.s32 $0x8F70;
	[tilespmem:s30+$0x8FE0] =	vst v0;
	s10 =	sadd.s32 s10, s13;
	s13 =	smul.u32 @p2 $0x56, s14  }
0x189: {  	[spmem:s4] =	stream.indirect.scatter.add.f32 [tilespmem:s22], [sflag:$0x7], $0x80, s10, s31, $0xb8;
	[tilespmem:$0x1EFF0] =	vst v63  }
0x18a: {  	s10 =	sshrl.u32 @p2 s13, $0x8  }
0x18b: {  	s10 =	smul.u32 @p2 $0x3, s10  }
0x18c: {  	s30 =	simm.s32 $0x6;
	s16 =	simm.s32 @p2 $0x0;
	s13 =	smul.u32 @p2 $0x28, s15  }
0x18d: {  	_ =	swait.ge [sflag:s30], $0x1400;
	s10 =	ssub.s32 @p2 s14, s10;
	s14 =	sand.u32 @!p2 $0xFF, s15  }
0x18e: {  	s13 =	sadd.s32 @p2 s9, s13;
	s10 =	sand.u32 @p2 $0xFF, s10;
	s14 =	smul.u32 @!p2 $0x29, s14  }
0x18f: {  	[sflag:s30] =	ssyncset.done $0x0;
	s13 =	sshrl.u32 @p2 s13, $0x3;
	s10 =	smul.u32 @p2 $0x3E8, s10  }
0x190: {  	[sflag:s30] =	ssyncadd.s32 $0xFFFFEC00;
	s15 =	sadd.s32 @p2 s2, s13;
	s14 =	sshrl.u32 @!p2 s14, $0xA  }
0x191: {  	[tilespmem:s10], [sflag:$0x9] =	stream.linear.gather @p2 [hbm4b:s15+s16], $0x3E8, $0x38;
	[tilespmem:$0x1EFF0] =	vst v63  }
0x192: {  	s15 =	simm.s32 @p2 $0x9;
	s30 =	smul.u32 @!p2 $0x56, s14  }
0x193: {  	_ =	swait.ge @p2 [sflag:s15], $0x3E8  }
0x194: {  	s13 =	sadd.s32 @p2 s3, s13;
	[sflag:s15] =	ssyncset.done @p2 $0x0;
	s30 =	sshrl.u32 @!p2 s30, $0x8  }
0x195: {  	s22 =	sadd.s32 @p2 $0xBB8, s10;
	[sflag:s15] =	ssyncadd.s32 @p2 $0xFFFFFC18;
	s30 =	smul.u32 @!p2 $0x3, s30  }
0x196: {  	[tilespmem:s22], [sflag:$0x9] =	stream.linear.gather @p2 [hbm4b:s13+s16], $0x3E8, $0x38;
	[tilespmem:$0x1EFF0] =	vst v63  }
0x197: {  	s13 =	ssub.s32 @!p2 s14, s30  }
0x198: {  	s13 =	sand.u32 @!p2 $0xFF, s13  }
0x199: {  	s13 =	smul.u32 @!p2 $0x3E8, s13  }
0x19a: {  	s0 =	smul.u32 $0x28, s0;
	_ =	swait.ge @p2 [sflag:s15], $0x3E8  }
0x19b: {  	[sflag:s15] =	ssyncset.done @p2 $0x0;
	s13 =	smov.u32 @p2 s10  }
0x19c: {  	[sflag:s15] =	ssyncadd.s32 @p2 $0xFFFFFC18;
	s0 =	sadd.s32 s0, s13;
	s13 =	simm.s32 $0x2B70  }
0x19d: {  	[tilespmem:s13], [sflag:$0x2] =	stream.indirect.gather [hbm4b:s1+s23], $0x80, s0, s23, $0xb8;
	[tilespmem:$0x1EFF0] =	vst v63  }
0x19e: {  	s15 =	simm.s32 $0x7B70;
	s14 =	sadd.s32 $0xBB8, s0  }
0x19f: {  	[tilespmem:s15], [sflag:$0x2] =	stream.indirect.gather [hbm4b:s7+s23], $0x80, s14, s23, $0xb8;
	[tilespmem:$0x1EFF0] =	vst v63  }
.Ltmp14:
0x1a0: {  	_ = 	snop;
	(pc) =	sbr.rel .LBB2_20-.Ltmp14, $4  }
0x1a1: {  	s22 =	simm.s32 $0x3770;
	s16 =	sadd.s32 $0x18, s0  }
0x1a2: {  	[tilespmem:s22], [sflag:$0x2] =	stream.indirect.gather [hbm4b:s1+s26], $0x80, s16, s26, $0xb8;
	[tilespmem:$0x1EFF0] =	vst v63  }
0x1a3: {  	s30 =	simm.s32 $0x8770;
	s0 =	sadd.s32 $0xBD0, s0;
	s22 =	simm.s32 $0x1770  }
0x1a4: {  	[tilespmem:s30], [sflag:$0x2] =	stream.indirect.gather [hbm4b:s7+s26], $0x80, s0, s26, $0xb8;
	[tilespmem:$0x1EFF0] =	vst v63  }
.LBB2_14:
.Ltmp15:
0x1a5: {  	(pc) =	sbr.rel @p2 .LBB2_20-.Ltmp15, $1  }
0x1a6: {  	_ =	sdelay $0x3  }
0x1a7: {  	s13 =	smulhi.u32 $0x55555556, s30  }
.Ltmp16:
0x1a8: {  	_ = 	snop;
	(pc) =	sbr.rel .LBB2_16-.Ltmp16, $3  }
0x1a9: {  	s13 =	smul.u32 $0x3, s13;
	_ =	sdelay $0x1  }
0x1aa: {  	s13 =	ssub.s32 s30, s13  }
0x1ab: {  	s13 =	smul.u32 $0x3E8, s13  }
.LBB2_20:
.Ltmp17:
0x1ac: {  	(pc) =	sbr.rel @!p1 .LBB2_28-.Ltmp17, $1  }
0x1ad: {  	_ =	sdelay $0x3  }
0x1ae: {  	_ =	swait.ge [sflag:s20], $0xC00  }
0x1af: {  	[sflag:s20] =	ssyncset.done $0x0  }
0x1b0: {  	[sflag:s20] =	ssyncadd.s32 $0xFFFFF400  }
0x1b1: {  	_ =	swait.ge [sflag:s20], $0xC00  }
0x1b2: {  	[sflag:s20] =	ssyncset.done $0x0  }
0x1b3: {  	[sflag:s20] =	ssyncadd.s32 $0xFFFFF400  }
0x1b4: {  	_ =	swait.ge [sflag:s20], $0x800  }
0x1b5: {  	[sflag:s20] =	ssyncset.done $0x0  }
0x1b6: {  	[sflag:s20] =	ssyncadd.s32 $0xFFFFF800  }
0x1b7: {  	_ =	swait.ge [sflag:s20], $0x800  }
0x1b8: {  	[sflag:s20] =	ssyncset.done $0x0  }
0x1b9: {  	s10 =	simm.s32 $0x0;
	[sflag:s20] =	ssyncadd.s32 $0xFFFFF800  }
0x1ba: {  	v6 =	vld [tilespmem:s10+$0x5370]  }
0x1bb: {  	v11 =	vld [tilespmem:s10+$0x5380]  }
0x1bc: {  	v5 =	vld [tilespmem:s10+$0x5390]  }
0x1bd: {  	v4 =	vld [tilespmem:s10+$0x53A0]  }
0x1be: {  	v3 =	vld [tilespmem:s10+$0x53B0]  }
0x1bf: {  	v2 =	vld [tilespmem:s10+$0x53C0]  }
0x1c0: {  	v1 =	vld [tilespmem:s10+$0x53D0]  }
0x1c1: {  	v0 =	vld [tilespmem:s10+$0x53E0]  }
0x1c2: {  	v12 =	vld [tilespmem:s10+$0xA370]  }
0x1c3: {  	v13 =	vld [tilespmem:s10+$0xA380]  }
0x1c4: {  	v10 =	vld [tilespmem:s10+$0xA390]  }
0x1c5: {  	v9 =	vld [tilespmem:s10+$0xA3A0]  }
0x1c6: {  	v8 =	vld [tilespmem:s10+$0xA3B0]  }
0x1c7: {  	v7 =	vld [tilespmem:s10+$0xA3C0];
	v12 =	vadd.f32 v12, v6  }
0x1c8: {  	s13 =	simm.s32 $0x200;
	v11 =	vadd.f32 v13, v11;
	v6 =	vld [tilespmem:s10+$0xA3D0]  }
.LBB2_22:
0x1c9: {  	s0 =	sshra.s32 s13, $0x2;
	p1 =	sne.s32 s13, $0x4E00;
	v12 =	vmax.f32 v12, $0.0e+00;
	v5 =	vadd.f32 v10, v5;
	v10 =	vld [tilespmem:s10+$0xA3E0]  }
0x1ca: {  	v13 =	vld [tilespmem:s0+$0x5370];
	[tilespmem:s10+$0xA370] =	vst v12;
	v11 =	vmax.f32 v11, $0.0e+00;
	v4 =	vadd.f32 v9, v4  }
0x1cb: {  	v14 =	vld [tilespmem:s0+$0x5380];
	[tilespmem:s10+$0xA380] =	vst v11;
	v9 =	vmax.f32 v5, $0.0e+00;
	v3 =	vadd.f32 v8, v3  }
0x1cc: {  	v5 =	vld [tilespmem:s0+$0x5390];
	[tilespmem:s10+$0xA390] =	vst v9;
	v8 =	vmax.f32 v4, $0.0e+00;
	v2 =	vadd.f32 v7, v2  }
0x1cd: {  	v4 =	vld [tilespmem:s0+$0x53A0];
	[tilespmem:s10+$0xA3A0] =	vst v8;
	v7 =	vmax.f32 v3, $0.0e+00;
	v1 =	vadd.f32 v6, v1  }
0x1ce: {  	v3 =	vld [tilespmem:s0+$0x53B0];
	[tilespmem:s10+$0xA3B0] =	vst v7;
	v6 =	vmax.f32 v2, $0.0e+00;
	v0 =	vadd.f32 v10, v0  }
0x1cf: {  	v2 =	vld [tilespmem:s0+$0x53C0];
	[tilespmem:s10+$0xA3C0] =	vst v6;
	v6 =	vmax.f32 v1, $0.0e+00  }
0x1d0: {  	v1 =	vld [tilespmem:s0+$0x53D0];
	[tilespmem:s10+$0xA3D0] =	vst v6;
	v6 =	vmax.f32 v0, $0.0e+00  }
0x1d1: {  	v0 =	vld [tilespmem:s0+$0x53E0];
	[tilespmem:s10+$0xA3E0] =	vst v6;
	s10 =	smov.u32 s0  }
0x1d2: {  	v6 =	vld [tilespmem:s10+$0xA370]  }
0x1d3: {  	v11 =	vld [tilespmem:s10+$0xA380]  }
.Ltmp18:
0x1d4: {  	v10 =	vld [tilespmem:s10+$0xA390];
	(pc) =	sbr.rel @p1 .LBB2_22-.Ltmp18, $4  }
0x1d5: {  	v9 =	vld [tilespmem:s10+$0xA3A0]  }
0x1d6: {  	v8 =	vld [tilespmem:s10+$0xA3B0]  }
0x1d7: {  	v12 =	vadd.f32 v6, v13;
	v7 =	vld [tilespmem:s10+$0xA3C0]  }
0x1d8: {  	s13 =	sadd.s32 $0x200, s13;
	v11 =	vadd.f32 v11, v14;
	v6 =	vld [tilespmem:s10+$0xA3D0]  }
0x1d9: {  	s0 =	smulhi.u32 $0x51EB851F, s28;
	_ =	sdelay $0x1  }
0x1da: {  	v12 =	vmax.f32 v12, $0.0e+00;
	v5 =	vadd.f32 v10, v5;
	v63 =	vld [tilespmem:s10+$0xA3E0];
	s0 =	sshrl.u32 s0, $0x3  }
0x1db: {  	s12 =	sadd.s32 $0x6, s12;
	[tilespmem:s10+$0xA370] =	vst v12;
	v11 =	vmax.f32 v11, $0.0e+00;
	v4 =	vadd.f32 v9, v4;
	s13 =	smulhi.u32 $0x55555556, s0  }
0x1dc: {  	s14 =	smulhi.u32 $0x51EB851F, s12;
	[tilespmem:s10+$0xA380] =	vst v11;
	v5 =	vmax.f32 v5, $0.0e+00;
	v3 =	vadd.f32 v8, v3  }
0x1dd: {  	[tilespmem:s10+$0xA390] =	vst v5;
	v4 =	vmax.f32 v4, $0.0e+00;
	v2 =	vadd.f32 v7, v2;
	s13 =	smul.u32 $0x3, s13  }
0x1de: {  	[tilespmem:s10+$0xA3A0] =	vst v4;
	v3 =	vmax.f32 v3, $0.0e+00;
	v1 =	vadd.f32 v6, v1  }
0x1df: {  	[tilespmem:s10+$0xA3B0] =	vst v3;
	v2 =	vmax.f32 v2, $0.0e+00;
	v0 =	vadd.f32 v63, v0;
	s0 =	ssub.s32 s0, s13;
	s13 =	sshrl.u32 s14, $0x3  }
0x1e0: {  	[tilespmem:s10+$0xA3C0] =	vst v2;
	v1 =	vmax.f32 v1, $0.0e+00;
	s28 =	smul.u32 $0x19, s13  }
0x1e1: {  	s24 =	smul.u32 $0xA0, s24;
	[tilespmem:s10+$0xA3D0] =	vst v1;
	v0 =	vmax.f32 v0, $0.0e+00  }
0x1e2: {  	p1 =	sgt.u32 s11, $0x3C;
	s0 =	smul.u32 $0xFA0, s0;
	[tilespmem:s10+$0xA3E0] =	vst v0;
	s10 =	ssub.s32 s12, s28  }
0x1e3: {  	p2 =	sne.s32 @!p1 s10, $0x0  }
0x1e4: {  	s15 =	sshra.s32 s24, $0x2;
	s0 =	sshrl.u32 s0, $0x2;
	p2 =	por p1, p2  }
.Ltmp19:
0x1e5: {  	s30 =	simm.s32 $0xA370;
	s0 =	sadd.s32 s15, s0;
	(pc) =	sbr.rel @!p2 .LBB2_24-.Ltmp19, $4  }
0x1e6: {  	[spmem:s4] =	stream.indirect.scatter.add.f32 [tilespmem:s30], [sflag:$0x8], $0x80, s0, s31, $0xb8;
	[tilespmem:$0x1EFF0] =	vst v63  }
0x1e7: {  	_ =	swait.ge [sflag:s29], $0x1400  }
0x1e8: {  	[sflag:s29] =	ssyncset.done $0x0  }
0x1e9: {  	[sflag:s29] =	ssyncadd.s32 $0xFFFFEC00  }
.Ltmp20:
0x1ea: {  	(pc) =	sbr.rel @p1 .LBB2_28-.Ltmp20, $1  }
0x1eb: {  	_ =	sdelay $0x3  }
0x1ec: {  	s0 =	smulhi.u32 $0x55555556, s13  }
.Ltmp21:
0x1ed: {  	_ = 	snop;
	(pc) =	sbr.rel .LBB2_27-.Ltmp21, $3  }
0x1ee: {  	s0 =	smul.u32 $0x3, s0;
	_ =	sdelay $0x1  }
0x1ef: {  	s0 =	ssub.s32 s13, s0  }
0x1f0: {  	s12 =	smul.u32 $0x3E8, s0  }
.LBB2_30:
0x1f1: {  	_ =	sfence.sel $0x180000  }
0x1f2: {  	[bflag:$0x0] =	sbarrier.arrive $0xFFFF  }
0x1f3: {  	_ =	strace $0x90000047  }
0x1f4: {  	s0 =	stileid.u32;
	[bflag:$0x2] =	sbarrier.arrive $0xFFFF  }
0x1f5: {  	p0 =	sne.s32 s0, $0x0;
	s0 =	rddreg [dreg:$0x5]  }
0x1f6: {  	s0 =	sadd.s32 @!p0 $0x100000, s0  }
0x1f7: {  	[sflag:s0] =	ssyncadd.tile.s32 @!p0 $0x1;
	_ =	shalt  }
.Lfunc_end2:
_tile_overlayer_lowered:
.L_overlay_start_2:
0x1f8: {  	(tag) =	ssettag $0x2  }
0x1f9: {  	s0 =	rddreg [dreg:$0x0];
	s2 =	stileid.u32  }
0x1fa: {  	s1 =	rddreg [dreg:$0x1];
	p0 =	sne.s32 s2, $0x0  }
0x1fb: {  	s3 =	rddreg [dreg:$0x2];
	[bflag:$0x3] =	sbarrier.arrive $0xFFFF;
	s2 =	simm.s32 @!p0 $0x1C09  }
0x1fc: {  	[timem:s3], [sflag:s2] =	dma.local @!p0 [hbm:s0], s1  }
0x1fd: {  	s0 =	simm.s32 @!p0 $0x9  }
0x1fe: {  	_ =	swait.ge @!p0 [sflag:s0], s1  }
0x1ff: {  	s1 =	ssub.s32 @!p0 $0x0, s1;
	[sflag:s0] =	ssyncset.done @!p0 $0x0  }
0x200: {  	[sflag:s0] =	ssyncadd.s32 @!p0 s1  }
0x201: {  	[bflag:$0x3] =	sbarrier.arrive $0xFFFF  }
0x202: {  	_ =	shalt  }

</sc_bundles>
